<compile_context>
chip_gen: v7x
topology: tpu7x:2x2x1
jax: 0.10.2.dev20260603
libtpu: 0.0.44.dev20260713+nightly
codegen_flags: <defaults>
</compile_context>

<pallas_src>
import functools

import jax
import jax.numpy as jnp
from jax import lax
from jax.experimental import pallas as pl
from jax.experimental.pallas import tpu as pltpu
from jax.experimental.pallas import tpu_sc as plsc

N = 10000
E = 320000
FD = 128
NW = 32
RPT = 640
NACC = 16 * RPT
CH = 128
NCH = 79
EPW = NCH * CH
EPAD = NW * EPW
RBLK = 640

_mesh = plsc.VectorSubcoreMesh(core_axis_name="c", subcore_axis_name="s")

_f32 = jnp.float32
_i32 = jnp.int32


@functools.partial(
    pl.kernel,
    mesh=_mesh,
    out_type=(
        jax.ShapeDtypeStruct((EPAD,), _i32),
        jax.ShapeDtypeStruct((EPAD,), _i32),
        jax.ShapeDtypeStruct((2, NACC), _f32),
    ),
    scratch_types=[
        pltpu.VMEM((CH,), _i32),
        pltpu.VMEM((CH,), _i32),
        pltpu.VMEM((CH,), _f32),
        pltpu.VMEM((RPT,), _f32),
        pltpu.VMEM_SHARED((NACC,), _f32),
        pltpu.SemaphoreType.DMA,
    ],
)
def _prep(ei, srcf, dstf, degp, rv, cv, ov, bv, dacc, sem):
    del sem
    cid = lax.axis_index("c")
    sid = lax.axis_index("s")
    wid = sid * 2 + cid

    def zb(i, carry):
        bv[pl.ds(i * 16, 16)] = jnp.zeros((16,), _f32)
        return carry

    lax.fori_loop(0, RPT // 16, zb, 0)
    pltpu.sync_copy(bv, dacc.at[pl.ds(sid * RPT, RPT)])
    plsc.subcore_barrier()

    def chunk(k, carry):
        base = wid * EPW + k * CH

        @pl.when(base < E)
        def _real():
            pltpu.sync_copy(ei.at[0, pl.ds(base, CH)], rv)
            pltpu.sync_copy(ei.at[1, pl.ds(base, CH)], cv)
            for j in range(CH // 16):
                sl = pl.ds(j * 16, 16)
                r = rv[sl]
                c = cv[sl]
                m = r == c
                rz = N + (r & 7)
                rv[sl] = jnp.where(m, rz, r)
                ov[sl] = jnp.where(m, jnp.zeros((16,), _f32),
                                   jnp.ones((16,), _f32))
            pltpu.sync_copy(rv, srcf.at[pl.ds(base, CH)])
            pltpu.sync_copy(cv, dstf.at[pl.ds(base, CH)])
            pltpu.sync_copy(ov, dacc.at[rv], add=True)

        @pl.when(base >= E)
        def _pad():
            ii = lax.iota(_i32, 16)
            for j in range(CH // 16):
                sl = pl.ds(j * 16, 16)
                rv[sl] = N + (ii & 7)
                cv[sl] = N + (ii & 15)
            pltpu.sync_copy(rv, srcf.at[pl.ds(base, CH)])
            pltpu.sync_copy(cv, dstf.at[pl.ds(base, CH)])

        return carry

    lax.fori_loop(0, NCH, chunk, 0)
    plsc.subcore_barrier()

    pltpu.sync_copy(dacc.at[pl.ds(sid * RPT, RPT)],
                    degp.at[cid, pl.ds(sid * RPT, RPT)])


@functools.partial(
    pl.kernel,
    mesh=_mesh,
    out_type=jax.ShapeDtypeStruct((2, NACC, FD), _f32),
    scratch_types=[
        pltpu.VMEM((CH,), _i32),
        pltpu.VMEM((CH,), _i32),
        pltpu.VMEM((CH, FD), _f32),
        pltpu.VMEM((CH,), _i32),
        pltpu.VMEM((CH,), _i32),
        pltpu.VMEM((CH, FD), _f32),
        pltpu.VMEM_SHARED((NACC, FD), _f32),
        pltpu.SemaphoreType.DMA,
        pltpu.SemaphoreType.DMA,
    ],
)
def _prop(tbl, src, dst, out, si0, di0, rows0, si1, di1, rows1, acc,
          sem0, sem1):
    cid = lax.axis_index("c")
    sid = lax.axis_index("s")
    wid = sid * 2 + cid
    ebase = wid * EPW

    def zrow(i, carry):
        for j in range(FD // 16):
            rows0[i, pl.ds(j * 16, 16)] = jnp.zeros((16,), _f32)
        return carry

    lax.fori_loop(0, CH, zrow, 0)
    for q in range(RPT // CH):
        pltpu.sync_copy(rows0, acc.at[pl.ds(sid * RPT + q * CH, CH)])
    plsc.subcore_barrier()

    def start(base, si, rows, sem, di):
        pltpu.sync_copy(src.at[pl.ds(base, CH)], si)
        pltpu.async_copy(tbl.at[si], rows, sem)
        pltpu.sync_copy(dst.at[pl.ds(base, CH)], di)

    def finish(si, rows, sem, di):
        pltpu.make_async_copy(tbl.at[si], rows, sem).wait()
        pltpu.sync_copy(rows, acc.at[di], add=True)

    start(ebase, si0, rows0, sem0, di0)

    def pair(i, carry):
        base = ebase + 2 * i * CH
        start(base + CH, si1, rows1, sem1, di1)
        finish(si0, rows0, sem0, di0)
        start(base + 2 * CH, si0, rows0, sem0, di0)
        finish(si1, rows1, sem1, di1)
        return carry

    lax.fori_loop(0, (NCH - 1) // 2, pair, 0)
    finish(si0, rows0, sem0, di0)
    plsc.subcore_barrier()

    r0_ = sid * RPT
    pltpu.sync_copy(acc.at[pl.ds(r0_, RPT)], out.at[cid, pl.ds(r0_, RPT)])


def _dis_body(degp_ref, dis_ref, dgi_ref):
    deg = degp_ref[0] + degp_ref[1]
    good = deg > 0.0
    safe = jnp.where(good, deg, 1.0)
    r = lax.rsqrt(safe)
    dis_ref[...] = jnp.where(good, r, 0.0)
    dgi_ref[...] = jnp.where(good, 1.0 / safe, 0.0)


def _dis(degp):
    d2 = degp.reshape(2, NACC // 128, 128)
    return pl.pallas_call(
        _dis_body,
        out_shape=(
            jax.ShapeDtypeStruct((NACC // 128, 128), _f32),
            jax.ShapeDtypeStruct((NACC // 128, 128), _f32),
        ),
    )(d2)


def _scale_body(x_ref, s_ref, o_ref):
    o_ref[...] = x_ref[...] * s_ref[...]


def _scale(x, s):
    return pl.pallas_call(
        _scale_body,
        grid=(NACC // RBLK,),
        in_specs=[
            pl.BlockSpec((RBLK, FD), lambda i: (i, 0)),
            pl.BlockSpec((RBLK, 1), lambda i: (i, 0)),
        ],
        out_specs=pl.BlockSpec((RBLK, FD), lambda i: (i, 0)),
        out_shape=jax.ShapeDtypeStruct((NACC, FD), _f32),
    )(x, s)


def _mid_body(p_ref, g_ref, o_ref):
    o_ref[...] = (p_ref[0] + p_ref[1]) * (-g_ref[...])


def _mid(p, g):
    return pl.pallas_call(
        _mid_body,
        grid=(NACC // RBLK,),
        in_specs=[
            pl.BlockSpec((2, RBLK, FD), lambda i: (0, i, 0)),
            pl.BlockSpec((RBLK, 1), lambda i: (i, 0)),
        ],
        out_specs=pl.BlockSpec((RBLK, FD), lambda i: (i, 0)),
        out_shape=jax.ShapeDtypeStruct((NACC, FD), _f32),
    )(p, g)


def _layer_body(relu, x_ref, p_ref, q_ref, s_ref, w_ref, b_ref, h_ref, y_ref):
    s = s_ref[...]
    u = (p_ref[0] + p_ref[1]) * s
    v = (q_ref[0] + q_ref[1]) * s
    a = w_ref[0] - w_ref[2]
    o = jnp.dot(x_ref[...], a, preferred_element_type=_f32)
    o = o - jnp.dot(u, w_ref[1], preferred_element_type=_f32)
    o = o - 2.0 * jnp.dot(v, w_ref[2], preferred_element_type=_f32)
    o = o + b_ref[...]
    if relu:
        o = jnp.maximum(o, 0.0)
    h_ref[...] = o
    y_ref[...] = o * s


def _layer(x, p, q, s, w, b, relu):
    return pl.pallas_call(
        functools.partial(_layer_body, relu),
        grid=(NACC // RBLK,),
        in_specs=[
            pl.BlockSpec((RBLK, FD), lambda i: (i, 0)),
            pl.BlockSpec((2, RBLK, FD), lambda i: (0, i, 0)),
            pl.BlockSpec((2, RBLK, FD), lambda i: (0, i, 0)),
            pl.BlockSpec((RBLK, 1), lambda i: (i, 0)),
            pl.BlockSpec((3, FD, FD), lambda i: (0, 0, 0)),
            pl.BlockSpec((1, FD), lambda i: (0, 0)),
        ],
        out_specs=(
            pl.BlockSpec((RBLK, FD), lambda i: (i, 0)),
            pl.BlockSpec((RBLK, FD), lambda i: (i, 0)),
        ),
        out_shape=(
            jax.ShapeDtypeStruct((NACC, FD), _f32),
            jax.ShapeDtypeStruct((NACC, FD), _f32),
        ),
    )(x, p, q, s, w, b)


def _final_body(h_ref, w_ref, b_ref, o_ref):
    logits = jnp.dot(h_ref[...], w_ref[...], preferred_element_type=_f32)
    logits = logits + b_ref[...]
    m = jnp.max(logits, axis=1, keepdims=True)
    z = logits - m
    lse = jnp.log(jnp.sum(jnp.exp(z), axis=1, keepdims=True))
    o_ref[...] = z - lse


def _final(h, w, b):
    return pl.pallas_call(
        _final_body,
        grid=(NACC // RBLK,),
        in_specs=[
            pl.BlockSpec((RBLK, FD), lambda i: (i, 0)),
            pl.BlockSpec((FD, FD), lambda i: (0, 0)),
            pl.BlockSpec((1, FD), lambda i: (0, 0)),
        ],
        out_specs=pl.BlockSpec((RBLK, FD), lambda i: (i, 0)),
        out_shape=jax.ShapeDtypeStruct((NACC, FD), _f32),
    )(h, w, b)


def kernel(x, edge_index, W1, b1, W2, b2, Wlin, blin):
    srcf, dstf, degp = _prep(edge_index)
    dis2, dgi2 = _dis(degp)
    dis = dis2.reshape(NACC, 1)
    dgi = dgi2.reshape(NACC, 1)

    x_pad = jnp.pad(x, ((0, NACC - N), (0, 0)))
    b1r = b1.reshape(1, FD)
    b2r = b2.reshape(1, FD)
    wl = jnp.pad(Wlin, ((0, 0), (0, FD - Wlin.shape[1])))
    bl = jnp.pad(blin, (0, FD - blin.shape[0]),
                 constant_values=-1e30).reshape(1, FD)

    y1 = _scale(x_pad, dis)
    p1 = _prop(y1, srcf, dstf)
    y2 = _mid(p1, dgi)
    p2 = _prop(y2, srcf, dstf)
    h1, y3 = _layer(x_pad, p1, p2, dis, W1, b1r, True)
    p3 = _prop(y3, srcf, dstf)
    y4 = _mid(p3, dgi)
    p4 = _prop(y4, srcf, dstf)
    h2, _ = _layer(h1, p3, p4, dis, W2, b2r, False)
    logp = _final(h2, wl, bl)
    return (logp[:N, :Wlin.shape[1]], edge_index)

# --- scband reference (transcript-rebuilt; emitter-appended) ---
"""Pipeline reference for scband-chebyshev-convolution-lin-72911364817014 (READ-ONLY COPY).

The authoritative reference and input builder live on the scoring server;
editing this copy changes nothing except your own understanding.
"""

import jax, jax.numpy as jnp
import numpy as np


def setup_inputs(seed: int = 0) -> dict:
    key = jax.random.key(seed)
    ks = jax.random.split(key, 8)
    N, E, F_in, H, C, K = 10000, 320000, 128, 128, 40, 3
    x = jax.random.normal(ks[0], (N, F_in), dtype=jnp.float32)
    edge_index = jax.random.randint(ks[1], (2, E), 0, N, dtype=jnp.int32)
    s_in = 1.0 / np.sqrt(F_in)
    s_h = 1.0 / np.sqrt(H)
    # ChebConv has K linear maps (glorot-style init) and a single shared bias
    W1 = jax.random.uniform(ks[2], (K, F_in, H), minval=-s_in, maxval=s_in, dtype=jnp.float32)
    b1 = jnp.zeros((H,), dtype=jnp.float32)
    W2 = jax.random.uniform(ks[3], (K, H, H), minval=-s_h, maxval=s_h, dtype=jnp.float32)
    b2 = jnp.zeros((H,), dtype=jnp.float32)
    Wlin = jax.random.uniform(ks[4], (H, C), minval=-s_h, maxval=s_h, dtype=jnp.float32)
    blin = jax.random.uniform(ks[5], (C,), minval=-s_h, maxval=s_h, dtype=jnp.float32)
    return {"x": x, "edge_index": edge_index, "W1": W1, "b1": b1,
            "W2": W2, "b2": b2, "Wlin": Wlin, "blin": blin}


def _cheb_conv(x, edge_index, W, b):
    # Faithful PyG ChebConv with normalization='sym', lambda_max=2.0:
    #   remove self loops; L_sym = I - D^{-1/2} A D^{-1/2}; L_hat = (2/lambda_max)*L_sym + (-1)*I
    #   = -D^{-1/2} A D^{-1/2}  (diagonal terms cancel)
    N = x.shape[0]
    row, col = edge_index[0], edge_index[1]
    w = jnp.where(row != col, 1.0, 0.0).astype(x.dtype)  # remove_self_loops
    deg = jax.ops.segment_sum(w, row, num_segments=N)
    dis = jnp.where(deg > 0, 1.0 / jnp.sqrt(jnp.where(deg > 0, deg, 1.0)), 0.0)
    norm = -dis[row] * w * dis[col]

    def prop(h):
        # message: norm_e * h[src]; aggregate sum at dst
        return jax.ops.segment_sum(norm[:, None] * h[row], col, num_segments=N)

    Tx0 = x
    out = Tx0 @ W[0]
    Tx1 = prop(Tx0)
    out = out + Tx1 @ W[1]
    for k in range(2, W.shape[0]):
        Tx2 = 2.0 * prop(Tx1) - Tx0
        out = out + Tx2 @ W[k]
        Tx0, Tx1 = Tx1, Tx2
    return out + b


def reference(x, edge_index, W1, b1, W2, b2, Wlin, blin):
    h = jax.nn.relu(_cheb_conv(x, edge_index, W1, b1))
    # F.dropout(training=self.training) -> identity in eval mode
    h = _cheb_conv(h, edge_index, W2, b2)
    logits = h @ Wlin + blin
    logp = jax.nn.log_softmax(logits, axis=1)
    return (logp, edge_index)

if __name__ == "__main__":
    import jax
    _d = setup_inputs()
    print(jax.jit(kernel)(*tuple(_d.values())))

</pallas_src>

<mosaic_0001>
#map = affine_map<(d0, d1) -> (0, 0)>
#map1 = affine_map<(d0, d1) -> (0)>
#map2 = affine_map<(d0, d1) -> (0, 0, 0)>
module attributes {stable_mosaic.version = 14 : i64} {
  func.func @_prop(%arg0: i32, %arg1: i32, %arg2: memref<10240x128xf32, #tpu.memory_space<hbm>>, %arg3: memref<323584xi32, #tpu.memory_space<hbm>>, %arg4: memref<323584xi32, #tpu.memory_space<hbm>>, %arg5: memref<2x10240x128xf32, #tpu.memory_space<hbm>>, %arg6: memref<128xi32, #tpu.memory_space<vmem>>, %arg7: memref<128xi32, #tpu.memory_space<vmem>>, %arg8: memref<128x128xf32, #tpu.memory_space<vmem>>, %arg9: memref<128xi32, #tpu.memory_space<vmem>>, %arg10: memref<128xi32, #tpu.memory_space<vmem>>, %arg11: memref<128x128xf32, #tpu.memory_space<vmem>>, %arg12: memref<10240x128xf32, #tpu.memory_space<vmem_shared>>, %arg13: memref<!tpu.dma_semaphore, #tpu.memory_space<semaphore_mem>>, %arg14: memref<!tpu.dma_semaphore, #tpu.memory_space<semaphore_mem>>) attributes {dimension_semantics = [#tpu.dimension_semantics<core_parallel>, #tpu.dimension_semantics<subcore_parallel>], iteration_bounds = array<i64: 2, 16>, scalar_prefetch = 0 : i64, scratch_operands = 9 : i64, tpu.core_type = #tpu.core_type<sc_vector_subcore>, window_params = [{transform_indices = #map}, {transform_indices = #map1}, {transform_indices = #map1}, {transform_indices = #map2}]} {
    %mul3A = arith.constant 2 : i32
    %mul3A_0 = arith.muli %arg1, %mul3A : i32
    %add3A = arith.addi %mul3A_0, %arg0 : i32
    %mul3A_1 = arith.constant 10112 : i32
    %mul3A_2 = arith.muli %add3A, %mul3A_1 : i32
    %scan3A = arith.constant 0 : i32
    %scan3A_3 = arith.constant 0 : i32
    %scan3A_4 = arith.constant 128 : i32
    %scan3A_5 = arith.addi %scan3A_3, %scan3A_4 : i32
    %scan3A_6 = arith.constant 1 : i32
    scf.for %scan3A_41 = %scan3A_3 to %scan3A_5 step %scan3A_6  : i32 {
      %broadcast_in_dim3A = arith.constant 0.000000e+00 : f32
      %broadcast_in_dim3A_42 = vector.broadcast %broadcast_in_dim3A : f32 to vector<16xf32>
      %swap3A = arith.index_cast %scan3A_41 : i32 to index
      %swap3A_43 = arith.constant 0 : index
      %swap3A_44 = tpu.vector_load %arg8[%swap3A, %swap3A_43] {strides = array<i32>} : memref<128x128xf32, #tpu.memory_space<vmem>>, vector<1x16xf32>,
      %swap3A_45 = vector.shape_cast %swap3A_44 : vector<1x16xf32> to vector<16xf32>
      %swap3A_46 = vector.shape_cast %broadcast_in_dim3A_42 : vector<16xf32> to vector<1x16xf32>
      tpu.vector_store %arg8[%swap3A, %swap3A_43], %swap3A_46 {strides = array<i32>} : memref<128x128xf32, #tpu.memory_space<vmem>>, vector<1x16xf32>,
      %broadcast_in_dim3A_47 = arith.constant 0.000000e+00 : f32
      %broadcast_in_dim3A_48 = vector.broadcast %broadcast_in_dim3A_47 : f32 to vector<16xf32>
      %swap3A_49 = arith.index_cast %scan3A_41 : i32 to index
      %swap3A_50 = arith.constant 16 : index
      %swap3A_51 = tpu.vector_load %arg8[%swap3A_49, %swap3A_50] {strides = array<i32>} : memref<128x128xf32, #tpu.memory_space<vmem>>, vector<1x16xf32>,
      %swap3A_52 = vector.shape_cast %swap3A_51 : vector<1x16xf32> to vector<16xf32>
      %swap3A_53 = vector.shape_cast %broadcast_in_dim3A_48 : vector<16xf32> to vector<1x16xf32>
      tpu.vector_store %arg8[%swap3A_49, %swap3A_50], %swap3A_53 {strides = array<i32>} : memref<128x128xf32, #tpu.memory_space<vmem>>, vector<1x16xf32>,
      %broadcast_in_dim3A_54 = arith.constant 0.000000e+00 : f32
      %broadcast_in_dim3A_55 = vector.broadcast %broadcast_in_dim3A_54 : f32 to vector<16xf32>
      %swap3A_56 = arith.index_cast %scan3A_41 : i32 to index
      %swap3A_57 = arith.constant 32 : index
      %swap3A_58 = tpu.vector_load %arg8[%swap3A_56, %swap3A_57] {strides = array<i32>} : memref<128x128xf32, #tpu.memory_space<vmem>>, vector<1x16xf32>,
      %swap3A_59 = vector.shape_cast %swap3A_58 : vector<1x16xf32> to vector<16xf32>
      %swap3A_60 = vector.shape_cast %broadcast_in_dim3A_55 : vector<16xf32> to vector<1x16xf32>
      tpu.vector_store %arg8[%swap3A_56, %swap3A_57], %swap3A_60 {strides = array<i32>} : memref<128x128xf32, #tpu.memory_space<vmem>>, vector<1x16xf32>,
      %broadcast_in_dim3A_61 = arith.constant 0.000000e+00 : f32
      %broadcast_in_dim3A_62 = vector.broadcast %broadcast_in_dim3A_61 : f32 to vector<16xf32>
      %swap3A_63 = arith.index_cast %scan3A_41 : i32 to index
      %swap3A_64 = arith.constant 48 : index
      %swap3A_65 = tpu.vector_load %arg8[%swap3A_63, %swap3A_64] {strides = array<i32>} : memref<128x128xf32, #tpu.memory_space<vmem>>, vector<1x16xf32>,
      %swap3A_66 = vector.shape_cast %swap3A_65 : vector<1x16xf32> to vector<16xf32>
      %swap3A_67 = vector.shape_cast %broadcast_in_dim3A_62 : vector<16xf32> to vector<1x16xf32>
      tpu.vector_store %arg8[%swap3A_63, %swap3A_64], %swap3A_67 {strides = array<i32>} : memref<128x128xf32, #tpu.memory_space<vmem>>, vector<1x16xf32>,
      %broadcast_in_dim3A_68 = arith.constant 0.000000e+00 : f32
      %broadcast_in_dim3A_69 = vector.broadcast %broadcast_in_dim3A_68 : f32 to vector<16xf32>
      %swap3A_70 = arith.index_cast %scan3A_41 : i32 to index
      %swap3A_71 = arith.constant 64 : index
      %swap3A_72 = tpu.vector_load %arg8[%swap3A_70, %swap3A_71] {strides = array<i32>} : memref<128x128xf32, #tpu.memory_space<vmem>>, vector<1x16xf32>,
      %swap3A_73 = vector.shape_cast %swap3A_72 : vector<1x16xf32> to vector<16xf32>
      %swap3A_74 = vector.shape_cast %broadcast_in_dim3A_69 : vector<16xf32> to vector<1x16xf32>
      tpu.vector_store %arg8[%swap3A_70, %swap3A_71], %swap3A_74 {strides = array<i32>} : memref<128x128xf32, #tpu.memory_space<vmem>>, vector<1x16xf32>,
      %broadcast_in_dim3A_75 = arith.constant 0.000000e+00 : f32
      %broadcast_in_dim3A_76 = vector.broadcast %broadcast_in_dim3A_75 : f32 to vector<16xf32>
      %swap3A_77 = arith.index_cast %scan3A_41 : i32 to index
      %swap3A_78 = arith.constant 80 : index
      %swap3A_79 = tpu.vector_load %arg8[%swap3A_77, %swap3A_78] {strides = array<i32>} : memref<128x128xf32, #tpu.memory_space<vmem>>, vector<1x16xf32>,
      %swap3A_80 = vector.shape_cast %swap3A_79 : vector<1x16xf32> to vector<16xf32>
      %swap3A_81 = vector.shape_cast %broadcast_in_dim3A_76 : vector<16xf32> to vector<1x16xf32>
      tpu.vector_store %arg8[%swap3A_77, %swap3A_78], %swap3A_81 {strides = array<i32>} : memref<128x128xf32, #tpu.memory_space<vmem>>, vector<1x16xf32>,
      %broadcast_in_dim3A_82 = arith.constant 0.000000e+00 : f32
      %broadcast_in_dim3A_83 = vector.broadcast %broadcast_in_dim3A_82 : f32 to vector<16xf32>
      %swap3A_84 = arith.index_cast %scan3A_41 : i32 to index
      %swap3A_85 = arith.constant 96 : index
      %swap3A_86 = tpu.vector_load %arg8[%swap3A_84, %swap3A_85] {strides = array<i32>} : memref<128x128xf32, #tpu.memory_space<vmem>>, vector<1x16xf32>,
      %swap3A_87 = vector.shape_cast %swap3A_86 : vector<1x16xf32> to vector<16xf32>
      %swap3A_88 = vector.shape_cast %broadcast_in_dim3A_83 : vector<16xf32> to vector<1x16xf32>
      tpu.vector_store %arg8[%swap3A_84, %swap3A_85], %swap3A_88 {strides = array<i32>} : memref<128x128xf32, #tpu.memory_space<vmem>>, vector<1x16xf32>,
      %broadcast_in_dim3A_89 = arith.constant 0.000000e+00 : f32
      %broadcast_in_dim3A_90 = vector.broadcast %broadcast_in_dim3A_89 : f32 to vector<16xf32>
      %swap3A_91 = arith.index_cast %scan3A_41 : i32 to index
      %swap3A_92 = arith.constant 112 : index
      %swap3A_93 = tpu.vector_load %arg8[%swap3A_91, %swap3A_92] {strides = array<i32>} : memref<128x128xf32, #tpu.memory_space<vmem>>, vector<1x16xf32>,
      %swap3A_94 = vector.shape_cast %swap3A_93 : vector<1x16xf32> to vector<16xf32>
      %swap3A_95 = vector.shape_cast %broadcast_in_dim3A_90 : vector<16xf32> to vector<1x16xf32>
      tpu.vector_store %arg8[%swap3A_91, %swap3A_92], %swap3A_95 {strides = array<i32>} : memref<128x128xf32, #tpu.memory_space<vmem>>, vector<1x16xf32>,
    }
    %scan3A_7 = arith.constant 128 : i32
    %mul3A_8 = arith.constant 640 : i32
    %mul3A_9 = arith.muli %arg1, %mul3A_8 : i32
    %add3A_10 = arith.constant 0 : i32
    %add3A_11 = arith.addi %mul3A_9, %add3A_10 : i32
    "tpu.region"() ({
      %run_scoped3A = tpu.sem_alloc : memref<!tpu.dma_semaphore, #tpu.memory_space<semaphore_mem>>
      %dma_start3A_41 = arith.constant 0 : i32
      %dma_start3A_42 = tpu.memref_slice %arg12[%add3A_11, %dma_start3A_41] : memref<10240x128xf32, #tpu.memory_space<vmem_shared>> -> memref<128x128xf32, #tpu.memory_space<vmem_shared>>
      %dma_start3A_43 = arith.constant 0 : i32
      %dma_start3A_44 = tpu.memref_slice %arg12[%add3A_11, %dma_start3A_43] : memref<10240x128xf32, #tpu.memory_space<vmem_shared>> -> memref<128x128xf32, #tpu.memory_space<vmem_shared>>
      tpu.enqueue_dma source(%arg8 : memref<128x128xf32, #tpu.memory_space<vmem>>) target(%dma_start3A_44 : memref<128x128xf32, #tpu.memory_space<vmem_shared>>) target_semaphore(%run_scoped3A : memref<!tpu.dma_semaphore, #tpu.memory_space<semaphore_mem>>)
      %dma_wait3A_45 = arith.constant 0 : i32
      %dma_wait3A_46 = tpu.memref_slice %arg12[%add3A_11, %dma_wait3A_45] : memref<10240x128xf32, #tpu.memory_space<vmem_shared>> -> memref<128x128xf32, #tpu.memory_space<vmem_shared>>
      %dma_wait3A_47 = arith.constant 0 : i32
      %dma_wait3A_48 = tpu.memref_slice %arg12[%add3A_11, %dma_wait3A_47] : memref<10240x128xf32, #tpu.memory_space<vmem_shared>> -> memref<128x128xf32, #tpu.memory_space<vmem_shared>>
      tpu.wait_dma2 semaphore(%run_scoped3A : memref<!tpu.dma_semaphore, #tpu.memory_space<semaphore_mem>>) src(%arg8 : memref<128x128xf32, #tpu.memory_space<vmem>>) dst(%dma_wait3A_48 : memref<128x128xf32, #tpu.memory_space<vmem_shared>>)
      tpu.yield
    }) : () -> ()
    %mul3A_12 = arith.constant 640 : i32
    %mul3A_13 = arith.muli %arg1, %mul3A_12 : i32
    %add3A_14 = arith.constant 128 : i32
    %add3A_15 = arith.addi %mul3A_13, %add3A_14 : i32
    "tpu.region"() ({
      %run_scoped3A = tpu.sem_alloc : memref<!tpu.dma_semaphore, #tpu.memory_space<semaphore_mem>>
      %dma_start3A_41 = arith.constant 0 : i32
      %dma_start3A_42 = tpu.memref_slice %arg12[%add3A_15, %dma_start3A_41] : memref<10240x128xf32, #tpu.memory_space<vmem_shared>> -> memref<128x128xf32, #tpu.memory_space<vmem_shared>>
      %dma_start3A_43 = arith.constant 0 : i32
      %dma_start3A_44 = tpu.memref_slice %arg12[%add3A_15, %dma_start3A_43] : memref<10240x128xf32, #tpu.memory_space<vmem_shared>> -> memref<128x128xf32, #tpu.memory_space<vmem_shared>>
      tpu.enqueue_dma source(%arg8 : memref<128x128xf32, #tpu.memory_space<vmem>>) target(%dma_start3A_44 : memref<128x128xf32, #tpu.memory_space<vmem_shared>>) target_semaphore(%run_scoped3A : memref<!tpu.dma_semaphore, #tpu.memory_space<semaphore_mem>>)
      %dma_wait3A_45 = arith.constant 0 : i32
      %dma_wait3A_46 = tpu.memref_slice %arg12[%add3A_15, %dma_wait3A_45] : memref<10240x128xf32, #tpu.memory_space<vmem_shared>> -> memref<128x128xf32, #tpu.memory_space<vmem_shared>>
      %dma_wait3A_47 = arith.constant 0 : i32
      %dma_wait3A_48 = tpu.memref_slice %arg12[%add3A_15, %dma_wait3A_47] : memref<10240x128xf32, #tpu.memory_space<vmem_shared>> -> memref<128x128xf32, #tpu.memory_space<vmem_shared>>
      tpu.wait_dma2 semaphore(%run_scoped3A : memref<!tpu.dma_semaphore, #tpu.memory_space<semaphore_mem>>) src(%arg8 : memref<128x128xf32, #tpu.memory_space<vmem>>) dst(%dma_wait3A_48 : memref<128x128xf32, #tpu.memory_space<vmem_shared>>)
      tpu.yield
    }) : () -> ()
    %mul3A_16 = arith.constant 640 : i32
    %mul3A_17 = arith.muli %arg1, %mul3A_16 : i32
    %add3A_18 = arith.constant 256 : i32
    %add3A_19 = arith.addi %mul3A_17, %add3A_18 : i32
    "tpu.region"() ({
      %run_scoped3A = tpu.sem_alloc : memref<!tpu.dma_semaphore, #tpu.memory_space<semaphore_mem>>
      %dma_start3A_41 = arith.constant 0 : i32
      %dma_start3A_42 = tpu.memref_slice %arg12[%add3A_19, %dma_start3A_41] : memref<10240x128xf32, #tpu.memory_space<vmem_shared>> -> memref<128x128xf32, #tpu.memory_space<vmem_shared>>
      %dma_start3A_43 = arith.constant 0 : i32
      %dma_start3A_44 = tpu.memref_slice %arg12[%add3A_19, %dma_start3A_43] : memref<10240x128xf32, #tpu.memory_space<vmem_shared>> -> memref<128x128xf32, #tpu.memory_space<vmem_shared>>
      tpu.enqueue_dma source(%arg8 : memref<128x128xf32, #tpu.memory_space<vmem>>) target(%dma_start3A_44 : memref<128x128xf32, #tpu.memory_space<vmem_shared>>) target_semaphore(%run_scoped3A : memref<!tpu.dma_semaphore, #tpu.memory_space<semaphore_mem>>)
      %dma_wait3A_45 = arith.constant 0 : i32
      %dma_wait3A_46 = tpu.memref_slice %arg12[%add3A_19, %dma_wait3A_45] : memref<10240x128xf32, #tpu.memory_space<vmem_shared>> -> memref<128x128xf32, #tpu.memory_space<vmem_shared>>
      %dma_wait3A_47 = arith.constant 0 : i32
      %dma_wait3A_48 = tpu.memref_slice %arg12[%add3A_19, %dma_wait3A_47] : memref<10240x128xf32, #tpu.memory_space<vmem_shared>> -> memref<128x128xf32, #tpu.memory_space<vmem_shared>>
      tpu.wait_dma2 semaphore(%run_scoped3A : memref<!tpu.dma_semaphore, #tpu.memory_space<semaphore_mem>>) src(%arg8 : memref<128x128xf32, #tpu.memory_space<vmem>>) dst(%dma_wait3A_48 : memref<128x128xf32, #tpu.memory_space<vmem_shared>>)
      tpu.yield
    }) : () -> ()
    %mul3A_20 = arith.constant 640 : i32
    %mul3A_21 = arith.muli %arg1, %mul3A_20 : i32
    %add3A_22 = arith.constant 384 : i32
    %add3A_23 = arith.addi %mul3A_21, %add3A_22 : i32
    "tpu.region"() ({
      %run_scoped3A = tpu.sem_alloc : memref<!tpu.dma_semaphore, #tpu.memory_space<semaphore_mem>>
      %dma_start3A_41 = arith.constant 0 : i32
      %dma_start3A_42 = tpu.memref_slice %arg12[%add3A_23, %dma_start3A_41] : memref<10240x128xf32, #tpu.memory_space<vmem_shared>> -> memref<128x128xf32, #tpu.memory_space<vmem_shared>>
      %dma_start3A_43 = arith.constant 0 : i32
      %dma_start3A_44 = tpu.memref_slice %arg12[%add3A_23, %dma_start3A_43] : memref<10240x128xf32, #tpu.memory_space<vmem_shared>> -> memref<128x128xf32, #tpu.memory_space<vmem_shared>>
      tpu.enqueue_dma source(%arg8 : memref<128x128xf32, #tpu.memory_space<vmem>>) target(%dma_start3A_44 : memref<128x128xf32, #tpu.memory_space<vmem_shared>>) target_semaphore(%run_scoped3A : memref<!tpu.dma_semaphore, #tpu.memory_space<semaphore_mem>>)
      %dma_wait3A_45 = arith.constant 0 : i32
      %dma_wait3A_46 = tpu.memref_slice %arg12[%add3A_23, %dma_wait3A_45] : memref<10240x128xf32, #tpu.memory_space<vmem_shared>> -> memref<128x128xf32, #tpu.memory_space<vmem_shared>>
      %dma_wait3A_47 = arith.constant 0 : i32
      %dma_wait3A_48 = tpu.memref_slice %arg12[%add3A_23, %dma_wait3A_47] : memref<10240x128xf32, #tpu.memory_space<vmem_shared>> -> memref<128x128xf32, #tpu.memory_space<vmem_shared>>
      tpu.wait_dma2 semaphore(%run_scoped3A : memref<!tpu.dma_semaphore, #tpu.memory_space<semaphore_mem>>) src(%arg8 : memref<128x128xf32, #tpu.memory_space<vmem>>) dst(%dma_wait3A_48 : memref<128x128xf32, #tpu.memory_space<vmem_shared>>)
      tpu.yield
    }) : () -> ()
    %mul3A_24 = arith.constant 640 : i32
    %mul3A_25 = arith.muli %arg1, %mul3A_24 : i32
    %add3A_26 = arith.constant 512 : i32
    %add3A_27 = arith.addi %mul3A_25, %add3A_26 : i32
    "tpu.region"() ({
      %run_scoped3A = tpu.sem_alloc : memref<!tpu.dma_semaphore, #tpu.memory_space<semaphore_mem>>
      %dma_start3A_41 = arith.constant 0 : i32
      %dma_start3A_42 = tpu.memref_slice %arg12[%add3A_27, %dma_start3A_41] : memref<10240x128xf32, #tpu.memory_space<vmem_shared>> -> memref<128x128xf32, #tpu.memory_space<vmem_shared>>
      %dma_start3A_43 = arith.constant 0 : i32
      %dma_start3A_44 = tpu.memref_slice %arg12[%add3A_27, %dma_start3A_43] : memref<10240x128xf32, #tpu.memory_space<vmem_shared>> -> memref<128x128xf32, #tpu.memory_space<vmem_shared>>
      tpu.enqueue_dma source(%arg8 : memref<128x128xf32, #tpu.memory_space<vmem>>) target(%dma_start3A_44 : memref<128x128xf32, #tpu.memory_space<vmem_shared>>) target_semaphore(%run_scoped3A : memref<!tpu.dma_semaphore, #tpu.memory_space<semaphore_mem>>)
      %dma_wait3A_45 = arith.constant 0 : i32
      %dma_wait3A_46 = tpu.memref_slice %arg12[%add3A_27, %dma_wait3A_45] : memref<10240x128xf32, #tpu.memory_space<vmem_shared>> -> memref<128x128xf32, #tpu.memory_space<vmem_shared>>
      %dma_wait3A_47 = arith.constant 0 : i32
      %dma_wait3A_48 = tpu.memref_slice %arg12[%add3A_27, %dma_wait3A_47] : memref<10240x128xf32, #tpu.memory_space<vmem_shared>> -> memref<128x128xf32, #tpu.memory_space<vmem_shared>>
      tpu.wait_dma2 semaphore(%run_scoped3A : memref<!tpu.dma_semaphore, #tpu.memory_space<semaphore_mem>>) src(%arg8 : memref<128x128xf32, #tpu.memory_space<vmem>>) dst(%dma_wait3A_48 : memref<128x128xf32, #tpu.memory_space<vmem_shared>>)
      tpu.yield
    }) : () -> ()
    %barrier3A = arith.constant 0 : index
    tpu.barrier barrier_id(%barrier3A)
    "tpu.region"() ({
      %run_scoped3A = tpu.sem_alloc : memref<!tpu.dma_semaphore, #tpu.memory_space<semaphore_mem>>
      %dma_start3A_41 = tpu.memref_slice %arg3[%mul3A_2] : memref<323584xi32, #tpu.memory_space<hbm>> -> memref<128xi32, #tpu.memory_space<hbm>>
      %dma_start3A_42 = tpu.memref_slice %arg3[%mul3A_2] : memref<323584xi32, #tpu.memory_space<hbm>> -> memref<128xi32, #tpu.memory_space<hbm>>
      tpu.enqueue_dma source(%dma_start3A_42 : memref<128xi32, #tpu.memory_space<hbm>>) target(%arg6 : memref<128xi32, #tpu.memory_space<vmem>>) target_semaphore(%run_scoped3A : memref<!tpu.dma_semaphore, #tpu.memory_space<semaphore_mem>>)
      %dma_wait3A_43 = tpu.memref_slice %arg3[%mul3A_2] : memref<323584xi32, #tpu.memory_space<hbm>> -> memref<128xi32, #tpu.memory_space<hbm>>
      %dma_wait3A_44 = tpu.memref_slice %arg3[%mul3A_2] : memref<323584xi32, #tpu.memory_space<hbm>> -> memref<128xi32, #tpu.memory_space<hbm>>
      tpu.wait_dma2 semaphore(%run_scoped3A : memref<!tpu.dma_semaphore, #tpu.memory_space<semaphore_mem>>) src(%dma_wait3A_44 : memref<128xi32, #tpu.memory_space<hbm>>) dst(%arg6 : memref<128xi32, #tpu.memory_space<vmem>>)
      tpu.yield
    }) : () -> ()
    %dma_start3A = arith.constant 0 : i32
    %dma_start3A_28 = arith.constant 0 : i32
    %dma_start3A_29 = tpu.memref_slice %arg2[%dma_start3A, %dma_start3A_28] : memref<10240x128xf32, #tpu.memory_space<hbm>> -> memref<10240x128xf32, #tpu.memory_space<hbm>>
    tpu.enqueue_indirect_dma source(%dma_start3A_29 : memref<10240x128xf32, #tpu.memory_space<hbm>>) target(%arg8 : memref<128x128xf32, #tpu.memory_space<vmem>>) offsets(%arg6 : memref<128xi32, #tpu.memory_space<vmem>>) semaphore(%arg13 : memref<!tpu.dma_semaphore, #tpu.memory_space<semaphore_mem>>)
    "tpu.region"() ({
      %run_scoped3A = tpu.sem_alloc : memref<!tpu.dma_semaphore, #tpu.memory_space<semaphore_mem>>
      %dma_start3A_41 = tpu.memref_slice %arg4[%mul3A_2] : memref<323584xi32, #tpu.memory_space<hbm>> -> memref<128xi32, #tpu.memory_space<hbm>>
      %dma_start3A_42 = tpu.memref_slice %arg4[%mul3A_2] : memref<323584xi32, #tpu.memory_space<hbm>> -> memref<128xi32, #tpu.memory_space<hbm>>
      tpu.enqueue_dma source(%dma_start3A_42 : memref<128xi32, #tpu.memory_space<hbm>>) target(%arg7 : memref<128xi32, #tpu.memory_space<vmem>>) target_semaphore(%run_scoped3A : memref<!tpu.dma_semaphore, #tpu.memory_space<semaphore_mem>>)
      %dma_wait3A_43 = tpu.memref_slice %arg4[%mul3A_2] : memref<323584xi32, #tpu.memory_space<hbm>> -> memref<128xi32, #tpu.memory_space<hbm>>
      %dma_wait3A_44 = tpu.memref_slice %arg4[%mul3A_2] : memref<323584xi32, #tpu.memory_space<hbm>> -> memref<128xi32, #tpu.memory_space<hbm>>
      tpu.wait_dma2 semaphore(%run_scoped3A : memref<!tpu.dma_semaphore, #tpu.memory_space<semaphore_mem>>) src(%dma_wait3A_44 : memref<128xi32, #tpu.memory_space<hbm>>) dst(%arg7 : memref<128xi32, #tpu.memory_space<vmem>>)
      tpu.yield
    }) : () -> ()
    %scan3A_30 = arith.constant 0 : i32
    %scan3A_31 = arith.constant 0 : i32
    %scan3A_32 = arith.constant 39 : i32
    %scan3A_33 = arith.addi %scan3A_31, %scan3A_32 : i32
    %scan3A_34 = arith.constant 1 : i32
    scf.for %scan3A_41 = %scan3A_31 to %scan3A_33 step %scan3A_34  : i32 {
      %mul3A_42 = arith.constant 2 : i32
      %mul3A_43 = arith.muli %mul3A_42, %scan3A_41 : i32
      %mul3A_44 = arith.constant 128 : i32
      %mul3A_45 = arith.muli %mul3A_43, %mul3A_44 : i32
      %add3A_46 = arith.addi %mul3A_2, %mul3A_45 : i32
      %add3A_47 = arith.constant 128 : i32
      %add3A_48 = arith.addi %add3A_46, %add3A_47 : i32
      "tpu.region"() ({
        %run_scoped3A = tpu.sem_alloc : memref<!tpu.dma_semaphore, #tpu.memory_space<semaphore_mem>>
        %dma_start3A_63 = tpu.memref_slice %arg3[%add3A_48] : memref<323584xi32, #tpu.memory_space<hbm>> -> memref<128xi32, #tpu.memory_space<hbm>>
        %dma_start3A_64 = tpu.memref_slice %arg3[%add3A_48] : memref<323584xi32, #tpu.memory_space<hbm>> -> memref<128xi32, #tpu.memory_space<hbm>>
        tpu.enqueue_dma source(%dma_start3A_64 : memref<128xi32, #tpu.memory_space<hbm>>) target(%arg9 : memref<128xi32, #tpu.memory_space<vmem>>) target_semaphore(%run_scoped3A : memref<!tpu.dma_semaphore, #tpu.memory_space<semaphore_mem>>)
        %dma_wait3A_65 = tpu.memref_slice %arg3[%add3A_48] : memref<323584xi32, #tpu.memory_space<hbm>> -> memref<128xi32, #tpu.memory_space<hbm>>
        %dma_wait3A_66 = tpu.memref_slice %arg3[%add3A_48] : memref<323584xi32, #tpu.memory_space<hbm>> -> memref<128xi32, #tpu.memory_space<hbm>>
        tpu.wait_dma2 semaphore(%run_scoped3A : memref<!tpu.dma_semaphore, #tpu.memory_space<semaphore_mem>>) src(%dma_wait3A_66 : memref<128xi32, #tpu.memory_space<hbm>>) dst(%arg9 : memref<128xi32, #tpu.memory_space<vmem>>)
        tpu.yield
      }) : () -> ()
      %dma_start3A_49 = arith.constant 0 : i32
      %dma_start3A_50 = arith.constant 0 : i32
      %dma_start3A_51 = tpu.memref_slice %arg2[%dma_start3A_49, %dma_start3A_50] : memref<10240x128xf32, #tpu.memory_space<hbm>> -> memref<10240x128xf32, #tpu.memory_space<hbm>>
      tpu.enqueue_indirect_dma source(%dma_start3A_51 : memref<10240x128xf32, #tpu.memory_space<hbm>>) target(%arg11 : memref<128x128xf32, #tpu.memory_space<vmem>>) offsets(%arg9 : memref<128xi32, #tpu.memory_space<vmem>>) semaphore(%arg14 : memref<!tpu.dma_semaphore, #tpu.memory_space<semaphore_mem>>)
      "tpu.region"() ({
        %run_scoped3A = tpu.sem_alloc : memref<!tpu.dma_semaphore, #tpu.memory_space<semaphore_mem>>
        %dma_start3A_63 = tpu.memref_slice %arg4[%add3A_48] : memref<323584xi32, #tpu.memory_space<hbm>> -> memref<128xi32, #tpu.memory_space<hbm>>
        %dma_start3A_64 = tpu.memref_slice %arg4[%add3A_48] : memref<323584xi32, #tpu.memory_space<hbm>> -> memref<128xi32, #tpu.memory_space<hbm>>
        tpu.enqueue_dma source(%dma_start3A_64 : memref<128xi32, #tpu.memory_space<hbm>>) target(%arg10 : memref<128xi32, #tpu.memory_space<vmem>>) target_semaphore(%run_scoped3A : memref<!tpu.dma_semaphore, #tpu.memory_space<semaphore_mem>>)
        %dma_wait3A_65 = tpu.memref_slice %arg4[%add3A_48] : memref<323584xi32, #tpu.memory_space<hbm>> -> memref<128xi32, #tpu.memory_space<hbm>>
        %dma_wait3A_66 = tpu.memref_slice %arg4[%add3A_48] : memref<323584xi32, #tpu.memory_space<hbm>> -> memref<128xi32, #tpu.memory_space<hbm>>
        tpu.wait_dma2 semaphore(%run_scoped3A : memref<!tpu.dma_semaphore, #tpu.memory_space<semaphore_mem>>) src(%dma_wait3A_66 : memref<128xi32, #tpu.memory_space<hbm>>) dst(%arg10 : memref<128xi32, #tpu.memory_space<vmem>>)
        tpu.yield
      }) : () -> ()
      %dma_wait3A_52 = arith.constant 0 : i32
      %dma_wait3A_53 = arith.constant 0 : i32
      %dma_wait3A_54 = tpu.memref_slice %arg2[%dma_wait3A_52, %dma_wait3A_53] : memref<10240x128xf32, #tpu.memory_space<hbm>> -> memref<10240x128xf32, #tpu.memory_space<hbm>>
      tpu.wait_indirect_dma semaphore(%arg13 : memref<!tpu.dma_semaphore, #tpu.memory_space<semaphore_mem>>) src(%dma_wait3A_54 : memref<10240x128xf32, #tpu.memory_space<hbm>>) dst(%arg8 : memref<128x128xf32, #tpu.memory_space<vmem>>)
      "tpu.region"() ({
        %run_scoped3A = tpu.sem_alloc : memref<!tpu.dma_semaphore, #tpu.memory_space<semaphore_mem>>
        %dma_start3A_63 = arith.constant 0 : i32
        %dma_start3A_64 = arith.constant 0 : i32
        %dma_start3A_65 = tpu.memref_slice %arg12[%dma_start3A_63, %dma_start3A_64] : memref<10240x128xf32, #tpu.memory_space<vmem_shared>> -> memref<10240x128xf32, #tpu.memory_space<vmem_shared>>
        tpu.enqueue_indirect_dma source(%arg8 : memref<128x128xf32, #tpu.memory_space<vmem>>) target(%dma_start3A_65 : memref<10240x128xf32, #tpu.memory_space<vmem_shared>>) offsets(%arg7 : memref<128xi32, #tpu.memory_space<vmem>>) semaphore(%run_scoped3A : memref<!tpu.dma_semaphore, #tpu.memory_space<semaphore_mem>>) {add = true}
        %dma_wait3A_66 = arith.constant 0 : i32
        %dma_wait3A_67 = arith.constant 0 : i32
        %dma_wait3A_68 = tpu.memref_slice %arg12[%dma_wait3A_66, %dma_wait3A_67] : memref<10240x128xf32, #tpu.memory_space<vmem_shared>> -> memref<10240x128xf32, #tpu.memory_space<vmem_shared>>
        tpu.wait_indirect_dma semaphore(%run_scoped3A : memref<!tpu.dma_semaphore, #tpu.memory_space<semaphore_mem>>) src(%arg8 : memref<128x128xf32, #tpu.memory_space<vmem>>) dst(%dma_wait3A_68 : memref<10240x128xf32, #tpu.memory_space<vmem_shared>>)
        tpu.yield
      }) : () -> ()
      %add3A_55 = arith.constant 256 : i32
      %add3A_56 = arith.addi %add3A_46, %add3A_55 : i32
      "tpu.region"() ({
        %run_scoped3A = tpu.sem_alloc : memref<!tpu.dma_semaphore, #tpu.memory_space<semaphore_mem>>
        %dma_start3A_63 = tpu.memref_slice %arg3[%add3A_56] : memref<323584xi32, #tpu.memory_space<hbm>> -> memref<128xi32, #tpu.memory_space<hbm>>
        %dma_start3A_64 = tpu.memref_slice %arg3[%add3A_56] : memref<323584xi32, #tpu.memory_space<hbm>> -> memref<128xi32, #tpu.memory_space<hbm>>
        tpu.enqueue_dma source(%dma_start3A_64 : memref<128xi32, #tpu.memory_space<hbm>>) target(%arg6 : memref<128xi32, #tpu.memory_space<vmem>>) target_semaphore(%run_scoped3A : memref<!tpu.dma_semaphore, #tpu.memory_space<semaphore_mem>>)
        %dma_wait3A_65 = tpu.memref_slice %arg3[%add3A_56] : memref<323584xi32, #tpu.memory_space<hbm>> -> memref<128xi32, #tpu.memory_space<hbm>>
        %dma_wait3A_66 = tpu.memref_slice %arg3[%add3A_56] : memref<323584xi32, #tpu.memory_space<hbm>> -> memref<128xi32, #tpu.memory_space<hbm>>
        tpu.wait_dma2 semaphore(%run_scoped3A : memref<!tpu.dma_semaphore, #tpu.memory_space<semaphore_mem>>) src(%dma_wait3A_66 : memref<128xi32, #tpu.memory_space<hbm>>) dst(%arg6 : memref<128xi32, #tpu.memory_space<vmem>>)
        tpu.yield
      }) : () -> ()
      %dma_start3A_57 = arith.constant 0 : i32
      %dma_start3A_58 = arith.constant 0 : i32
      %dma_start3A_59 = tpu.memref_slice %arg2[%dma_start3A_57, %dma_start3A_58] : memref<10240x128xf32, #tpu.memory_space<hbm>> -> memref<10240x128xf32, #tpu.memory_space<hbm>>
      tpu.enqueue_indirect_dma source(%dma_start3A_59 : memref<10240x128xf32, #tpu.memory_space<hbm>>) target(%arg8 : memref<128x128xf32, #tpu.memory_space<vmem>>) offsets(%arg6 : memref<128xi32, #tpu.memory_space<vmem>>) semaphore(%arg13 : memref<!tpu.dma_semaphore, #tpu.memory_space<semaphore_mem>>)
      "tpu.region"() ({
        %run_scoped3A = tpu.sem_alloc : memref<!tpu.dma_semaphore, #tpu.memory_space<semaphore_mem>>
        %dma_start3A_63 = tpu.memref_slice %arg4[%add3A_56] : memref<323584xi32, #tpu.memory_space<hbm>> -> memref<128xi32, #tpu.memory_space<hbm>>
        %dma_start3A_64 = tpu.memref_slice %arg4[%add3A_56] : memref<323584xi32, #tpu.memory_space<hbm>> -> memref<128xi32, #tpu.memory_space<hbm>>
        tpu.enqueue_dma source(%dma_start3A_64 : memref<128xi32, #tpu.memory_space<hbm>>) target(%arg7 : memref<128xi32, #tpu.memory_space<vmem>>) target_semaphore(%run_scoped3A : memref<!tpu.dma_semaphore, #tpu.memory_space<semaphore_mem>>)
        %dma_wait3A_65 = tpu.memref_slice %arg4[%add3A_56] : memref<323584xi32, #tpu.memory_space<hbm>> -> memref<128xi32, #tpu.memory_space<hbm>>
        %dma_wait3A_66 = tpu.memref_slice %arg4[%add3A_56] : memref<323584xi32, #tpu.memory_space<hbm>> -> memref<128xi32, #tpu.memory_space<hbm>>
        tpu.wait_dma2 semaphore(%run_scoped3A : memref<!tpu.dma_semaphore, #tpu.memory_space<semaphore_mem>>) src(%dma_wait3A_66 : memref<128xi32, #tpu.memory_space<hbm>>) dst(%arg7 : memref<128xi32, #tpu.memory_space<vmem>>)
        tpu.yield
      }) : () -> ()
      %dma_wait3A_60 = arith.constant 0 : i32
      %dma_wait3A_61 = arith.constant 0 : i32
      %dma_wait3A_62 = tpu.memref_slice %arg2[%dma_wait3A_60, %dma_wait3A_61] : memref<10240x128xf32, #tpu.memory_space<hbm>> -> memref<10240x128xf32, #tpu.memory_space<hbm>>
      tpu.wait_indirect_dma semaphore(%arg14 : memref<!tpu.dma_semaphore, #tpu.memory_space<semaphore_mem>>) src(%dma_wait3A_62 : memref<10240x128xf32, #tpu.memory_space<hbm>>) dst(%arg11 : memref<128x128xf32, #tpu.memory_space<vmem>>)
      "tpu.region"() ({
        %run_scoped3A = tpu.sem_alloc : memref<!tpu.dma_semaphore, #tpu.memory_space<semaphore_mem>>
        %dma_start3A_63 = arith.constant 0 : i32
        %dma_start3A_64 = arith.constant 0 : i32
        %dma_start3A_65 = tpu.memref_slice %arg12[%dma_start3A_63, %dma_start3A_64] : memref<10240x128xf32, #tpu.memory_space<vmem_shared>> -> memref<10240x128xf32, #tpu.memory_space<vmem_shared>>
        tpu.enqueue_indirect_dma source(%arg11 : memref<128x128xf32, #tpu.memory_space<vmem>>) target(%dma_start3A_65 : memref<10240x128xf32, #tpu.memory_space<vmem_shared>>) offsets(%arg10 : memref<128xi32, #tpu.memory_space<vmem>>) semaphore(%run_scoped3A : memref<!tpu.dma_semaphore, #tpu.memory_space<semaphore_mem>>) {add = true}
        %dma_wait3A_66 = arith.constant 0 : i32
        %dma_wait3A_67 = arith.constant 0 : i32
        %dma_wait3A_68 = tpu.memref_slice %arg12[%dma_wait3A_66, %dma_wait3A_67] : memref<10240x128xf32, #tpu.memory_space<vmem_shared>> -> memref<10240x128xf32, #tpu.memory_space<vmem_shared>>
        tpu.wait_indirect_dma semaphore(%run_scoped3A : memref<!tpu.dma_semaphore, #tpu.memory_space<semaphore_mem>>) src(%arg11 : memref<128x128xf32, #tpu.memory_space<vmem>>) dst(%dma_wait3A_68 : memref<10240x128xf32, #tpu.memory_space<vmem_shared>>)
        tpu.yield
      }) : () -> ()
    }
    %scan3A_35 = arith.constant 39 : i32
    %dma_wait3A = arith.constant 0 : i32
    %dma_wait3A_36 = arith.constant 0 : i32
    %dma_wait3A_37 = tpu.memref_slice %arg2[%dma_wait3A, %dma_wait3A_36] : memref<10240x128xf32, #tpu.memory_space<hbm>> -> memref<10240x128xf32, #tpu.memory_space<hbm>>
    tpu.wait_indirect_dma semaphore(%arg13 : memref<!tpu.dma_semaphore, #tpu.memory_space<semaphore_mem>>) src(%dma_wait3A_37 : memref<10240x128xf32, #tpu.memory_space<hbm>>) dst(%arg8 : memref<128x128xf32, #tpu.memory_space<vmem>>)
    "tpu.region"() ({
      %run_scoped3A = tpu.sem_alloc : memref<!tpu.dma_semaphore, #tpu.memory_space<semaphore_mem>>
      %dma_start3A_41 = arith.constant 0 : i32
      %dma_start3A_42 = arith.constant 0 : i32
      %dma_start3A_43 = tpu.memref_slice %arg12[%dma_start3A_41, %dma_start3A_42] : memref<10240x128xf32, #tpu.memory_space<vmem_shared>> -> memref<10240x128xf32, #tpu.memory_space<vmem_shared>>
      tpu.enqueue_indirect_dma source(%arg8 : memref<128x128xf32, #tpu.memory_space<vmem>>) target(%dma_start3A_43 : memref<10240x128xf32, #tpu.memory_space<vmem_shared>>) offsets(%arg7 : memref<128xi32, #tpu.memory_space<vmem>>) semaphore(%run_scoped3A : memref<!tpu.dma_semaphore, #tpu.memory_space<semaphore_mem>>) {add = true}
      %dma_wait3A_44 = arith.constant 0 : i32
      %dma_wait3A_45 = arith.constant 0 : i32
      %dma_wait3A_46 = tpu.memref_slice %arg12[%dma_wait3A_44, %dma_wait3A_45] : memref<10240x128xf32, #tpu.memory_space<vmem_shared>> -> memref<10240x128xf32, #tpu.memory_space<vmem_shared>>
      tpu.wait_indirect_dma semaphore(%run_scoped3A : memref<!tpu.dma_semaphore, #tpu.memory_space<semaphore_mem>>) src(%arg8 : memref<128x128xf32, #tpu.memory_space<vmem>>) dst(%dma_wait3A_46 : memref<10240x128xf32, #tpu.memory_space<vmem_shared>>)
      tpu.yield
    }) : () -> ()
    %barrier3A_38 = arith.constant 0 : index
    tpu.barrier barrier_id(%barrier3A_38)
    %mul3A_39 = arith.constant 640 : i32
    %mul3A_40 = arith.muli %arg1, %mul3A_39 : i32
    "tpu.region"() ({
      %run_scoped3A = tpu.sem_alloc : memref<!tpu.dma_semaphore, #tpu.memory_space<semaphore_mem>>
      %dma_start3A_41 = arith.constant 0 : i32
      %dma_start3A_42 = tpu.memref_slice %arg5[%arg0, %mul3A_40, %dma_start3A_41] : memref<2x10240x128xf32, #tpu.memory_space<hbm>> -> memref<1x640x128xf32, #tpu.memory_space<hbm>>
      %dma_start3A_43 = tpu.memref_squeeze %dma_start3A_42 : memref<1x640x128xf32, #tpu.memory_space<hbm>> -> memref<640x128xf32, #tpu.memory_space<hbm>>
      %dma_start3A_44 = arith.constant 0 : i32
      %dma_start3A_45 = tpu.memref_slice %arg12[%mul3A_40, %dma_start3A_44] : memref<10240x128xf32, #tpu.memory_space<vmem_shared>> -> memref<640x128xf32, #tpu.memory_space<vmem_shared>>
      tpu.enqueue_dma source(%dma_start3A_45 : memref<640x128xf32, #tpu.memory_space<vmem_shared>>) target(%dma_start3A_43 : memref<640x128xf32, #tpu.memory_space<hbm>>) target_semaphore(%run_scoped3A : memref<!tpu.dma_semaphore, #tpu.memory_space<semaphore_mem>>)
      %dma_wait3A_46 = arith.constant 0 : i32
      %dma_wait3A_47 = tpu.memref_slice %arg5[%arg0, %mul3A_40, %dma_wait3A_46] : memref<2x10240x128xf32, #tpu.memory_space<hbm>> -> memref<1x640x128xf32, #tpu.memory_space<hbm>>
      %dma_wait3A_48 = tpu.memref_squeeze %dma_wait3A_47 : memref<1x640x128xf32, #tpu.memory_space<hbm>> -> memref<640x128xf32, #tpu.memory_space<hbm>>
      %dma_wait3A_49 = arith.constant 0 : i32
      %dma_wait3A_50 = tpu.memref_slice %arg12[%mul3A_40, %dma_wait3A_49] : memref<10240x128xf32, #tpu.memory_space<vmem_shared>> -> memref<640x128xf32, #tpu.memory_space<vmem_shared>>
      tpu.wait_dma2 semaphore(%run_scoped3A : memref<!tpu.dma_semaphore, #tpu.memory_space<semaphore_mem>>) src(%dma_wait3A_50 : memref<640x128xf32, #tpu.memory_space<vmem_shared>>) dst(%dma_wait3A_48 : memref<640x128xf32, #tpu.memory_space<hbm>>)
      tpu.yield
    }) : () -> ()
    return
  }
}

#map = affine_map<(d0, d1) -> (0, 0)>
#map1 = affine_map<(d0, d1) -> (0)>
module attributes {stable_mosaic.version = 14 : i64} {
  func.func @_prep(%arg0: i32, %arg1: i32, %arg2: memref<2x320000xi32, #tpu.memory_space<hbm>>, %arg3: memref<323584xi32, #tpu.memory_space<hbm>>, %arg4: memref<323584xi32, #tpu.memory_space<hbm>>, %arg5: memref<2x10240xf32, #tpu.memory_space<hbm>>, %arg6: memref<128xi32, #tpu.memory_space<vmem>>, %arg7: memref<128xi32, #tpu.memory_space<vmem>>, %arg8: memref<128xf32, #tpu.memory_space<vmem>>, %arg9: memref<640xf32, #tpu.memory_space<vmem>>, %arg10: memref<10240xf32, #tpu.memory_space<vmem_shared>>, %arg11: memref<!tpu.dma_semaphore, #tpu.memory_space<semaphore_mem>>) attributes {dimension_semantics = [#tpu.dimension_semantics<core_parallel>, #tpu.dimension_semantics<subcore_parallel>], iteration_bounds = array<i64: 2, 16>, scalar_prefetch = 0 : i64, scratch_operands = 6 : i64, tpu.core_type = #tpu.core_type<sc_vector_subcore>, window_params = [{transform_indices = #map}, {transform_indices = #map1}, {transform_indices = #map1}, {transform_indices = #map}]} {
    %mul3A = arith.constant 2 : i32
    %mul3A_0 = arith.muli %arg1, %mul3A : i32
    %add3A = arith.addi %mul3A_0, %arg0 : i32
    %scan3A = arith.constant 0 : i32
    %scan3A_1 = arith.constant 0 : i32
    %scan3A_2 = arith.constant 40 : i32
    %scan3A_3 = arith.addi %scan3A_1, %scan3A_2 : i32
    %scan3A_4 = arith.constant 1 : i32
    scf.for %scan3A_19 = %scan3A_1 to %scan3A_3 step %scan3A_4  : i32 {
      %broadcast_in_dim3A = arith.constant 0.000000e+00 : f32
      %broadcast_in_dim3A_20 = vector.broadcast %broadcast_in_dim3A : f32 to vector<16xf32>
      %mul3A_21 = arith.constant 16 : i32
      %mul3A_22 = arith.muli %scan3A_19, %mul3A_21 : i32
      %swap3A = arith.index_cast %mul3A_22 : i32 to index
      %swap3A_23 = tpu.vector_load %arg9[%swap3A] {strides = array<i32>} : memref<640xf32, #tpu.memory_space<vmem>>, vector<16xf32>,
      %swap3A_24 = vector.shape_cast %swap3A_23 : vector<16xf32> to vector<16xf32>
      %swap3A_25 = vector.shape_cast %broadcast_in_dim3A_20 : vector<16xf32> to vector<16xf32>
      tpu.vector_store %arg9[%swap3A], %swap3A_25 {strides = array<i32>} : memref<640xf32, #tpu.memory_space<vmem>>, vector<16xf32>,
    }
    %scan3A_5 = arith.constant 40 : i32
    %mul3A_6 = arith.constant 640 : i32
    %mul3A_7 = arith.muli %arg1, %mul3A_6 : i32
    "tpu.region"() ({
      %run_scoped3A = tpu.sem_alloc : memref<!tpu.dma_semaphore, #tpu.memory_space<semaphore_mem>>
      %dma_start3A = tpu.memref_slice %arg10[%mul3A_7] : memref<10240xf32, #tpu.memory_space<vmem_shared>> -> memref<640xf32, #tpu.memory_space<vmem_shared>>
      %dma_start3A_19 = tpu.memref_slice %arg10[%mul3A_7] : memref<10240xf32, #tpu.memory_space<vmem_shared>> -> memref<640xf32, #tpu.memory_space<vmem_shared>>
      tpu.enqueue_dma source(%arg9 : memref<640xf32, #tpu.memory_space<vmem>>) target(%dma_start3A_19 : memref<640xf32, #tpu.memory_space<vmem_shared>>) target_semaphore(%run_scoped3A : memref<!tpu.dma_semaphore, #tpu.memory_space<semaphore_mem>>)
      %dma_wait3A = tpu.memref_slice %arg10[%mul3A_7] : memref<10240xf32, #tpu.memory_space<vmem_shared>> -> memref<640xf32, #tpu.memory_space<vmem_shared>>
      %dma_wait3A_20 = tpu.memref_slice %arg10[%mul3A_7] : memref<10240xf32, #tpu.memory_space<vmem_shared>> -> memref<640xf32, #tpu.memory_space<vmem_shared>>
      tpu.wait_dma2 semaphore(%run_scoped3A : memref<!tpu.dma_semaphore, #tpu.memory_space<semaphore_mem>>) src(%arg9 : memref<640xf32, #tpu.memory_space<vmem>>) dst(%dma_wait3A_20 : memref<640xf32, #tpu.memory_space<vmem_shared>>)
      tpu.yield
    }) : () -> ()
    %barrier3A = arith.constant 0 : index
    tpu.barrier barrier_id(%barrier3A)
    %scan3A_8 = arith.constant 0 : i32
    %scan3A_9 = arith.constant 0 : i32
    %scan3A_10 = arith.constant 79 : i32
    %scan3A_11 = arith.addi %scan3A_9, %scan3A_10 : i32
    %scan3A_12 = arith.constant 1 : i32
    scf.for %scan3A_19 = %scan3A_9 to %scan3A_11 step %scan3A_12  : i32 {
      %mul3A_20 = arith.constant 10112 : i32
      %mul3A_21 = arith.muli %add3A, %mul3A_20 : i32
      %mul3A_22 = arith.constant 128 : i32
      %mul3A_23 = arith.muli %scan3A_19, %mul3A_22 : i32
      %add3A_24 = arith.addi %mul3A_21, %mul3A_23 : i32
      %lt3A = arith.constant 320000 : i32
      %lt3A_25 = arith.cmpi slt, %add3A_24, %lt3A : i32
      %convert_element_type3A = arith.extui %lt3A_25 : i1 to i32
      %cond3A = arith.constant 0 : i32
      %cond3A_26 = arith.cmpi ne, %convert_element_type3A, %cond3A : i32
      scf.if %cond3A_26 {
        %run_scoped3A = arith.constant 0 : i32
        "tpu.region"() ({
          %run_scoped3A_242 = tpu.sem_alloc : memref<!tpu.dma_semaphore, #tpu.memory_space<semaphore_mem>>
          %dma_start3A = tpu.memref_slice %arg2[%run_scoped3A, %add3A_24] : memref<2x320000xi32, #tpu.memory_space<hbm>> -> memref<1x128xi32, #tpu.memory_space<hbm>>
          %dma_start3A_243 = tpu.memref_squeeze %dma_start3A : memref<1x128xi32, #tpu.memory_space<hbm>> -> memref<128xi32, #tpu.memory_space<hbm>>
          %dma_start3A_244 = tpu.memref_slice %arg2[%run_scoped3A, %add3A_24] : memref<2x320000xi32, #tpu.memory_space<hbm>> -> memref<1x128xi32, #tpu.memory_space<hbm>>
          %dma_start3A_245 = tpu.memref_squeeze %dma_start3A_244 : memref<1x128xi32, #tpu.memory_space<hbm>> -> memref<128xi32, #tpu.memory_space<hbm>>
          tpu.enqueue_dma source(%dma_start3A_245 : memref<128xi32, #tpu.memory_space<hbm>>) target(%arg6 : memref<128xi32, #tpu.memory_space<vmem>>) target_semaphore(%run_scoped3A_242 : memref<!tpu.dma_semaphore, #tpu.memory_space<semaphore_mem>>)
          %dma_wait3A = tpu.memref_slice %arg2[%run_scoped3A, %add3A_24] : memref<2x320000xi32, #tpu.memory_space<hbm>> -> memref<1x128xi32, #tpu.memory_space<hbm>>
          %dma_wait3A_246 = tpu.memref_squeeze %dma_wait3A : memref<1x128xi32, #tpu.memory_space<hbm>> -> memref<128xi32, #tpu.memory_space<hbm>>
          %dma_wait3A_247 = tpu.memref_slice %arg2[%run_scoped3A, %add3A_24] : memref<2x320000xi32, #tpu.memory_space<hbm>> -> memref<1x128xi32, #tpu.memory_space<hbm>>
          %dma_wait3A_248 = tpu.memref_squeeze %dma_wait3A_247 : memref<1x128xi32, #tpu.memory_space<hbm>> -> memref<128xi32, #tpu.memory_space<hbm>>
          tpu.wait_dma2 semaphore(%run_scoped3A_242 : memref<!tpu.dma_semaphore, #tpu.memory_space<semaphore_mem>>) src(%dma_wait3A_248 : memref<128xi32, #tpu.memory_space<hbm>>) dst(%arg6 : memref<128xi32, #tpu.memory_space<vmem>>)
          tpu.yield
        }) : () -> ()
        %run_scoped3A_31 = arith.constant 1 : i32
        "tpu.region"() ({
          %run_scoped3A_242 = tpu.sem_alloc : memref<!tpu.dma_semaphore, #tpu.memory_space<semaphore_mem>>
          %dma_start3A = tpu.memref_slice %arg2[%run_scoped3A_31, %add3A_24] : memref<2x320000xi32, #tpu.memory_space<hbm>> -> memref<1x128xi32, #tpu.memory_space<hbm>>
          %dma_start3A_243 = tpu.memref_squeeze %dma_start3A : memref<1x128xi32, #tpu.memory_space<hbm>> -> memref<128xi32, #tpu.memory_space<hbm>>
          %dma_start3A_244 = tpu.memref_slice %arg2[%run_scoped3A_31, %add3A_24] : memref<2x320000xi32, #tpu.memory_space<hbm>> -> memref<1x128xi32, #tpu.memory_space<hbm>>
          %dma_start3A_245 = tpu.memref_squeeze %dma_start3A_244 : memref<1x128xi32, #tpu.memory_space<hbm>> -> memref<128xi32, #tpu.memory_space<hbm>>
          tpu.enqueue_dma source(%dma_start3A_245 : memref<128xi32, #tpu.memory_space<hbm>>) target(%arg7 : memref<128xi32, #tpu.memory_space<vmem>>) target_semaphore(%run_scoped3A_242 : memref<!tpu.dma_semaphore, #tpu.memory_space<semaphore_mem>>)
          %dma_wait3A = tpu.memref_slice %arg2[%run_scoped3A_31, %add3A_24] : memref<2x320000xi32, #tpu.memory_space<hbm>> -> memref<1x128xi32, #tpu.memory_space<hbm>>
          %dma_wait3A_246 = tpu.memref_squeeze %dma_wait3A : memref<1x128xi32, #tpu.memory_space<hbm>> -> memref<128xi32, #tpu.memory_space<hbm>>
          %dma_wait3A_247 = tpu.memref_slice %arg2[%run_scoped3A_31, %add3A_24] : memref<2x320000xi32, #tpu.memory_space<hbm>> -> memref<1x128xi32, #tpu.memory_space<hbm>>
          %dma_wait3A_248 = tpu.memref_squeeze %dma_wait3A_247 : memref<1x128xi32, #tpu.memory_space<hbm>> -> memref<128xi32, #tpu.memory_space<hbm>>
          tpu.wait_dma2 semaphore(%run_scoped3A_242 : memref<!tpu.dma_semaphore, #tpu.memory_space<semaphore_mem>>) src(%dma_wait3A_248 : memref<128xi32, #tpu.memory_space<hbm>>) dst(%arg7 : memref<128xi32, #tpu.memory_space<vmem>>)
          tpu.yield
        }) : () -> ()
        %get3A = arith.constant 0 : index
        %get3A_32 = tpu.vector_load %arg6[%get3A] {strides = array<i32>} : memref<128xi32, #tpu.memory_space<vmem>>, vector<16xi32>,
        %get3A_33 = vector.shape_cast %get3A_32 : vector<16xi32> to vector<16xi32>
        %get3A_34 = arith.constant 0 : index
        %get3A_35 = tpu.vector_load %arg7[%get3A_34] {strides = array<i32>} : memref<128xi32, #tpu.memory_space<vmem>>, vector<16xi32>,
        %get3A_36 = vector.shape_cast %get3A_35 : vector<16xi32> to vector<16xi32>
        %eq3A = arith.cmpi eq, %get3A_33, %get3A_36 : vector<16xi32>
        %and3A = arith.constant 7 : i32
        %and3A_37 = vector.broadcast %and3A : i32 to vector<16xi32>
        %and3A_38 = arith.andi %get3A_33, %and3A_37 : vector<16xi32>
        %add3A_39 = arith.constant 10000 : i32
        %add3A_40 = vector.broadcast %add3A_39 : i32 to vector<16xi32>
        %add3A_41 = arith.addi %add3A_40, %and3A_38 : vector<16xi32>
        %select_n3A = arith.select %eq3A, %add3A_41, %get3A_33 : vector<16xi1>, vector<16xi32>
        %swap3A = arith.constant 0 : index
        %swap3A_42 = tpu.vector_load %arg6[%swap3A] {strides = array<i32>} : memref<128xi32, #tpu.memory_space<vmem>>, vector<16xi32>,
        %swap3A_43 = vector.shape_cast %swap3A_42 : vector<16xi32> to vector<16xi32>
        %swap3A_44 = vector.shape_cast %select_n3A : vector<16xi32> to vector<16xi32>
        tpu.vector_store %arg6[%swap3A], %swap3A_44 {strides = array<i32>} : memref<128xi32, #tpu.memory_space<vmem>>, vector<16xi32>,
        %broadcast_in_dim3A = arith.constant 0.000000e+00 : f32
        %broadcast_in_dim3A_45 = vector.broadcast %broadcast_in_dim3A : f32 to vector<16xf32>
        %broadcast_in_dim3A_46 = arith.constant 1.000000e+00 : f32
        %broadcast_in_dim3A_47 = vector.broadcast %broadcast_in_dim3A_46 : f32 to vector<16xf32>
        %select_n3A_48 = arith.select %eq3A, %broadcast_in_dim3A_45, %broadcast_in_dim3A_47 : vector<16xi1>, vector<16xf32>
        %swap3A_49 = arith.constant 0 : index
        %swap3A_50 = tpu.vector_load %arg8[%swap3A_49] {strides = array<i32>} : memref<128xf32, #tpu.memory_space<vmem>>, vector<16xf32>,
        %swap3A_51 = vector.shape_cast %swap3A_50 : vector<16xf32> to vector<16xf32>
        %swap3A_52 = vector.shape_cast %select_n3A_48 : vector<16xf32> to vector<16xf32>
        tpu.vector_store %arg8[%swap3A_49], %swap3A_52 {strides = array<i32>} : memref<128xf32, #tpu.memory_space<vmem>>, vector<16xf32>,
        %get3A_53 = arith.constant 16 : index
        %get3A_54 = tpu.vector_load %arg6[%get3A_53] {strides = array<i32>} : memref<128xi32, #tpu.memory_space<vmem>>, vector<16xi32>,
        %get3A_55 = vector.shape_cast %get3A_54 : vector<16xi32> to vector<16xi32>
        %get3A_56 = arith.constant 16 : index
        %get3A_57 = tpu.vector_load %arg7[%get3A_56] {strides = array<i32>} : memref<128xi32, #tpu.memory_space<vmem>>, vector<16xi32>,
        %get3A_58 = vector.shape_cast %get3A_57 : vector<16xi32> to vector<16xi32>
        %eq3A_59 = arith.cmpi eq, %get3A_55, %get3A_58 : vector<16xi32>
        %and3A_60 = arith.constant 7 : i32
        %and3A_61 = vector.broadcast %and3A_60 : i32 to vector<16xi32>
        %and3A_62 = arith.andi %get3A_55, %and3A_61 : vector<16xi32>
        %add3A_63 = arith.constant 10000 : i32
        %add3A_64 = vector.broadcast %add3A_63 : i32 to vector<16xi32>
        %add3A_65 = arith.addi %add3A_64, %and3A_62 : vector<16xi32>
        %select_n3A_66 = arith.select %eq3A_59, %add3A_65, %get3A_55 : vector<16xi1>, vector<16xi32>
        %swap3A_67 = arith.constant 16 : index
        %swap3A_68 = tpu.vector_load %arg6[%swap3A_67] {strides = array<i32>} : memref<128xi32, #tpu.memory_space<vmem>>, vector<16xi32>,
        %swap3A_69 = vector.shape_cast %swap3A_68 : vector<16xi32> to vector<16xi32>
        %swap3A_70 = vector.shape_cast %select_n3A_66 : vector<16xi32> to vector<16xi32>
        tpu.vector_store %arg6[%swap3A_67], %swap3A_70 {strides = array<i32>} : memref<128xi32, #tpu.memory_space<vmem>>, vector<16xi32>,
        %broadcast_in_dim3A_71 = arith.constant 0.000000e+00 : f32
        %broadcast_in_dim3A_72 = vector.broadcast %broadcast_in_dim3A_71 : f32 to vector<16xf32>
        %broadcast_in_dim3A_73 = arith.constant 1.000000e+00 : f32
        %broadcast_in_dim3A_74 = vector.broadcast %broadcast_in_dim3A_73 : f32 to vector<16xf32>
        %select_n3A_75 = arith.select %eq3A_59, %broadcast_in_dim3A_72, %broadcast_in_dim3A_74 : vector<16xi1>, vector<16xf32>
        %swap3A_76 = arith.constant 16 : index
        %swap3A_77 = tpu.vector_load %arg8[%swap3A_76] {strides = array<i32>} : memref<128xf32, #tpu.memory_space<vmem>>, vector<16xf32>,
        %swap3A_78 = vector.shape_cast %swap3A_77 : vector<16xf32> to vector<16xf32>
        %swap3A_79 = vector.shape_cast %select_n3A_75 : vector<16xf32> to vector<16xf32>
        tpu.vector_store %arg8[%swap3A_76], %swap3A_79 {strides = array<i32>} : memref<128xf32, #tpu.memory_space<vmem>>, vector<16xf32>,
        %get3A_80 = arith.constant 32 : index
        %get3A_81 = tpu.vector_load %arg6[%get3A_80] {strides = array<i32>} : memref<128xi32, #tpu.memory_space<vmem>>, vector<16xi32>,
        %get3A_82 = vector.shape_cast %get3A_81 : vector<16xi32> to vector<16xi32>
        %get3A_83 = arith.constant 32 : index
        %get3A_84 = tpu.vector_load %arg7[%get3A_83] {strides = array<i32>} : memref<128xi32, #tpu.memory_space<vmem>>, vector<16xi32>,
        %get3A_85 = vector.shape_cast %get3A_84 : vector<16xi32> to vector<16xi32>
        %eq3A_86 = arith.cmpi eq, %get3A_82, %get3A_85 : vector<16xi32>
        %and3A_87 = arith.constant 7 : i32
        %and3A_88 = vector.broadcast %and3A_87 : i32 to vector<16xi32>
        %and3A_89 = arith.andi %get3A_82, %and3A_88 : vector<16xi32>
        %add3A_90 = arith.constant 10000 : i32
        %add3A_91 = vector.broadcast %add3A_90 : i32 to vector<16xi32>
        %add3A_92 = arith.addi %add3A_91, %and3A_89 : vector<16xi32>
        %select_n3A_93 = arith.select %eq3A_86, %add3A_92, %get3A_82 : vector<16xi1>, vector<16xi32>
        %swap3A_94 = arith.constant 32 : index
        %swap3A_95 = tpu.vector_load %arg6[%swap3A_94] {strides = array<i32>} : memref<128xi32, #tpu.memory_space<vmem>>, vector<16xi32>,
        %swap3A_96 = vector.shape_cast %swap3A_95 : vector<16xi32> to vector<16xi32>
        %swap3A_97 = vector.shape_cast %select_n3A_93 : vector<16xi32> to vector<16xi32>
        tpu.vector_store %arg6[%swap3A_94], %swap3A_97 {strides = array<i32>} : memref<128xi32, #tpu.memory_space<vmem>>, vector<16xi32>,
        %broadcast_in_dim3A_98 = arith.constant 0.000000e+00 : f32
        %broadcast_in_dim3A_99 = vector.broadcast %broadcast_in_dim3A_98 : f32 to vector<16xf32>
        %broadcast_in_dim3A_100 = arith.constant 1.000000e+00 : f32
        %broadcast_in_dim3A_101 = vector.broadcast %broadcast_in_dim3A_100 : f32 to vector<16xf32>
        %select_n3A_102 = arith.select %eq3A_86, %broadcast_in_dim3A_99, %broadcast_in_dim3A_101 : vector<16xi1>, vector<16xf32>
        %swap3A_103 = arith.constant 32 : index
        %swap3A_104 = tpu.vector_load %arg8[%swap3A_103] {strides = array<i32>} : memref<128xf32, #tpu.memory_space<vmem>>, vector<16xf32>,
        %swap3A_105 = vector.shape_cast %swap3A_104 : vector<16xf32> to vector<16xf32>
        %swap3A_106 = vector.shape_cast %select_n3A_102 : vector<16xf32> to vector<16xf32>
        tpu.vector_store %arg8[%swap3A_103], %swap3A_106 {strides = array<i32>} : memref<128xf32, #tpu.memory_space<vmem>>, vector<16xf32>,
        %get3A_107 = arith.constant 48 : index
        %get3A_108 = tpu.vector_load %arg6[%get3A_107] {strides = array<i32>} : memref<128xi32, #tpu.memory_space<vmem>>, vector<16xi32>,
        %get3A_109 = vector.shape_cast %get3A_108 : vector<16xi32> to vector<16xi32>
        %get3A_110 = arith.constant 48 : index
        %get3A_111 = tpu.vector_load %arg7[%get3A_110] {strides = array<i32>} : memref<128xi32, #tpu.memory_space<vmem>>, vector<16xi32>,
        %get3A_112 = vector.shape_cast %get3A_111 : vector<16xi32> to vector<16xi32>
        %eq3A_113 = arith.cmpi eq, %get3A_109, %get3A_112 : vector<16xi32>
        %and3A_114 = arith.constant 7 : i32
        %and3A_115 = vector.broadcast %and3A_114 : i32 to vector<16xi32>
        %and3A_116 = arith.andi %get3A_109, %and3A_115 : vector<16xi32>
        %add3A_117 = arith.constant 10000 : i32
        %add3A_118 = vector.broadcast %add3A_117 : i32 to vector<16xi32>
        %add3A_119 = arith.addi %add3A_118, %and3A_116 : vector<16xi32>
        %select_n3A_120 = arith.select %eq3A_113, %add3A_119, %get3A_109 : vector<16xi1>, vector<16xi32>
        %swap3A_121 = arith.constant 48 : index
        %swap3A_122 = tpu.vector_load %arg6[%swap3A_121] {strides = array<i32>} : memref<128xi32, #tpu.memory_space<vmem>>, vector<16xi32>,
        %swap3A_123 = vector.shape_cast %swap3A_122 : vector<16xi32> to vector<16xi32>
        %swap3A_124 = vector.shape_cast %select_n3A_120 : vector<16xi32> to vector<16xi32>
        tpu.vector_store %arg6[%swap3A_121], %swap3A_124 {strides = array<i32>} : memref<128xi32, #tpu.memory_space<vmem>>, vector<16xi32>,
        %broadcast_in_dim3A_125 = arith.constant 0.000000e+00 : f32
        %broadcast_in_dim3A_126 = vector.broadcast %broadcast_in_dim3A_125 : f32 to vector<16xf32>
        %broadcast_in_dim3A_127 = arith.constant 1.000000e+00 : f32
        %broadcast_in_dim3A_128 = vector.broadcast %broadcast_in_dim3A_127 : f32 to vector<16xf32>
        %select_n3A_129 = arith.select %eq3A_113, %broadcast_in_dim3A_126, %broadcast_in_dim3A_128 : vector<16xi1>, vector<16xf32>
        %swap3A_130 = arith.constant 48 : index
        %swap3A_131 = tpu.vector_load %arg8[%swap3A_130] {strides = array<i32>} : memref<128xf32, #tpu.memory_space<vmem>>, vector<16xf32>,
        %swap3A_132 = vector.shape_cast %swap3A_131 : vector<16xf32> to vector<16xf32>
        %swap3A_133 = vector.shape_cast %select_n3A_129 : vector<16xf32> to vector<16xf32>
        tpu.vector_store %arg8[%swap3A_130], %swap3A_133 {strides = array<i32>} : memref<128xf32, #tpu.memory_space<vmem>>, vector<16xf32>,
        %get3A_134 = arith.constant 64 : index
        %get3A_135 = tpu.vector_load %arg6[%get3A_134] {strides = array<i32>} : memref<128xi32, #tpu.memory_space<vmem>>, vector<16xi32>,
        %get3A_136 = vector.shape_cast %get3A_135 : vector<16xi32> to vector<16xi32>
        %get3A_137 = arith.constant 64 : index
        %get3A_138 = tpu.vector_load %arg7[%get3A_137] {strides = array<i32>} : memref<128xi32, #tpu.memory_space<vmem>>, vector<16xi32>,
        %get3A_139 = vector.shape_cast %get3A_138 : vector<16xi32> to vector<16xi32>
        %eq3A_140 = arith.cmpi eq, %get3A_136, %get3A_139 : vector<16xi32>
        %and3A_141 = arith.constant 7 : i32
        %and3A_142 = vector.broadcast %and3A_141 : i32 to vector<16xi32>
        %and3A_143 = arith.andi %get3A_136, %and3A_142 : vector<16xi32>
        %add3A_144 = arith.constant 10000 : i32
        %add3A_145 = vector.broadcast %add3A_144 : i32 to vector<16xi32>
        %add3A_146 = arith.addi %add3A_145, %and3A_143 : vector<16xi32>
        %select_n3A_147 = arith.select %eq3A_140, %add3A_146, %get3A_136 : vector<16xi1>, vector<16xi32>
        %swap3A_148 = arith.constant 64 : index
        %swap3A_149 = tpu.vector_load %arg6[%swap3A_148] {strides = array<i32>} : memref<128xi32, #tpu.memory_space<vmem>>, vector<16xi32>,
        %swap3A_150 = vector.shape_cast %swap3A_149 : vector<16xi32> to vector<16xi32>
        %swap3A_151 = vector.shape_cast %select_n3A_147 : vector<16xi32> to vector<16xi32>
        tpu.vector_store %arg6[%swap3A_148], %swap3A_151 {strides = array<i32>} : memref<128xi32, #tpu.memory_space<vmem>>, vector<16xi32>,
        %broadcast_in_dim3A_152 = arith.constant 0.000000e+00 : f32
        %broadcast_in_dim3A_153 = vector.broadcast %broadcast_in_dim3A_152 : f32 to vector<16xf32>
        %broadcast_in_dim3A_154 = arith.constant 1.000000e+00 : f32
        %broadcast_in_dim3A_155 = vector.broadcast %broadcast_in_dim3A_154 : f32 to vector<16xf32>
        %select_n3A_156 = arith.select %eq3A_140, %broadcast_in_dim3A_153, %broadcast_in_dim3A_155 : vector<16xi1>, vector<16xf32>
        %swap3A_157 = arith.constant 64 : index
        %swap3A_158 = tpu.vector_load %arg8[%swap3A_157] {strides = array<i32>} : memref<128xf32, #tpu.memory_space<vmem>>, vector<16xf32>,
        %swap3A_159 = vector.shape_cast %swap3A_158 : vector<16xf32> to vector<16xf32>
        %swap3A_160 = vector.shape_cast %select_n3A_156 : vector<16xf32> to vector<16xf32>
        tpu.vector_store %arg8[%swap3A_157], %swap3A_160 {strides = array<i32>} : memref<128xf32, #tpu.memory_space<vmem>>, vector<16xf32>,
        %get3A_161 = arith.constant 80 : index
        %get3A_162 = tpu.vector_load %arg6[%get3A_161] {strides = array<i32>} : memref<128xi32, #tpu.memory_space<vmem>>, vector<16xi32>,
        %get3A_163 = vector.shape_cast %get3A_162 : vector<16xi32> to vector<16xi32>
        %get3A_164 = arith.constant 80 : index
        %get3A_165 = tpu.vector_load %arg7[%get3A_164] {strides = array<i32>} : memref<128xi32, #tpu.memory_space<vmem>>, vector<16xi32>,
        %get3A_166 = vector.shape_cast %get3A_165 : vector<16xi32> to vector<16xi32>
        %eq3A_167 = arith.cmpi eq, %get3A_163, %get3A_166 : vector<16xi32>
        %and3A_168 = arith.constant 7 : i32
        %and3A_169 = vector.broadcast %and3A_168 : i32 to vector<16xi32>
        %and3A_170 = arith.andi %get3A_163, %and3A_169 : vector<16xi32>
        %add3A_171 = arith.constant 10000 : i32
        %add3A_172 = vector.broadcast %add3A_171 : i32 to vector<16xi32>
        %add3A_173 = arith.addi %add3A_172, %and3A_170 : vector<16xi32>
        %select_n3A_174 = arith.select %eq3A_167, %add3A_173, %get3A_163 : vector<16xi1>, vector<16xi32>
        %swap3A_175 = arith.constant 80 : index
        %swap3A_176 = tpu.vector_load %arg6[%swap3A_175] {strides = array<i32>} : memref<128xi32, #tpu.memory_space<vmem>>, vector<16xi32>,
        %swap3A_177 = vector.shape_cast %swap3A_176 : vector<16xi32> to vector<16xi32>
        %swap3A_178 = vector.shape_cast %select_n3A_174 : vector<16xi32> to vector<16xi32>
        tpu.vector_store %arg6[%swap3A_175], %swap3A_178 {strides = array<i32>} : memref<128xi32, #tpu.memory_space<vmem>>, vector<16xi32>,
        %broadcast_in_dim3A_179 = arith.constant 0.000000e+00 : f32
        %broadcast_in_dim3A_180 = vector.broadcast %broadcast_in_dim3A_179 : f32 to vector<16xf32>
        %broadcast_in_dim3A_181 = arith.constant 1.000000e+00 : f32
        %broadcast_in_dim3A_182 = vector.broadcast %broadcast_in_dim3A_181 : f32 to vector<16xf32>
        %select_n3A_183 = arith.select %eq3A_167, %broadcast_in_dim3A_180, %broadcast_in_dim3A_182 : vector<16xi1>, vector<16xf32>
        %swap3A_184 = arith.constant 80 : index
        %swap3A_185 = tpu.vector_load %arg8[%swap3A_184] {strides = array<i32>} : memref<128xf32, #tpu.memory_space<vmem>>, vector<16xf32>,
        %swap3A_186 = vector.shape_cast %swap3A_185 : vector<16xf32> to vector<16xf32>
        %swap3A_187 = vector.shape_cast %select_n3A_183 : vector<16xf32> to vector<16xf32>
        tpu.vector_store %arg8[%swap3A_184], %swap3A_187 {strides = array<i32>} : memref<128xf32, #tpu.memory_space<vmem>>, vector<16xf32>,
        %get3A_188 = arith.constant 96 : index
        %get3A_189 = tpu.vector_load %arg6[%get3A_188] {strides = array<i32>} : memref<128xi32, #tpu.memory_space<vmem>>, vector<16xi32>,
        %get3A_190 = vector.shape_cast %get3A_189 : vector<16xi32> to vector<16xi32>
        %get3A_191 = arith.constant 96 : index
        %get3A_192 = tpu.vector_load %arg7[%get3A_191] {strides = array<i32>} : memref<128xi32, #tpu.memory_space<vmem>>, vector<16xi32>,
        %get3A_193 = vector.shape_cast %get3A_192 : vector<16xi32> to vector<16xi32>
        %eq3A_194 = arith.cmpi eq, %get3A_190, %get3A_193 : vector<16xi32>
        %and3A_195 = arith.constant 7 : i32
        %and3A_196 = vector.broadcast %and3A_195 : i32 to vector<16xi32>
        %and3A_197 = arith.andi %get3A_190, %and3A_196 : vector<16xi32>
        %add3A_198 = arith.constant 10000 : i32
        %add3A_199 = vector.broadcast %add3A_198 : i32 to vector<16xi32>
        %add3A_200 = arith.addi %add3A_199, %and3A_197 : vector<16xi32>
        %select_n3A_201 = arith.select %eq3A_194, %add3A_200, %get3A_190 : vector<16xi1>, vector<16xi32>
        %swap3A_202 = arith.constant 96 : index
        %swap3A_203 = tpu.vector_load %arg6[%swap3A_202] {strides = array<i32>} : memref<128xi32, #tpu.memory_space<vmem>>, vector<16xi32>,
        %swap3A_204 = vector.shape_cast %swap3A_203 : vector<16xi32> to vector<16xi32>
        %swap3A_205 = vector.shape_cast %select_n3A_201 : vector<16xi32> to vector<16xi32>
        tpu.vector_store %arg6[%swap3A_202], %swap3A_205 {strides = array<i32>} : memref<128xi32, #tpu.memory_space<vmem>>, vector<16xi32>,
        %broadcast_in_dim3A_206 = arith.constant 0.000000e+00 : f32
        %broadcast_in_dim3A_207 = vector.broadcast %broadcast_in_dim3A_206 : f32 to vector<16xf32>
        %broadcast_in_dim3A_208 = arith.constant 1.000000e+00 : f32
        %broadcast_in_dim3A_209 = vector.broadcast %broadcast_in_dim3A_208 : f32 to vector<16xf32>
        %select_n3A_210 = arith.select %eq3A_194, %broadcast_in_dim3A_207, %broadcast_in_dim3A_209 : vector<16xi1>, vector<16xf32>
        %swap3A_211 = arith.constant 96 : index
        %swap3A_212 = tpu.vector_load %arg8[%swap3A_211] {strides = array<i32>} : memref<128xf32, #tpu.memory_space<vmem>>, vector<16xf32>,
        %swap3A_213 = vector.shape_cast %swap3A_212 : vector<16xf32> to vector<16xf32>
        %swap3A_214 = vector.shape_cast %select_n3A_210 : vector<16xf32> to vector<16xf32>
        tpu.vector_store %arg8[%swap3A_211], %swap3A_214 {strides = array<i32>} : memref<128xf32, #tpu.memory_space<vmem>>, vector<16xf32>,
        %get3A_215 = arith.constant 112 : index
        %get3A_216 = tpu.vector_load %arg6[%get3A_215] {strides = array<i32>} : memref<128xi32, #tpu.memory_space<vmem>>, vector<16xi32>,
        %get3A_217 = vector.shape_cast %get3A_216 : vector<16xi32> to vector<16xi32>
        %get3A_218 = arith.constant 112 : index
        %get3A_219 = tpu.vector_load %arg7[%get3A_218] {strides = array<i32>} : memref<128xi32, #tpu.memory_space<vmem>>, vector<16xi32>,
        %get3A_220 = vector.shape_cast %get3A_219 : vector<16xi32> to vector<16xi32>
        %eq3A_221 = arith.cmpi eq, %get3A_217, %get3A_220 : vector<16xi32>
        %and3A_222 = arith.constant 7 : i32
        %and3A_223 = vector.broadcast %and3A_222 : i32 to vector<16xi32>
        %and3A_224 = arith.andi %get3A_217, %and3A_223 : vector<16xi32>
        %add3A_225 = arith.constant 10000 : i32
        %add3A_226 = vector.broadcast %add3A_225 : i32 to vector<16xi32>
        %add3A_227 = arith.addi %add3A_226, %and3A_224 : vector<16xi32>
        %select_n3A_228 = arith.select %eq3A_221, %add3A_227, %get3A_217 : vector<16xi1>, vector<16xi32>
        %swap3A_229 = arith.constant 112 : index
        %swap3A_230 = tpu.vector_load %arg6[%swap3A_229] {strides = array<i32>} : memref<128xi32, #tpu.memory_space<vmem>>, vector<16xi32>,
        %swap3A_231 = vector.shape_cast %swap3A_230 : vector<16xi32> to vector<16xi32>
        %swap3A_232 = vector.shape_cast %select_n3A_228 : vector<16xi32> to vector<16xi32>
        tpu.vector_store %arg6[%swap3A_229], %swap3A_232 {strides = array<i32>} : memref<128xi32, #tpu.memory_space<vmem>>, vector<16xi32>,
        %broadcast_in_dim3A_233 = arith.constant 0.000000e+00 : f32
        %broadcast_in_dim3A_234 = vector.broadcast %broadcast_in_dim3A_233 : f32 to vector<16xf32>
        %broadcast_in_dim3A_235 = arith.constant 1.000000e+00 : f32
        %broadcast_in_dim3A_236 = vector.broadcast %broadcast_in_dim3A_235 : f32 to vector<16xf32>
        %select_n3A_237 = arith.select %eq3A_221, %broadcast_in_dim3A_234, %broadcast_in_dim3A_236 : vector<16xi1>, vector<16xf32>
        %swap3A_238 = arith.constant 112 : index
        %swap3A_239 = tpu.vector_load %arg8[%swap3A_238] {strides = array<i32>} : memref<128xf32, #tpu.memory_space<vmem>>, vector<16xf32>,
        %swap3A_240 = vector.shape_cast %swap3A_239 : vector<16xf32> to vector<16xf32>
        %swap3A_241 = vector.shape_cast %select_n3A_237 : vector<16xf32> to vector<16xf32>
        tpu.vector_store %arg8[%swap3A_238], %swap3A_241 {strides = array<i32>} : memref<128xf32, #tpu.memory_space<vmem>>, vector<16xf32>,
        "tpu.region"() ({
          %run_scoped3A_242 = tpu.sem_alloc : memref<!tpu.dma_semaphore, #tpu.memory_space<semaphore_mem>>
          %dma_start3A = tpu.memref_slice %arg3[%add3A_24] : memref<323584xi32, #tpu.memory_space<hbm>> -> memref<128xi32, #tpu.memory_space<hbm>>
          %dma_start3A_243 = tpu.memref_slice %arg3[%add3A_24] : memref<323584xi32, #tpu.memory_space<hbm>> -> memref<128xi32, #tpu.memory_space<hbm>>
          tpu.enqueue_dma source(%arg6 : memref<128xi32, #tpu.memory_space<vmem>>) target(%dma_start3A_243 : memref<128xi32, #tpu.memory_space<hbm>>) target_semaphore(%run_scoped3A_242 : memref<!tpu.dma_semaphore, #tpu.memory_space<semaphore_mem>>)
          %dma_wait3A = tpu.memref_slice %arg3[%add3A_24] : memref<323584xi32, #tpu.memory_space<hbm>> -> memref<128xi32, #tpu.memory_space<hbm>>
          %dma_wait3A_244 = tpu.memref_slice %arg3[%add3A_24] : memref<323584xi32, #tpu.memory_space<hbm>> -> memref<128xi32, #tpu.memory_space<hbm>>
          tpu.wait_dma2 semaphore(%run_scoped3A_242 : memref<!tpu.dma_semaphore, #tpu.memory_space<semaphore_mem>>) src(%arg6 : memref<128xi32, #tpu.memory_space<vmem>>) dst(%dma_wait3A_244 : memref<128xi32, #tpu.memory_space<hbm>>)
          tpu.yield
        }) : () -> ()
        "tpu.region"() ({
          %run_scoped3A_242 = tpu.sem_alloc : memref<!tpu.dma_semaphore, #tpu.memory_space<semaphore_mem>>
          %dma_start3A = tpu.memref_slice %arg4[%add3A_24] : memref<323584xi32, #tpu.memory_space<hbm>> -> memref<128xi32, #tpu.memory_space<hbm>>
          %dma_start3A_243 = tpu.memref_slice %arg4[%add3A_24] : memref<323584xi32, #tpu.memory_space<hbm>> -> memref<128xi32, #tpu.memory_space<hbm>>
          tpu.enqueue_dma source(%arg7 : memref<128xi32, #tpu.memory_space<vmem>>) target(%dma_start3A_243 : memref<128xi32, #tpu.memory_space<hbm>>) target_semaphore(%run_scoped3A_242 : memref<!tpu.dma_semaphore, #tpu.memory_space<semaphore_mem>>)
          %dma_wait3A = tpu.memref_slice %arg4[%add3A_24] : memref<323584xi32, #tpu.memory_space<hbm>> -> memref<128xi32, #tpu.memory_space<hbm>>
          %dma_wait3A_244 = tpu.memref_slice %arg4[%add3A_24] : memref<323584xi32, #tpu.memory_space<hbm>> -> memref<128xi32, #tpu.memory_space<hbm>>
          tpu.wait_dma2 semaphore(%run_scoped3A_242 : memref<!tpu.dma_semaphore, #tpu.memory_space<semaphore_mem>>) src(%arg7 : memref<128xi32, #tpu.memory_space<vmem>>) dst(%dma_wait3A_244 : memref<128xi32, #tpu.memory_space<hbm>>)
          tpu.yield
        }) : () -> ()
        "tpu.region"() ({
          %run_scoped3A_242 = tpu.sem_alloc : memref<!tpu.dma_semaphore, #tpu.memory_space<semaphore_mem>>
          %dma_start3A = arith.constant 0 : i32
          %dma_start3A_243 = tpu.memref_slice %arg10[%dma_start3A] : memref<10240xf32, #tpu.memory_space<vmem_shared>> -> memref<10240xf32, #tpu.memory_space<vmem_shared>>
          tpu.enqueue_indirect_dma source(%arg8 : memref<128xf32, #tpu.memory_space<vmem>>) target(%dma_start3A_243 : memref<10240xf32, #tpu.memory_space<vmem_shared>>) offsets(%arg6 : memref<128xi32, #tpu.memory_space<vmem>>) semaphore(%run_scoped3A_242 : memref<!tpu.dma_semaphore, #tpu.memory_space<semaphore_mem>>) {add = true}
          %dma_wait3A = arith.constant 0 : i32
          %dma_wait3A_244 = tpu.memref_slice %arg10[%dma_wait3A] : memref<10240xf32, #tpu.memory_space<vmem_shared>> -> memref<10240xf32, #tpu.memory_space<vmem_shared>>
          tpu.wait_indirect_dma semaphore(%run_scoped3A_242 : memref<!tpu.dma_semaphore, #tpu.memory_space<semaphore_mem>>) src(%arg8 : memref<128xf32, #tpu.memory_space<vmem>>) dst(%dma_wait3A_244 : memref<10240xf32, #tpu.memory_space<vmem_shared>>)
          tpu.yield
        }) : () -> ()
      } else {
      }
      %ge3A = arith.constant 320000 : i32
      %ge3A_27 = arith.cmpi sge, %add3A_24, %ge3A : i32
      %convert_element_type3A_28 = arith.extui %ge3A_27 : i1 to i32
      %cond3A_29 = arith.constant 0 : i32
      %cond3A_30 = arith.cmpi ne, %convert_element_type3A_28, %cond3A_29 : i32
      scf.if %cond3A_30 {
        %iota3A = tpu.iota {dimensions = array<i32: 0>} : vector<16xi32>
        %and3A = arith.constant 7 : i32
        %and3A_31 = vector.broadcast %and3A : i32 to vector<16xi32>
        %and3A_32 = arith.andi %iota3A, %and3A_31 : vector<16xi32>
        %add3A_33 = arith.constant 10000 : i32
        %add3A_34 = vector.broadcast %add3A_33 : i32 to vector<16xi32>
        %add3A_35 = arith.addi %add3A_34, %and3A_32 : vector<16xi32>
        %swap3A = arith.constant 0 : index
        %swap3A_36 = tpu.vector_load %arg6[%swap3A] {strides = array<i32>} : memref<128xi32, #tpu.memory_space<vmem>>, vector<16xi32>,
        %swap3A_37 = vector.shape_cast %swap3A_36 : vector<16xi32> to vector<16xi32>
        %swap3A_38 = vector.shape_cast %add3A_35 : vector<16xi32> to vector<16xi32>
        tpu.vector_store %arg6[%swap3A], %swap3A_38 {strides = array<i32>} : memref<128xi32, #tpu.memory_space<vmem>>, vector<16xi32>,
        %and3A_39 = arith.constant 15 : i32
        %and3A_40 = vector.broadcast %and3A_39 : i32 to vector<16xi32>
        %and3A_41 = arith.andi %iota3A, %and3A_40 : vector<16xi32>
        %add3A_42 = arith.constant 10000 : i32
        %add3A_43 = vector.broadcast %add3A_42 : i32 to vector<16xi32>
        %add3A_44 = arith.addi %add3A_43, %and3A_41 : vector<16xi32>
        %swap3A_45 = arith.constant 0 : index
        %swap3A_46 = tpu.vector_load %arg7[%swap3A_45] {strides = array<i32>} : memref<128xi32, #tpu.memory_space<vmem>>, vector<16xi32>,
        %swap3A_47 = vector.shape_cast %swap3A_46 : vector<16xi32> to vector<16xi32>
        %swap3A_48 = vector.shape_cast %add3A_44 : vector<16xi32> to vector<16xi32>
        tpu.vector_store %arg7[%swap3A_45], %swap3A_48 {strides = array<i32>} : memref<128xi32, #tpu.memory_space<vmem>>, vector<16xi32>,
        %and3A_49 = arith.constant 7 : i32
        %and3A_50 = vector.broadcast %and3A_49 : i32 to vector<16xi32>
        %and3A_51 = arith.andi %iota3A, %and3A_50 : vector<16xi32>
        %add3A_52 = arith.constant 10000 : i32
        %add3A_53 = vector.broadcast %add3A_52 : i32 to vector<16xi32>
        %add3A_54 = arith.addi %add3A_53, %and3A_51 : vector<16xi32>
        %swap3A_55 = arith.constant 16 : index
        %swap3A_56 = tpu.vector_load %arg6[%swap3A_55] {strides = array<i32>} : memref<128xi32, #tpu.memory_space<vmem>>, vector<16xi32>,
        %swap3A_57 = vector.shape_cast %swap3A_56 : vector<16xi32> to vector<16xi32>
        %swap3A_58 = vector.shape_cast %add3A_54 : vector<16xi32> to vector<16xi32>
        tpu.vector_store %arg6[%swap3A_55], %swap3A_58 {strides = array<i32>} : memref<128xi32, #tpu.memory_space<vmem>>, vector<16xi32>,
        %and3A_59 = arith.constant 15 : i32
        %and3A_60 = vector.broadcast %and3A_59 : i32 to vector<16xi32>
        %and3A_61 = arith.andi %iota3A, %and3A_60 : vector<16xi32>
        %add3A_62 = arith.constant 10000 : i32
        %add3A_63 = vector.broadcast %add3A_62 : i32 to vector<16xi32>
        %add3A_64 = arith.addi %add3A_63, %and3A_61 : vector<16xi32>
        %swap3A_65 = arith.constant 16 : index
        %swap3A_66 = tpu.vector_load %arg7[%swap3A_65] {strides = array<i32>} : memref<128xi32, #tpu.memory_space<vmem>>, vector<16xi32>,
        %swap3A_67 = vector.shape_cast %swap3A_66 : vector<16xi32> to vector<16xi32>
        %swap3A_68 = vector.shape_cast %add3A_64 : vector<16xi32> to vector<16xi32>
        tpu.vector_store %arg7[%swap3A_65], %swap3A_68 {strides = array<i32>} : memref<128xi32, #tpu.memory_space<vmem>>, vector<16xi32>,
        %and3A_69 = arith.constant 7 : i32
        %and3A_70 = vector.broadcast %and3A_69 : i32 to vector<16xi32>
        %and3A_71 = arith.andi %iota3A, %and3A_70 : vector<16xi32>
        %add3A_72 = arith.constant 10000 : i32
        %add3A_73 = vector.broadcast %add3A_72 : i32 to vector<16xi32>
        %add3A_74 = arith.addi %add3A_73, %and3A_71 : vector<16xi32>
        %swap3A_75 = arith.constant 32 : index
        %swap3A_76 = tpu.vector_load %arg6[%swap3A_75] {strides = array<i32>} : memref<128xi32, #tpu.memory_space<vmem>>, vector<16xi32>,
        %swap3A_77 = vector.shape_cast %swap3A_76 : vector<16xi32> to vector<16xi32>
        %swap3A_78 = vector.shape_cast %add3A_74 : vector<16xi32> to vector<16xi32>
        tpu.vector_store %arg6[%swap3A_75], %swap3A_78 {strides = array<i32>} : memref<128xi32, #tpu.memory_space<vmem>>, vector<16xi32>,
        %and3A_79 = arith.constant 15 : i32
        %and3A_80 = vector.broadcast %and3A_79 : i32 to vector<16xi32>
        %and3A_81 = arith.andi %iota3A, %and3A_80 : vector<16xi32>
        %add3A_82 = arith.constant 10000 : i32
        %add3A_83 = vector.broadcast %add3A_82 : i32 to vector<16xi32>
        %add3A_84 = arith.addi %add3A_83, %and3A_81 : vector<16xi32>
        %swap3A_85 = arith.constant 32 : index
        %swap3A_86 = tpu.vector_load %arg7[%swap3A_85] {strides = array<i32>} : memref<128xi32, #tpu.memory_space<vmem>>, vector<16xi32>,
        %swap3A_87 = vector.shape_cast %swap3A_86 : vector<16xi32> to vector<16xi32>
        %swap3A_88 = vector.shape_cast %add3A_84 : vector<16xi32> to vector<16xi32>
        tpu.vector_store %arg7[%swap3A_85], %swap3A_88 {strides = array<i32>} : memref<128xi32, #tpu.memory_space<vmem>>, vector<16xi32>,
        %and3A_89 = arith.constant 7 : i32
        %and3A_90 = vector.broadcast %and3A_89 : i32 to vector<16xi32>
        %and3A_91 = arith.andi %iota3A, %and3A_90 : vector<16xi32>
        %add3A_92 = arith.constant 10000 : i32
        %add3A_93 = vector.broadcast %add3A_92 : i32 to vector<16xi32>
        %add3A_94 = arith.addi %add3A_93, %and3A_91 : vector<16xi32>
        %swap3A_95 = arith.constant 48 : index
        %swap3A_96 = tpu.vector_load %arg6[%swap3A_95] {strides = array<i32>} : memref<128xi32, #tpu.memory_space<vmem>>, vector<16xi32>,
        %swap3A_97 = vector.shape_cast %swap3A_96 : vector<16xi32> to vector<16xi32>
        %swap3A_98 = vector.shape_cast %add3A_94 : vector<16xi32> to vector<16xi32>
        tpu.vector_store %arg6[%swap3A_95], %swap3A_98 {strides = array<i32>} : memref<128xi32, #tpu.memory_space<vmem>>, vector<16xi32>,
        %and3A_99 = arith.constant 15 : i32
        %and3A_100 = vector.broadcast %and3A_99 : i32 to vector<16xi32>
        %and3A_101 = arith.andi %iota3A, %and3A_100 : vector<16xi32>
        %add3A_102 = arith.constant 10000 : i32
        %add3A_103 = vector.broadcast %add3A_102 : i32 to vector<16xi32>
        %add3A_104 = arith.addi %add3A_103, %and3A_101 : vector<16xi32>
        %swap3A_105 = arith.constant 48 : index
        %swap3A_106 = tpu.vector_load %arg7[%swap3A_105] {strides = array<i32>} : memref<128xi32, #tpu.memory_space<vmem>>, vector<16xi32>,
        %swap3A_107 = vector.shape_cast %swap3A_106 : vector<16xi32> to vector<16xi32>
        %swap3A_108 = vector.shape_cast %add3A_104 : vector<16xi32> to vector<16xi32>
        tpu.vector_store %arg7[%swap3A_105], %swap3A_108 {strides = array<i32>} : memref<128xi32, #tpu.memory_space<vmem>>, vector<16xi32>,
        %and3A_109 = arith.constant 7 : i32
        %and3A_110 = vector.broadcast %and3A_109 : i32 to vector<16xi32>
        %and3A_111 = arith.andi %iota3A, %and3A_110 : vector<16xi32>
        %add3A_112 = arith.constant 10000 : i32
        %add3A_113 = vector.broadcast %add3A_112 : i32 to vector<16xi32>
        %add3A_114 = arith.addi %add3A_113, %and3A_111 : vector<16xi32>
        %swap3A_115 = arith.constant 64 : index
        %swap3A_116 = tpu.vector_load %arg6[%swap3A_115] {strides = array<i32>} : memref<128xi32, #tpu.memory_space<vmem>>, vector<16xi32>,
        %swap3A_117 = vector.shape_cast %swap3A_116 : vector<16xi32> to vector<16xi32>
        %swap3A_118 = vector.shape_cast %add3A_114 : vector<16xi32> to vector<16xi32>
        tpu.vector_store %arg6[%swap3A_115], %swap3A_118 {strides = array<i32>} : memref<128xi32, #tpu.memory_space<vmem>>, vector<16xi32>,
        %and3A_119 = arith.constant 15 : i32
        %and3A_120 = vector.broadcast %and3A_119 : i32 to vector<16xi32>
        %and3A_121 = arith.andi %iota3A, %and3A_120 : vector<16xi32>
        %add3A_122 = arith.constant 10000 : i32
        %add3A_123 = vector.broadcast %add3A_122 : i32 to vector<16xi32>
        %add3A_124 = arith.addi %add3A_123, %and3A_121 : vector<16xi32>
        %swap3A_125 = arith.constant 64 : index
        %swap3A_126 = tpu.vector_load %arg7[%swap3A_125] {strides = array<i32>} : memref<128xi32, #tpu.memory_space<vmem>>, vector<16xi32>,
        %swap3A_127 = vector.shape_cast %swap3A_126 : vector<16xi32> to vector<16xi32>
        %swap3A_128 = vector.shape_cast %add3A_124 : vector<16xi32> to vector<16xi32>
        tpu.vector_store %arg7[%swap3A_125], %swap3A_128 {strides = array<i32>} : memref<128xi32, #tpu.memory_space<vmem>>, vector<16xi32>,
        %and3A_129 = arith.constant 7 : i32
        %and3A_130 = vector.broadcast %and3A_129 : i32 to vector<16xi32>
        %and3A_131 = arith.andi %iota3A, %and3A_130 : vector<16xi32>
        %add3A_132 = arith.constant 10000 : i32
        %add3A_133 = vector.broadcast %add3A_132 : i32 to vector<16xi32>
        %add3A_134 = arith.addi %add3A_133, %and3A_131 : vector<16xi32>
        %swap3A_135 = arith.constant 80 : index
        %swap3A_136 = tpu.vector_load %arg6[%swap3A_135] {strides = array<i32>} : memref<128xi32, #tpu.memory_space<vmem>>, vector<16xi32>,
        %swap3A_137 = vector.shape_cast %swap3A_136 : vector<16xi32> to vector<16xi32>
        %swap3A_138 = vector.shape_cast %add3A_134 : vector<16xi32> to vector<16xi32>
        tpu.vector_store %arg6[%swap3A_135], %swap3A_138 {strides = array<i32>} : memref<128xi32, #tpu.memory_space<vmem>>, vector<16xi32>,
        %and3A_139 = arith.constant 15 : i32
        %and3A_140 = vector.broadcast %and3A_139 : i32 to vector<16xi32>
        %and3A_141 = arith.andi %iota3A, %and3A_140 : vector<16xi32>
        %add3A_142 = arith.constant 10000 : i32
        %add3A_143 = vector.broadcast %add3A_142 : i32 to vector<16xi32>
        %add3A_144 = arith.addi %add3A_143, %and3A_141 : vector<16xi32>
        %swap3A_145 = arith.constant 80 : index
        %swap3A_146 = tpu.vector_load %arg7[%swap3A_145] {strides = array<i32>} : memref<128xi32, #tpu.memory_space<vmem>>, vector<16xi32>,
        %swap3A_147 = vector.shape_cast %swap3A_146 : vector<16xi32> to vector<16xi32>
        %swap3A_148 = vector.shape_cast %add3A_144 : vector<16xi32> to vector<16xi32>
        tpu.vector_store %arg7[%swap3A_145], %swap3A_148 {strides = array<i32>} : memref<128xi32, #tpu.memory_space<vmem>>, vector<16xi32>,
        %and3A_149 = arith.constant 7 : i32
        %and3A_150 = vector.broadcast %and3A_149 : i32 to vector<16xi32>
        %and3A_151 = arith.andi %iota3A, %and3A_150 : vector<16xi32>
        %add3A_152 = arith.constant 10000 : i32
        %add3A_153 = vector.broadcast %add3A_152 : i32 to vector<16xi32>
        %add3A_154 = arith.addi %add3A_153, %and3A_151 : vector<16xi32>
        %swap3A_155 = arith.constant 96 : index
        %swap3A_156 = tpu.vector_load %arg6[%swap3A_155] {strides = array<i32>} : memref<128xi32, #tpu.memory_space<vmem>>, vector<16xi32>,
        %swap3A_157 = vector.shape_cast %swap3A_156 : vector<16xi32> to vector<16xi32>
        %swap3A_158 = vector.shape_cast %add3A_154 : vector<16xi32> to vector<16xi32>
        tpu.vector_store %arg6[%swap3A_155], %swap3A_158 {strides = array<i32>} : memref<128xi32, #tpu.memory_space<vmem>>, vector<16xi32>,
        %and3A_159 = arith.constant 15 : i32
        %and3A_160 = vector.broadcast %and3A_159 : i32 to vector<16xi32>
        %and3A_161 = arith.andi %iota3A, %and3A_160 : vector<16xi32>
        %add3A_162 = arith.constant 10000 : i32
        %add3A_163 = vector.broadcast %add3A_162 : i32 to vector<16xi32>
        %add3A_164 = arith.addi %add3A_163, %and3A_161 : vector<16xi32>
        %swap3A_165 = arith.constant 96 : index
        %swap3A_166 = tpu.vector_load %arg7[%swap3A_165] {strides = array<i32>} : memref<128xi32, #tpu.memory_space<vmem>>, vector<16xi32>,
        %swap3A_167 = vector.shape_cast %swap3A_166 : vector<16xi32> to vector<16xi32>
        %swap3A_168 = vector.shape_cast %add3A_164 : vector<16xi32> to vector<16xi32>
        tpu.vector_store %arg7[%swap3A_165], %swap3A_168 {strides = array<i32>} : memref<128xi32, #tpu.memory_space<vmem>>, vector<16xi32>,
        %and3A_169 = arith.constant 7 : i32
        %and3A_170 = vector.broadcast %and3A_169 : i32 to vector<16xi32>
        %and3A_171 = arith.andi %iota3A, %and3A_170 : vector<16xi32>
        %add3A_172 = arith.constant 10000 : i32
        %add3A_173 = vector.broadcast %add3A_172 : i32 to vector<16xi32>
        %add3A_174 = arith.addi %add3A_173, %and3A_171 : vector<16xi32>
        %swap3A_175 = arith.constant 112 : index
        %swap3A_176 = tpu.vector_load %arg6[%swap3A_175] {strides = array<i32>} : memref<128xi32, #tpu.memory_space<vmem>>, vector<16xi32>,
        %swap3A_177 = vector.shape_cast %swap3A_176 : vector<16xi32> to vector<16xi32>
        %swap3A_178 = vector.shape_cast %add3A_174 : vector<16xi32> to vector<16xi32>
        tpu.vector_store %arg6[%swap3A_175], %swap3A_178 {strides = array<i32>} : memref<128xi32, #tpu.memory_space<vmem>>, vector<16xi32>,
        %and3A_179 = arith.constant 15 : i32
        %and3A_180 = vector.broadcast %and3A_179 : i32 to vector<16xi32>
        %and3A_181 = arith.andi %iota3A, %and3A_180 : vector<16xi32>
        %add3A_182 = arith.constant 10000 : i32
        %add3A_183 = vector.broadcast %add3A_182 : i32 to vector<16xi32>
        %add3A_184 = arith.addi %add3A_183, %and3A_181 : vector<16xi32>
        %swap3A_185 = arith.constant 112 : index
        %swap3A_186 = tpu.vector_load %arg7[%swap3A_185] {strides = array<i32>} : memref<128xi32, #tpu.memory_space<vmem>>, vector<16xi32>,
        %swap3A_187 = vector.shape_cast %swap3A_186 : vector<16xi32> to vector<16xi32>
        %swap3A_188 = vector.shape_cast %add3A_184 : vector<16xi32> to vector<16xi32>
        tpu.vector_store %arg7[%swap3A_185], %swap3A_188 {strides = array<i32>} : memref<128xi32, #tpu.memory_space<vmem>>, vector<16xi32>,
        "tpu.region"() ({
          %run_scoped3A = tpu.sem_alloc : memref<!tpu.dma_semaphore, #tpu.memory_space<semaphore_mem>>
          %dma_start3A = tpu.memref_slice %arg3[%add3A_24] : memref<323584xi32, #tpu.memory_space<hbm>> -> memref<128xi32, #tpu.memory_space<hbm>>
          %dma_start3A_189 = tpu.memref_slice %arg3[%add3A_24] : memref<323584xi32, #tpu.memory_space<hbm>> -> memref<128xi32, #tpu.memory_space<hbm>>
          tpu.enqueue_dma source(%arg6 : memref<128xi32, #tpu.memory_space<vmem>>) target(%dma_start3A_189 : memref<128xi32, #tpu.memory_space<hbm>>) target_semaphore(%run_scoped3A : memref<!tpu.dma_semaphore, #tpu.memory_space<semaphore_mem>>)
          %dma_wait3A = tpu.memref_slice %arg3[%add3A_24] : memref<323584xi32, #tpu.memory_space<hbm>> -> memref<128xi32, #tpu.memory_space<hbm>>
          %dma_wait3A_190 = tpu.memref_slice %arg3[%add3A_24] : memref<323584xi32, #tpu.memory_space<hbm>> -> memref<128xi32, #tpu.memory_space<hbm>>
          tpu.wait_dma2 semaphore(%run_scoped3A : memref<!tpu.dma_semaphore, #tpu.memory_space<semaphore_mem>>) src(%arg6 : memref<128xi32, #tpu.memory_space<vmem>>) dst(%dma_wait3A_190 : memref<128xi32, #tpu.memory_space<hbm>>)
          tpu.yield
        }) : () -> ()
        "tpu.region"() ({
          %run_scoped3A = tpu.sem_alloc : memref<!tpu.dma_semaphore, #tpu.memory_space<semaphore_mem>>
          %dma_start3A = tpu.memref_slice %arg4[%add3A_24] : memref<323584xi32, #tpu.memory_space<hbm>> -> memref<128xi32, #tpu.memory_space<hbm>>
          %dma_start3A_189 = tpu.memref_slice %arg4[%add3A_24] : memref<323584xi32, #tpu.memory_space<hbm>> -> memref<128xi32, #tpu.memory_space<hbm>>
          tpu.enqueue_dma source(%arg7 : memref<128xi32, #tpu.memory_space<vmem>>) target(%dma_start3A_189 : memref<128xi32, #tpu.memory_space<hbm>>) target_semaphore(%run_scoped3A : memref<!tpu.dma_semaphore, #tpu.memory_space<semaphore_mem>>)
          %dma_wait3A = tpu.memref_slice %arg4[%add3A_24] : memref<323584xi32, #tpu.memory_space<hbm>> -> memref<128xi32, #tpu.memory_space<hbm>>
          %dma_wait3A_190 = tpu.memref_slice %arg4[%add3A_24] : memref<323584xi32, #tpu.memory_space<hbm>> -> memref<128xi32, #tpu.memory_space<hbm>>
          tpu.wait_dma2 semaphore(%run_scoped3A : memref<!tpu.dma_semaphore, #tpu.memory_space<semaphore_mem>>) src(%arg7 : memref<128xi32, #tpu.memory_space<vmem>>) dst(%dma_wait3A_190 : memref<128xi32, #tpu.memory_space<hbm>>)
          tpu.yield
        }) : () -> ()
      } else {
      }
    }
    %scan3A_13 = arith.constant 79 : i32
    %barrier3A_14 = arith.constant 0 : index
    tpu.barrier barrier_id(%barrier3A_14)
    %mul3A_15 = arith.constant 640 : i32
    %mul3A_16 = arith.muli %arg1, %mul3A_15 : i32
    %mul3A_17 = arith.constant 640 : i32
    %mul3A_18 = arith.muli %arg1, %mul3A_17 : i32
    "tpu.region"() ({
      %run_scoped3A = tpu.sem_alloc : memref<!tpu.dma_semaphore, #tpu.memory_space<semaphore_mem>>
      %dma_start3A = tpu.memref_slice %arg5[%arg0, %mul3A_18] : memref<2x10240xf32, #tpu.memory_space<hbm>> -> memref<1x640xf32, #tpu.memory_space<hbm>>
      %dma_start3A_19 = tpu.memref_squeeze %dma_start3A : memref<1x640xf32, #tpu.memory_space<hbm>> -> memref<640xf32, #tpu.memory_space<hbm>>
      %dma_start3A_20 = tpu.memref_slice %arg10[%mul3A_16] : memref<10240xf32, #tpu.memory_space<vmem_shared>> -> memref<640xf32, #tpu.memory_space<vmem_shared>>
      tpu.enqueue_dma source(%dma_start3A_20 : memref<640xf32, #tpu.memory_space<vmem_shared>>) target(%dma_start3A_19 : memref<640xf32, #tpu.memory_space<hbm>>) target_semaphore(%run_scoped3A : memref<!tpu.dma_semaphore, #tpu.memory_space<semaphore_mem>>)
      %dma_wait3A = tpu.memref_slice %arg5[%arg0, %mul3A_18] : memref<2x10240xf32, #tpu.memory_space<hbm>> -> memref<1x640xf32, #tpu.memory_space<hbm>>
      %dma_wait3A_21 = tpu.memref_squeeze %dma_wait3A : memref<1x640xf32, #tpu.memory_space<hbm>> -> memref<640xf32, #tpu.memory_space<hbm>>
      %dma_wait3A_22 = tpu.memref_slice %arg10[%mul3A_16] : memref<10240xf32, #tpu.memory_space<vmem_shared>> -> memref<640xf32, #tpu.memory_space<vmem_shared>>
      tpu.wait_dma2 semaphore(%run_scoped3A : memref<!tpu.dma_semaphore, #tpu.memory_space<semaphore_mem>>) src(%dma_wait3A_22 : memref<640xf32, #tpu.memory_space<vmem_shared>>) dst(%dma_wait3A_21 : memref<640xf32, #tpu.memory_space<hbm>>)
      tpu.yield
    }) : () -> ()
    return
  }
}

#map = affine_map<(d0, d1) -> (0, 0)>
#map1 = affine_map<(d0, d1) -> (0)>
#map2 = affine_map<(d0, d1) -> (0, 0, 0)>
module attributes {stable_mosaic.version = 14 : i64} {
  func.func @_prop(%arg0: i32, %arg1: i32, %arg2: memref<10240x128xf32, #tpu.memory_space<hbm>>, %arg3: memref<323584xi32, #tpu.memory_space<hbm>>, %arg4: memref<323584xi32, #tpu.memory_space<hbm>>, %arg5: memref<2x10240x128xf32, #tpu.memory_space<hbm>>, %arg6: memref<128xi32, #tpu.memory_space<vmem>>, %arg7: memref<128xi32, #tpu.memory_space<vmem>>, %arg8: memref<128x128xf32, #tpu.memory_space<vmem>>, %arg9: memref<128xi32, #tpu.memory_space<vmem>>, %arg10: memref<128xi32, #tpu.memory_space<vmem>>, %arg11: memref<128x128xf32, #tpu.memory_space<vmem>>, %arg12: memref<10240x128xf32, #tpu.memory_space<vmem_shared>>, %arg13: memref<!tpu.dma_semaphore, #tpu.memory_space<semaphore_mem>>, %arg14: memref<!tpu.dma_semaphore, #tpu.memory_space<semaphore_mem>>) attributes {dimension_semantics = [#tpu.dimension_semantics<core_parallel>, #tpu.dimension_semantics<subcore_parallel>], iteration_bounds = array<i64: 2, 16>, scalar_prefetch = 0 : i64, scratch_operands = 9 : i64, tpu.core_type = #tpu.core_type<sc_vector_subcore>, window_params = [{transform_indices = #map}, {transform_indices = #map1}, {transform_indices = #map1}, {transform_indices = #map2}]} {
    %mul3A = arith.constant 2 : i32
    %mul3A_0 = arith.muli %arg1, %mul3A : i32
    %add3A = arith.addi %mul3A_0, %arg0 : i32
    %mul3A_1 = arith.constant 10112 : i32
    %mul3A_2 = arith.muli %add3A, %mul3A_1 : i32
    %scan3A = arith.constant 0 : i32
    %scan3A_3 = arith.constant 0 : i32
    %scan3A_4 = arith.constant 128 : i32
    %scan3A_5 = arith.addi %scan3A_3, %scan3A_4 : i32
    %scan3A_6 = arith.constant 1 : i32
    scf.for %scan3A_41 = %scan3A_3 to %scan3A_5 step %scan3A_6  : i32 {
      %broadcast_in_dim3A = arith.constant 0.000000e+00 : f32
      %broadcast_in_dim3A_42 = vector.broadcast %broadcast_in_dim3A : f32 to vector<16xf32>
      %swap3A = arith.index_cast %scan3A_41 : i32 to index
      %swap3A_43 = arith.constant 0 : index
      %swap3A_44 = tpu.vector_load %arg8[%swap3A, %swap3A_43] {strides = array<i32>} : memref<128x128xf32, #tpu.memory_space<vmem>>, vector<1x16xf32>,
      %swap3A_45 = vector.shape_cast %swap3A_44 : vector<1x16xf32> to vector<16xf32>
      %swap3A_46 = vector.shape_cast %broadcast_in_dim3A_42 : vector<16xf32> to vector<1x16xf32>
      tpu.vector_store %arg8[%swap3A, %swap3A_43], %swap3A_46 {strides = array<i32>} : memref<128x128xf32, #tpu.memory_space<vmem>>, vector<1x16xf32>,
      %broadcast_in_dim3A_47 = arith.constant 0.000000e+00 : f32
      %broadcast_in_dim3A_48 = vector.broadcast %broadcast_in_dim3A_47 : f32 to vector<16xf32>
      %swap3A_49 = arith.index_cast %scan3A_41 : i32 to index
      %swap3A_50 = arith.constant 16 : index
      %swap3A_51 = tpu.vector_load %arg8[%swap3A_49, %swap3A_50] {strides = array<i32>} : memref<128x128xf32, #tpu.memory_space<vmem>>, vector<1x16xf32>,
      %swap3A_52 = vector.shape_cast %swap3A_51 : vector<1x16xf32> to vector<16xf32>
      %swap3A_53 = vector.shape_cast %broadcast_in_dim3A_48 : vector<16xf32> to vector<1x16xf32>
      tpu.vector_store %arg8[%swap3A_49, %swap3A_50], %swap3A_53 {strides = array<i32>} : memref<128x128xf32, #tpu.memory_space<vmem>>, vector<1x16xf32>,
      %broadcast_in_dim3A_54 = arith.constant 0.000000e+00 : f32
      %broadcast_in_dim3A_55 = vector.broadcast %broadcast_in_dim3A_54 : f32 to vector<16xf32>
      %swap3A_56 = arith.index_cast %scan3A_41 : i32 to index
      %swap3A_57 = arith.constant 32 : index
      %swap3A_58 = tpu.vector_load %arg8[%swap3A_56, %swap3A_57] {strides = array<i32>} : memref<128x128xf32, #tpu.memory_space<vmem>>, vector<1x16xf32>,
      %swap3A_59 = vector.shape_cast %swap3A_58 : vector<1x16xf32> to vector<16xf32>
      %swap3A_60 = vector.shape_cast %broadcast_in_dim3A_55 : vector<16xf32> to vector<1x16xf32>
      tpu.vector_store %arg8[%swap3A_56, %swap3A_57], %swap3A_60 {strides = array<i32>} : memref<128x128xf32, #tpu.memory_space<vmem>>, vector<1x16xf32>,
      %broadcast_in_dim3A_61 = arith.constant 0.000000e+00 : f32
      %broadcast_in_dim3A_62 = vector.broadcast %broadcast_in_dim3A_61 : f32 to vector<16xf32>
      %swap3A_63 = arith.index_cast %scan3A_41 : i32 to index
      %swap3A_64 = arith.constant 48 : index
      %swap3A_65 = tpu.vector_load %arg8[%swap3A_63, %swap3A_64] {strides = array<i32>} : memref<128x128xf32, #tpu.memory_space<vmem>>, vector<1x16xf32>,
      %swap3A_66 = vector.shape_cast %swap3A_65 : vector<1x16xf32> to vector<16xf32>
      %swap3A_67 = vector.shape_cast %broadcast_in_dim3A_62 : vector<16xf32> to vector<1x16xf32>
      tpu.vector_store %arg8[%swap3A_63, %swap3A_64], %swap3A_67 {strides = array<i32>} : memref<128x128xf32, #tpu.memory_space<vmem>>, vector<1x16xf32>,
      %broadcast_in_dim3A_68 = arith.constant 0.000000e+00 : f32
      %broadcast_in_dim3A_69 = vector.broadcast %broadcast_in_dim3A_68 : f32 to vector<16xf32>
      %swap3A_70 = arith.index_cast %scan3A_41 : i32 to index
      %swap3A_71 = arith.constant 64 : index
      %swap3A_72 = tpu.vector_load %arg8[%swap3A_70, %swap3A_71] {strides = array<i32>} : memref<128x128xf32, #tpu.memory_space<vmem>>, vector<1x16xf32>,
      %swap3A_73 = vector.shape_cast %swap3A_72 : vector<1x16xf32> to vector<16xf32>
      %swap3A_74 = vector.shape_cast %broadcast_in_dim3A_69 : vector<16xf32> to vector<1x16xf32>
      tpu.vector_store %arg8[%swap3A_70, %swap3A_71], %swap3A_74 {strides = array<i32>} : memref<128x128xf32, #tpu.memory_space<vmem>>, vector<1x16xf32>,
      %broadcast_in_dim3A_75 = arith.constant 0.000000e+00 : f32
      %broadcast_in_dim3A_76 = vector.broadcast %broadcast_in_dim3A_75 : f32 to vector<16xf32>
      %swap3A_77 = arith.index_cast %scan3A_41 : i32 to index
      %swap3A_78 = arith.constant 80 : index
      %swap3A_79 = tpu.vector_load %arg8[%swap3A_77, %swap3A_78] {strides = array<i32>} : memref<128x128xf32, #tpu.memory_space<vmem>>, vector<1x16xf32>,
      %swap3A_80 = vector.shape_cast %swap3A_79 : vector<1x16xf32> to vector<16xf32>
      %swap3A_81 = vector.shape_cast %broadcast_in_dim3A_76 : vector<16xf32> to vector<1x16xf32>
      tpu.vector_store %arg8[%swap3A_77, %swap3A_78], %swap3A_81 {strides = array<i32>} : memref<128x128xf32, #tpu.memory_space<vmem>>, vector<1x16xf32>,
      %broadcast_in_dim3A_82 = arith.constant 0.000000e+00 : f32
      %broadcast_in_dim3A_83 = vector.broadcast %broadcast_in_dim3A_82 : f32 to vector<16xf32>
      %swap3A_84 = arith.index_cast %scan3A_41 : i32 to index
      %swap3A_85 = arith.constant 96 : index
      %swap3A_86 = tpu.vector_load %arg8[%swap3A_84, %swap3A_85] {strides = array<i32>} : memref<128x128xf32, #tpu.memory_space<vmem>>, vector<1x16xf32>,
      %swap3A_87 = vector.shape_cast %swap3A_86 : vector<1x16xf32> to vector<16xf32>
      %swap3A_88 = vector.shape_cast %broadcast_in_dim3A_83 : vector<16xf32> to vector<1x16xf32>
      tpu.vector_store %arg8[%swap3A_84, %swap3A_85], %swap3A_88 {strides = array<i32>} : memref<128x128xf32, #tpu.memory_space<vmem>>, vector<1x16xf32>,
      %broadcast_in_dim3A_89 = arith.constant 0.000000e+00 : f32
      %broadcast_in_dim3A_90 = vector.broadcast %broadcast_in_dim3A_89 : f32 to vector<16xf32>
      %swap3A_91 = arith.index_cast %scan3A_41 : i32 to index
      %swap3A_92 = arith.constant 112 : index
      %swap3A_93 = tpu.vector_load %arg8[%swap3A_91, %swap3A_92] {strides = array<i32>} : memref<128x128xf32, #tpu.memory_space<vmem>>, vector<1x16xf32>,
      %swap3A_94 = vector.shape_cast %swap3A_93 : vector<1x16xf32> to vector<16xf32>
      %swap3A_95 = vector.shape_cast %broadcast_in_dim3A_90 : vector<16xf32> to vector<1x16xf32>
      tpu.vector_store %arg8[%swap3A_91, %swap3A_92], %swap3A_95 {strides = array<i32>} : memref<128x128xf32, #tpu.memory_space<vmem>>, vector<1x16xf32>,
    }
    %scan3A_7 = arith.constant 128 : i32
    %mul3A_8 = arith.constant 640 : i32
    %mul3A_9 = arith.muli %arg1, %mul3A_8 : i32
    %add3A_10 = arith.constant 0 : i32
    %add3A_11 = arith.addi %mul3A_9, %add3A_10 : i32
    "tpu.region"() ({
      %run_scoped3A = tpu.sem_alloc : memref<!tpu.dma_semaphore, #tpu.memory_space<semaphore_mem>>
      %dma_start3A_41 = arith.constant 0 : i32
      %dma_start3A_42 = tpu.memref_slice %arg12[%add3A_11, %dma_start3A_41] : memref<10240x128xf32, #tpu.memory_space<vmem_shared>> -> memref<128x128xf32, #tpu.memory_space<vmem_shared>>
      %dma_start3A_43 = arith.constant 0 : i32
      %dma_start3A_44 = tpu.memref_slice %arg12[%add3A_11, %dma_start3A_43] : memref<10240x128xf32, #tpu.memory_space<vmem_shared>> -> memref<128x128xf32, #tpu.memory_space<vmem_shared>>
      tpu.enqueue_dma source(%arg8 : memref<128x128xf32, #tpu.memory_space<vmem>>) target(%dma_start3A_44 : memref<128x128xf32, #tpu.memory_space<vmem_shared>>) target_semaphore(%run_scoped3A : memref<!tpu.dma_semaphore, #tpu.memory_space<semaphore_mem>>)
      %dma_wait3A_45 = arith.constant 0 : i32
      %dma_wait3A_46 = tpu.memref_slice %arg12[%add3A_11, %dma_wait3A_45] : memref<10240x128xf32, #tpu.memory_space<vmem_shared>> -> memref<128x128xf32, #tpu.memory_space<vmem_shared>>
      %dma_wait3A_47 = arith.constant 0 : i32
      %dma_wait3A_48 = tpu.memref_slice %arg12[%add3A_11, %dma_wait3A_47] : memref<10240x128xf32, #tpu.memory_space<vmem_shared>> -> memref<128x128xf32, #tpu.memory_space<vmem_shared>>
      tpu.wait_dma2 semaphore(%run_scoped3A : memref<!tpu.dma_semaphore, #tpu.memory_space<semaphore_mem>>) src(%arg8 : memref<128x128xf32, #tpu.memory_space<vmem>>) dst(%dma_wait3A_48 : memref<128x128xf32, #tpu.memory_space<vmem_shared>>)
      tpu.yield
    }) : () -> ()
    %mul3A_12 = arith.constant 640 : i32
    %mul3A_13 = arith.muli %arg1, %mul3A_12 : i32
    %add3A_14 = arith.constant 128 : i32
    %add3A_15 = arith.addi %mul3A_13, %add3A_14 : i32
    "tpu.region"() ({
      %run_scoped3A = tpu.sem_alloc : memref<!tpu.dma_semaphore, #tpu.memory_space<semaphore_mem>>
      %dma_start3A_41 = arith.constant 0 : i32
      %dma_start3A_42 = tpu.memref_slice %arg12[%add3A_15, %dma_start3A_41] : memref<10240x128xf32, #tpu.memory_space<vmem_shared>> -> memref<128x128xf32, #tpu.memory_space<vmem_shared>>
      %dma_start3A_43 = arith.constant 0 : i32
      %dma_start3A_44 = tpu.memref_slice %arg12[%add3A_15, %dma_start3A_43] : memref<10240x128xf32, #tpu.memory_space<vmem_shared>> -> memref<128x128xf32, #tpu.memory_space<vmem_shared>>
      tpu.enqueue_dma source(%arg8 : memref<128x128xf32, #tpu.memory_space<vmem>>) target(%dma_start3A_44 : memref<128x128xf32, #tpu.memory_space<vmem_shared>>) target_semaphore(%run_scoped3A : memref<!tpu.dma_semaphore, #tpu.memory_space<semaphore_mem>>)
      %dma_wait3A_45 = arith.constant 0 : i32
      %dma_wait3A_46 = tpu.memref_slice %arg12[%add3A_15, %dma_wait3A_45] : memref<10240x128xf32, #tpu.memory_space<vmem_shared>> -> memref<128x128xf32, #tpu.memory_space<vmem_shared>>
      %dma_wait3A_47 = arith.constant 0 : i32
      %dma_wait3A_48 = tpu.memref_slice %arg12[%add3A_15, %dma_wait3A_47] : memref<10240x128xf32, #tpu.memory_space<vmem_shared>> -> memref<128x128xf32, #tpu.memory_space<vmem_shared>>
      tpu.wait_dma2 semaphore(%run_scoped3A : memref<!tpu.dma_semaphore, #tpu.memory_space<semaphore_mem>>) src(%arg8 : memref<128x128xf32, #tpu.memory_space<vmem>>) dst(%dma_wait3A_48 : memref<128x128xf32, #tpu.memory_space<vmem_shared>>)
      tpu.yield
    }) : () -> ()
    %mul3A_16 = arith.constant 640 : i32
    %mul3A_17 = arith.muli %arg1, %mul3A_16 : i32
    %add3A_18 = arith.constant 256 : i32
    %add3A_19 = arith.addi %mul3A_17, %add3A_18 : i32
    "tpu.region"() ({
      %run_scoped3A = tpu.sem_alloc : memref<!tpu.dma_semaphore, #tpu.memory_space<semaphore_mem>>
      %dma_start3A_41 = arith.constant 0 : i32
      %dma_start3A_42 = tpu.memref_slice %arg12[%add3A_19, %dma_start3A_41] : memref<10240x128xf32, #tpu.memory_space<vmem_shared>> -> memref<128x128xf32, #tpu.memory_space<vmem_shared>>
      %dma_start3A_43 = arith.constant 0 : i32
      %dma_start3A_44 = tpu.memref_slice %arg12[%add3A_19, %dma_start3A_43] : memref<10240x128xf32, #tpu.memory_space<vmem_shared>> -> memref<128x128xf32, #tpu.memory_space<vmem_shared>>
      tpu.enqueue_dma source(%arg8 : memref<128x128xf32, #tpu.memory_space<vmem>>) target(%dma_start3A_44 : memref<128x128xf32, #tpu.memory_space<vmem_shared>>) target_semaphore(%run_scoped3A : memref<!tpu.dma_semaphore, #tpu.memory_space<semaphore_mem>>)
      %dma_wait3A_45 = arith.constant 0 : i32
      %dma_wait3A_46 = tpu.memref_slice %arg12[%add3A_19, %dma_wait3A_45] : memref<10240x128xf32, #tpu.memory_space<vmem_shared>> -> memref<128x128xf32, #tpu.memory_space<vmem_shared>>
      %dma_wait3A_47 = arith.constant 0 : i32
      %dma_wait3A_48 = tpu.memref_slice %arg12[%add3A_19, %dma_wait3A_47] : memref<10240x128xf32, #tpu.memory_space<vmem_shared>> -> memref<128x128xf32, #tpu.memory_space<vmem_shared>>
      tpu.wait_dma2 semaphore(%run_scoped3A : memref<!tpu.dma_semaphore, #tpu.memory_space<semaphore_mem>>) src(%arg8 : memref<128x128xf32, #tpu.memory_space<vmem>>) dst(%dma_wait3A_48 : memref<128x128xf32, #tpu.memory_space<vmem_shared>>)
      tpu.yield
    }) : () -> ()
    %mul3A_20 = arith.constant 640 : i32
    %mul3A_21 = arith.muli %arg1, %mul3A_20 : i32
    %add3A_22 = arith.constant 384 : i32
    %add3A_23 = arith.addi %mul3A_21, %add3A_22 : i32
    "tpu.region"() ({
      %run_scoped3A = tpu.sem_alloc : memref<!tpu.dma_semaphore, #tpu.memory_space<semaphore_mem>>
      %dma_start3A_41 = arith.constant 0 : i32
      %dma_start3A_42 = tpu.memref_slice %arg12[%add3A_23, %dma_start3A_41] : memref<10240x128xf32, #tpu.memory_space<vmem_shared>> -> memref<128x128xf32, #tpu.memory_space<vmem_shared>>
      %dma_start3A_43 = arith.constant 0 : i32
      %dma_start3A_44 = tpu.memref_slice %arg12[%add3A_23, %dma_start3A_43] : memref<10240x128xf32, #tpu.memory_space<vmem_shared>> -> memref<128x128xf32, #tpu.memory_space<vmem_shared>>
      tpu.enqueue_dma source(%arg8 : memref<128x128xf32, #tpu.memory_space<vmem>>) target(%dma_start3A_44 : memref<128x128xf32, #tpu.memory_space<vmem_shared>>) target_semaphore(%run_scoped3A : memref<!tpu.dma_semaphore, #tpu.memory_space<semaphore_mem>>)
      %dma_wait3A_45 = arith.constant 0 : i32
      %dma_wait3A_46 = tpu.memref_slice %arg12[%add3A_23, %dma_wait3A_45] : memref<10240x128xf32, #tpu.memory_space<vmem_shared>> -> memref<128x128xf32, #tpu.memory_space<vmem_shared>>
      %dma_wait3A_47 = arith.constant 0 : i32
      %dma_wait3A_48 = tpu.memref_slice %arg12[%add3A_23, %dma_wait3A_47] : memref<10240x128xf32, #tpu.memory_space<vmem_shared>> -> memref<128x128xf32, #tpu.memory_space<vmem_shared>>
      tpu.wait_dma2 semaphore(%run_scoped3A : memref<!tpu.dma_semaphore, #tpu.memory_space<semaphore_mem>>) src(%arg8 : memref<128x128xf32, #tpu.memory_space<vmem>>) dst(%dma_wait3A_48 : memref<128x128xf32, #tpu.memory_space<vmem_shared>>)
      tpu.yield
    }) : () -> ()
    %mul3A_24 = arith.constant 640 : i32
    %mul3A_25 = arith.muli %arg1, %mul3A_24 : i32
    %add3A_26 = arith.constant 512 : i32
    %add3A_27 = arith.addi %mul3A_25, %add3A_26 : i32
    "tpu.region"() ({
      %run_scoped3A = tpu.sem_alloc : memref<!tpu.dma_semaphore, #tpu.memory_space<semaphore_mem>>
      %dma_start3A_41 = arith.constant 0 : i32
      %dma_start3A_42 = tpu.memref_slice %arg12[%add3A_27, %dma_start3A_41] : memref<10240x128xf32, #tpu.memory_space<vmem_shared>> -> memref<128x128xf32, #tpu.memory_space<vmem_shared>>
      %dma_start3A_43 = arith.constant 0 : i32
      %dma_start3A_44 = tpu.memref_slice %arg12[%add3A_27, %dma_start3A_43] : memref<10240x128xf32, #tpu.memory_space<vmem_shared>> -> memref<128x128xf32, #tpu.memory_space<vmem_shared>>
      tpu.enqueue_dma source(%arg8 : memref<128x128xf32, #tpu.memory_space<vmem>>) target(%dma_start3A_44 : memref<128x128xf32, #tpu.memory_space<vmem_shared>>) target_semaphore(%run_scoped3A : memref<!tpu.dma_semaphore, #tpu.memory_space<semaphore_mem>>)
      %dma_wait3A_45 = arith.constant 0 : i32
      %dma_wait3A_46 = tpu.memref_slice %arg12[%add3A_27, %dma_wait3A_45] : memref<10240x128xf32, #tpu.memory_space<vmem_shared>> -> memref<128x128xf32, #tpu.memory_space<vmem_shared>>
      %dma_wait3A_47 = arith.constant 0 : i32
      %dma_wait3A_48 = tpu.memref_slice %arg12[%add3A_27, %dma_wait3A_47] : memref<10240x128xf32, #tpu.memory_space<vmem_shared>> -> memref<128x128xf32, #tpu.memory_space<vmem_shared>>
      tpu.wait_dma2 semaphore(%run_scoped3A : memref<!tpu.dma_semaphore, #tpu.memory_space<semaphore_mem>>) src(%arg8 : memref<128x128xf32, #tpu.memory_space<vmem>>) dst(%dma_wait3A_48 : memref<128x128xf32, #tpu.memory_space<vmem_shared>>)
      tpu.yield
    }) : () -> ()
    %barrier3A = arith.constant 0 : index
    tpu.barrier barrier_id(%barrier3A)
    "tpu.region"() ({
      %run_scoped3A = tpu.sem_alloc : memref<!tpu.dma_semaphore, #tpu.memory_space<semaphore_mem>>
      %dma_start3A_41 = tpu.memref_slice %arg3[%mul3A_2] : memref<323584xi32, #tpu.memory_space<hbm>> -> memref<128xi32, #tpu.memory_space<hbm>>
      %dma_start3A_42 = tpu.memref_slice %arg3[%mul3A_2] : memref<323584xi32, #tpu.memory_space<hbm>> -> memref<128xi32, #tpu.memory_space<hbm>>
      tpu.enqueue_dma source(%dma_start3A_42 : memref<128xi32, #tpu.memory_space<hbm>>) target(%arg6 : memref<128xi32, #tpu.memory_space<vmem>>) target_semaphore(%run_scoped3A : memref<!tpu.dma_semaphore, #tpu.memory_space<semaphore_mem>>)
      %dma_wait3A_43 = tpu.memref_slice %arg3[%mul3A_2] : memref<323584xi32, #tpu.memory_space<hbm>> -> memref<128xi32, #tpu.memory_space<hbm>>
      %dma_wait3A_44 = tpu.memref_slice %arg3[%mul3A_2] : memref<323584xi32, #tpu.memory_space<hbm>> -> memref<128xi32, #tpu.memory_space<hbm>>
      tpu.wait_dma2 semaphore(%run_scoped3A : memref<!tpu.dma_semaphore, #tpu.memory_space<semaphore_mem>>) src(%dma_wait3A_44 : memref<128xi32, #tpu.memory_space<hbm>>) dst(%arg6 : memref<128xi32, #tpu.memory_space<vmem>>)
      tpu.yield
    }) : () -> ()
    %dma_start3A = arith.constant 0 : i32
    %dma_start3A_28 = arith.constant 0 : i32
    %dma_start3A_29 = tpu.memref_slice %arg2[%dma_start3A, %dma_start3A_28] : memref<10240x128xf32, #tpu.memory_space<hbm>> -> memref<10240x128xf32, #tpu.memory_space<hbm>>
    tpu.enqueue_indirect_dma source(%dma_start3A_29 : memref<10240x128xf32, #tpu.memory_space<hbm>>) target(%arg8 : memref<128x128xf32, #tpu.memory_space<vmem>>) offsets(%arg6 : memref<128xi32, #tpu.memory_space<vmem>>) semaphore(%arg13 : memref<!tpu.dma_semaphore, #tpu.memory_space<semaphore_mem>>)
    "tpu.region"() ({
      %run_scoped3A = tpu.sem_alloc : memref<!tpu.dma_semaphore, #tpu.memory_space<semaphore_mem>>
      %dma_start3A_41 = tpu.memref_slice %arg4[%mul3A_2] : memref<323584xi32, #tpu.memory_space<hbm>> -> memref<128xi32, #tpu.memory_space<hbm>>
      %dma_start3A_42 = tpu.memref_slice %arg4[%mul3A_2] : memref<323584xi32, #tpu.memory_space<hbm>> -> memref<128xi32, #tpu.memory_space<hbm>>
      tpu.enqueue_dma source(%dma_start3A_42 : memref<128xi32, #tpu.memory_space<hbm>>) target(%arg7 : memref<128xi32, #tpu.memory_space<vmem>>) target_semaphore(%run_scoped3A : memref<!tpu.dma_semaphore, #tpu.memory_space<semaphore_mem>>)
      %dma_wait3A_43 = tpu.memref_slice %arg4[%mul3A_2] : memref<323584xi32, #tpu.memory_space<hbm>> -> memref<128xi32, #tpu.memory_space<hbm>>
      %dma_wait3A_44 = tpu.memref_slice %arg4[%mul3A_2] : memref<323584xi32, #tpu.memory_space<hbm>> -> memref<128xi32, #tpu.memory_space<hbm>>
      tpu.wait_dma2 semaphore(%run_scoped3A : memref<!tpu.dma_semaphore, #tpu.memory_space<semaphore_mem>>) src(%dma_wait3A_44 : memref<128xi32, #tpu.memory_space<hbm>>) dst(%arg7 : memref<128xi32, #tpu.memory_space<vmem>>)
      tpu.yield
    }) : () -> ()
    %scan3A_30 = arith.constant 0 : i32
    %scan3A_31 = arith.constant 0 : i32
    %scan3A_32 = arith.constant 39 : i32
    %scan3A_33 = arith.addi %scan3A_31, %scan3A_32 : i32
    %scan3A_34 = arith.constant 1 : i32
    scf.for %scan3A_41 = %scan3A_31 to %scan3A_33 step %scan3A_34  : i32 {
      %mul3A_42 = arith.constant 2 : i32
      %mul3A_43 = arith.muli %mul3A_42, %scan3A_41 : i32
      %mul3A_44 = arith.constant 128 : i32
      %mul3A_45 = arith.muli %mul3A_43, %mul3A_44 : i32
      %add3A_46 = arith.addi %mul3A_2, %mul3A_45 : i32
      %add3A_47 = arith.constant 128 : i32
      %add3A_48 = arith.addi %add3A_46, %add3A_47 : i32
      "tpu.region"() ({
        %run_scoped3A = tpu.sem_alloc : memref<!tpu.dma_semaphore, #tpu.memory_space<semaphore_mem>>
        %dma_start3A_63 = tpu.memref_slice %arg3[%add3A_48] : memref<323584xi32, #tpu.memory_space<hbm>> -> memref<128xi32, #tpu.memory_space<hbm>>
        %dma_start3A_64 = tpu.memref_slice %arg3[%add3A_48] : memref<323584xi32, #tpu.memory_space<hbm>> -> memref<128xi32, #tpu.memory_space<hbm>>
        tpu.enqueue_dma source(%dma_start3A_64 : memref<128xi32, #tpu.memory_space<hbm>>) target(%arg9 : memref<128xi32, #tpu.memory_space<vmem>>) target_semaphore(%run_scoped3A : memref<!tpu.dma_semaphore, #tpu.memory_space<semaphore_mem>>)
        %dma_wait3A_65 = tpu.memref_slice %arg3[%add3A_48] : memref<323584xi32, #tpu.memory_space<hbm>> -> memref<128xi32, #tpu.memory_space<hbm>>
        %dma_wait3A_66 = tpu.memref_slice %arg3[%add3A_48] : memref<323584xi32, #tpu.memory_space<hbm>> -> memref<128xi32, #tpu.memory_space<hbm>>
        tpu.wait_dma2 semaphore(%run_scoped3A : memref<!tpu.dma_semaphore, #tpu.memory_space<semaphore_mem>>) src(%dma_wait3A_66 : memref<128xi32, #tpu.memory_space<hbm>>) dst(%arg9 : memref<128xi32, #tpu.memory_space<vmem>>)
        tpu.yield
      }) : () -> ()
      %dma_start3A_49 = arith.constant 0 : i32
      %dma_start3A_50 = arith.constant 0 : i32
      %dma_start3A_51 = tpu.memref_slice %arg2[%dma_start3A_49, %dma_start3A_50] : memref<10240x128xf32, #tpu.memory_space<hbm>> -> memref<10240x128xf32, #tpu.memory_space<hbm>>
      tpu.enqueue_indirect_dma source(%dma_start3A_51 : memref<10240x128xf32, #tpu.memory_space<hbm>>) target(%arg11 : memref<128x128xf32, #tpu.memory_space<vmem>>) offsets(%arg9 : memref<128xi32, #tpu.memory_space<vmem>>) semaphore(%arg14 : memref<!tpu.dma_semaphore, #tpu.memory_space<semaphore_mem>>)
      "tpu.region"() ({
        %run_scoped3A = tpu.sem_alloc : memref<!tpu.dma_semaphore, #tpu.memory_space<semaphore_mem>>
        %dma_start3A_63 = tpu.memref_slice %arg4[%add3A_48] : memref<323584xi32, #tpu.memory_space<hbm>> -> memref<128xi32, #tpu.memory_space<hbm>>
        %dma_start3A_64 = tpu.memref_slice %arg4[%add3A_48] : memref<323584xi32, #tpu.memory_space<hbm>> -> memref<128xi32, #tpu.memory_space<hbm>>
        tpu.enqueue_dma source(%dma_start3A_64 : memref<128xi32, #tpu.memory_space<hbm>>) target(%arg10 : memref<128xi32, #tpu.memory_space<vmem>>) target_semaphore(%run_scoped3A : memref<!tpu.dma_semaphore, #tpu.memory_space<semaphore_mem>>)
        %dma_wait3A_65 = tpu.memref_slice %arg4[%add3A_48] : memref<323584xi32, #tpu.memory_space<hbm>> -> memref<128xi32, #tpu.memory_space<hbm>>
        %dma_wait3A_66 = tpu.memref_slice %arg4[%add3A_48] : memref<323584xi32, #tpu.memory_space<hbm>> -> memref<128xi32, #tpu.memory_space<hbm>>
        tpu.wait_dma2 semaphore(%run_scoped3A : memref<!tpu.dma_semaphore, #tpu.memory_space<semaphore_mem>>) src(%dma_wait3A_66 : memref<128xi32, #tpu.memory_space<hbm>>) dst(%arg10 : memref<128xi32, #tpu.memory_space<vmem>>)
        tpu.yield
      }) : () -> ()
      %dma_wait3A_52 = arith.constant 0 : i32
      %dma_wait3A_53 = arith.constant 0 : i32
      %dma_wait3A_54 = tpu.memref_slice %arg2[%dma_wait3A_52, %dma_wait3A_53] : memref<10240x128xf32, #tpu.memory_space<hbm>> -> memref<10240x128xf32, #tpu.memory_space<hbm>>
      tpu.wait_indirect_dma semaphore(%arg13 : memref<!tpu.dma_semaphore, #tpu.memory_space<semaphore_mem>>) src(%dma_wait3A_54 : memref<10240x128xf32, #tpu.memory_space<hbm>>) dst(%arg8 : memref<128x128xf32, #tpu.memory_space<vmem>>)
      "tpu.region"() ({
        %run_scoped3A = tpu.sem_alloc : memref<!tpu.dma_semaphore, #tpu.memory_space<semaphore_mem>>
        %dma_start3A_63 = arith.constant 0 : i32
        %dma_start3A_64 = arith.constant 0 : i32
        %dma_start3A_65 = tpu.memref_slice %arg12[%dma_start3A_63, %dma_start3A_64] : memref<10240x128xf32, #tpu.memory_space<vmem_shared>> -> memref<10240x128xf32, #tpu.memory_space<vmem_shared>>
        tpu.enqueue_indirect_dma source(%arg8 : memref<128x128xf32, #tpu.memory_space<vmem>>) target(%dma_start3A_65 : memref<10240x128xf32, #tpu.memory_space<vmem_shared>>) offsets(%arg7 : memref<128xi32, #tpu.memory_space<vmem>>) semaphore(%run_scoped3A : memref<!tpu.dma_semaphore, #tpu.memory_space<semaphore_mem>>) {add = true}
        %dma_wait3A_66 = arith.constant 0 : i32
        %dma_wait3A_67 = arith.constant 0 : i32
        %dma_wait3A_68 = tpu.memref_slice %arg12[%dma_wait3A_66, %dma_wait3A_67] : memref<10240x128xf32, #tpu.memory_space<vmem_shared>> -> memref<10240x128xf32, #tpu.memory_space<vmem_shared>>
        tpu.wait_indirect_dma semaphore(%run_scoped3A : memref<!tpu.dma_semaphore, #tpu.memory_space<semaphore_mem>>) src(%arg8 : memref<128x128xf32, #tpu.memory_space<vmem>>) dst(%dma_wait3A_68 : memref<10240x128xf32, #tpu.memory_space<vmem_shared>>)
        tpu.yield
      }) : () -> ()
      %add3A_55 = arith.constant 256 : i32
      %add3A_56 = arith.addi %add3A_46, %add3A_55 : i32
      "tpu.region"() ({
        %run_scoped3A = tpu.sem_alloc : memref<!tpu.dma_semaphore, #tpu.memory_space<semaphore_mem>>
        %dma_start3A_63 = tpu.memref_slice %arg3[%add3A_56] : memref<323584xi32, #tpu.memory_space<hbm>> -> memref<128xi32, #tpu.memory_space<hbm>>
        %dma_start3A_64 = tpu.memref_slice %arg3[%add3A_56] : memref<323584xi32, #tpu.memory_space<hbm>> -> memref<128xi32, #tpu.memory_space<hbm>>
        tpu.enqueue_dma source(%dma_start3A_64 : memref<128xi32, #tpu.memory_space<hbm>>) target(%arg6 : memref<128xi32, #tpu.memory_space<vmem>>) target_semaphore(%run_scoped3A : memref<!tpu.dma_semaphore, #tpu.memory_space<semaphore_mem>>)
        %dma_wait3A_65 = tpu.memref_slice %arg3[%add3A_56] : memref<323584xi32, #tpu.memory_space<hbm>> -> memref<128xi32, #tpu.memory_space<hbm>>
        %dma_wait3A_66 = tpu.memref_slice %arg3[%add3A_56] : memref<323584xi32, #tpu.memory_space<hbm>> -> memref<128xi32, #tpu.memory_space<hbm>>
        tpu.wait_dma2 semaphore(%run_scoped3A : memref<!tpu.dma_semaphore, #tpu.memory_space<semaphore_mem>>) src(%dma_wait3A_66 : memref<128xi32, #tpu.memory_space<hbm>>) dst(%arg6 : memref<128xi32, #tpu.memory_space<vmem>>)
        tpu.yield
      }) : () -> ()
      %dma_start3A_57 = arith.constant 0 : i32
      %dma_start3A_58 = arith.constant 0 : i32
      %dma_start3A_59 = tpu.memref_slice %arg2[%dma_start3A_57, %dma_start3A_58] : memref<10240x128xf32, #tpu.memory_space<hbm>> -> memref<10240x128xf32, #tpu.memory_space<hbm>>
      tpu.enqueue_indirect_dma source(%dma_start3A_59 : memref<10240x128xf32, #tpu.memory_space<hbm>>) target(%arg8 : memref<128x128xf32, #tpu.memory_space<vmem>>) offsets(%arg6 : memref<128xi32, #tpu.memory_space<vmem>>) semaphore(%arg13 : memref<!tpu.dma_semaphore, #tpu.memory_space<semaphore_mem>>)
      "tpu.region"() ({
        %run_scoped3A = tpu.sem_alloc : memref<!tpu.dma_semaphore, #tpu.memory_space<semaphore_mem>>
        %dma_start3A_63 = tpu.memref_slice %arg4[%add3A_56] : memref<323584xi32, #tpu.memory_space<hbm>> -> memref<128xi32, #tpu.memory_space<hbm>>
        %dma_start3A_64 = tpu.memref_slice %arg4[%add3A_56] : memref<323584xi32, #tpu.memory_space<hbm>> -> memref<128xi32, #tpu.memory_space<hbm>>
        tpu.enqueue_dma source(%dma_start3A_64 : memref<128xi32, #tpu.memory_space<hbm>>) target(%arg7 : memref<128xi32, #tpu.memory_space<vmem>>) target_semaphore(%run_scoped3A : memref<!tpu.dma_semaphore, #tpu.memory_space<semaphore_mem>>)
        %dma_wait3A_65 = tpu.memref_slice %arg4[%add3A_56] : memref<323584xi32, #tpu.memory_space<hbm>> -> memref<128xi32, #tpu.memory_space<hbm>>
        %dma_wait3A_66 = tpu.memref_slice %arg4[%add3A_56] : memref<323584xi32, #tpu.memory_space<hbm>> -> memref<128xi32, #tpu.memory_space<hbm>>
        tpu.wait_dma2 semaphore(%run_scoped3A : memref<!tpu.dma_semaphore, #tpu.memory_space<semaphore_mem>>) src(%dma_wait3A_66 : memref<128xi32, #tpu.memory_space<hbm>>) dst(%arg7 : memref<128xi32, #tpu.memory_space<vmem>>)
        tpu.yield
      }) : () -> ()
      %dma_wait3A_60 = arith.constant 0 : i32
      %dma_wait3A_61 = arith.constant 0 : i32
      %dma_wait3A_62 = tpu.memref_slice %arg2[%dma_wait3A_60, %dma_wait3A_61] : memref<10240x128xf32, #tpu.memory_space<hbm>> -> memref<10240x128xf32, #tpu.memory_space<hbm>>
      tpu.wait_indirect_dma semaphore(%arg14 : memref<!tpu.dma_semaphore, #tpu.memory_space<semaphore_mem>>) src(%dma_wait3A_62 : memref<10240x128xf32, #tpu.memory_space<hbm>>) dst(%arg11 : memref<128x128xf32, #tpu.memory_space<vmem>>)
      "tpu.region"() ({
        %run_scoped3A = tpu.sem_alloc : memref<!tpu.dma_semaphore, #tpu.memory_space<semaphore_mem>>
        %dma_start3A_63 = arith.constant 0 : i32
        %dma_start3A_64 = arith.constant 0 : i32
        %dma_start3A_65 = tpu.memref_slice %arg12[%dma_start3A_63, %dma_start3A_64] : memref<10240x128xf32, #tpu.memory_space<vmem_shared>> -> memref<10240x128xf32, #tpu.memory_space<vmem_shared>>
        tpu.enqueue_indirect_dma source(%arg11 : memref<128x128xf32, #tpu.memory_space<vmem>>) target(%dma_start3A_65 : memref<10240x128xf32, #tpu.memory_space<vmem_shared>>) offsets(%arg10 : memref<128xi32, #tpu.memory_space<vmem>>) semaphore(%run_scoped3A : memref<!tpu.dma_semaphore, #tpu.memory_space<semaphore_mem>>) {add = true}
        %dma_wait3A_66 = arith.constant 0 : i32
        %dma_wait3A_67 = arith.constant 0 : i32
        %dma_wait3A_68 = tpu.memref_slice %arg12[%dma_wait3A_66, %dma_wait3A_67] : memref<10240x128xf32, #tpu.memory_space<vmem_shared>> -> memref<10240x128xf32, #tpu.memory_space<vmem_shared>>
        tpu.wait_indirect_dma semaphore(%run_scoped3A : memref<!tpu.dma_semaphore, #tpu.memory_space<semaphore_mem>>) src(%arg11 : memref<128x128xf32, #tpu.memory_space<vmem>>) dst(%dma_wait3A_68 : memref<10240x128xf32, #tpu.memory_space<vmem_shared>>)
        tpu.yield
      }) : () -> ()
    }
    %scan3A_35 = arith.constant 39 : i32
    %dma_wait3A = arith.constant 0 : i32
    %dma_wait3A_36 = arith.constant 0 : i32
    %dma_wait3A_37 = tpu.memref_slice %arg2[%dma_wait3A, %dma_wait3A_36] : memref<10240x128xf32, #tpu.memory_space<hbm>> -> memref<10240x128xf32, #tpu.memory_space<hbm>>
    tpu.wait_indirect_dma semaphore(%arg13 : memref<!tpu.dma_semaphore, #tpu.memory_space<semaphore_mem>>) src(%dma_wait3A_37 : memref<10240x128xf32, #tpu.memory_space<hbm>>) dst(%arg8 : memref<128x128xf32, #tpu.memory_space<vmem>>)
    "tpu.region"() ({
      %run_scoped3A = tpu.sem_alloc : memref<!tpu.dma_semaphore, #tpu.memory_space<semaphore_mem>>
      %dma_start3A_41 = arith.constant 0 : i32
      %dma_start3A_42 = arith.constant 0 : i32
      %dma_start3A_43 = tpu.memref_slice %arg12[%dma_start3A_41, %dma_start3A_42] : memref<10240x128xf32, #tpu.memory_space<vmem_shared>> -> memref<10240x128xf32, #tpu.memory_space<vmem_shared>>
      tpu.enqueue_indirect_dma source(%arg8 : memref<128x128xf32, #tpu.memory_space<vmem>>) target(%dma_start3A_43 : memref<10240x128xf32, #tpu.memory_space<vmem_shared>>) offsets(%arg7 : memref<128xi32, #tpu.memory_space<vmem>>) semaphore(%run_scoped3A : memref<!tpu.dma_semaphore, #tpu.memory_space<semaphore_mem>>) {add = true}
      %dma_wait3A_44 = arith.constant 0 : i32
      %dma_wait3A_45 = arith.constant 0 : i32
      %dma_wait3A_46 = tpu.memref_slice %arg12[%dma_wait3A_44, %dma_wait3A_45] : memref<10240x128xf32, #tpu.memory_space<vmem_shared>> -> memref<10240x128xf32, #tpu.memory_space<vmem_shared>>
      tpu.wait_indirect_dma semaphore(%run_scoped3A : memref<!tpu.dma_semaphore, #tpu.memory_space<semaphore_mem>>) src(%arg8 : memref<128x128xf32, #tpu.memory_space<vmem>>) dst(%dma_wait3A_46 : memref<10240x128xf32, #tpu.memory_space<vmem_shared>>)
      tpu.yield
    }) : () -> ()
    %barrier3A_38 = arith.constant 0 : index
    tpu.barrier barrier_id(%barrier3A_38)
    %mul3A_39 = arith.constant 640 : i32
    %mul3A_40 = arith.muli %arg1, %mul3A_39 : i32
    "tpu.region"() ({
      %run_scoped3A = tpu.sem_alloc : memref<!tpu.dma_semaphore, #tpu.memory_space<semaphore_mem>>
      %dma_start3A_41 = arith.constant 0 : i32
      %dma_start3A_42 = tpu.memref_slice %arg5[%arg0, %mul3A_40, %dma_start3A_41] : memref<2x10240x128xf32, #tpu.memory_space<hbm>> -> memref<1x640x128xf32, #tpu.memory_space<hbm>>
      %dma_start3A_43 = tpu.memref_squeeze %dma_start3A_42 : memref<1x640x128xf32, #tpu.memory_space<hbm>> -> memref<640x128xf32, #tpu.memory_space<hbm>>
      %dma_start3A_44 = arith.constant 0 : i32
      %dma_start3A_45 = tpu.memref_slice %arg12[%mul3A_40, %dma_start3A_44] : memref<10240x128xf32, #tpu.memory_space<vmem_shared>> -> memref<640x128xf32, #tpu.memory_space<vmem_shared>>
      tpu.enqueue_dma source(%dma_start3A_45 : memref<640x128xf32, #tpu.memory_space<vmem_shared>>) target(%dma_start3A_43 : memref<640x128xf32, #tpu.memory_space<hbm>>) target_semaphore(%run_scoped3A : memref<!tpu.dma_semaphore, #tpu.memory_space<semaphore_mem>>)
      %dma_wait3A_46 = arith.constant 0 : i32
      %dma_wait3A_47 = tpu.memref_slice %arg5[%arg0, %mul3A_40, %dma_wait3A_46] : memref<2x10240x128xf32, #tpu.memory_space<hbm>> -> memref<1x640x128xf32, #tpu.memory_space<hbm>>
      %dma_wait3A_48 = tpu.memref_squeeze %dma_wait3A_47 : memref<1x640x128xf32, #tpu.memory_space<hbm>> -> memref<640x128xf32, #tpu.memory_space<hbm>>
      %dma_wait3A_49 = arith.constant 0 : i32
      %dma_wait3A_50 = tpu.memref_slice %arg12[%mul3A_40, %dma_wait3A_49] : memref<10240x128xf32, #tpu.memory_space<vmem_shared>> -> memref<640x128xf32, #tpu.memory_space<vmem_shared>>
      tpu.wait_dma2 semaphore(%run_scoped3A : memref<!tpu.dma_semaphore, #tpu.memory_space<semaphore_mem>>) src(%dma_wait3A_50 : memref<640x128xf32, #tpu.memory_space<vmem_shared>>) dst(%dma_wait3A_48 : memref<640x128xf32, #tpu.memory_space<hbm>>)
      tpu.yield
    }) : () -> ()
    return
  }
}

#map = affine_map<(d0, d1) -> (0, 0)>
#map1 = affine_map<(d0, d1) -> (0)>
#map2 = affine_map<(d0, d1) -> (0, 0, 0)>
module attributes {stable_mosaic.version = 14 : i64} {
  func.func @_prop(%arg0: i32, %arg1: i32, %arg2: memref<10240x128xf32, #tpu.memory_space<hbm>>, %arg3: memref<323584xi32, #tpu.memory_space<hbm>>, %arg4: memref<323584xi32, #tpu.memory_space<hbm>>, %arg5: memref<2x10240x128xf32, #tpu.memory_space<hbm>>, %arg6: memref<128xi32, #tpu.memory_space<vmem>>, %arg7: memref<128xi32, #tpu.memory_space<vmem>>, %arg8: memref<128x128xf32, #tpu.memory_space<vmem>>, %arg9: memref<128xi32, #tpu.memory_space<vmem>>, %arg10: memref<128xi32, #tpu.memory_space<vmem>>, %arg11: memref<128x128xf32, #tpu.memory_space<vmem>>, %arg12: memref<10240x128xf32, #tpu.memory_space<vmem_shared>>, %arg13: memref<!tpu.dma_semaphore, #tpu.memory_space<semaphore_mem>>, %arg14: memref<!tpu.dma_semaphore, #tpu.memory_space<semaphore_mem>>) attributes {dimension_semantics = [#tpu.dimension_semantics<core_parallel>, #tpu.dimension_semantics<subcore_parallel>], iteration_bounds = array<i64: 2, 16>, scalar_prefetch = 0 : i64, scratch_operands = 9 : i64, tpu.core_type = #tpu.core_type<sc_vector_subcore>, window_params = [{transform_indices = #map}, {transform_indices = #map1}, {transform_indices = #map1}, {transform_indices = #map2}]} {
    %mul3A = arith.constant 2 : i32
    %mul3A_0 = arith.muli %arg1, %mul3A : i32
    %add3A = arith.addi %mul3A_0, %arg0 : i32
    %mul3A_1 = arith.constant 10112 : i32
    %mul3A_2 = arith.muli %add3A, %mul3A_1 : i32
    %scan3A = arith.constant 0 : i32
    %scan3A_3 = arith.constant 0 : i32
    %scan3A_4 = arith.constant 128 : i32
    %scan3A_5 = arith.addi %scan3A_3, %scan3A_4 : i32
    %scan3A_6 = arith.constant 1 : i32
    scf.for %scan3A_41 = %scan3A_3 to %scan3A_5 step %scan3A_6  : i32 {
      %broadcast_in_dim3A = arith.constant 0.000000e+00 : f32
      %broadcast_in_dim3A_42 = vector.broadcast %broadcast_in_dim3A : f32 to vector<16xf32>
      %swap3A = arith.index_cast %scan3A_41 : i32 to index
      %swap3A_43 = arith.constant 0 : index
      %swap3A_44 = tpu.vector_load %arg8[%swap3A, %swap3A_43] {strides = array<i32>} : memref<128x128xf32, #tpu.memory_space<vmem>>, vector<1x16xf32>,
      %swap3A_45 = vector.shape_cast %swap3A_44 : vector<1x16xf32> to vector<16xf32>
      %swap3A_46 = vector.shape_cast %broadcast_in_dim3A_42 : vector<16xf32> to vector<1x16xf32>
      tpu.vector_store %arg8[%swap3A, %swap3A_43], %swap3A_46 {strides = array<i32>} : memref<128x128xf32, #tpu.memory_space<vmem>>, vector<1x16xf32>,
      %broadcast_in_dim3A_47 = arith.constant 0.000000e+00 : f32
      %broadcast_in_dim3A_48 = vector.broadcast %broadcast_in_dim3A_47 : f32 to vector<16xf32>
      %swap3A_49 = arith.index_cast %scan3A_41 : i32 to index
      %swap3A_50 = arith.constant 16 : index
      %swap3A_51 = tpu.vector_load %arg8[%swap3A_49, %swap3A_50] {strides = array<i32>} : memref<128x128xf32, #tpu.memory_space<vmem>>, vector<1x16xf32>,
      %swap3A_52 = vector.shape_cast %swap3A_51 : vector<1x16xf32> to vector<16xf32>
      %swap3A_53 = vector.shape_cast %broadcast_in_dim3A_48 : vector<16xf32> to vector<1x16xf32>
      tpu.vector_store %arg8[%swap3A_49, %swap3A_50], %swap3A_53 {strides = array<i32>} : memref<128x128xf32, #tpu.memory_space<vmem>>, vector<1x16xf32>,
      %broadcast_in_dim3A_54 = arith.constant 0.000000e+00 : f32
      %broadcast_in_dim3A_55 = vector.broadcast %broadcast_in_dim3A_54 : f32 to vector<16xf32>
      %swap3A_56 = arith.index_cast %scan3A_41 : i32 to index
      %swap3A_57 = arith.constant 32 : index
      %swap3A_58 = tpu.vector_load %arg8[%swap3A_56, %swap3A_57] {strides = array<i32>} : memref<128x128xf32, #tpu.memory_space<vmem>>, vector<1x16xf32>,
      %swap3A_59 = vector.shape_cast %swap3A_58 : vector<1x16xf32> to vector<16xf32>
      %swap3A_60 = vector.shape_cast %broadcast_in_dim3A_55 : vector<16xf32> to vector<1x16xf32>
      tpu.vector_store %arg8[%swap3A_56, %swap3A_57], %swap3A_60 {strides = array<i32>} : memref<128x128xf32, #tpu.memory_space<vmem>>, vector<1x16xf32>,
      %broadcast_in_dim3A_61 = arith.constant 0.000000e+00 : f32
      %broadcast_in_dim3A_62 = vector.broadcast %broadcast_in_dim3A_61 : f32 to vector<16xf32>
      %swap3A_63 = arith.index_cast %scan3A_41 : i32 to index
      %swap3A_64 = arith.constant 48 : index
      %swap3A_65 = tpu.vector_load %arg8[%swap3A_63, %swap3A_64] {strides = array<i32>} : memref<128x128xf32, #tpu.memory_space<vmem>>, vector<1x16xf32>,
      %swap3A_66 = vector.shape_cast %swap3A_65 : vector<1x16xf32> to vector<16xf32>
      %swap3A_67 = vector.shape_cast %broadcast_in_dim3A_62 : vector<16xf32> to vector<1x16xf32>
      tpu.vector_store %arg8[%swap3A_63, %swap3A_64], %swap3A_67 {strides = array<i32>} : memref<128x128xf32, #tpu.memory_space<vmem>>, vector<1x16xf32>,
      %broadcast_in_dim3A_68 = arith.constant 0.000000e+00 : f32
      %broadcast_in_dim3A_69 = vector.broadcast %broadcast_in_dim3A_68 : f32 to vector<16xf32>
      %swap3A_70 = arith.index_cast %scan3A_41 : i32 to index
      %swap3A_71 = arith.constant 64 : index
      %swap3A_72 = tpu.vector_load %arg8[%swap3A_70, %swap3A_71] {strides = array<i32>} : memref<128x128xf32, #tpu.memory_space<vmem>>, vector<1x16xf32>,
      %swap3A_73 = vector.shape_cast %swap3A_72 : vector<1x16xf32> to vector<16xf32>
      %swap3A_74 = vector.shape_cast %broadcast_in_dim3A_69 : vector<16xf32> to vector<1x16xf32>
      tpu.vector_store %arg8[%swap3A_70, %swap3A_71], %swap3A_74 {strides = array<i32>} : memref<128x128xf32, #tpu.memory_space<vmem>>, vector<1x16xf32>,
      %broadcast_in_dim3A_75 = arith.constant 0.000000e+00 : f32
      %broadcast_in_dim3A_76 = vector.broadcast %broadcast_in_dim3A_75 : f32 to vector<16xf32>
      %swap3A_77 = arith.index_cast %scan3A_41 : i32 to index
      %swap3A_78 = arith.constant 80 : index
      %swap3A_79 = tpu.vector_load %arg8[%swap3A_77, %swap3A_78] {strides = array<i32>} : memref<128x128xf32, #tpu.memory_space<vmem>>, vector<1x16xf32>,
      %swap3A_80 = vector.shape_cast %swap3A_79 : vector<1x16xf32> to vector<16xf32>
      %swap3A_81 = vector.shape_cast %broadcast_in_dim3A_76 : vector<16xf32> to vector<1x16xf32>
      tpu.vector_store %arg8[%swap3A_77, %swap3A_78], %swap3A_81 {strides = array<i32>} : memref<128x128xf32, #tpu.memory_space<vmem>>, vector<1x16xf32>,
      %broadcast_in_dim3A_82 = arith.constant 0.000000e+00 : f32
      %broadcast_in_dim3A_83 = vector.broadcast %broadcast_in_dim3A_82 : f32 to vector<16xf32>
      %swap3A_84 = arith.index_cast %scan3A_41 : i32 to index
      %swap3A_85 = arith.constant 96 : index
      %swap3A_86 = tpu.vector_load %arg8[%swap3A_84, %swap3A_85] {strides = array<i32>} : memref<128x128xf32, #tpu.memory_space<vmem>>, vector<1x16xf32>,
      %swap3A_87 = vector.shape_cast %swap3A_86 : vector<1x16xf32> to vector<16xf32>
      %swap3A_88 = vector.shape_cast %broadcast_in_dim3A_83 : vector<16xf32> to vector<1x16xf32>
      tpu.vector_store %arg8[%swap3A_84, %swap3A_85], %swap3A_88 {strides = array<i32>} : memref<128x128xf32, #tpu.memory_space<vmem>>, vector<1x16xf32>,
      %broadcast_in_dim3A_89 = arith.constant 0.000000e+00 : f32
      %broadcast_in_dim3A_90 = vector.broadcast %broadcast_in_dim3A_89 : f32 to vector<16xf32>
      %swap3A_91 = arith.index_cast %scan3A_41 : i32 to index
      %swap3A_92 = arith.constant 112 : index
      %swap3A_93 = tpu.vector_load %arg8[%swap3A_91, %swap3A_92] {strides = array<i32>} : memref<128x128xf32, #tpu.memory_space<vmem>>, vector<1x16xf32>,
      %swap3A_94 = vector.shape_cast %swap3A_93 : vector<1x16xf32> to vector<16xf32>
      %swap3A_95 = vector.shape_cast %broadcast_in_dim3A_90 : vector<16xf32> to vector<1x16xf32>
      tpu.vector_store %arg8[%swap3A_91, %swap3A_92], %swap3A_95 {strides = array<i32>} : memref<128x128xf32, #tpu.memory_space<vmem>>, vector<1x16xf32>,
    }
    %scan3A_7 = arith.constant 128 : i32
    %mul3A_8 = arith.constant 640 : i32
    %mul3A_9 = arith.muli %arg1, %mul3A_8 : i32
    %add3A_10 = arith.constant 0 : i32
    %add3A_11 = arith.addi %mul3A_9, %add3A_10 : i32
    "tpu.region"() ({
      %run_scoped3A = tpu.sem_alloc : memref<!tpu.dma_semaphore, #tpu.memory_space<semaphore_mem>>
      %dma_start3A_41 = arith.constant 0 : i32
      %dma_start3A_42 = tpu.memref_slice %arg12[%add3A_11, %dma_start3A_41] : memref<10240x128xf32, #tpu.memory_space<vmem_shared>> -> memref<128x128xf32, #tpu.memory_space<vmem_shared>>
      %dma_start3A_43 = arith.constant 0 : i32
      %dma_start3A_44 = tpu.memref_slice %arg12[%add3A_11, %dma_start3A_43] : memref<10240x128xf32, #tpu.memory_space<vmem_shared>> -> memref<128x128xf32, #tpu.memory_space<vmem_shared>>
      tpu.enqueue_dma source(%arg8 : memref<128x128xf32, #tpu.memory_space<vmem>>) target(%dma_start3A_44 : memref<128x128xf32, #tpu.memory_space<vmem_shared>>) target_semaphore(%run_scoped3A : memref<!tpu.dma_semaphore, #tpu.memory_space<semaphore_mem>>)
      %dma_wait3A_45 = arith.constant 0 : i32
      %dma_wait3A_46 = tpu.memref_slice %arg12[%add3A_11, %dma_wait3A_45] : memref<10240x128xf32, #tpu.memory_space<vmem_shared>> -> memref<128x128xf32, #tpu.memory_space<vmem_shared>>
      %dma_wait3A_47 = arith.constant 0 : i32
      %dma_wait3A_48 = tpu.memref_slice %arg12[%add3A_11, %dma_wait3A_47] : memref<10240x128xf32, #tpu.memory_space<vmem_shared>> -> memref<128x128xf32, #tpu.memory_space<vmem_shared>>
      tpu.wait_dma2 semaphore(%run_scoped3A : memref<!tpu.dma_semaphore, #tpu.memory_space<semaphore_mem>>) src(%arg8 : memref<128x128xf32, #tpu.memory_space<vmem>>) dst(%dma_wait3A_48 : memref<128x128xf32, #tpu.memory_space<vmem_shared>>)
      tpu.yield
    }) : () -> ()
    %mul3A_12 = arith.constant 640 : i32
    %mul3A_13 = arith.muli %arg1, %mul3A_12 : i32
    %add3A_14 = arith.constant 128 : i32
    %add3A_15 = arith.addi %mul3A_13, %add3A_14 : i32
    "tpu.region"() ({
      %run_scoped3A = tpu.sem_alloc : memref<!tpu.dma_semaphore, #tpu.memory_space<semaphore_mem>>
      %dma_start3A_41 = arith.constant 0 : i32
      %dma_start3A_42 = tpu.memref_slice %arg12[%add3A_15, %dma_start3A_41] : memref<10240x128xf32, #tpu.memory_space<vmem_shared>> -> memref<128x128xf32, #tpu.memory_space<vmem_shared>>
      %dma_start3A_43 = arith.constant 0 : i32
      %dma_start3A_44 = tpu.memref_slice %arg12[%add3A_15, %dma_start3A_43] : memref<10240x128xf32, #tpu.memory_space<vmem_shared>> -> memref<128x128xf32, #tpu.memory_space<vmem_shared>>
      tpu.enqueue_dma source(%arg8 : memref<128x128xf32, #tpu.memory_space<vmem>>) target(%dma_start3A_44 : memref<128x128xf32, #tpu.memory_space<vmem_shared>>) target_semaphore(%run_scoped3A : memref<!tpu.dma_semaphore, #tpu.memory_space<semaphore_mem>>)
      %dma_wait3A_45 = arith.constant 0 : i32
      %dma_wait3A_46 = tpu.memref_slice %arg12[%add3A_15, %dma_wait3A_45] : memref<10240x128xf32, #tpu.memory_space<vmem_shared>> -> memref<128x128xf32, #tpu.memory_space<vmem_shared>>
      %dma_wait3A_47 = arith.constant 0 : i32
      %dma_wait3A_48 = tpu.memref_slice %arg12[%add3A_15, %dma_wait3A_47] : memref<10240x128xf32, #tpu.memory_space<vmem_shared>> -> memref<128x128xf32, #tpu.memory_space<vmem_shared>>
      tpu.wait_dma2 semaphore(%run_scoped3A : memref<!tpu.dma_semaphore, #tpu.memory_space<semaphore_mem>>) src(%arg8 : memref<128x128xf32, #tpu.memory_space<vmem>>) dst(%dma_wait3A_48 : memref<128x128xf32, #tpu.memory_space<vmem_shared>>)
      tpu.yield
    }) : () -> ()
    %mul3A_16 = arith.constant 640 : i32
    %mul3A_17 = arith.muli %arg1, %mul3A_16 : i32
    %add3A_18 = arith.constant 256 : i32
    %add3A_19 = arith.addi %mul3A_17, %add3A_18 : i32
    "tpu.region"() ({
      %run_scoped3A = tpu.sem_alloc : memref<!tpu.dma_semaphore, #tpu.memory_space<semaphore_mem>>
      %dma_start3A_41 = arith.constant 0 : i32
      %dma_start3A_42 = tpu.memref_slice %arg12[%add3A_19, %dma_start3A_41] : memref<10240x128xf32, #tpu.memory_space<vmem_shared>> -> memref<128x128xf32, #tpu.memory_space<vmem_shared>>
      %dma_start3A_43 = arith.constant 0 : i32
      %dma_start3A_44 = tpu.memref_slice %arg12[%add3A_19, %dma_start3A_43] : memref<10240x128xf32, #tpu.memory_space<vmem_shared>> -> memref<128x128xf32, #tpu.memory_space<vmem_shared>>
      tpu.enqueue_dma source(%arg8 : memref<128x128xf32, #tpu.memory_space<vmem>>) target(%dma_start3A_44 : memref<128x128xf32, #tpu.memory_space<vmem_shared>>) target_semaphore(%run_scoped3A : memref<!tpu.dma_semaphore, #tpu.memory_space<semaphore_mem>>)
      %dma_wait3A_45 = arith.constant 0 : i32
      %dma_wait3A_46 = tpu.memref_slice %arg12[%add3A_19, %dma_wait3A_45] : memref<10240x128xf32, #tpu.memory_space<vmem_shared>> -> memref<128x128xf32, #tpu.memory_space<vmem_shared>>
      %dma_wait3A_47 = arith.constant 0 : i32
      %dma_wait3A_48 = tpu.memref_slice %arg12[%add3A_19, %dma_wait3A_47] : memref<10240x128xf32, #tpu.memory_space<vmem_shared>> -> memref<128x128xf32, #tpu.memory_space<vmem_shared>>
      tpu.wait_dma2 semaphore(%run_scoped3A : memref<!tpu.dma_semaphore, #tpu.memory_space<semaphore_mem>>) src(%arg8 : memref<128x128xf32, #tpu.memory_space<vmem>>) dst(%dma_wait3A_48 : memref<128x128xf32, #tpu.memory_space<vmem_shared>>)
      tpu.yield
    }) : () -> ()
    %mul3A_20 = arith.constant 640 : i32
    %mul3A_21 = arith.muli %arg1, %mul3A_20 : i32
    %add3A_22 = arith.constant 384 : i32
    %add3A_23 = arith.addi %mul3A_21, %add3A_22 : i32
    "tpu.region"() ({
      %run_scoped3A = tpu.sem_alloc : memref<!tpu.dma_semaphore, #tpu.memory_space<semaphore_mem>>
      %dma_start3A_41 = arith.constant 0 : i32
      %dma_start3A_42 = tpu.memref_slice %arg12[%add3A_23, %dma_start3A_41] : memref<10240x128xf32, #tpu.memory_space<vmem_shared>> -> memref<128x128xf32, #tpu.memory_space<vmem_shared>>
      %dma_start3A_43 = arith.constant 0 : i32
      %dma_start3A_44 = tpu.memref_slice %arg12[%add3A_23, %dma_start3A_43] : memref<10240x128xf32, #tpu.memory_space<vmem_shared>> -> memref<128x128xf32, #tpu.memory_space<vmem_shared>>
      tpu.enqueue_dma source(%arg8 : memref<128x128xf32, #tpu.memory_space<vmem>>) target(%dma_start3A_44 : memref<128x128xf32, #tpu.memory_space<vmem_shared>>) target_semaphore(%run_scoped3A : memref<!tpu.dma_semaphore, #tpu.memory_space<semaphore_mem>>)
      %dma_wait3A_45 = arith.constant 0 : i32
      %dma_wait3A_46 = tpu.memref_slice %arg12[%add3A_23, %dma_wait3A_45] : memref<10240x128xf32, #tpu.memory_space<vmem_shared>> -> memref<128x128xf32, #tpu.memory_space<vmem_shared>>
      %dma_wait3A_47 = arith.constant 0 : i32
      %dma_wait3A_48 = tpu.memref_slice %arg12[%add3A_23, %dma_wait3A_47] : memref<10240x128xf32, #tpu.memory_space<vmem_shared>> -> memref<128x128xf32, #tpu.memory_space<vmem_shared>>
      tpu.wait_dma2 semaphore(%run_scoped3A : memref<!tpu.dma_semaphore, #tpu.memory_space<semaphore_mem>>) src(%arg8 : memref<128x128xf32, #tpu.memory_space<vmem>>) dst(%dma_wait3A_48 : memref<128x128xf32, #tpu.memory_space<vmem_shared>>)
      tpu.yield
    }) : () -> ()
    %mul3A_24 = arith.constant 640 : i32
    %mul3A_25 = arith.muli %arg1, %mul3A_24 : i32
    %add3A_26 = arith.constant 512 : i32
    %add3A_27 = arith.addi %mul3A_25, %add3A_26 : i32
    "tpu.region"() ({
      %run_scoped3A = tpu.sem_alloc : memref<!tpu.dma_semaphore, #tpu.memory_space<semaphore_mem>>
      %dma_start3A_41 = arith.constant 0 : i32
      %dma_start3A_42 = tpu.memref_slice %arg12[%add3A_27, %dma_start3A_41] : memref<10240x128xf32, #tpu.memory_space<vmem_shared>> -> memref<128x128xf32, #tpu.memory_space<vmem_shared>>
      %dma_start3A_43 = arith.constant 0 : i32
      %dma_start3A_44 = tpu.memref_slice %arg12[%add3A_27, %dma_start3A_43] : memref<10240x128xf32, #tpu.memory_space<vmem_shared>> -> memref<128x128xf32, #tpu.memory_space<vmem_shared>>
      tpu.enqueue_dma source(%arg8 : memref<128x128xf32, #tpu.memory_space<vmem>>) target(%dma_start3A_44 : memref<128x128xf32, #tpu.memory_space<vmem_shared>>) target_semaphore(%run_scoped3A : memref<!tpu.dma_semaphore, #tpu.memory_space<semaphore_mem>>)
      %dma_wait3A_45 = arith.constant 0 : i32
      %dma_wait3A_46 = tpu.memref_slice %arg12[%add3A_27, %dma_wait3A_45] : memref<10240x128xf32, #tpu.memory_space<vmem_shared>> -> memref<128x128xf32, #tpu.memory_space<vmem_shared>>
      %dma_wait3A_47 = arith.constant 0 : i32
      %dma_wait3A_48 = tpu.memref_slice %arg12[%add3A_27, %dma_wait3A_47] : memref<10240x128xf32, #tpu.memory_space<vmem_shared>> -> memref<128x128xf32, #tpu.memory_space<vmem_shared>>
      tpu.wait_dma2 semaphore(%run_scoped3A : memref<!tpu.dma_semaphore, #tpu.memory_space<semaphore_mem>>) src(%arg8 : memref<128x128xf32, #tpu.memory_space<vmem>>) dst(%dma_wait3A_48 : memref<128x128xf32, #tpu.memory_space<vmem_shared>>)
      tpu.yield
    }) : () -> ()
    %barrier3A = arith.constant 0 : index
    tpu.barrier barrier_id(%barrier3A)
    "tpu.region"() ({
      %run_scoped3A = tpu.sem_alloc : memref<!tpu.dma_semaphore, #tpu.memory_space<semaphore_mem>>
      %dma_start3A_41 = tpu.memref_slice %arg3[%mul3A_2] : memref<323584xi32, #tpu.memory_space<hbm>> -> memref<128xi32, #tpu.memory_space<hbm>>
      %dma_start3A_42 = tpu.memref_slice %arg3[%mul3A_2] : memref<323584xi32, #tpu.memory_space<hbm>> -> memref<128xi32, #tpu.memory_space<hbm>>
      tpu.enqueue_dma source(%dma_start3A_42 : memref<128xi32, #tpu.memory_space<hbm>>) target(%arg6 : memref<128xi32, #tpu.memory_space<vmem>>) target_semaphore(%run_scoped3A : memref<!tpu.dma_semaphore, #tpu.memory_space<semaphore_mem>>)
      %dma_wait3A_43 = tpu.memref_slice %arg3[%mul3A_2] : memref<323584xi32, #tpu.memory_space<hbm>> -> memref<128xi32, #tpu.memory_space<hbm>>
      %dma_wait3A_44 = tpu.memref_slice %arg3[%mul3A_2] : memref<323584xi32, #tpu.memory_space<hbm>> -> memref<128xi32, #tpu.memory_space<hbm>>
      tpu.wait_dma2 semaphore(%run_scoped3A : memref<!tpu.dma_semaphore, #tpu.memory_space<semaphore_mem>>) src(%dma_wait3A_44 : memref<128xi32, #tpu.memory_space<hbm>>) dst(%arg6 : memref<128xi32, #tpu.memory_space<vmem>>)
      tpu.yield
    }) : () -> ()
    %dma_start3A = arith.constant 0 : i32
    %dma_start3A_28 = arith.constant 0 : i32
    %dma_start3A_29 = tpu.memref_slice %arg2[%dma_start3A, %dma_start3A_28] : memref<10240x128xf32, #tpu.memory_space<hbm>> -> memref<10240x128xf32, #tpu.memory_space<hbm>>
    tpu.enqueue_indirect_dma source(%dma_start3A_29 : memref<10240x128xf32, #tpu.memory_space<hbm>>) target(%arg8 : memref<128x128xf32, #tpu.memory_space<vmem>>) offsets(%arg6 : memref<128xi32, #tpu.memory_space<vmem>>) semaphore(%arg13 : memref<!tpu.dma_semaphore, #tpu.memory_space<semaphore_mem>>)
    "tpu.region"() ({
      %run_scoped3A = tpu.sem_alloc : memref<!tpu.dma_semaphore, #tpu.memory_space<semaphore_mem>>
      %dma_start3A_41 = tpu.memref_slice %arg4[%mul3A_2] : memref<323584xi32, #tpu.memory_space<hbm>> -> memref<128xi32, #tpu.memory_space<hbm>>
      %dma_start3A_42 = tpu.memref_slice %arg4[%mul3A_2] : memref<323584xi32, #tpu.memory_space<hbm>> -> memref<128xi32, #tpu.memory_space<hbm>>
      tpu.enqueue_dma source(%dma_start3A_42 : memref<128xi32, #tpu.memory_space<hbm>>) target(%arg7 : memref<128xi32, #tpu.memory_space<vmem>>) target_semaphore(%run_scoped3A : memref<!tpu.dma_semaphore, #tpu.memory_space<semaphore_mem>>)
      %dma_wait3A_43 = tpu.memref_slice %arg4[%mul3A_2] : memref<323584xi32, #tpu.memory_space<hbm>> -> memref<128xi32, #tpu.memory_space<hbm>>
      %dma_wait3A_44 = tpu.memref_slice %arg4[%mul3A_2] : memref<323584xi32, #tpu.memory_space<hbm>> -> memref<128xi32, #tpu.memory_space<hbm>>
      tpu.wait_dma2 semaphore(%run_scoped3A : memref<!tpu.dma_semaphore, #tpu.memory_space<semaphore_mem>>) src(%dma_wait3A_44 : memref<128xi32, #tpu.memory_space<hbm>>) dst(%arg7 : memref<128xi32, #tpu.memory_space<vmem>>)
      tpu.yield
    }) : () -> ()
    %scan3A_30 = arith.constant 0 : i32
    %scan3A_31 = arith.constant 0 : i32
    %scan3A_32 = arith.constant 39 : i32
    %scan3A_33 = arith.addi %scan3A_31, %scan3A_32 : i32
    %scan3A_34 = arith.constant 1 : i32
    scf.for %scan3A_41 = %scan3A_31 to %scan3A_33 step %scan3A_34  : i32 {
      %mul3A_42 = arith.constant 2 : i32
      %mul3A_43 = arith.muli %mul3A_42, %scan3A_41 : i32
      %mul3A_44 = arith.constant 128 : i32
      %mul3A_45 = arith.muli %mul3A_43, %mul3A_44 : i32
      %add3A_46 = arith.addi %mul3A_2, %mul3A_45 : i32
      %add3A_47 = arith.constant 128 : i32
      %add3A_48 = arith.addi %add3A_46, %add3A_47 : i32
      "tpu.region"() ({
        %run_scoped3A = tpu.sem_alloc : memref<!tpu.dma_semaphore, #tpu.memory_space<semaphore_mem>>
        %dma_start3A_63 = tpu.memref_slice %arg3[%add3A_48] : memref<323584xi32, #tpu.memory_space<hbm>> -> memref<128xi32, #tpu.memory_space<hbm>>
        %dma_start3A_64 = tpu.memref_slice %arg3[%add3A_48] : memref<323584xi32, #tpu.memory_space<hbm>> -> memref<128xi32, #tpu.memory_space<hbm>>
        tpu.enqueue_dma source(%dma_start3A_64 : memref<128xi32, #tpu.memory_space<hbm>>) target(%arg9 : memref<128xi32, #tpu.memory_space<vmem>>) target_semaphore(%run_scoped3A : memref<!tpu.dma_semaphore, #tpu.memory_space<semaphore_mem>>)
        %dma_wait3A_65 = tpu.memref_slice %arg3[%add3A_48] : memref<323584xi32, #tpu.memory_space<hbm>> -> memref<128xi32, #tpu.memory_space<hbm>>
        %dma_wait3A_66 = tpu.memref_slice %arg3[%add3A_48] : memref<323584xi32, #tpu.memory_space<hbm>> -> memref<128xi32, #tpu.memory_space<hbm>>
        tpu.wait_dma2 semaphore(%run_scoped3A : memref<!tpu.dma_semaphore, #tpu.memory_space<semaphore_mem>>) src(%dma_wait3A_66 : memref<128xi32, #tpu.memory_space<hbm>>) dst(%arg9 : memref<128xi32, #tpu.memory_space<vmem>>)
        tpu.yield
      }) : () -> ()
      %dma_start3A_49 = arith.constant 0 : i32
      %dma_start3A_50 = arith.constant 0 : i32
      %dma_start3A_51 = tpu.memref_slice %arg2[%dma_start3A_49, %dma_start3A_50] : memref<10240x128xf32, #tpu.memory_space<hbm>> -> memref<10240x128xf32, #tpu.memory_space<hbm>>
      tpu.enqueue_indirect_dma source(%dma_start3A_51 : memref<10240x128xf32, #tpu.memory_space<hbm>>) target(%arg11 : memref<128x128xf32, #tpu.memory_space<vmem>>) offsets(%arg9 : memref<128xi32, #tpu.memory_space<vmem>>) semaphore(%arg14 : memref<!tpu.dma_semaphore, #tpu.memory_space<semaphore_mem>>)
      "tpu.region"() ({
        %run_scoped3A = tpu.sem_alloc : memref<!tpu.dma_semaphore, #tpu.memory_space<semaphore_mem>>
        %dma_start3A_63 = tpu.memref_slice %arg4[%add3A_48] : memref<323584xi32, #tpu.memory_space<hbm>> -> memref<128xi32, #tpu.memory_space<hbm>>
        %dma_start3A_64 = tpu.memref_slice %arg4[%add3A_48] : memref<323584xi32, #tpu.memory_space<hbm>> -> memref<128xi32, #tpu.memory_space<hbm>>
        tpu.enqueue_dma source(%dma_start3A_64 : memref<128xi32, #tpu.memory_space<hbm>>) target(%arg10 : memref<128xi32, #tpu.memory_space<vmem>>) target_semaphore(%run_scoped3A : memref<!tpu.dma_semaphore, #tpu.memory_space<semaphore_mem>>)
        %dma_wait3A_65 = tpu.memref_slice %arg4[%add3A_48] : memref<323584xi32, #tpu.memory_space<hbm>> -> memref<128xi32, #tpu.memory_space<hbm>>
        %dma_wait3A_66 = tpu.memref_slice %arg4[%add3A_48] : memref<323584xi32, #tpu.memory_space<hbm>> -> memref<128xi32, #tpu.memory_space<hbm>>
        tpu.wait_dma2 semaphore(%run_scoped3A : memref<!tpu.dma_semaphore, #tpu.memory_space<semaphore_mem>>) src(%dma_wait3A_66 : memref<128xi32, #tpu.memory_space<hbm>>) dst(%arg10 : memref<128xi32, #tpu.memory_space<vmem>>)
        tpu.yield
      }) : () -> ()
      %dma_wait3A_52 = arith.constant 0 : i32
      %dma_wait3A_53 = arith.constant 0 : i32
      %dma_wait3A_54 = tpu.memref_slice %arg2[%dma_wait3A_52, %dma_wait3A_53] : memref<10240x128xf32, #tpu.memory_space<hbm>> -> memref<10240x128xf32, #tpu.memory_space<hbm>>
      tpu.wait_indirect_dma semaphore(%arg13 : memref<!tpu.dma_semaphore, #tpu.memory_space<semaphore_mem>>) src(%dma_wait3A_54 : memref<10240x128xf32, #tpu.memory_space<hbm>>) dst(%arg8 : memref<128x128xf32, #tpu.memory_space<vmem>>)
      "tpu.region"() ({
        %run_scoped3A = tpu.sem_alloc : memref<!tpu.dma_semaphore, #tpu.memory_space<semaphore_mem>>
        %dma_start3A_63 = arith.constant 0 : i32
        %dma_start3A_64 = arith.constant 0 : i32
        %dma_start3A_65 = tpu.memref_slice %arg12[%dma_start3A_63, %dma_start3A_64] : memref<10240x128xf32, #tpu.memory_space<vmem_shared>> -> memref<10240x128xf32, #tpu.memory_space<vmem_shared>>
        tpu.enqueue_indirect_dma source(%arg8 : memref<128x128xf32, #tpu.memory_space<vmem>>) target(%dma_start3A_65 : memref<10240x128xf32, #tpu.memory_space<vmem_shared>>) offsets(%arg7 : memref<128xi32, #tpu.memory_space<vmem>>) semaphore(%run_scoped3A : memref<!tpu.dma_semaphore, #tpu.memory_space<semaphore_mem>>) {add = true}
        %dma_wait3A_66 = arith.constant 0 : i32
        %dma_wait3A_67 = arith.constant 0 : i32
        %dma_wait3A_68 = tpu.memref_slice %arg12[%dma_wait3A_66, %dma_wait3A_67] : memref<10240x128xf32, #tpu.memory_space<vmem_shared>> -> memref<10240x128xf32, #tpu.memory_space<vmem_shared>>
        tpu.wait_indirect_dma semaphore(%run_scoped3A : memref<!tpu.dma_semaphore, #tpu.memory_space<semaphore_mem>>) src(%arg8 : memref<128x128xf32, #tpu.memory_space<vmem>>) dst(%dma_wait3A_68 : memref<10240x128xf32, #tpu.memory_space<vmem_shared>>)
        tpu.yield
      }) : () -> ()
      %add3A_55 = arith.constant 256 : i32
      %add3A_56 = arith.addi %add3A_46, %add3A_55 : i32
      "tpu.region"() ({
        %run_scoped3A = tpu.sem_alloc : memref<!tpu.dma_semaphore, #tpu.memory_space<semaphore_mem>>
        %dma_start3A_63 = tpu.memref_slice %arg3[%add3A_56] : memref<323584xi32, #tpu.memory_space<hbm>> -> memref<128xi32, #tpu.memory_space<hbm>>
        %dma_start3A_64 = tpu.memref_slice %arg3[%add3A_56] : memref<323584xi32, #tpu.memory_space<hbm>> -> memref<128xi32, #tpu.memory_space<hbm>>
        tpu.enqueue_dma source(%dma_start3A_64 : memref<128xi32, #tpu.memory_space<hbm>>) target(%arg6 : memref<128xi32, #tpu.memory_space<vmem>>) target_semaphore(%run_scoped3A : memref<!tpu.dma_semaphore, #tpu.memory_space<semaphore_mem>>)
        %dma_wait3A_65 = tpu.memref_slice %arg3[%add3A_56] : memref<323584xi32, #tpu.memory_space<hbm>> -> memref<128xi32, #tpu.memory_space<hbm>>
        %dma_wait3A_66 = tpu.memref_slice %arg3[%add3A_56] : memref<323584xi32, #tpu.memory_space<hbm>> -> memref<128xi32, #tpu.memory_space<hbm>>
        tpu.wait_dma2 semaphore(%run_scoped3A : memref<!tpu.dma_semaphore, #tpu.memory_space<semaphore_mem>>) src(%dma_wait3A_66 : memref<128xi32, #tpu.memory_space<hbm>>) dst(%arg6 : memref<128xi32, #tpu.memory_space<vmem>>)
        tpu.yield
      }) : () -> ()
      %dma_start3A_57 = arith.constant 0 : i32
      %dma_start3A_58 = arith.constant 0 : i32
      %dma_start3A_59 = tpu.memref_slice %arg2[%dma_start3A_57, %dma_start3A_58] : memref<10240x128xf32, #tpu.memory_space<hbm>> -> memref<10240x128xf32, #tpu.memory_space<hbm>>
      tpu.enqueue_indirect_dma source(%dma_start3A_59 : memref<10240x128xf32, #tpu.memory_space<hbm>>) target(%arg8 : memref<128x128xf32, #tpu.memory_space<vmem>>) offsets(%arg6 : memref<128xi32, #tpu.memory_space<vmem>>) semaphore(%arg13 : memref<!tpu.dma_semaphore, #tpu.memory_space<semaphore_mem>>)
      "tpu.region"() ({
        %run_scoped3A = tpu.sem_alloc : memref<!tpu.dma_semaphore, #tpu.memory_space<semaphore_mem>>
        %dma_start3A_63 = tpu.memref_slice %arg4[%add3A_56] : memref<323584xi32, #tpu.memory_space<hbm>> -> memref<128xi32, #tpu.memory_space<hbm>>
        %dma_start3A_64 = tpu.memref_slice %arg4[%add3A_56] : memref<323584xi32, #tpu.memory_space<hbm>> -> memref<128xi32, #tpu.memory_space<hbm>>
        tpu.enqueue_dma source(%dma_start3A_64 : memref<128xi32, #tpu.memory_space<hbm>>) target(%arg7 : memref<128xi32, #tpu.memory_space<vmem>>) target_semaphore(%run_scoped3A : memref<!tpu.dma_semaphore, #tpu.memory_space<semaphore_mem>>)
        %dma_wait3A_65 = tpu.memref_slice %arg4[%add3A_56] : memref<323584xi32, #tpu.memory_space<hbm>> -> memref<128xi32, #tpu.memory_space<hbm>>
        %dma_wait3A_66 = tpu.memref_slice %arg4[%add3A_56] : memref<323584xi32, #tpu.memory_space<hbm>> -> memref<128xi32, #tpu.memory_space<hbm>>
        tpu.wait_dma2 semaphore(%run_scoped3A : memref<!tpu.dma_semaphore, #tpu.memory_space<semaphore_mem>>) src(%dma_wait3A_66 : memref<128xi32, #tpu.memory_space<hbm>>) dst(%arg7 : memref<128xi32, #tpu.memory_space<vmem>>)
        tpu.yield
      }) : () -> ()
      %dma_wait3A_60 = arith.constant 0 : i32
      %dma_wait3A_61 = arith.constant 0 : i32
      %dma_wait3A_62 = tpu.memref_slice %arg2[%dma_wait3A_60, %dma_wait3A_61] : memref<10240x128xf32, #tpu.memory_space<hbm>> -> memref<10240x128xf32, #tpu.memory_space<hbm>>
      tpu.wait_indirect_dma semaphore(%arg14 : memref<!tpu.dma_semaphore, #tpu.memory_space<semaphore_mem>>) src(%dma_wait3A_62 : memref<10240x128xf32, #tpu.memory_space<hbm>>) dst(%arg11 : memref<128x128xf32, #tpu.memory_space<vmem>>)
      "tpu.region"() ({
        %run_scoped3A = tpu.sem_alloc : memref<!tpu.dma_semaphore, #tpu.memory_space<semaphore_mem>>
        %dma_start3A_63 = arith.constant 0 : i32
        %dma_start3A_64 = arith.constant 0 : i32
        %dma_start3A_65 = tpu.memref_slice %arg12[%dma_start3A_63, %dma_start3A_64] : memref<10240x128xf32, #tpu.memory_space<vmem_shared>> -> memref<10240x128xf32, #tpu.memory_space<vmem_shared>>
        tpu.enqueue_indirect_dma source(%arg11 : memref<128x128xf32, #tpu.memory_space<vmem>>) target(%dma_start3A_65 : memref<10240x128xf32, #tpu.memory_space<vmem_shared>>) offsets(%arg10 : memref<128xi32, #tpu.memory_space<vmem>>) semaphore(%run_scoped3A : memref<!tpu.dma_semaphore, #tpu.memory_space<semaphore_mem>>) {add = true}
        %dma_wait3A_66 = arith.constant 0 : i32
        %dma_wait3A_67 = arith.constant 0 : i32
        %dma_wait3A_68 = tpu.memref_slice %arg12[%dma_wait3A_66, %dma_wait3A_67] : memref<10240x128xf32, #tpu.memory_space<vmem_shared>> -> memref<10240x128xf32, #tpu.memory_space<vmem_shared>>
        tpu.wait_indirect_dma semaphore(%run_scoped3A : memref<!tpu.dma_semaphore, #tpu.memory_space<semaphore_mem>>) src(%arg11 : memref<128x128xf32, #tpu.memory_space<vmem>>) dst(%dma_wait3A_68 : memref<10240x128xf32, #tpu.memory_space<vmem_shared>>)
        tpu.yield
      }) : () -> ()
    }
    %scan3A_35 = arith.constant 39 : i32
    %dma_wait3A = arith.constant 0 : i32
    %dma_wait3A_36 = arith.constant 0 : i32
    %dma_wait3A_37 = tpu.memref_slice %arg2[%dma_wait3A, %dma_wait3A_36] : memref<10240x128xf32, #tpu.memory_space<hbm>> -> memref<10240x128xf32, #tpu.memory_space<hbm>>
    tpu.wait_indirect_dma semaphore(%arg13 : memref<!tpu.dma_semaphore, #tpu.memory_space<semaphore_mem>>) src(%dma_wait3A_37 : memref<10240x128xf32, #tpu.memory_space<hbm>>) dst(%arg8 : memref<128x128xf32, #tpu.memory_space<vmem>>)
    "tpu.region"() ({
      %run_scoped3A = tpu.sem_alloc : memref<!tpu.dma_semaphore, #tpu.memory_space<semaphore_mem>>
      %dma_start3A_41 = arith.constant 0 : i32
      %dma_start3A_42 = arith.constant 0 : i32
      %dma_start3A_43 = tpu.memref_slice %arg12[%dma_start3A_41, %dma_start3A_42] : memref<10240x128xf32, #tpu.memory_space<vmem_shared>> -> memref<10240x128xf32, #tpu.memory_space<vmem_shared>>
      tpu.enqueue_indirect_dma source(%arg8 : memref<128x128xf32, #tpu.memory_space<vmem>>) target(%dma_start3A_43 : memref<10240x128xf32, #tpu.memory_space<vmem_shared>>) offsets(%arg7 : memref<128xi32, #tpu.memory_space<vmem>>) semaphore(%run_scoped3A : memref<!tpu.dma_semaphore, #tpu.memory_space<semaphore_mem>>) {add = true}
      %dma_wait3A_44 = arith.constant 0 : i32
      %dma_wait3A_45 = arith.constant 0 : i32
      %dma_wait3A_46 = tpu.memref_slice %arg12[%dma_wait3A_44, %dma_wait3A_45] : memref<10240x128xf32, #tpu.memory_space<vmem_shared>> -> memref<10240x128xf32, #tpu.memory_space<vmem_shared>>
      tpu.wait_indirect_dma semaphore(%run_scoped3A : memref<!tpu.dma_semaphore, #tpu.memory_space<semaphore_mem>>) src(%arg8 : memref<128x128xf32, #tpu.memory_space<vmem>>) dst(%dma_wait3A_46 : memref<10240x128xf32, #tpu.memory_space<vmem_shared>>)
      tpu.yield
    }) : () -> ()
    %barrier3A_38 = arith.constant 0 : index
    tpu.barrier barrier_id(%barrier3A_38)
    %mul3A_39 = arith.constant 640 : i32
    %mul3A_40 = arith.muli %arg1, %mul3A_39 : i32
    "tpu.region"() ({
      %run_scoped3A = tpu.sem_alloc : memref<!tpu.dma_semaphore, #tpu.memory_space<semaphore_mem>>
      %dma_start3A_41 = arith.constant 0 : i32
      %dma_start3A_42 = tpu.memref_slice %arg5[%arg0, %mul3A_40, %dma_start3A_41] : memref<2x10240x128xf32, #tpu.memory_space<hbm>> -> memref<1x640x128xf32, #tpu.memory_space<hbm>>
      %dma_start3A_43 = tpu.memref_squeeze %dma_start3A_42 : memref<1x640x128xf32, #tpu.memory_space<hbm>> -> memref<640x128xf32, #tpu.memory_space<hbm>>
      %dma_start3A_44 = arith.constant 0 : i32
      %dma_start3A_45 = tpu.memref_slice %arg12[%mul3A_40, %dma_start3A_44] : memref<10240x128xf32, #tpu.memory_space<vmem_shared>> -> memref<640x128xf32, #tpu.memory_space<vmem_shared>>
      tpu.enqueue_dma source(%dma_start3A_45 : memref<640x128xf32, #tpu.memory_space<vmem_shared>>) target(%dma_start3A_43 : memref<640x128xf32, #tpu.memory_space<hbm>>) target_semaphore(%run_scoped3A : memref<!tpu.dma_semaphore, #tpu.memory_space<semaphore_mem>>)
      %dma_wait3A_46 = arith.constant 0 : i32
      %dma_wait3A_47 = tpu.memref_slice %arg5[%arg0, %mul3A_40, %dma_wait3A_46] : memref<2x10240x128xf32, #tpu.memory_space<hbm>> -> memref<1x640x128xf32, #tpu.memory_space<hbm>>
      %dma_wait3A_48 = tpu.memref_squeeze %dma_wait3A_47 : memref<1x640x128xf32, #tpu.memory_space<hbm>> -> memref<640x128xf32, #tpu.memory_space<hbm>>
      %dma_wait3A_49 = arith.constant 0 : i32
      %dma_wait3A_50 = tpu.memref_slice %arg12[%mul3A_40, %dma_wait3A_49] : memref<10240x128xf32, #tpu.memory_space<vmem_shared>> -> memref<640x128xf32, #tpu.memory_space<vmem_shared>>
      tpu.wait_dma2 semaphore(%run_scoped3A : memref<!tpu.dma_semaphore, #tpu.memory_space<semaphore_mem>>) src(%dma_wait3A_50 : memref<640x128xf32, #tpu.memory_space<vmem_shared>>) dst(%dma_wait3A_48 : memref<640x128xf32, #tpu.memory_space<hbm>>)
      tpu.yield
    }) : () -> ()
    return
  }
}

#map = affine_map<(d0, d1) -> (0, 0)>
#map1 = affine_map<(d0, d1) -> (0)>
#map2 = affine_map<(d0, d1) -> (0, 0, 0)>
module attributes {stable_mosaic.version = 14 : i64} {
  func.func @_prop(%arg0: i32, %arg1: i32, %arg2: memref<10240x128xf32, #tpu.memory_space<hbm>>, %arg3: memref<323584xi32, #tpu.memory_space<hbm>>, %arg4: memref<323584xi32, #tpu.memory_space<hbm>>, %arg5: memref<2x10240x128xf32, #tpu.memory_space<hbm>>, %arg6: memref<128xi32, #tpu.memory_space<vmem>>, %arg7: memref<128xi32, #tpu.memory_space<vmem>>, %arg8: memref<128x128xf32, #tpu.memory_space<vmem>>, %arg9: memref<128xi32, #tpu.memory_space<vmem>>, %arg10: memref<128xi32, #tpu.memory_space<vmem>>, %arg11: memref<128x128xf32, #tpu.memory_space<vmem>>, %arg12: memref<10240x128xf32, #tpu.memory_space<vmem_shared>>, %arg13: memref<!tpu.dma_semaphore, #tpu.memory_space<semaphore_mem>>, %arg14: memref<!tpu.dma_semaphore, #tpu.memory_space<semaphore_mem>>) attributes {dimension_semantics = [#tpu.dimension_semantics<core_parallel>, #tpu.dimension_semantics<subcore_parallel>], iteration_bounds = array<i64: 2, 16>, scalar_prefetch = 0 : i64, scratch_operands = 9 : i64, tpu.core_type = #tpu.core_type<sc_vector_subcore>, window_params = [{transform_indices = #map}, {transform_indices = #map1}, {transform_indices = #map1}, {transform_indices = #map2}]} {
    %mul3A = arith.constant 2 : i32
    %mul3A_0 = arith.muli %arg1, %mul3A : i32
    %add3A = arith.addi %mul3A_0, %arg0 : i32
    %mul3A_1 = arith.constant 10112 : i32
    %mul3A_2 = arith.muli %add3A, %mul3A_1 : i32
    %scan3A = arith.constant 0 : i32
    %scan3A_3 = arith.constant 0 : i32
    %scan3A_4 = arith.constant 128 : i32
    %scan3A_5 = arith.addi %scan3A_3, %scan3A_4 : i32
    %scan3A_6 = arith.constant 1 : i32
    scf.for %scan3A_41 = %scan3A_3 to %scan3A_5 step %scan3A_6  : i32 {
      %broadcast_in_dim3A = arith.constant 0.000000e+00 : f32
      %broadcast_in_dim3A_42 = vector.broadcast %broadcast_in_dim3A : f32 to vector<16xf32>
      %swap3A = arith.index_cast %scan3A_41 : i32 to index
      %swap3A_43 = arith.constant 0 : index
      %swap3A_44 = tpu.vector_load %arg8[%swap3A, %swap3A_43] {strides = array<i32>} : memref<128x128xf32, #tpu.memory_space<vmem>>, vector<1x16xf32>,
      %swap3A_45 = vector.shape_cast %swap3A_44 : vector<1x16xf32> to vector<16xf32>
      %swap3A_46 = vector.shape_cast %broadcast_in_dim3A_42 : vector<16xf32> to vector<1x16xf32>
      tpu.vector_store %arg8[%swap3A, %swap3A_43], %swap3A_46 {strides = array<i32>} : memref<128x128xf32, #tpu.memory_space<vmem>>, vector<1x16xf32>,
      %broadcast_in_dim3A_47 = arith.constant 0.000000e+00 : f32
      %broadcast_in_dim3A_48 = vector.broadcast %broadcast_in_dim3A_47 : f32 to vector<16xf32>
      %swap3A_49 = arith.index_cast %scan3A_41 : i32 to index
      %swap3A_50 = arith.constant 16 : index
      %swap3A_51 = tpu.vector_load %arg8[%swap3A_49, %swap3A_50] {strides = array<i32>} : memref<128x128xf32, #tpu.memory_space<vmem>>, vector<1x16xf32>,
      %swap3A_52 = vector.shape_cast %swap3A_51 : vector<1x16xf32> to vector<16xf32>
      %swap3A_53 = vector.shape_cast %broadcast_in_dim3A_48 : vector<16xf32> to vector<1x16xf32>
      tpu.vector_store %arg8[%swap3A_49, %swap3A_50], %swap3A_53 {strides = array<i32>} : memref<128x128xf32, #tpu.memory_space<vmem>>, vector<1x16xf32>,
      %broadcast_in_dim3A_54 = arith.constant 0.000000e+00 : f32
      %broadcast_in_dim3A_55 = vector.broadcast %broadcast_in_dim3A_54 : f32 to vector<16xf32>
      %swap3A_56 = arith.index_cast %scan3A_41 : i32 to index
      %swap3A_57 = arith.constant 32 : index
      %swap3A_58 = tpu.vector_load %arg8[%swap3A_56, %swap3A_57] {strides = array<i32>} : memref<128x128xf32, #tpu.memory_space<vmem>>, vector<1x16xf32>,
      %swap3A_59 = vector.shape_cast %swap3A_58 : vector<1x16xf32> to vector<16xf32>
      %swap3A_60 = vector.shape_cast %broadcast_in_dim3A_55 : vector<16xf32> to vector<1x16xf32>
      tpu.vector_store %arg8[%swap3A_56, %swap3A_57], %swap3A_60 {strides = array<i32>} : memref<128x128xf32, #tpu.memory_space<vmem>>, vector<1x16xf32>,
      %broadcast_in_dim3A_61 = arith.constant 0.000000e+00 : f32
      %broadcast_in_dim3A_62 = vector.broadcast %broadcast_in_dim3A_61 : f32 to vector<16xf32>
      %swap3A_63 = arith.index_cast %scan3A_41 : i32 to index
      %swap3A_64 = arith.constant 48 : index
      %swap3A_65 = tpu.vector_load %arg8[%swap3A_63, %swap3A_64] {strides = array<i32>} : memref<128x128xf32, #tpu.memory_space<vmem>>, vector<1x16xf32>,
      %swap3A_66 = vector.shape_cast %swap3A_65 : vector<1x16xf32> to vector<16xf32>
      %swap3A_67 = vector.shape_cast %broadcast_in_dim3A_62 : vector<16xf32> to vector<1x16xf32>
      tpu.vector_store %arg8[%swap3A_63, %swap3A_64], %swap3A_67 {strides = array<i32>} : memref<128x128xf32, #tpu.memory_space<vmem>>, vector<1x16xf32>,
      %broadcast_in_dim3A_68 = arith.constant 0.000000e+00 : f32
      %broadcast_in_dim3A_69 = vector.broadcast %broadcast_in_dim3A_68 : f32 to vector<16xf32>
      %swap3A_70 = arith.index_cast %scan3A_41 : i32 to index
      %swap3A_71 = arith.constant 64 : index
      %swap3A_72 = tpu.vector_load %arg8[%swap3A_70, %swap3A_71] {strides = array<i32>} : memref<128x128xf32, #tpu.memory_space<vmem>>, vector<1x16xf32>,
      %swap3A_73 = vector.shape_cast %swap3A_72 : vector<1x16xf32> to vector<16xf32>
      %swap3A_74 = vector.shape_cast %broadcast_in_dim3A_69 : vector<16xf32> to vector<1x16xf32>
      tpu.vector_store %arg8[%swap3A_70, %swap3A_71], %swap3A_74 {strides = array<i32>} : memref<128x128xf32, #tpu.memory_space<vmem>>, vector<1x16xf32>,
      %broadcast_in_dim3A_75 = arith.constant 0.000000e+00 : f32
      %broadcast_in_dim3A_76 = vector.broadcast %broadcast_in_dim3A_75 : f32 to vector<16xf32>
      %swap3A_77 = arith.index_cast %scan3A_41 : i32 to index
      %swap3A_78 = arith.constant 80 : index
      %swap3A_79 = tpu.vector_load %arg8[%swap3A_77, %swap3A_78] {strides = array<i32>} : memref<128x128xf32, #tpu.memory_space<vmem>>, vector<1x16xf32>,
      %swap3A_80 = vector.shape_cast %swap3A_79 : vector<1x16xf32> to vector<16xf32>
      %swap3A_81 = vector.shape_cast %broadcast_in_dim3A_76 : vector<16xf32> to vector<1x16xf32>
      tpu.vector_store %arg8[%swap3A_77, %swap3A_78], %swap3A_81 {strides = array<i32>} : memref<128x128xf32, #tpu.memory_space<vmem>>, vector<1x16xf32>,
      %broadcast_in_dim3A_82 = arith.constant 0.000000e+00 : f32
      %broadcast_in_dim3A_83 = vector.broadcast %broadcast_in_dim3A_82 : f32 to vector<16xf32>
      %swap3A_84 = arith.index_cast %scan3A_41 : i32 to index
      %swap3A_85 = arith.constant 96 : index
      %swap3A_86 = tpu.vector_load %arg8[%swap3A_84, %swap3A_85] {strides = array<i32>} : memref<128x128xf32, #tpu.memory_space<vmem>>, vector<1x16xf32>,
      %swap3A_87 = vector.shape_cast %swap3A_86 : vector<1x16xf32> to vector<16xf32>
      %swap3A_88 = vector.shape_cast %broadcast_in_dim3A_83 : vector<16xf32> to vector<1x16xf32>
      tpu.vector_store %arg8[%swap3A_84, %swap3A_85], %swap3A_88 {strides = array<i32>} : memref<128x128xf32, #tpu.memory_space<vmem>>, vector<1x16xf32>,
      %broadcast_in_dim3A_89 = arith.constant 0.000000e+00 : f32
      %broadcast_in_dim3A_90 = vector.broadcast %broadcast_in_dim3A_89 : f32 to vector<16xf32>
      %swap3A_91 = arith.index_cast %scan3A_41 : i32 to index
      %swap3A_92 = arith.constant 112 : index
      %swap3A_93 = tpu.vector_load %arg8[%swap3A_91, %swap3A_92] {strides = array<i32>} : memref<128x128xf32, #tpu.memory_space<vmem>>, vector<1x16xf32>,
      %swap3A_94 = vector.shape_cast %swap3A_93 : vector<1x16xf32> to vector<16xf32>
      %swap3A_95 = vector.shape_cast %broadcast_in_dim3A_90 : vector<16xf32> to vector<1x16xf32>
      tpu.vector_store %arg8[%swap3A_91, %swap3A_92], %swap3A_95 {strides = array<i32>} : memref<128x128xf32, #tpu.memory_space<vmem>>, vector<1x16xf32>,
    }
    %scan3A_7 = arith.constant 128 : i32
    %mul3A_8 = arith.constant 640 : i32
    %mul3A_9 = arith.muli %arg1, %mul3A_8 : i32
    %add3A_10 = arith.constant 0 : i32
    %add3A_11 = arith.addi %mul3A_9, %add3A_10 : i32
    "tpu.region"() ({
      %run_scoped3A = tpu.sem_alloc : memref<!tpu.dma_semaphore, #tpu.memory_space<semaphore_mem>>
      %dma_start3A_41 = arith.constant 0 : i32
      %dma_start3A_42 = tpu.memref_slice %arg12[%add3A_11, %dma_start3A_41] : memref<10240x128xf32, #tpu.memory_space<vmem_shared>> -> memref<128x128xf32, #tpu.memory_space<vmem_shared>>
      %dma_start3A_43 = arith.constant 0 : i32
      %dma_start3A_44 = tpu.memref_slice %arg12[%add3A_11, %dma_start3A_43] : memref<10240x128xf32, #tpu.memory_space<vmem_shared>> -> memref<128x128xf32, #tpu.memory_space<vmem_shared>>
      tpu.enqueue_dma source(%arg8 : memref<128x128xf32, #tpu.memory_space<vmem>>) target(%dma_start3A_44 : memref<128x128xf32, #tpu.memory_space<vmem_shared>>) target_semaphore(%run_scoped3A : memref<!tpu.dma_semaphore, #tpu.memory_space<semaphore_mem>>)
      %dma_wait3A_45 = arith.constant 0 : i32
      %dma_wait3A_46 = tpu.memref_slice %arg12[%add3A_11, %dma_wait3A_45] : memref<10240x128xf32, #tpu.memory_space<vmem_shared>> -> memref<128x128xf32, #tpu.memory_space<vmem_shared>>
      %dma_wait3A_47 = arith.constant 0 : i32
      %dma_wait3A_48 = tpu.memref_slice %arg12[%add3A_11, %dma_wait3A_47] : memref<10240x128xf32, #tpu.memory_space<vmem_shared>> -> memref<128x128xf32, #tpu.memory_space<vmem_shared>>
      tpu.wait_dma2 semaphore(%run_scoped3A : memref<!tpu.dma_semaphore, #tpu.memory_space<semaphore_mem>>) src(%arg8 : memref<128x128xf32, #tpu.memory_space<vmem>>) dst(%dma_wait3A_48 : memref<128x128xf32, #tpu.memory_space<vmem_shared>>)
      tpu.yield
    }) : () -> ()
    %mul3A_12 = arith.constant 640 : i32
    %mul3A_13 = arith.muli %arg1, %mul3A_12 : i32
    %add3A_14 = arith.constant 128 : i32
    %add3A_15 = arith.addi %mul3A_13, %add3A_14 : i32
    "tpu.region"() ({
      %run_scoped3A = tpu.sem_alloc : memref<!tpu.dma_semaphore, #tpu.memory_space<semaphore_mem>>
      %dma_start3A_41 = arith.constant 0 : i32
      %dma_start3A_42 = tpu.memref_slice %arg12[%add3A_15, %dma_start3A_41] : memref<10240x128xf32, #tpu.memory_space<vmem_shared>> -> memref<128x128xf32, #tpu.memory_space<vmem_shared>>
      %dma_start3A_43 = arith.constant 0 : i32
      %dma_start3A_44 = tpu.memref_slice %arg12[%add3A_15, %dma_start3A_43] : memref<10240x128xf32, #tpu.memory_space<vmem_shared>> -> memref<128x128xf32, #tpu.memory_space<vmem_shared>>
      tpu.enqueue_dma source(%arg8 : memref<128x128xf32, #tpu.memory_space<vmem>>) target(%dma_start3A_44 : memref<128x128xf32, #tpu.memory_space<vmem_shared>>) target_semaphore(%run_scoped3A : memref<!tpu.dma_semaphore, #tpu.memory_space<semaphore_mem>>)
      %dma_wait3A_45 = arith.constant 0 : i32
      %dma_wait3A_46 = tpu.memref_slice %arg12[%add3A_15, %dma_wait3A_45] : memref<10240x128xf32, #tpu.memory_space<vmem_shared>> -> memref<128x128xf32, #tpu.memory_space<vmem_shared>>
      %dma_wait3A_47 = arith.constant 0 : i32
      %dma_wait3A_48 = tpu.memref_slice %arg12[%add3A_15, %dma_wait3A_47] : memref<10240x128xf32, #tpu.memory_space<vmem_shared>> -> memref<128x128xf32, #tpu.memory_space<vmem_shared>>
      tpu.wait_dma2 semaphore(%run_scoped3A : memref<!tpu.dma_semaphore, #tpu.memory_space<semaphore_mem>>) src(%arg8 : memref<128x128xf32, #tpu.memory_space<vmem>>) dst(%dma_wait3A_48 : memref<128x128xf32, #tpu.memory_space<vmem_shared>>)
      tpu.yield
    }) : () -> ()
    %mul3A_16 = arith.constant 640 : i32
    %mul3A_17 = arith.muli %arg1, %mul3A_16 : i32
    %add3A_18 = arith.constant 256 : i32
    %add3A_19 = arith.addi %mul3A_17, %add3A_18 : i32
    "tpu.region"() ({
      %run_scoped3A = tpu.sem_alloc : memref<!tpu.dma_semaphore, #tpu.memory_space<semaphore_mem>>
      %dma_start3A_41 = arith.constant 0 : i32
      %dma_start3A_42 = tpu.memref_slice %arg12[%add3A_19, %dma_start3A_41] : memref<10240x128xf32, #tpu.memory_space<vmem_shared>> -> memref<128x128xf32, #tpu.memory_space<vmem_shared>>
      %dma_start3A_43 = arith.constant 0 : i32
      %dma_start3A_44 = tpu.memref_slice %arg12[%add3A_19, %dma_start3A_43] : memref<10240x128xf32, #tpu.memory_space<vmem_shared>> -> memref<128x128xf32, #tpu.memory_space<vmem_shared>>
      tpu.enqueue_dma source(%arg8 : memref<128x128xf32, #tpu.memory_space<vmem>>) target(%dma_start3A_44 : memref<128x128xf32, #tpu.memory_space<vmem_shared>>) target_semaphore(%run_scoped3A : memref<!tpu.dma_semaphore, #tpu.memory_space<semaphore_mem>>)
      %dma_wait3A_45 = arith.constant 0 : i32
      %dma_wait3A_46 = tpu.memref_slice %arg12[%add3A_19, %dma_wait3A_45] : memref<10240x128xf32, #tpu.memory_space<vmem_shared>> -> memref<128x128xf32, #tpu.memory_space<vmem_shared>>
      %dma_wait3A_47 = arith.constant 0 : i32
      %dma_wait3A_48 = tpu.memref_slice %arg12[%add3A_19, %dma_wait3A_47] : memref<10240x128xf32, #tpu.memory_space<vmem_shared>> -> memref<128x128xf32, #tpu.memory_space<vmem_shared>>
      tpu.wait_dma2 semaphore(%run_scoped3A : memref<!tpu.dma_semaphore, #tpu.memory_space<semaphore_mem>>) src(%arg8 : memref<128x128xf32, #tpu.memory_space<vmem>>) dst(%dma_wait3A_48 : memref<128x128xf32, #tpu.memory_space<vmem_shared>>)
      tpu.yield
    }) : () -> ()
    %mul3A_20 = arith.constant 640 : i32
    %mul3A_21 = arith.muli %arg1, %mul3A_20 : i32
    %add3A_22 = arith.constant 384 : i32
    %add3A_23 = arith.addi %mul3A_21, %add3A_22 : i32
    "tpu.region"() ({
      %run_scoped3A = tpu.sem_alloc : memref<!tpu.dma_semaphore, #tpu.memory_space<semaphore_mem>>
      %dma_start3A_41 = arith.constant 0 : i32
      %dma_start3A_42 = tpu.memref_slice %arg12[%add3A_23, %dma_start3A_41] : memref<10240x128xf32, #tpu.memory_space<vmem_shared>> -> memref<128x128xf32, #tpu.memory_space<vmem_shared>>
      %dma_start3A_43 = arith.constant 0 : i32
      %dma_start3A_44 = tpu.memref_slice %arg12[%add3A_23, %dma_start3A_43] : memref<10240x128xf32, #tpu.memory_space<vmem_shared>> -> memref<128x128xf32, #tpu.memory_space<vmem_shared>>
      tpu.enqueue_dma source(%arg8 : memref<128x128xf32, #tpu.memory_space<vmem>>) target(%dma_start3A_44 : memref<128x128xf32, #tpu.memory_space<vmem_shared>>) target_semaphore(%run_scoped3A : memref<!tpu.dma_semaphore, #tpu.memory_space<semaphore_mem>>)
      %dma_wait3A_45 = arith.constant 0 : i32
      %dma_wait3A_46 = tpu.memref_slice %arg12[%add3A_23, %dma_wait3A_45] : memref<10240x128xf32, #tpu.memory_space<vmem_shared>> -> memref<128x128xf32, #tpu.memory_space<vmem_shared>>
      %dma_wait3A_47 = arith.constant 0 : i32
      %dma_wait3A_48 = tpu.memref_slice %arg12[%add3A_23, %dma_wait3A_47] : memref<10240x128xf32, #tpu.memory_space<vmem_shared>> -> memref<128x128xf32, #tpu.memory_space<vmem_shared>>
      tpu.wait_dma2 semaphore(%run_scoped3A : memref<!tpu.dma_semaphore, #tpu.memory_space<semaphore_mem>>) src(%arg8 : memref<128x128xf32, #tpu.memory_space<vmem>>) dst(%dma_wait3A_48 : memref<128x128xf32, #tpu.memory_space<vmem_shared>>)
      tpu.yield
    }) : () -> ()
    %mul3A_24 = arith.constant 640 : i32
    %mul3A_25 = arith.muli %arg1, %mul3A_24 : i32
    %add3A_26 = arith.constant 512 : i32
    %add3A_27 = arith.addi %mul3A_25, %add3A_26 : i32
    "tpu.region"() ({
      %run_scoped3A = tpu.sem_alloc : memref<!tpu.dma_semaphore, #tpu.memory_space<semaphore_mem>>
      %dma_start3A_41 = arith.constant 0 : i32
      %dma_start3A_42 = tpu.memref_slice %arg12[%add3A_27, %dma_start3A_41] : memref<10240x128xf32, #tpu.memory_space<vmem_shared>> -> memref<128x128xf32, #tpu.memory_space<vmem_shared>>
      %dma_start3A_43 = arith.constant 0 : i32
      %dma_start3A_44 = tpu.memref_slice %arg12[%add3A_27, %dma_start3A_43] : memref<10240x128xf32, #tpu.memory_space<vmem_shared>> -> memref<128x128xf32, #tpu.memory_space<vmem_shared>>
      tpu.enqueue_dma source(%arg8 : memref<128x128xf32, #tpu.memory_space<vmem>>) target(%dma_start3A_44 : memref<128x128xf32, #tpu.memory_space<vmem_shared>>) target_semaphore(%run_scoped3A : memref<!tpu.dma_semaphore, #tpu.memory_space<semaphore_mem>>)
      %dma_wait3A_45 = arith.constant 0 : i32
      %dma_wait3A_46 = tpu.memref_slice %arg12[%add3A_27, %dma_wait3A_45] : memref<10240x128xf32, #tpu.memory_space<vmem_shared>> -> memref<128x128xf32, #tpu.memory_space<vmem_shared>>
      %dma_wait3A_47 = arith.constant 0 : i32
      %dma_wait3A_48 = tpu.memref_slice %arg12[%add3A_27, %dma_wait3A_47] : memref<10240x128xf32, #tpu.memory_space<vmem_shared>> -> memref<128x128xf32, #tpu.memory_space<vmem_shared>>
      tpu.wait_dma2 semaphore(%run_scoped3A : memref<!tpu.dma_semaphore, #tpu.memory_space<semaphore_mem>>) src(%arg8 : memref<128x128xf32, #tpu.memory_space<vmem>>) dst(%dma_wait3A_48 : memref<128x128xf32, #tpu.memory_space<vmem_shared>>)
      tpu.yield
    }) : () -> ()
    %barrier3A = arith.constant 0 : index
    tpu.barrier barrier_id(%barrier3A)
    "tpu.region"() ({
      %run_scoped3A = tpu.sem_alloc : memref<!tpu.dma_semaphore, #tpu.memory_space<semaphore_mem>>
      %dma_start3A_41 = tpu.memref_slice %arg3[%mul3A_2] : memref<323584xi32, #tpu.memory_space<hbm>> -> memref<128xi32, #tpu.memory_space<hbm>>
      %dma_start3A_42 = tpu.memref_slice %arg3[%mul3A_2] : memref<323584xi32, #tpu.memory_space<hbm>> -> memref<128xi32, #tpu.memory_space<hbm>>
      tpu.enqueue_dma source(%dma_start3A_42 : memref<128xi32, #tpu.memory_space<hbm>>) target(%arg6 : memref<128xi32, #tpu.memory_space<vmem>>) target_semaphore(%run_scoped3A : memref<!tpu.dma_semaphore, #tpu.memory_space<semaphore_mem>>)
      %dma_wait3A_43 = tpu.memref_slice %arg3[%mul3A_2] : memref<323584xi32, #tpu.memory_space<hbm>> -> memref<128xi32, #tpu.memory_space<hbm>>
      %dma_wait3A_44 = tpu.memref_slice %arg3[%mul3A_2] : memref<323584xi32, #tpu.memory_space<hbm>> -> memref<128xi32, #tpu.memory_space<hbm>>
      tpu.wait_dma2 semaphore(%run_scoped3A : memref<!tpu.dma_semaphore, #tpu.memory_space<semaphore_mem>>) src(%dma_wait3A_44 : memref<128xi32, #tpu.memory_space<hbm>>) dst(%arg6 : memref<128xi32, #tpu.memory_space<vmem>>)
      tpu.yield
    }) : () -> ()
    %dma_start3A = arith.constant 0 : i32
    %dma_start3A_28 = arith.constant 0 : i32
    %dma_start3A_29 = tpu.memref_slice %arg2[%dma_start3A, %dma_start3A_28] : memref<10240x128xf32, #tpu.memory_space<hbm>> -> memref<10240x128xf32, #tpu.memory_space<hbm>>
    tpu.enqueue_indirect_dma source(%dma_start3A_29 : memref<10240x128xf32, #tpu.memory_space<hbm>>) target(%arg8 : memref<128x128xf32, #tpu.memory_space<vmem>>) offsets(%arg6 : memref<128xi32, #tpu.memory_space<vmem>>) semaphore(%arg13 : memref<!tpu.dma_semaphore, #tpu.memory_space<semaphore_mem>>)
    "tpu.region"() ({
      %run_scoped3A = tpu.sem_alloc : memref<!tpu.dma_semaphore, #tpu.memory_space<semaphore_mem>>
      %dma_start3A_41 = tpu.memref_slice %arg4[%mul3A_2] : memref<323584xi32, #tpu.memory_space<hbm>> -> memref<128xi32, #tpu.memory_space<hbm>>
      %dma_start3A_42 = tpu.memref_slice %arg4[%mul3A_2] : memref<323584xi32, #tpu.memory_space<hbm>> -> memref<128xi32, #tpu.memory_space<hbm>>
      tpu.enqueue_dma source(%dma_start3A_42 : memref<128xi32, #tpu.memory_space<hbm>>) target(%arg7 : memref<128xi32, #tpu.memory_space<vmem>>) target_semaphore(%run_scoped3A : memref<!tpu.dma_semaphore, #tpu.memory_space<semaphore_mem>>)
      %dma_wait3A_43 = tpu.memref_slice %arg4[%mul3A_2] : memref<323584xi32, #tpu.memory_space<hbm>> -> memref<128xi32, #tpu.memory_space<hbm>>
      %dma_wait3A_44 = tpu.memref_slice %arg4[%mul3A_2] : memref<323584xi32, #tpu.memory_space<hbm>> -> memref<128xi32, #tpu.memory_space<hbm>>
      tpu.wait_dma2 semaphore(%run_scoped3A : memref<!tpu.dma_semaphore, #tpu.memory_space<semaphore_mem>>) src(%dma_wait3A_44 : memref<128xi32, #tpu.memory_space<hbm>>) dst(%arg7 : memref<128xi32, #tpu.memory_space<vmem>>)
      tpu.yield
    }) : () -> ()
    %scan3A_30 = arith.constant 0 : i32
    %scan3A_31 = arith.constant 0 : i32
    %scan3A_32 = arith.constant 39 : i32
    %scan3A_33 = arith.addi %scan3A_31, %scan3A_32 : i32
    %scan3A_34 = arith.constant 1 : i32
    scf.for %scan3A_41 = %scan3A_31 to %scan3A_33 step %scan3A_34  : i32 {
      %mul3A_42 = arith.constant 2 : i32
      %mul3A_43 = arith.muli %mul3A_42, %scan3A_41 : i32
      %mul3A_44 = arith.constant 128 : i32
      %mul3A_45 = arith.muli %mul3A_43, %mul3A_44 : i32
      %add3A_46 = arith.addi %mul3A_2, %mul3A_45 : i32
      %add3A_47 = arith.constant 128 : i32
      %add3A_48 = arith.addi %add3A_46, %add3A_47 : i32
      "tpu.region"() ({
        %run_scoped3A = tpu.sem_alloc : memref<!tpu.dma_semaphore, #tpu.memory_space<semaphore_mem>>
        %dma_start3A_63 = tpu.memref_slice %arg3[%add3A_48] : memref<323584xi32, #tpu.memory_space<hbm>> -> memref<128xi32, #tpu.memory_space<hbm>>
        %dma_start3A_64 = tpu.memref_slice %arg3[%add3A_48] : memref<323584xi32, #tpu.memory_space<hbm>> -> memref<128xi32, #tpu.memory_space<hbm>>
        tpu.enqueue_dma source(%dma_start3A_64 : memref<128xi32, #tpu.memory_space<hbm>>) target(%arg9 : memref<128xi32, #tpu.memory_space<vmem>>) target_semaphore(%run_scoped3A : memref<!tpu.dma_semaphore, #tpu.memory_space<semaphore_mem>>)
        %dma_wait3A_65 = tpu.memref_slice %arg3[%add3A_48] : memref<323584xi32, #tpu.memory_space<hbm>> -> memref<128xi32, #tpu.memory_space<hbm>>
        %dma_wait3A_66 = tpu.memref_slice %arg3[%add3A_48] : memref<323584xi32, #tpu.memory_space<hbm>> -> memref<128xi32, #tpu.memory_space<hbm>>
        tpu.wait_dma2 semaphore(%run_scoped3A : memref<!tpu.dma_semaphore, #tpu.memory_space<semaphore_mem>>) src(%dma_wait3A_66 : memref<128xi32, #tpu.memory_space<hbm>>) dst(%arg9 : memref<128xi32, #tpu.memory_space<vmem>>)
        tpu.yield
      }) : () -> ()
      %dma_start3A_49 = arith.constant 0 : i32
      %dma_start3A_50 = arith.constant 0 : i32
      %dma_start3A_51 = tpu.memref_slice %arg2[%dma_start3A_49, %dma_start3A_50] : memref<10240x128xf32, #tpu.memory_space<hbm>> -> memref<10240x128xf32, #tpu.memory_space<hbm>>
      tpu.enqueue_indirect_dma source(%dma_start3A_51 : memref<10240x128xf32, #tpu.memory_space<hbm>>) target(%arg11 : memref<128x128xf32, #tpu.memory_space<vmem>>) offsets(%arg9 : memref<128xi32, #tpu.memory_space<vmem>>) semaphore(%arg14 : memref<!tpu.dma_semaphore, #tpu.memory_space<semaphore_mem>>)
      "tpu.region"() ({
        %run_scoped3A = tpu.sem_alloc : memref<!tpu.dma_semaphore, #tpu.memory_space<semaphore_mem>>
        %dma_start3A_63 = tpu.memref_slice %arg4[%add3A_48] : memref<323584xi32, #tpu.memory_space<hbm>> -> memref<128xi32, #tpu.memory_space<hbm>>
        %dma_start3A_64 = tpu.memref_slice %arg4[%add3A_48] : memref<323584xi32, #tpu.memory_space<hbm>> -> memref<128xi32, #tpu.memory_space<hbm>>
        tpu.enqueue_dma source(%dma_start3A_64 : memref<128xi32, #tpu.memory_space<hbm>>) target(%arg10 : memref<128xi32, #tpu.memory_space<vmem>>) target_semaphore(%run_scoped3A : memref<!tpu.dma_semaphore, #tpu.memory_space<semaphore_mem>>)
        %dma_wait3A_65 = tpu.memref_slice %arg4[%add3A_48] : memref<323584xi32, #tpu.memory_space<hbm>> -> memref<128xi32, #tpu.memory_space<hbm>>
        %dma_wait3A_66 = tpu.memref_slice %arg4[%add3A_48] : memref<323584xi32, #tpu.memory_space<hbm>> -> memref<128xi32, #tpu.memory_space<hbm>>
        tpu.wait_dma2 semaphore(%run_scoped3A : memref<!tpu.dma_semaphore, #tpu.memory_space<semaphore_mem>>) src(%dma_wait3A_66 : memref<128xi32, #tpu.memory_space<hbm>>) dst(%arg10 : memref<128xi32, #tpu.memory_space<vmem>>)
        tpu.yield
      }) : () -> ()
      %dma_wait3A_52 = arith.constant 0 : i32
      %dma_wait3A_53 = arith.constant 0 : i32
      %dma_wait3A_54 = tpu.memref_slice %arg2[%dma_wait3A_52, %dma_wait3A_53] : memref<10240x128xf32, #tpu.memory_space<hbm>> -> memref<10240x128xf32, #tpu.memory_space<hbm>>
      tpu.wait_indirect_dma semaphore(%arg13 : memref<!tpu.dma_semaphore, #tpu.memory_space<semaphore_mem>>) src(%dma_wait3A_54 : memref<10240x128xf32, #tpu.memory_space<hbm>>) dst(%arg8 : memref<128x128xf32, #tpu.memory_space<vmem>>)
      "tpu.region"() ({
        %run_scoped3A = tpu.sem_alloc : memref<!tpu.dma_semaphore, #tpu.memory_space<semaphore_mem>>
        %dma_start3A_63 = arith.constant 0 : i32
        %dma_start3A_64 = arith.constant 0 : i32
        %dma_start3A_65 = tpu.memref_slice %arg12[%dma_start3A_63, %dma_start3A_64] : memref<10240x128xf32, #tpu.memory_space<vmem_shared>> -> memref<10240x128xf32, #tpu.memory_space<vmem_shared>>
        tpu.enqueue_indirect_dma source(%arg8 : memref<128x128xf32, #tpu.memory_space<vmem>>) target(%dma_start3A_65 : memref<10240x128xf32, #tpu.memory_space<vmem_shared>>) offsets(%arg7 : memref<128xi32, #tpu.memory_space<vmem>>) semaphore(%run_scoped3A : memref<!tpu.dma_semaphore, #tpu.memory_space<semaphore_mem>>) {add = true}
        %dma_wait3A_66 = arith.constant 0 : i32
        %dma_wait3A_67 = arith.constant 0 : i32
        %dma_wait3A_68 = tpu.memref_slice %arg12[%dma_wait3A_66, %dma_wait3A_67] : memref<10240x128xf32, #tpu.memory_space<vmem_shared>> -> memref<10240x128xf32, #tpu.memory_space<vmem_shared>>
        tpu.wait_indirect_dma semaphore(%run_scoped3A : memref<!tpu.dma_semaphore, #tpu.memory_space<semaphore_mem>>) src(%arg8 : memref<128x128xf32, #tpu.memory_space<vmem>>) dst(%dma_wait3A_68 : memref<10240x128xf32, #tpu.memory_space<vmem_shared>>)
        tpu.yield
      }) : () -> ()
      %add3A_55 = arith.constant 256 : i32
      %add3A_56 = arith.addi %add3A_46, %add3A_55 : i32
      "tpu.region"() ({
        %run_scoped3A = tpu.sem_alloc : memref<!tpu.dma_semaphore, #tpu.memory_space<semaphore_mem>>
        %dma_start3A_63 = tpu.memref_slice %arg3[%add3A_56] : memref<323584xi32, #tpu.memory_space<hbm>> -> memref<128xi32, #tpu.memory_space<hbm>>
        %dma_start3A_64 = tpu.memref_slice %arg3[%add3A_56] : memref<323584xi32, #tpu.memory_space<hbm>> -> memref<128xi32, #tpu.memory_space<hbm>>
        tpu.enqueue_dma source(%dma_start3A_64 : memref<128xi32, #tpu.memory_space<hbm>>) target(%arg6 : memref<128xi32, #tpu.memory_space<vmem>>) target_semaphore(%run_scoped3A : memref<!tpu.dma_semaphore, #tpu.memory_space<semaphore_mem>>)
        %dma_wait3A_65 = tpu.memref_slice %arg3[%add3A_56] : memref<323584xi32, #tpu.memory_space<hbm>> -> memref<128xi32, #tpu.memory_space<hbm>>
        %dma_wait3A_66 = tpu.memref_slice %arg3[%add3A_56] : memref<323584xi32, #tpu.memory_space<hbm>> -> memref<128xi32, #tpu.memory_space<hbm>>
        tpu.wait_dma2 semaphore(%run_scoped3A : memref<!tpu.dma_semaphore, #tpu.memory_space<semaphore_mem>>) src(%dma_wait3A_66 : memref<128xi32, #tpu.memory_space<hbm>>) dst(%arg6 : memref<128xi32, #tpu.memory_space<vmem>>)
        tpu.yield
      }) : () -> ()
      %dma_start3A_57 = arith.constant 0 : i32
      %dma_start3A_58 = arith.constant 0 : i32
      %dma_start3A_59 = tpu.memref_slice %arg2[%dma_start3A_57, %dma_start3A_58] : memref<10240x128xf32, #tpu.memory_space<hbm>> -> memref<10240x128xf32, #tpu.memory_space<hbm>>
      tpu.enqueue_indirect_dma source(%dma_start3A_59 : memref<10240x128xf32, #tpu.memory_space<hbm>>) target(%arg8 : memref<128x128xf32, #tpu.memory_space<vmem>>) offsets(%arg6 : memref<128xi32, #tpu.memory_space<vmem>>) semaphore(%arg13 : memref<!tpu.dma_semaphore, #tpu.memory_space<semaphore_mem>>)
      "tpu.region"() ({
        %run_scoped3A = tpu.sem_alloc : memref<!tpu.dma_semaphore, #tpu.memory_space<semaphore_mem>>
        %dma_start3A_63 = tpu.memref_slice %arg4[%add3A_56] : memref<323584xi32, #tpu.memory_space<hbm>> -> memref<128xi32, #tpu.memory_space<hbm>>
        %dma_start3A_64 = tpu.memref_slice %arg4[%add3A_56] : memref<323584xi32, #tpu.memory_space<hbm>> -> memref<128xi32, #tpu.memory_space<hbm>>
        tpu.enqueue_dma source(%dma_start3A_64 : memref<128xi32, #tpu.memory_space<hbm>>) target(%arg7 : memref<128xi32, #tpu.memory_space<vmem>>) target_semaphore(%run_scoped3A : memref<!tpu.dma_semaphore, #tpu.memory_space<semaphore_mem>>)
        %dma_wait3A_65 = tpu.memref_slice %arg4[%add3A_56] : memref<323584xi32, #tpu.memory_space<hbm>> -> memref<128xi32, #tpu.memory_space<hbm>>
        %dma_wait3A_66 = tpu.memref_slice %arg4[%add3A_56] : memref<323584xi32, #tpu.memory_space<hbm>> -> memref<128xi32, #tpu.memory_space<hbm>>
        tpu.wait_dma2 semaphore(%run_scoped3A : memref<!tpu.dma_semaphore, #tpu.memory_space<semaphore_mem>>) src(%dma_wait3A_66 : memref<128xi32, #tpu.memory_space<hbm>>) dst(%arg7 : memref<128xi32, #tpu.memory_space<vmem>>)
        tpu.yield
      }) : () -> ()
      %dma_wait3A_60 = arith.constant 0 : i32
      %dma_wait3A_61 = arith.constant 0 : i32
      %dma_wait3A_62 = tpu.memref_slice %arg2[%dma_wait3A_60, %dma_wait3A_61] : memref<10240x128xf32, #tpu.memory_space<hbm>> -> memref<10240x128xf32, #tpu.memory_space<hbm>>
      tpu.wait_indirect_dma semaphore(%arg14 : memref<!tpu.dma_semaphore, #tpu.memory_space<semaphore_mem>>) src(%dma_wait3A_62 : memref<10240x128xf32, #tpu.memory_space<hbm>>) dst(%arg11 : memref<128x128xf32, #tpu.memory_space<vmem>>)
      "tpu.region"() ({
        %run_scoped3A = tpu.sem_alloc : memref<!tpu.dma_semaphore, #tpu.memory_space<semaphore_mem>>
        %dma_start3A_63 = arith.constant 0 : i32
        %dma_start3A_64 = arith.constant 0 : i32
        %dma_start3A_65 = tpu.memref_slice %arg12[%dma_start3A_63, %dma_start3A_64] : memref<10240x128xf32, #tpu.memory_space<vmem_shared>> -> memref<10240x128xf32, #tpu.memory_space<vmem_shared>>
        tpu.enqueue_indirect_dma source(%arg11 : memref<128x128xf32, #tpu.memory_space<vmem>>) target(%dma_start3A_65 : memref<10240x128xf32, #tpu.memory_space<vmem_shared>>) offsets(%arg10 : memref<128xi32, #tpu.memory_space<vmem>>) semaphore(%run_scoped3A : memref<!tpu.dma_semaphore, #tpu.memory_space<semaphore_mem>>) {add = true}
        %dma_wait3A_66 = arith.constant 0 : i32
        %dma_wait3A_67 = arith.constant 0 : i32
        %dma_wait3A_68 = tpu.memref_slice %arg12[%dma_wait3A_66, %dma_wait3A_67] : memref<10240x128xf32, #tpu.memory_space<vmem_shared>> -> memref<10240x128xf32, #tpu.memory_space<vmem_shared>>
        tpu.wait_indirect_dma semaphore(%run_scoped3A : memref<!tpu.dma_semaphore, #tpu.memory_space<semaphore_mem>>) src(%arg11 : memref<128x128xf32, #tpu.memory_space<vmem>>) dst(%dma_wait3A_68 : memref<10240x128xf32, #tpu.memory_space<vmem_shared>>)
        tpu.yield
      }) : () -> ()
    }
    %scan3A_35 = arith.constant 39 : i32
    %dma_wait3A = arith.constant 0 : i32
    %dma_wait3A_36 = arith.constant 0 : i32
    %dma_wait3A_37 = tpu.memref_slice %arg2[%dma_wait3A, %dma_wait3A_36] : memref<10240x128xf32, #tpu.memory_space<hbm>> -> memref<10240x128xf32, #tpu.memory_space<hbm>>
    tpu.wait_indirect_dma semaphore(%arg13 : memref<!tpu.dma_semaphore, #tpu.memory_space<semaphore_mem>>) src(%dma_wait3A_37 : memref<10240x128xf32, #tpu.memory_space<hbm>>) dst(%arg8 : memref<128x128xf32, #tpu.memory_space<vmem>>)
    "tpu.region"() ({
      %run_scoped3A = tpu.sem_alloc : memref<!tpu.dma_semaphore, #tpu.memory_space<semaphore_mem>>
      %dma_start3A_41 = arith.constant 0 : i32
      %dma_start3A_42 = arith.constant 0 : i32
      %dma_start3A_43 = tpu.memref_slice %arg12[%dma_start3A_41, %dma_start3A_42] : memref<10240x128xf32, #tpu.memory_space<vmem_shared>> -> memref<10240x128xf32, #tpu.memory_space<vmem_shared>>
      tpu.enqueue_indirect_dma source(%arg8 : memref<128x128xf32, #tpu.memory_space<vmem>>) target(%dma_start3A_43 : memref<10240x128xf32, #tpu.memory_space<vmem_shared>>) offsets(%arg7 : memref<128xi32, #tpu.memory_space<vmem>>) semaphore(%run_scoped3A : memref<!tpu.dma_semaphore, #tpu.memory_space<semaphore_mem>>) {add = true}
      %dma_wait3A_44 = arith.constant 0 : i32
      %dma_wait3A_45 = arith.constant 0 : i32
      %dma_wait3A_46 = tpu.memref_slice %arg12[%dma_wait3A_44, %dma_wait3A_45] : memref<10240x128xf32, #tpu.memory_space<vmem_shared>> -> memref<10240x128xf32, #tpu.memory_space<vmem_shared>>
      tpu.wait_indirect_dma semaphore(%run_scoped3A : memref<!tpu.dma_semaphore, #tpu.memory_space<semaphore_mem>>) src(%arg8 : memref<128x128xf32, #tpu.memory_space<vmem>>) dst(%dma_wait3A_46 : memref<10240x128xf32, #tpu.memory_space<vmem_shared>>)
      tpu.yield
    }) : () -> ()
    %barrier3A_38 = arith.constant 0 : index
    tpu.barrier barrier_id(%barrier3A_38)
    %mul3A_39 = arith.constant 640 : i32
    %mul3A_40 = arith.muli %arg1, %mul3A_39 : i32
    "tpu.region"() ({
      %run_scoped3A = tpu.sem_alloc : memref<!tpu.dma_semaphore, #tpu.memory_space<semaphore_mem>>
      %dma_start3A_41 = arith.constant 0 : i32
      %dma_start3A_42 = tpu.memref_slice %arg5[%arg0, %mul3A_40, %dma_start3A_41] : memref<2x10240x128xf32, #tpu.memory_space<hbm>> -> memref<1x640x128xf32, #tpu.memory_space<hbm>>
      %dma_start3A_43 = tpu.memref_squeeze %dma_start3A_42 : memref<1x640x128xf32, #tpu.memory_space<hbm>> -> memref<640x128xf32, #tpu.memory_space<hbm>>
      %dma_start3A_44 = arith.constant 0 : i32
      %dma_start3A_45 = tpu.memref_slice %arg12[%mul3A_40, %dma_start3A_44] : memref<10240x128xf32, #tpu.memory_space<vmem_shared>> -> memref<640x128xf32, #tpu.memory_space<vmem_shared>>
      tpu.enqueue_dma source(%dma_start3A_45 : memref<640x128xf32, #tpu.memory_space<vmem_shared>>) target(%dma_start3A_43 : memref<640x128xf32, #tpu.memory_space<hbm>>) target_semaphore(%run_scoped3A : memref<!tpu.dma_semaphore, #tpu.memory_space<semaphore_mem>>)
      %dma_wait3A_46 = arith.constant 0 : i32
      %dma_wait3A_47 = tpu.memref_slice %arg5[%arg0, %mul3A_40, %dma_wait3A_46] : memref<2x10240x128xf32, #tpu.memory_space<hbm>> -> memref<1x640x128xf32, #tpu.memory_space<hbm>>
      %dma_wait3A_48 = tpu.memref_squeeze %dma_wait3A_47 : memref<1x640x128xf32, #tpu.memory_space<hbm>> -> memref<640x128xf32, #tpu.memory_space<hbm>>
      %dma_wait3A_49 = arith.constant 0 : i32
      %dma_wait3A_50 = tpu.memref_slice %arg12[%mul3A_40, %dma_wait3A_49] : memref<10240x128xf32, #tpu.memory_space<vmem_shared>> -> memref<640x128xf32, #tpu.memory_space<vmem_shared>>
      tpu.wait_dma2 semaphore(%run_scoped3A : memref<!tpu.dma_semaphore, #tpu.memory_space<semaphore_mem>>) src(%dma_wait3A_50 : memref<640x128xf32, #tpu.memory_space<vmem_shared>>) dst(%dma_wait3A_48 : memref<640x128xf32, #tpu.memory_space<hbm>>)
      tpu.yield
    }) : () -> ()
    return
  }
}

module attributes {stable_mosaic.version = 14 : i64} {
  func.func @_dis_body(%arg0: memref<2x80x128xf32, #tpu.memory_space<vmem>>, %arg1: memref<80x128xf32, #tpu.memory_space<vmem>>, %arg2: memref<80x128xf32, #tpu.memory_space<vmem>>) attributes {dimension_semantics = [], scalar_prefetch = 0 : i64, scratch_operands = 0 : i64, tpu.core_type = #tpu.core_type<tc>} {
    %get3A = arith.constant 0 : index
    %get3A_0 = arith.constant 0 : index
    %get3A_1 = arith.constant 0 : index
    %get3A_2 = vector.load %arg0[%get3A, %get3A_0, %get3A_1] : memref<2x80x128xf32, #tpu.memory_space<vmem>>, vector<1x80x128xf32>
    %get3A_3 = vector.shape_cast %get3A_2 : vector<1x80x128xf32> to vector<80x128xf32>
    %get3A_4 = arith.constant 1 : index
    %get3A_5 = arith.constant 0 : index
    %get3A_6 = arith.constant 0 : index
    %get3A_7 = vector.load %arg0[%get3A_4, %get3A_5, %get3A_6] : memref<2x80x128xf32, #tpu.memory_space<vmem>>, vector<1x80x128xf32>
    %get3A_8 = vector.shape_cast %get3A_7 : vector<1x80x128xf32> to vector<80x128xf32>
    %add3A = arith.addf %get3A_3, %get3A_8 : vector<80x128xf32>
    %gt3A = arith.constant 0.000000e+00 : f32
    %gt3A_9 = vector.broadcast %gt3A : f32 to vector<80x128xf32>
    %gt3A_10 = arith.cmpf ogt, %add3A, %gt3A_9 : vector<80x128xf32>
    %jit3A = arith.constant 1.000000e+00 : f32
    %broadcast_in_dim3A = vector.broadcast %jit3A : f32 to vector<80x128xf32>
    %select_n3A = arith.select %gt3A_10, %add3A, %broadcast_in_dim3A : vector<80x128xi1>, vector<80x128xf32>
    %rsqrt3A = math.rsqrt %select_n3A : vector<80x128xf32>
    %jit3A_11 = arith.constant 0.000000e+00 : f32
    %broadcast_in_dim3A_12 = vector.broadcast %jit3A_11 : f32 to vector<80x128xf32>
    %select_n3A_13 = arith.select %gt3A_10, %rsqrt3A, %broadcast_in_dim3A_12 : vector<80x128xi1>, vector<80x128xf32>
    %swap3A = arith.constant 0 : index
    %swap3A_14 = arith.constant 0 : index
    %swap3A_15 = vector.load %arg1[%swap3A, %swap3A_14] : memref<80x128xf32, #tpu.memory_space<vmem>>, vector<80x128xf32>
    tpu.vector_store %arg1[%swap3A, %swap3A_14], %select_n3A_13 {strides = array<i32>} : memref<80x128xf32, #tpu.memory_space<vmem>>, vector<80x128xf32>,
    %div3A = arith.constant 1.000000e+00 : f32
    %div3A_16 = vector.broadcast %div3A : f32 to vector<80x128xf32>
    %div3A_17 = arith.divf %div3A_16, %select_n3A : vector<80x128xf32>
    %jit3A_18 = arith.constant 0.000000e+00 : f32
    %broadcast_in_dim3A_19 = vector.broadcast %jit3A_18 : f32 to vector<80x128xf32>
    %select_n3A_20 = arith.select %gt3A_10, %div3A_17, %broadcast_in_dim3A_19 : vector<80x128xi1>, vector<80x128xf32>
    %swap3A_21 = arith.constant 0 : index
    %swap3A_22 = arith.constant 0 : index
    %swap3A_23 = vector.load %arg2[%swap3A_21, %swap3A_22] : memref<80x128xf32, #tpu.memory_space<vmem>>, vector<80x128xf32>
    tpu.vector_store %arg2[%swap3A_21, %swap3A_22], %select_n3A_20 {strides = array<i32>} : memref<80x128xf32, #tpu.memory_space<vmem>>, vector<80x128xf32>,
    return
  }
}

module attributes {stable_mosaic.version = 14 : i64} {
  func.func @_scale_body(%arg0: i32, %arg1: memref<640x128xf32, #tpu.memory_space<vmem>>, %arg2: memref<640x1xf32, #tpu.memory_space<vmem>>, %arg3: memref<640x128xf32, #tpu.memory_space<vmem>>) attributes {dimension_semantics = [#tpu.dimension_semantics<arbitrary>], iteration_bounds = array<i64: 16>, scalar_prefetch = 0 : i64, scratch_operands = 0 : i64, tpu.core_type = #tpu.core_type<tc>, window_params = [{transform_indices = @transform_0, window_bounds = array<i64: 640, 128>}, {transform_indices = @transform_1, window_bounds = array<i64: 640, 1>}, {transform_indices = @transform_2, window_bounds = array<i64: 640, 128>}]} {
    %get3A = arith.constant 0 : index
    %get3A_0 = arith.constant 0 : index
    %get3A_1 = vector.load %arg1[%get3A, %get3A_0] : memref<640x128xf32, #tpu.memory_space<vmem>>, vector<640x128xf32>
    %get3A_2 = arith.constant 0 : index
    %get3A_3 = arith.constant 0 : index
    %get3A_4 = vector.load %arg2[%get3A_2, %get3A_3] : memref<640x1xf32, #tpu.memory_space<vmem>>, vector<640x1xf32>
    %mul3A = vector.broadcast %get3A_4 : vector<640x1xf32> to vector<640x128xf32>
    %mul3A_5 = arith.mulf %get3A_1, %mul3A : vector<640x128xf32>
    %swap3A = arith.constant 0 : index
    %swap3A_6 = arith.constant 0 : index
    %swap3A_7 = vector.load %arg3[%swap3A, %swap3A_6] : memref<640x128xf32, #tpu.memory_space<vmem>>, vector<640x128xf32>
    tpu.vector_store %arg3[%swap3A, %swap3A_6], %mul3A_5 {strides = array<i32>} : memref<640x128xf32, #tpu.memory_space<vmem>>, vector<640x128xf32>,
    return
  }
  func.func @transform_0(%arg0: i32) -> (i32, i32) {
    %c0_i32 = arith.constant 0 : i32
    %c0_i32_0 = arith.constant 0 : i32
    return %arg0, %c0_i32 : i32, i32
  }
  func.func @transform_1(%arg0: i32) -> (i32, i32) {
    %c0_i32 = arith.constant 0 : i32
    %c0_i32_0 = arith.constant 0 : i32
    return %arg0, %c0_i32 : i32, i32
  }
  func.func @transform_2(%arg0: i32) -> (i32, i32) {
    %c0_i32 = arith.constant 0 : i32
    %c0_i32_0 = arith.constant 0 : i32
    return %arg0, %c0_i32 : i32, i32
  }
}

module attributes {stable_mosaic.version = 14 : i64} {
  func.func @_mid_body(%arg0: i32, %arg1: memref<2x640x128xf32, #tpu.memory_space<vmem>>, %arg2: memref<640x1xf32, #tpu.memory_space<vmem>>, %arg3: memref<640x128xf32, #tpu.memory_space<vmem>>) attributes {dimension_semantics = [#tpu.dimension_semantics<arbitrary>], iteration_bounds = array<i64: 16>, scalar_prefetch = 0 : i64, scratch_operands = 0 : i64, tpu.core_type = #tpu.core_type<tc>, window_params = [{transform_indices = @transform_0, window_bounds = array<i64: 2, 640, 128>}, {transform_indices = @transform_1, window_bounds = array<i64: 640, 1>}, {transform_indices = @transform_2, window_bounds = array<i64: 640, 128>}]} {
    %get3A = arith.constant 0 : index
    %get3A_0 = arith.constant 0 : index
    %get3A_1 = arith.constant 0 : index
    %get3A_2 = vector.load %arg1[%get3A, %get3A_0, %get3A_1] : memref<2x640x128xf32, #tpu.memory_space<vmem>>, vector<1x640x128xf32>
    %get3A_3 = vector.shape_cast %get3A_2 : vector<1x640x128xf32> to vector<640x128xf32>
    %get3A_4 = arith.constant 1 : index
    %get3A_5 = arith.constant 0 : index
    %get3A_6 = arith.constant 0 : index
    %get3A_7 = vector.load %arg1[%get3A_4, %get3A_5, %get3A_6] : memref<2x640x128xf32, #tpu.memory_space<vmem>>, vector<1x640x128xf32>
    %get3A_8 = vector.shape_cast %get3A_7 : vector<1x640x128xf32> to vector<640x128xf32>
    %add3A = arith.addf %get3A_3, %get3A_8 : vector<640x128xf32>
    %get3A_9 = arith.constant 0 : index
    %get3A_10 = arith.constant 0 : index
    %get3A_11 = vector.load %arg2[%get3A_9, %get3A_10] : memref<640x1xf32, #tpu.memory_space<vmem>>, vector<640x1xf32>
    %neg3A = arith.constant 0.000000e+00 : f32
    %neg3A_12 = vector.broadcast %neg3A : f32 to vector<640x1xf32>
    %neg3A_13 = arith.subf %neg3A_12, %get3A_11 : vector<640x1xf32>
    %mul3A = vector.broadcast %neg3A_13 : vector<640x1xf32> to vector<640x128xf32>
    %mul3A_14 = arith.mulf %add3A, %mul3A : vector<640x128xf32>
    %swap3A = arith.constant 0 : index
    %swap3A_15 = arith.constant 0 : index
    %swap3A_16 = vector.load %arg3[%swap3A, %swap3A_15] : memref<640x128xf32, #tpu.memory_space<vmem>>, vector<640x128xf32>
    tpu.vector_store %arg3[%swap3A, %swap3A_15], %mul3A_14 {strides = array<i32>} : memref<640x128xf32, #tpu.memory_space<vmem>>, vector<640x128xf32>,
    return
  }
  func.func @transform_0(%arg0: i32) -> (i32, i32, i32) {
    %c0_i32 = arith.constant 0 : i32
    %c0_i32_0 = arith.constant 0 : i32
    %c0_i32_1 = arith.constant 0 : i32
    return %c0_i32, %arg0, %c0_i32_0 : i32, i32, i32
  }
  func.func @transform_1(%arg0: i32) -> (i32, i32) {
    %c0_i32 = arith.constant 0 : i32
    %c0_i32_0 = arith.constant 0 : i32
    return %arg0, %c0_i32 : i32, i32
  }
  func.func @transform_2(%arg0: i32) -> (i32, i32) {
    %c0_i32 = arith.constant 0 : i32
    %c0_i32_0 = arith.constant 0 : i32
    return %arg0, %c0_i32 : i32, i32
  }
}

module attributes {stable_mosaic.version = 14 : i64} {
  func.func @_layer_body(%arg0: i32, %arg1: memref<640x128xf32, #tpu.memory_space<vmem>>, %arg2: memref<2x640x128xf32, #tpu.memory_space<vmem>>, %arg3: memref<2x640x128xf32, #tpu.memory_space<vmem>>, %arg4: memref<640x1xf32, #tpu.memory_space<vmem>>, %arg5: memref<3x128x128xf32, #tpu.memory_space<vmem>>, %arg6: memref<1x128xf32, #tpu.memory_space<vmem>>, %arg7: memref<640x128xf32, #tpu.memory_space<vmem>>, %arg8: memref<640x128xf32, #tpu.memory_space<vmem>>) attributes {dimension_semantics = [#tpu.dimension_semantics<arbitrary>], iteration_bounds = array<i64: 16>, scalar_prefetch = 0 : i64, scratch_operands = 0 : i64, tpu.core_type = #tpu.core_type<tc>, window_params = [{transform_indices = @transform_0, window_bounds = array<i64: 640, 128>}, {transform_indices = @transform_1, window_bounds = array<i64: 2, 640, 128>}, {transform_indices = @transform_2, window_bounds = array<i64: 2, 640, 128>}, {transform_indices = @transform_3, window_bounds = array<i64: 640, 1>}, {pipeline_mode = #tpu.pipeline_mode<synchronous>, transform_indices = @transform_4, window_bounds = array<i64: 3, 128, 128>}, {pipeline_mode = #tpu.pipeline_mode<synchronous>, transform_indices = @transform_5, window_bounds = array<i64: 1, 128>}, {transform_indices = @transform_6, window_bounds = array<i64: 640, 128>}, {transform_indices = @transform_7, window_bounds = array<i64: 640, 128>}]} {
    %get3A = arith.constant 0 : index
    %get3A_0 = arith.constant 0 : index
    %get3A_1 = vector.load %arg4[%get3A, %get3A_0] : memref<640x1xf32, #tpu.memory_space<vmem>>, vector<640x1xf32>
    %get3A_2 = arith.constant 0 : index
    %get3A_3 = arith.constant 0 : index
    %get3A_4 = arith.constant 0 : index
    %get3A_5 = vector.load %arg2[%get3A_2, %get3A_3, %get3A_4] : memref<2x640x128xf32, #tpu.memory_space<vmem>>, vector<1x640x128xf32>
    %get3A_6 = vector.shape_cast %get3A_5 : vector<1x640x128xf32> to vector<640x128xf32>
    %get3A_7 = arith.constant 1 : index
    %get3A_8 = arith.constant 0 : index
    %get3A_9 = arith.constant 0 : index
    %get3A_10 = vector.load %arg2[%get3A_7, %get3A_8, %get3A_9] : memref<2x640x128xf32, #tpu.memory_space<vmem>>, vector<1x640x128xf32>
    %get3A_11 = vector.shape_cast %get3A_10 : vector<1x640x128xf32> to vector<640x128xf32>
    %add3A = arith.addf %get3A_6, %get3A_11 : vector<640x128xf32>
    %mul3A = vector.broadcast %get3A_1 : vector<640x1xf32> to vector<640x128xf32>
    %mul3A_12 = arith.mulf %add3A, %mul3A : vector<640x128xf32>
    %get3A_13 = arith.constant 0 : index
    %get3A_14 = arith.constant 0 : index
    %get3A_15 = arith.constant 0 : index
    %get3A_16 = vector.load %arg3[%get3A_13, %get3A_14, %get3A_15] : memref<2x640x128xf32, #tpu.memory_space<vmem>>, vector<1x640x128xf32>
    %get3A_17 = vector.shape_cast %get3A_16 : vector<1x640x128xf32> to vector<640x128xf32>
    %get3A_18 = arith.constant 1 : index
    %get3A_19 = arith.constant 0 : index
    %get3A_20 = arith.constant 0 : index
    %get3A_21 = vector.load %arg3[%get3A_18, %get3A_19, %get3A_20] : memref<2x640x128xf32, #tpu.memory_space<vmem>>, vector<1x640x128xf32>
    %get3A_22 = vector.shape_cast %get3A_21 : vector<1x640x128xf32> to vector<640x128xf32>
    %add3A_23 = arith.addf %get3A_17, %get3A_22 : vector<640x128xf32>
    %mul3A_24 = vector.broadcast %get3A_1 : vector<640x1xf32> to vector<640x128xf32>
    %mul3A_25 = arith.mulf %add3A_23, %mul3A_24 : vector<640x128xf32>
    %get3A_26 = arith.constant 0 : index
    %get3A_27 = arith.constant 0 : index
    %get3A_28 = arith.constant 0 : index
    %get3A_29 = vector.load %arg5[%get3A_26, %get3A_27, %get3A_28] : memref<3x128x128xf32, #tpu.memory_space<vmem>>, vector<1x128x128xf32>
    %get3A_30 = vector.shape_cast %get3A_29 : vector<1x128x128xf32> to vector<128x128xf32>
    %get3A_31 = arith.constant 2 : index
    %get3A_32 = arith.constant 0 : index
    %get3A_33 = arith.constant 0 : index
    %get3A_34 = vector.load %arg5[%get3A_31, %get3A_32, %get3A_33] : memref<3x128x128xf32, #tpu.memory_space<vmem>>, vector<1x128x128xf32>
    %get3A_35 = vector.shape_cast %get3A_34 : vector<1x128x128xf32> to vector<128x128xf32>
    %sub3A = arith.subf %get3A_30, %get3A_35 : vector<128x128xf32>
    %get3A_36 = arith.constant 0 : index
    %get3A_37 = arith.constant 0 : index
    %get3A_38 = vector.load %arg1[%get3A_36, %get3A_37] : memref<640x128xf32, #tpu.memory_space<vmem>>, vector<640x128xf32>
    %dot_general3A = arith.constant dense<0.000000e+00> : vector<640x128xf32>
    %dot_general3A_39 = tpu.matmul %get3A_38, %sub3A, %dot_general3A {dimension_numbers = #tpu.dot_dimension_numbers<[1], [0], [0], [1], [0, 0, 1, 1], [], []>, transpose_lhs_hint = false} : vector<640x128xf32>, vector<128x128xf32>, vector<640x128xf32> -> vector<640x128xf32>
    %get3A_40 = arith.constant 1 : index
    %get3A_41 = arith.constant 0 : index
    %get3A_42 = arith.constant 0 : index
    %get3A_43 = vector.load %arg5[%get3A_40, %get3A_41, %get3A_42] : memref<3x128x128xf32, #tpu.memory_space<vmem>>, vector<1x128x128xf32>
    %get3A_44 = vector.shape_cast %get3A_43 : vector<1x128x128xf32> to vector<128x128xf32>
    %dot_general3A_45 = arith.constant dense<0.000000e+00> : vector<640x128xf32>
    %dot_general3A_46 = tpu.matmul %mul3A_12, %get3A_44, %dot_general3A_45 {dimension_numbers = #tpu.dot_dimension_numbers<[1], [0], [0], [1], [0, 0, 1, 1], [], []>, transpose_lhs_hint = false} : vector<640x128xf32>, vector<128x128xf32>, vector<640x128xf32> -> vector<640x128xf32>
    %sub3A_47 = arith.subf %dot_general3A_39, %dot_general3A_46 : vector<640x128xf32>
    %get3A_48 = arith.constant 2 : index
    %get3A_49 = arith.constant 0 : index
    %get3A_50 = arith.constant 0 : index
    %get3A_51 = vector.load %arg5[%get3A_48, %get3A_49, %get3A_50] : memref<3x128x128xf32, #tpu.memory_space<vmem>>, vector<1x128x128xf32>
    %get3A_52 = vector.shape_cast %get3A_51 : vector<1x128x128xf32> to vector<128x128xf32>
    %dot_general3A_53 = arith.constant dense<0.000000e+00> : vector<640x128xf32>
    %dot_general3A_54 = tpu.matmul %mul3A_25, %get3A_52, %dot_general3A_53 {dimension_numbers = #tpu.dot_dimension_numbers<[1], [0], [0], [1], [0, 0, 1, 1], [], []>, transpose_lhs_hint = false} : vector<640x128xf32>, vector<128x128xf32>, vector<640x128xf32> -> vector<640x128xf32>
    %mul3A_55 = arith.constant 2.000000e+00 : f32
    %mul3A_56 = vector.broadcast %mul3A_55 : f32 to vector<640x128xf32>
    %mul3A_57 = arith.mulf %mul3A_56, %dot_general3A_54 : vector<640x128xf32>
    %sub3A_58 = arith.subf %sub3A_47, %mul3A_57 : vector<640x128xf32>
    %get3A_59 = arith.constant 0 : index
    %get3A_60 = arith.constant 0 : index
    %get3A_61 = vector.load %arg6[%get3A_59, %get3A_60] : memref<1x128xf32, #tpu.memory_space<vmem>>, vector<1x128xf32>
    %add3A_62 = vector.broadcast %get3A_61 : vector<1x128xf32> to vector<640x128xf32>
    %add3A_63 = arith.addf %sub3A_58, %add3A_62 : vector<640x128xf32>
    %max3A = arith.constant 0.000000e+00 : f32
    %max3A_64 = vector.broadcast %max3A : f32 to vector<640x128xf32>
    %max3A_65 = arith.maximumf %add3A_63, %max3A_64 : vector<640x128xf32>
    %swap3A = arith.constant 0 : index
    %swap3A_66 = arith.constant 0 : index
    %swap3A_67 = vector.load %arg7[%swap3A, %swap3A_66] : memref<640x128xf32, #tpu.memory_space<vmem>>, vector<640x128xf32>
    tpu.vector_store %arg7[%swap3A, %swap3A_66], %max3A_65 {strides = array<i32>} : memref<640x128xf32, #tpu.memory_space<vmem>>, vector<640x128xf32>,
    %mul3A_68 = vector.broadcast %get3A_1 : vector<640x1xf32> to vector<640x128xf32>
    %mul3A_69 = arith.mulf %max3A_65, %mul3A_68 : vector<640x128xf32>
    %swap3A_70 = arith.constant 0 : index
    %swap3A_71 = arith.constant 0 : index
    %swap3A_72 = vector.load %arg8[%swap3A_70, %swap3A_71] : memref<640x128xf32, #tpu.memory_space<vmem>>, vector<640x128xf32>
    tpu.vector_store %arg8[%swap3A_70, %swap3A_71], %mul3A_69 {strides = array<i32>} : memref<640x128xf32, #tpu.memory_space<vmem>>, vector<640x128xf32>,
    return
  }
  func.func @transform_0(%arg0: i32) -> (i32, i32) {
    %c0_i32 = arith.constant 0 : i32
    %c0_i32_0 = arith.constant 0 : i32
    return %arg0, %c0_i32 : i32, i32
  }
  func.func @transform_1(%arg0: i32) -> (i32, i32, i32) {
    %c0_i32 = arith.constant 0 : i32
    %c0_i32_0 = arith.constant 0 : i32
    %c0_i32_1 = arith.constant 0 : i32
    return %c0_i32, %arg0, %c0_i32_0 : i32, i32, i32
  }
  func.func @transform_2(%arg0: i32) -> (i32, i32, i32) {
    %c0_i32 = arith.constant 0 : i32
    %c0_i32_0 = arith.constant 0 : i32
    %c0_i32_1 = arith.constant 0 : i32
    return %c0_i32, %arg0, %c0_i32_0 : i32, i32, i32
  }
  func.func @transform_3(%arg0: i32) -> (i32, i32) {
    %c0_i32 = arith.constant 0 : i32
    %c0_i32_0 = arith.constant 0 : i32
    return %arg0, %c0_i32 : i32, i32
  }
  func.func @transform_4(%arg0: i32) -> (i32, i32, i32) {
    %c0_i32 = arith.constant 0 : i32
    %c0_i32_0 = arith.constant 0 : i32
    %c0_i32_1 = arith.constant 0 : i32
    %c0_i32_2 = arith.constant 0 : i32
    return %c0_i32, %c0_i32_0, %c0_i32_1 : i32, i32, i32
  }
  func.func @transform_5(%arg0: i32) -> (i32, i32) {
    %c0_i32 = arith.constant 0 : i32
    %c0_i32_0 = arith.constant 0 : i32
    %c0_i32_1 = arith.constant 0 : i32
    return %c0_i32, %c0_i32_0 : i32, i32
  }
  func.func @transform_6(%arg0: i32) -> (i32, i32) {
    %c0_i32 = arith.constant 0 : i32
    %c0_i32_0 = arith.constant 0 : i32
    return %arg0, %c0_i32 : i32, i32
  }
  func.func @transform_7(%arg0: i32) -> (i32, i32) {
    %c0_i32 = arith.constant 0 : i32
    %c0_i32_0 = arith.constant 0 : i32
    return %arg0, %c0_i32 : i32, i32
  }
}

module attributes {stable_mosaic.version = 14 : i64} {
  func.func @_final_body(%arg0: i32, %arg1: memref<640x128xf32, #tpu.memory_space<vmem>>, %arg2: memref<128x128xf32, #tpu.memory_space<vmem>>, %arg3: memref<1x128xf32, #tpu.memory_space<vmem>>, %arg4: memref<640x128xf32, #tpu.memory_space<vmem>>) attributes {dimension_semantics = [#tpu.dimension_semantics<arbitrary>], iteration_bounds = array<i64: 16>, scalar_prefetch = 0 : i64, scratch_operands = 0 : i64, tpu.core_type = #tpu.core_type<tc>, window_params = [{transform_indices = @transform_0, window_bounds = array<i64: 640, 128>}, {pipeline_mode = #tpu.pipeline_mode<synchronous>, transform_indices = @transform_1, window_bounds = array<i64: 128, 128>}, {pipeline_mode = #tpu.pipeline_mode<synchronous>, transform_indices = @transform_2, window_bounds = array<i64: 1, 128>}, {transform_indices = @transform_3, window_bounds = array<i64: 640, 128>}]} {
    %get3A = arith.constant 0 : index
    %get3A_0 = arith.constant 0 : index
    %get3A_1 = vector.load %arg1[%get3A, %get3A_0] : memref<640x128xf32, #tpu.memory_space<vmem>>, vector<640x128xf32>
    %get3A_2 = arith.constant 0 : index
    %get3A_3 = arith.constant 0 : index
    %get3A_4 = vector.load %arg2[%get3A_2, %get3A_3] : memref<128x128xf32, #tpu.memory_space<vmem>>, vector<128x128xf32>
    %dot_general3A = arith.constant dense<0.000000e+00> : vector<640x128xf32>
    %dot_general3A_5 = tpu.matmul %get3A_1, %get3A_4, %dot_general3A {dimension_numbers = #tpu.dot_dimension_numbers<[1], [0], [0], [1], [0, 0, 1, 1], [], []>, transpose_lhs_hint = false} : vector<640x128xf32>, vector<128x128xf32>, vector<640x128xf32> -> vector<640x128xf32>
    %get3A_6 = arith.constant 0 : index
    %get3A_7 = arith.constant 0 : index
    %get3A_8 = vector.load %arg3[%get3A_6, %get3A_7] : memref<1x128xf32, #tpu.memory_space<vmem>>, vector<1x128xf32>
    %add3A = vector.broadcast %get3A_8 : vector<1x128xf32> to vector<640x128xf32>
    %add3A_9 = arith.addf %dot_general3A_5, %add3A : vector<640x128xf32>
    %reduce_max3A = arith.constant dense<0xFF800000> : vector<640xf32>
    %reduce_max3A_10 = vector.multi_reduction <maximumf>, %add3A_9, %reduce_max3A [1] : vector<640x128xf32> to vector<640xf32>
    %broadcast_in_dim3A = vector.shape_cast %reduce_max3A_10 : vector<640xf32> to vector<640x1xf32>
    %sub3A = vector.broadcast %broadcast_in_dim3A : vector<640x1xf32> to vector<640x128xf32>
    %sub3A_11 = arith.subf %add3A_9, %sub3A : vector<640x128xf32>
    %exp3A = math.exp %sub3A_11 : vector<640x128xf32>
    %reduce_sum3A = arith.constant dense<0.000000e+00> : vector<640xf32>
    %reduce_sum3A_12 = vector.multi_reduction <add>, %exp3A, %reduce_sum3A [1] : vector<640x128xf32> to vector<640xf32>
    %broadcast_in_dim3A_13 = vector.shape_cast %reduce_sum3A_12 : vector<640xf32> to vector<640x1xf32>
    %log3A = math.log %broadcast_in_dim3A_13 : vector<640x1xf32>
    %sub3A_14 = vector.broadcast %log3A : vector<640x1xf32> to vector<640x128xf32>
    %sub3A_15 = arith.subf %sub3A_11, %sub3A_14 : vector<640x128xf32>
    %swap3A = arith.constant 0 : index
    %swap3A_16 = arith.constant 0 : index
    %swap3A_17 = vector.load %arg4[%swap3A, %swap3A_16] : memref<640x128xf32, #tpu.memory_space<vmem>>, vector<640x128xf32>
    tpu.vector_store %arg4[%swap3A, %swap3A_16], %sub3A_15 {strides = array<i32>} : memref<640x128xf32, #tpu.memory_space<vmem>>, vector<640x128xf32>,
    return
  }
  func.func @transform_0(%arg0: i32) -> (i32, i32) {
    %c0_i32 = arith.constant 0 : i32
    %c0_i32_0 = arith.constant 0 : i32
    return %arg0, %c0_i32 : i32, i32
  }
  func.func @transform_1(%arg0: i32) -> (i32, i32) {
    %c0_i32 = arith.constant 0 : i32
    %c0_i32_0 = arith.constant 0 : i32
    %c0_i32_1 = arith.constant 0 : i32
    return %c0_i32, %c0_i32_0 : i32, i32
  }
  func.func @transform_2(%arg0: i32) -> (i32, i32) {
    %c0_i32 = arith.constant 0 : i32
    %c0_i32_0 = arith.constant 0 : i32
    %c0_i32_1 = arith.constant 0 : i32
    return %c0_i32, %c0_i32_0 : i32, i32
  }
  func.func @transform_3(%arg0: i32) -> (i32, i32) {
    %c0_i32 = arith.constant 0 : i32
    %c0_i32_0 = arith.constant 0 : i32
    return %arg0, %c0_i32 : i32, i32
  }
}

module attributes {stable_mosaic.version = 14 : i64} {
  func.func @_layer_body(%arg0: i32, %arg1: memref<640x128xf32, #tpu.memory_space<vmem>>, %arg2: memref<2x640x128xf32, #tpu.memory_space<vmem>>, %arg3: memref<2x640x128xf32, #tpu.memory_space<vmem>>, %arg4: memref<640x1xf32, #tpu.memory_space<vmem>>, %arg5: memref<3x128x128xf32, #tpu.memory_space<vmem>>, %arg6: memref<1x128xf32, #tpu.memory_space<vmem>>, %arg7: memref<640x128xf32, #tpu.memory_space<vmem>>, %arg8: memref<640x128xf32, #tpu.memory_space<vmem>>) attributes {dimension_semantics = [#tpu.dimension_semantics<arbitrary>], iteration_bounds = array<i64: 16>, scalar_prefetch = 0 : i64, scratch_operands = 0 : i64, tpu.core_type = #tpu.core_type<tc>, window_params = [{transform_indices = @transform_0, window_bounds = array<i64: 640, 128>}, {transform_indices = @transform_1, window_bounds = array<i64: 2, 640, 128>}, {transform_indices = @transform_2, window_bounds = array<i64: 2, 640, 128>}, {transform_indices = @transform_3, window_bounds = array<i64: 640, 1>}, {pipeline_mode = #tpu.pipeline_mode<synchronous>, transform_indices = @transform_4, window_bounds = array<i64: 3, 128, 128>}, {pipeline_mode = #tpu.pipeline_mode<synchronous>, transform_indices = @transform_5, window_bounds = array<i64: 1, 128>}, {transform_indices = @transform_6, window_bounds = array<i64: 640, 128>}, {transform_indices = @transform_7, window_bounds = array<i64: 640, 128>}]} {
    %get3A = arith.constant 0 : index
    %get3A_0 = arith.constant 0 : index
    %get3A_1 = vector.load %arg4[%get3A, %get3A_0] : memref<640x1xf32, #tpu.memory_space<vmem>>, vector<640x1xf32>
    %get3A_2 = arith.constant 0 : index
    %get3A_3 = arith.constant 0 : index
    %get3A_4 = arith.constant 0 : index
    %get3A_5 = vector.load %arg2[%get3A_2, %get3A_3, %get3A_4] : memref<2x640x128xf32, #tpu.memory_space<vmem>>, vector<1x640x128xf32>
    %get3A_6 = vector.shape_cast %get3A_5 : vector<1x640x128xf32> to vector<640x128xf32>
    %get3A_7 = arith.constant 1 : index
    %get3A_8 = arith.constant 0 : index
    %get3A_9 = arith.constant 0 : index
    %get3A_10 = vector.load %arg2[%get3A_7, %get3A_8, %get3A_9] : memref<2x640x128xf32, #tpu.memory_space<vmem>>, vector<1x640x128xf32>
    %get3A_11 = vector.shape_cast %get3A_10 : vector<1x640x128xf32> to vector<640x128xf32>
    %add3A = arith.addf %get3A_6, %get3A_11 : vector<640x128xf32>
    %mul3A = vector.broadcast %get3A_1 : vector<640x1xf32> to vector<640x128xf32>
    %mul3A_12 = arith.mulf %add3A, %mul3A : vector<640x128xf32>
    %get3A_13 = arith.constant 0 : index
    %get3A_14 = arith.constant 0 : index
    %get3A_15 = arith.constant 0 : index
    %get3A_16 = vector.load %arg3[%get3A_13, %get3A_14, %get3A_15] : memref<2x640x128xf32, #tpu.memory_space<vmem>>, vector<1x640x128xf32>
    %get3A_17 = vector.shape_cast %get3A_16 : vector<1x640x128xf32> to vector<640x128xf32>
    %get3A_18 = arith.constant 1 : index
    %get3A_19 = arith.constant 0 : index
    %get3A_20 = arith.constant 0 : index
    %get3A_21 = vector.load %arg3[%get3A_18, %get3A_19, %get3A_20] : memref<2x640x128xf32, #tpu.memory_space<vmem>>, vector<1x640x128xf32>
    %get3A_22 = vector.shape_cast %get3A_21 : vector<1x640x128xf32> to vector<640x128xf32>
    %add3A_23 = arith.addf %get3A_17, %get3A_22 : vector<640x128xf32>
    %mul3A_24 = vector.broadcast %get3A_1 : vector<640x1xf32> to vector<640x128xf32>
    %mul3A_25 = arith.mulf %add3A_23, %mul3A_24 : vector<640x128xf32>
    %get3A_26 = arith.constant 0 : index
    %get3A_27 = arith.constant 0 : index
    %get3A_28 = arith.constant 0 : index
    %get3A_29 = vector.load %arg5[%get3A_26, %get3A_27, %get3A_28] : memref<3x128x128xf32, #tpu.memory_space<vmem>>, vector<1x128x128xf32>
    %get3A_30 = vector.shape_cast %get3A_29 : vector<1x128x128xf32> to vector<128x128xf32>
    %get3A_31 = arith.constant 2 : index
    %get3A_32 = arith.constant 0 : index
    %get3A_33 = arith.constant 0 : index
    %get3A_34 = vector.load %arg5[%get3A_31, %get3A_32, %get3A_33] : memref<3x128x128xf32, #tpu.memory_space<vmem>>, vector<1x128x128xf32>
    %get3A_35 = vector.shape_cast %get3A_34 : vector<1x128x128xf32> to vector<128x128xf32>
    %sub3A = arith.subf %get3A_30, %get3A_35 : vector<128x128xf32>
    %get3A_36 = arith.constant 0 : index
    %get3A_37 = arith.constant 0 : index
    %get3A_38 = vector.load %arg1[%get3A_36, %get3A_37] : memref<640x128xf32, #tpu.memory_space<vmem>>, vector<640x128xf32>
    %dot_general3A = arith.constant dense<0.000000e+00> : vector<640x128xf32>
    %dot_general3A_39 = tpu.matmul %get3A_38, %sub3A, %dot_general3A {dimension_numbers = #tpu.dot_dimension_numbers<[1], [0], [0], [1], [0, 0, 1, 1], [], []>, transpose_lhs_hint = false} : vector<640x128xf32>, vector<128x128xf32>, vector<640x128xf32> -> vector<640x128xf32>
    %get3A_40 = arith.constant 1 : index
    %get3A_41 = arith.constant 0 : index
    %get3A_42 = arith.constant 0 : index
    %get3A_43 = vector.load %arg5[%get3A_40, %get3A_41, %get3A_42] : memref<3x128x128xf32, #tpu.memory_space<vmem>>, vector<1x128x128xf32>
    %get3A_44 = vector.shape_cast %get3A_43 : vector<1x128x128xf32> to vector<128x128xf32>
    %dot_general3A_45 = arith.constant dense<0.000000e+00> : vector<640x128xf32>
    %dot_general3A_46 = tpu.matmul %mul3A_12, %get3A_44, %dot_general3A_45 {dimension_numbers = #tpu.dot_dimension_numbers<[1], [0], [0], [1], [0, 0, 1, 1], [], []>, transpose_lhs_hint = false} : vector<640x128xf32>, vector<128x128xf32>, vector<640x128xf32> -> vector<640x128xf32>
    %sub3A_47 = arith.subf %dot_general3A_39, %dot_general3A_46 : vector<640x128xf32>
    %get3A_48 = arith.constant 2 : index
    %get3A_49 = arith.constant 0 : index
    %get3A_50 = arith.constant 0 : index
    %get3A_51 = vector.load %arg5[%get3A_48, %get3A_49, %get3A_50] : memref<3x128x128xf32, #tpu.memory_space<vmem>>, vector<1x128x128xf32>
    %get3A_52 = vector.shape_cast %get3A_51 : vector<1x128x128xf32> to vector<128x128xf32>
    %dot_general3A_53 = arith.constant dense<0.000000e+00> : vector<640x128xf32>
    %dot_general3A_54 = tpu.matmul %mul3A_25, %get3A_52, %dot_general3A_53 {dimension_numbers = #tpu.dot_dimension_numbers<[1], [0], [0], [1], [0, 0, 1, 1], [], []>, transpose_lhs_hint = false} : vector<640x128xf32>, vector<128x128xf32>, vector<640x128xf32> -> vector<640x128xf32>
    %mul3A_55 = arith.constant 2.000000e+00 : f32
    %mul3A_56 = vector.broadcast %mul3A_55 : f32 to vector<640x128xf32>
    %mul3A_57 = arith.mulf %mul3A_56, %dot_general3A_54 : vector<640x128xf32>
    %sub3A_58 = arith.subf %sub3A_47, %mul3A_57 : vector<640x128xf32>
    %get3A_59 = arith.constant 0 : index
    %get3A_60 = arith.constant 0 : index
    %get3A_61 = vector.load %arg6[%get3A_59, %get3A_60] : memref<1x128xf32, #tpu.memory_space<vmem>>, vector<1x128xf32>
    %add3A_62 = vector.broadcast %get3A_61 : vector<1x128xf32> to vector<640x128xf32>
    %add3A_63 = arith.addf %sub3A_58, %add3A_62 : vector<640x128xf32>
    %swap3A = arith.constant 0 : index
    %swap3A_64 = arith.constant 0 : index
    %swap3A_65 = vector.load %arg7[%swap3A, %swap3A_64] : memref<640x128xf32, #tpu.memory_space<vmem>>, vector<640x128xf32>
    tpu.vector_store %arg7[%swap3A, %swap3A_64], %add3A_63 {strides = array<i32>} : memref<640x128xf32, #tpu.memory_space<vmem>>, vector<640x128xf32>,
    %mul3A_66 = vector.broadcast %get3A_1 : vector<640x1xf32> to vector<640x128xf32>
    %mul3A_67 = arith.mulf %add3A_63, %mul3A_66 : vector<640x128xf32>
    %swap3A_68 = arith.constant 0 : index
    %swap3A_69 = arith.constant 0 : index
    %swap3A_70 = vector.load %arg8[%swap3A_68, %swap3A_69] : memref<640x128xf32, #tpu.memory_space<vmem>>, vector<640x128xf32>
    tpu.vector_store %arg8[%swap3A_68, %swap3A_69], %mul3A_67 {strides = array<i32>} : memref<640x128xf32, #tpu.memory_space<vmem>>, vector<640x128xf32>,
    return
  }
  func.func @transform_0(%arg0: i32) -> (i32, i32) {
    %c0_i32 = arith.constant 0 : i32
    %c0_i32_0 = arith.constant 0 : i32
    return %arg0, %c0_i32 : i32, i32
  }
  func.func @transform_1(%arg0: i32) -> (i32, i32, i32) {
    %c0_i32 = arith.constant 0 : i32
    %c0_i32_0 = arith.constant 0 : i32
    %c0_i32_1 = arith.constant 0 : i32
    return %c0_i32, %arg0, %c0_i32_0 : i32, i32, i32
  }
  func.func @transform_2(%arg0: i32) -> (i32, i32, i32) {
    %c0_i32 = arith.constant 0 : i32
    %c0_i32_0 = arith.constant 0 : i32
    %c0_i32_1 = arith.constant 0 : i32
    return %c0_i32, %arg0, %c0_i32_0 : i32, i32, i32
  }
  func.func @transform_3(%arg0: i32) -> (i32, i32) {
    %c0_i32 = arith.constant 0 : i32
    %c0_i32_0 = arith.constant 0 : i32
    return %arg0, %c0_i32 : i32, i32
  }
  func.func @transform_4(%arg0: i32) -> (i32, i32, i32) {
    %c0_i32 = arith.constant 0 : i32
    %c0_i32_0 = arith.constant 0 : i32
    %c0_i32_1 = arith.constant 0 : i32
    %c0_i32_2 = arith.constant 0 : i32
    return %c0_i32, %c0_i32_0, %c0_i32_1 : i32, i32, i32
  }
  func.func @transform_5(%arg0: i32) -> (i32, i32) {
    %c0_i32 = arith.constant 0 : i32
    %c0_i32_0 = arith.constant 0 : i32
    %c0_i32_1 = arith.constant 0 : i32
    return %c0_i32, %c0_i32_0 : i32, i32
  }
  func.func @transform_6(%arg0: i32) -> (i32, i32) {
    %c0_i32 = arith.constant 0 : i32
    %c0_i32_0 = arith.constant 0 : i32
    return %arg0, %c0_i32 : i32, i32
  }
  func.func @transform_7(%arg0: i32) -> (i32, i32) {
    %c0_i32 = arith.constant 0 : i32
    %c0_i32_0 = arith.constant 0 : i32
    return %arg0, %c0_i32 : i32, i32
  }
}

</mosaic_0001>

<sc_bundles>
// kernel: kernel.14.cloned.1.call-start
scs
__scs_entry_jumppad:
0x0: {  	(pc) =	sbr.rel $0x88, $3  }
0x1: {  	(tag) =	ssettag $0x0;
	lr =	simm.s32 $0x1  }
0x2: {  	[smem:$0x3F99] =	sst lr;
	_ =	strace $0xD0000000  }
0x3: {  	_ = 	snop  }
0x4: {  	_ = 	snop  }
0x5: {  	_ = 	snop  }
0x6: {  	_ = 	snop  }
0x7: {  	_ = 	snop  }
__scs_overlays_trampoline_lowered:
0x8: {  	[smem:$0x3FA8] =	sst s0  }
0x9: {  	[smem:$0x3FA9] =	sst s1  }
0xa: {  	[smem:$0x3FAA] =	sst s2  }
0xb: {  	[smem:$0x3FAB] =	sst s3  }
0xc: {  	[smem:$0x3FAC] =	sst s4  }
0xd: {  	[smem:$0x3FAD] =	sst s5  }
0xe: {  	[smem:$0x3FAE] =	sst s6  }
0xf: {  	[smem:$0x3FAF] =	sst s7  }
0x10: {  	[smem:$0x3FB0] =	sst s8  }
0x11: {  	[smem:$0x3FB1] =	sst s9;
	s0 =	simm.s32 @!p0 $0x0  }
0x12: {  	s1 =	sld [smem:$0x3F97];
	s0 =	simm.s32 @p0 $0x1  }
0x13: {  	[smem:$0x3FB2] =	sst s0;
	s0 =	simm.s32 @!p1 $0x0  }
0x14: {  	s2 =	sld [smem:$0x3F96];
	s0 =	simm.s32 @p1 $0x1  }
0x15: {  	[smem:$0x3FB3] =	sst s0;
	s0 =	simm.s32 @!p2 $0x0  }
0x16: {  	s3 =	sld [smem:$0x3FDB];
	s0 =	simm.s32 @p2 $0x1  }
0x17: {  	s4 =	simm.s32 $0x1BF5;
	[smem:$0x3FB5] =	sst s0  }
0x18: {  	s0 =	sld [smem:$0x3F98];
	_ =	swait.ge [sflag:s4], $0x0  }
0x19: {  	s7 =	sld [smem:$0x3F99]  }
0x1a: {  	s8 =	sadd.s32 $0xFFFFE003, lr  }
0x1b: {  	s9 =	sadd.s32 $0xFFFFFEF7, lr;
	s5 =	simm.s32 $0xFFFFFFFF;
	p2 =	slt.u32 s8, $0xFFFFF086  }
0x1c: {  	p1 =	slt.u32 s9, $0xF7A;
	s5 =	simm.s32 @!p2 $0x0  }
0x1d: {  	s5 =	simm.s32 @p1 $0x1;
	p0 =	seq.s32 s7, s2  }
0x1e: {  	s7 =	smul.u32 @!p0 $0xF7A, s2;
	p2 =	seq.s32 @!p0 s5, $0x0  }
0x1f: {  	s9 =	smul.u32 $0xF7A, s1;
	s8 =	simm.s32 @!p0 $0x1BF5;
	p2 =	por !p2, p0  }
0x20: {  	[sflag:s8] =	ssyncset.s32 @!p0 $0xFFFFF086;
	s6 =	sadd.s32 @!p0 s3, s7;
	s7 =	simm.s32 @!p0 $0x108  }
0x21: {  	s3 =	sadd.s32 s3, s9;
	s6 =	sadd.s32 @!p0 $0x88, s6;
	s7 =	simm.s32 @p2 $0x1082  }
0x22: {  	[simem:s7], [sflag:s8] =	dma.local @!p0 [hbm:s6], $0xF7A  }
0x23: {  	s9 =	sor.u32 $0xD0000000, s2;
	s6 =	simm.s32 $0x108;
	_ =	swait.ge @!p0 [sflag:s8], $0x0  }
0x24: {  	s3 =	sadd.s32 $0x88, s3;
	s6 =	simm.s32 @!p1 $0x1082;
	[sflag:s4] =	ssyncset.s32 $0xFFFFF086  }
0x25: {  	[simem:s6], [sflag:s4] =	dma.local [hbm:s3], $0xF7A  }
0x26: {  	[smem:$0x3F99] =	sst s1;
	(tag) =	ssettag s2;
	_ =	strace s9  }
0x27: {  	s1 =	sld [smem:$0x3FA9]  }
0x28: {  	s2 =	sld [smem:$0x3FAA]  }
0x29: {  	s4 =	sld [smem:$0x3FAC]  }
0x2a: {  	p0 =	seq.s32 s5, $0x0;
	s5 =	sld [smem:$0x3FAD]  }
0x2b: {  	s6 =	sld [smem:$0x3FAE]  }
0x2c: {  	s7 =	sld [smem:$0x3FAF]  }
0x2d: {  	s3 =	simm.s32 $0x108;
	s8 =	sld [smem:$0x3FB0]  }
0x2e: {  	s3 =	simm.s32 @!p0 $0x1082;
	s9 =	sld [smem:$0x3FB1]  }
0x2f: {  	lr =	sadd.s32 s0, s3;
	s0 =	sld [smem:$0x3FA8]  }
0x30: {  	s3 =	sld [smem:$0x3FAB]  }
0x31: {  	[smem:$0x3FB4] =	sst s10  }
0x32: {  	s10 =	sld [smem:$0x3FB2];
	_ =	sdelay $0x3  }
0x33: {  	p0 =	seq.s32 s10, $0x1;
	s10 =	sld [smem:$0x3FB4];
	_ =	sdelay $0x3  }
0x34: {  	[smem:$0x3FB4] =	sst s10  }
0x35: {  	s10 =	sld [smem:$0x3FB3];
	_ =	sdelay $0x3  }
0x36: {  	p1 =	seq.s32 s10, $0x1;
	s10 =	sld [smem:$0x3FB4];
	_ =	sdelay $0x3  }
0x37: {  	[smem:$0x3FB4] =	sst s10  }
0x38: {  	s10 =	sld [smem:$0x3FB5]  }
0x39: {  	_ = 	snop;
	(pc) =	sbr.ind lr, $3  }
0x3a: {  	_ = 	snop  }
0x3b: {  	_ = 	snop  }
0x3c: {  	p2 =	seq.s32 s10, $0x1;
	s10 =	sld [smem:$0x3FB4]  }
0x3d: {  	_ =	shalt  }
0x3e: {  	_ =	shalt  }
0x3f: {  	_ =	shalt  }
0x40: {  	_ =	shalt  }
0x41: {  	_ =	shalt  }
0x42: {  	_ =	shalt  }
0x43: {  	_ =	shalt  }
0x44: {  	_ =	shalt  }
0x45: {  	_ =	shalt  }
0x46: {  	_ =	shalt  }
0x47: {  	_ =	shalt  }
0x48: {  	_ =	shalt  }
0x49: {  	_ =	shalt  }
0x4a: {  	_ =	shalt  }
0x4b: {  	_ =	shalt  }
0x4c: {  	_ =	shalt  }
0x4d: {  	_ =	shalt  }
0x4e: {  	_ =	shalt  }
0x4f: {  	_ =	shalt  }
0x50: {  	_ =	shalt  }
0x51: {  	_ =	shalt  }
0x52: {  	_ =	shalt  }
0x53: {  	_ =	shalt  }
0x54: {  	_ =	shalt  }
0x55: {  	_ =	shalt  }
0x56: {  	_ =	shalt  }
0x57: {  	_ =	shalt  }
0x58: {  	_ =	shalt  }
0x59: {  	_ =	shalt  }
0x5a: {  	_ =	shalt  }
0x5b: {  	_ =	shalt  }
0x5c: {  	_ =	shalt  }
0x5d: {  	_ =	shalt  }
0x5e: {  	_ =	shalt  }
0x5f: {  	_ =	shalt  }
0x60: {  	_ =	shalt  }
0x61: {  	_ =	shalt  }
0x62: {  	_ =	shalt  }
0x63: {  	_ =	shalt  }
0x64: {  	_ =	shalt  }
0x65: {  	_ =	shalt  }
0x66: {  	_ =	shalt  }
0x67: {  	_ =	shalt  }
0x68: {  	_ =	shalt  }
0x69: {  	_ =	shalt  }
0x6a: {  	_ =	shalt  }
0x6b: {  	_ =	shalt  }
0x6c: {  	_ =	shalt  }
0x6d: {  	_ =	shalt  }
0x6e: {  	_ =	shalt  }
0x6f: {  	_ =	shalt  }
0x70: {  	_ =	shalt  }
0x71: {  	_ =	shalt  }
0x72: {  	_ =	shalt  }
0x73: {  	_ =	shalt  }
0x74: {  	_ =	shalt  }
0x75: {  	_ =	shalt  }
0x76: {  	_ =	shalt  }
0x77: {  	_ =	shalt  }
0x78: {  	_ =	shalt  }
0x79: {  	_ =	shalt  }
0x7a: {  	_ =	shalt  }
0x7b: {  	_ =	shalt  }
0x7c: {  	_ =	shalt  }
0x7d: {  	_ =	shalt  }
0x7e: {  	_ =	shalt  }
0x7f: {  	_ =	shalt  }
0x80: {  	_ =	shalt  }
0x81: {  	_ =	shalt  }
0x82: {  	_ =	shalt  }
0x83: {  	_ =	shalt  }
0x84: {  	_ =	shalt  }
0x85: {  	_ =	shalt  }
0x86: {  	_ =	shalt  }
0x87: {  	_ =	shalt  }
.Lfunc_end0:
.L_simem_size_0:
called_computation_lowered:
.L_overlay_start_0:
0x88: {  	s2 =	sld [smem:$0x3FD9]  }
0x89: {  	s3 =	sld [smem:$0x3FFE];
	_ =	sdelay $0x1  }
0x8a: {  	s1 =	srdreg.scid  }
0x8b: {  	s0 =	sand.u32 $0x1, s1  }
0x8c: {  	s14 =	sshll.u32 s0, $0xA;
	s2 =	sadd.s32 s3, s2  }
0x8d: {  	s2 =	sadd.s32 s2, s14  }
0x8e: {  	[smem:$0x3FC0] =	sst s2  }
0x8f: {  	_ = 	snop  }
0x90: {  	s2 =	sld [smem:$0x3FD0];
	_ =	sdelay $0x2  }
0x91: {  	s4 =	simm.s32 $0xA;
	s5 =	simm.s32 $0x10;
	s15 =	sld [smem:$0x3FC8]  }
0x92: {  	[smem:s5], [sflag:s4] =	dma.local [hbm:s2], $0x1  }
0x93: {  	_ =	swait.eq [sflag:s4], $0x1  }
0x94: {  	[sflag:s4] =	ssyncset.done $0x0  }
0x95: {  	s16 =	sld [smem:$0x10];
	[sflag:s4] =	ssyncadd.s32 $0xFFFFFFFF  }
0x96: {  	s17 =	sld [smem:$0x11];
	(tm) =	ssettm $0x1  }
0x97: {  	s18 =	sld [smem:$0x3FFB];
	_ =	sdelay $0x3  }
0x98: {  	_ =	strace s18  }
0x99: {  	s5 =	sld [smem:$0x3FFC];
	_ =	sdelay $0x3  }
0x9a: {  	_ =	strace s5  }
0x9b: {  	s5 =	sld [smem:$0x3FFD];
	_ =	sdelay $0x3  }
0x9c: {  	_ =	strace s5  }
0x9d: {  	_ =	strace $0x8FFFFFFF  }
0x9e: {  	s19 =	sld [smem:$0x3FDB];
	_ =	sdelay $0x1  }
0x9f: {  	s6 =	simm.s32 $_scs_section_size  }
0xa0: {  	s7 =	simm.s32 $_size__tile_overlayer_lowered;
	s8 =	simm.s32 $_tile_overlayer_lowered  }
0xa1: {  	s22 =	simm.s32 $0x1BFF;
	s21 =	sshll.u32 s8, $0x1;
	s5 =	sadd.s32 s6, s19  }
0xa2: {  	s9 =	simm.s32 $0x0;
	s20 =	sshll.u32 s7, $0x1;
	s7 =	sadd.s32 s21, s5  }
0xa3: {  	[timem:s9], [sflag:s22] =	dma.local [hbm:s7], s20  }
0xa4: {  	_ =	swait.ge [sflag:s22], s20  }
0xa5: {  	s6 =	ssub.s32 $0x0, s20;
	[sflag:s22] =	ssyncset.done $0x0  }
0xa6: {  	[sflag:s22] =	ssyncadd.s32 s6;
	_ =	sdelay $0x1  }
0xa7: {  	s23 =	simm.s32 $0x1B8B  }
0xa8: {  	_ =	swait.ge [sflag:s23], $0x1  }
0xa9: {  	[sflag:s23] =	ssyncset.done $0x0  }
0xaa: {  	s25 =	simm.s32 $0x1B8E;
	s24 =	sld [smem:$0x3FFE];
	[sflag:s23] =	ssyncadd.s32 $0xFFFFFFFF  }
0xab: {  	s26 =	simm.s32 $execute0_lowered;
	[smem:$0x3FD2] =	sst s25  }
0xac: {  	s7 =	sshll.u32 s26, $0x1;
	_ =	strace $0x80000046;
	[dreg:$0x1] =	wrdreg $0xFFFFFFFF  }
0xad: {  	s28 =	simm.s32 $_size_execute0_lowered;
	s5 =	sadd.s32 s5, s7;
	[dreg:$0x0] =	wrdreg $0x0  }
0xae: {  	s7 =	sshll.u32 s28, $0x1;
	[dreg:$0x2] =	wrdreg s5  }
0xaf: {  	[dreg:$0x3] =	wrdreg s7  }
0xb0: {  	[dreg:$0x4] =	wrdreg $0xC0  }
0xb1: {  	_ =	task [dreg:s9], $0x5FFFF  }
0xb2: {  	[dreg:$0x1] =	wrdreg $0xFFFFFFFF  }
0xb3: {  	[dreg:$0x0] =	wrdreg $0x60  }
0xb4: {  	[dreg:$0x2] =	wrdreg s15  }
0xb5: {  	[dreg:$0x3] =	wrdreg s16  }
0xb6: {  	[dreg:$0x4] =	wrdreg s17  }
0xb7: {  	[dreg:$0x5] =	wrdreg s24  }
0xb8: {  	[dreg:$0x6] =	wrdreg $0x4000  }
0xb9: {  	[dreg:$0x7] =	wrdreg $0x9  }
0xba: {  	_ =	task.clear_ibuf [dreg:s9], $0x8FFFF;
	_ =	strace $0x90000046  }
0xbb: {  	s29 =	simm.s32 $0x9;
	_ =	strace $0x80000048  }
0xbc: {  	_ =	swait.ge [sflag:s29], $0x1  }
0xbd: {  	[sflag:s29] =	ssyncadd.s32 $0xFFFFFFFF  }
0xbe: {  	_ =	strace $0x90000048  }
0xbf: {  	_ =	sfence  }
0xc0: {  	s30 =	sld [smem:$0x0];
	_ =	sdelay $0x2  }
0xc1: {  	s31 =	sshll.u32 s1, $0xD;
	s1 =	sshrl.u32 s1, $0x2  }
0xc2: {  	s3 =	sand.u32 $0x4000, s31;
	s1 =	sadd.s32 s1, s30  }
0xc3: {  	s0 =	sor.u32 s3, s0;
	s1 =	sshll.u32 s1, $0x11  }
0xc4: {  	s0 =	sor.u32 s1, s0  }
0xc5: {  	s0 =	sadd.s32 $0x8F2B, s0  }
0xc6: {  	[sflag:s0] =	ssyncadd.remote.s32 $0x1  }
0xc7: {  	_ =	sfence.sel $0xFFFF  }
0xc8: {  	[dreg:$0x0] =	wrdreg $0xFFFFFFFF;
	(pc) =	sbr.abs _section_cstart, $3  }
0xc9: {  	[dreg:$0x1] =	wrdreg $0xFFFFFFFF  }
0xca: {  	_ =	task.clear_ibuf [dreg:s9], $0x2FFFF;
	_ =	strace $0x9FFFFFFF  }
0xcb: {  	(tm) =	ssettm $0x7FFFFFFF  }
tec
execute0_lowered:
.L_overlay_start_1:
0x0: {  	(tag) =	ssettag $0x1  }
0x1: {  	s10 =	rddreg [dreg:$0x0]  }
0x2: {  	s9 =	rddreg [dreg:$0x1]  }
0x3: {  	s8 =	rddreg [dreg:$0x2]  }
0x4: {  	s4 =	rddreg [dreg:$0x3]  }
0x5: {  	s2 =	rddreg [dreg:$0x4]  }
0x6: {  	s0 =	rddreg [dreg:$0x5];
	s3 =	simm.s32 $0x0  }
0x7: {  	s5 =	srdreg.scid;
	s1 =	stileid.u32;
	s17 =	simm.s32 $0x20  }
0x8: {  	s18 =	simm.s32 $0x10;
	s19 =	simm.s32 $0x2;
	s6 =	smul.u32 $0x500, s1  }
0x9: {  	s20 =	simm.s32 $0x0;
	[smem:$0x7FF] =	sst s3;
	s11 =	smul.u32 $0xA00, s1  }
0xa: {  	s5 =	sand.u32 $0x1, s5;
	s12 =	smul.u32 $0x4F00, s1;
	s15 =	sshll.u32 s1, $0x6  }
0xb: {  	_ =	strace $0x80000047;
	s7 =	sshll.u32 s5, $0x7;
	s28 =	ssub.s32 $0x2, s5  }
0xc: {  	s14 =	smul.u32 $0x2780, s5;
	s15 =	sor.u32 $0x1C01, s15;
	s6 =	sor.u32 s7, s6  }
0xd: {  	s13 =	sshrl.u32 s28, $0x1;
	s30 =	sshrl.u32 s11, $0x2;
	s11 =	simm.s32 $0x180  }
0xe: {  	s6 =	sshrl.u32 s6, $0x3;
	s7 =	ssub.s32 s28, s13;
	s13 =	simm.s32 $0x80  }
.Ltmp0:
0xf: {  	s29 =	sadd.s32 s6, s4;
	s4 =	sadd.s32 s30, s2;
	(pc) =	sbr.rel .LBB2_1-.Ltmp0, $4  }
0x10: {  	s6 =	sadd.s32 s14, s12;
	s7 =	smax.u32 s7, $0x1;
	s14 =	simm.s32 $0x100  }
0x11: {  	v3 =	vlaneseq.u32;
	s5 =	sadd.s32 $0x4800, s29;
	s31 =	sshrl.u32 s6, $0x3;
	s12 =	sshrl.u32 s6, $0x2  }
0x12: {  	v0 =	vimm.f32 $0.0e+00;
	v2 =	vand.u32 $0x7, v3;
	s16 =	sshrl.u32 s4, $0x3;
	s8 =	sadd.s32 s31, s8;
	s10 =	sadd.s32 s12, s10  }
0x13: {  	v1 =	vimm.f32 $1.000000000e+00;
	v3 =	vor.u32 $0x2710, v3;
	v2 =	vor.u32 $0x2710, v2;
	s9 =	sadd.s32 s31, s9;
	s12 =	simm.s32 $0x1;
	s10 =	sadd.s32 $0x10, s10  }
.LBB2_6:
0x14: {  	s20 =	sadd.s32 $0x1, s20  }
0x15: {  	p0 =	sne.s32 s20, s7  }
.Ltmp1:
0x16: {  	[bflag:$0x0] =	sbarrier.arrive $0xFFFF;
	(pc) =	sbr.rel @!p0 .LBB2_7-.Ltmp1, $4  }
0x17: {  	[hbm:s5@s17], [sflag:s15] =	dma.strided [spmem:s16@s18], $0x50, s12, $0x10   }
0x18: {  	_ =	swait.ge [sflag:s12], $0x50  }
0x19: {  	[sflag:s12] =	ssyncset.done $0x0  }
0x1a: {  	[sflag:s12] =	ssyncadd.s32 $0xFFFFFFB0  }
.LBB2_1:
0x1b: {  	[tilespmem:$0x180] =	vst v0  }
0x1c: {  	[tilespmem:$0x190] =	vst v0  }
0x1d: {  	[tilespmem:$0x1A0] =	vst v0  }
0x1e: {  	[tilespmem:$0x1B0] =	vst v0  }
0x1f: {  	[tilespmem:$0x1C0] =	vst v0  }
0x20: {  	[tilespmem:$0x1D0] =	vst v0  }
0x21: {  	[tilespmem:$0x1E0] =	vst v0  }
0x22: {  	[tilespmem:$0x1F0] =	vst v0  }
0x23: {  	[tilespmem:$0x200] =	vst v0  }
0x24: {  	[tilespmem:$0x210] =	vst v0  }
0x25: {  	[tilespmem:$0x220] =	vst v0  }
0x26: {  	[tilespmem:$0x230] =	vst v0  }
0x27: {  	[tilespmem:$0x240] =	vst v0  }
0x28: {  	[tilespmem:$0x250] =	vst v0  }
0x29: {  	[tilespmem:$0x260] =	vst v0  }
0x2a: {  	[tilespmem:$0x270] =	vst v0  }
0x2b: {  	[tilespmem:$0x280] =	vst v0  }
0x2c: {  	[tilespmem:$0x290] =	vst v0  }
0x2d: {  	[tilespmem:$0x2A0] =	vst v0  }
0x2e: {  	[tilespmem:$0x2B0] =	vst v0  }
0x2f: {  	[tilespmem:$0x2C0] =	vst v0  }
0x30: {  	[tilespmem:$0x2D0] =	vst v0  }
0x31: {  	[tilespmem:$0x2E0] =	vst v0  }
0x32: {  	[tilespmem:$0x2F0] =	vst v0  }
0x33: {  	[tilespmem:$0x300] =	vst v0  }
0x34: {  	[tilespmem:$0x310] =	vst v0  }
0x35: {  	[tilespmem:$0x320] =	vst v0  }
0x36: {  	[tilespmem:$0x330] =	vst v0  }
0x37: {  	[tilespmem:$0x340] =	vst v0  }
0x38: {  	[tilespmem:$0x350] =	vst v0  }
0x39: {  	[tilespmem:$0x360] =	vst v0  }
0x3a: {  	[tilespmem:$0x370] =	vst v0  }
0x3b: {  	[tilespmem:$0x380] =	vst v0  }
0x3c: {  	[tilespmem:$0x390] =	vst v0  }
0x3d: {  	[tilespmem:$0x3A0] =	vst v0  }
0x3e: {  	[tilespmem:$0x3B0] =	vst v0  }
0x3f: {  	[tilespmem:$0x3C0] =	vst v0  }
0x40: {  	[tilespmem:$0x3D0] =	vst v0  }
0x41: {  	[tilespmem:$0x3E0] =	vst v0  }
0x42: {  	[tilespmem:$0x3F0] =	vst v0  }
0x43: {  	[spmem:s4] =	stream.linear.scatter [tilespmem:s11], [sflag:$0x1], $0x280, $0x38;
	[tilespmem:$0x680] =	vst v63  }
.Ltmp2:
0x44: {  	_ =	swait.ge [sflag:s12], $0x280;
	(pc) =	sbr.rel .LBB2_2-.Ltmp2, $4  }
0x45: {  	[sflag:s12] =	ssyncset.done $0x0  }
0x46: {  	[sflag:s12] =	ssyncadd.s32 $0xFFFFFD80  }
0x47: {  	[bflag:$0x0] =	sbarrier.arrive $0xFFFF  }
0x48: {  	s21 =	smov.u32 s6;
	s22 =	smov.u32 s10;
	s23 =	simm.s32 $0x0  }
.LBB2_4:
0x49: {  	[tilespmem:$0x0] =	vst v2  }
0x4a: {  	[tilespmem:$0x80] =	vst v3  }
0x4b: {  	[tilespmem:$0x10] =	vst v2  }
0x4c: {  	[tilespmem:$0x90] =	vst v3  }
0x4d: {  	[tilespmem:$0x20] =	vst v2  }
0x4e: {  	[tilespmem:$0xA0] =	vst v3  }
0x4f: {  	[tilespmem:$0x30] =	vst v2  }
0x50: {  	[tilespmem:$0xB0] =	vst v3  }
0x51: {  	[tilespmem:$0x40] =	vst v2  }
0x52: {  	[tilespmem:$0xC0] =	vst v3  }
0x53: {  	[tilespmem:$0x50] =	vst v2  }
0x54: {  	[tilespmem:$0xD0] =	vst v3  }
0x55: {  	[tilespmem:$0x60] =	vst v2  }
0x56: {  	[tilespmem:$0xE0] =	vst v3  }
0x57: {  	[tilespmem:$0x70] =	vst v2  }
0x58: {  	[tilespmem:$0xF0] =	vst v3;
	s24 =	sadd.s32 s23, s9  }
0x59: {  	[hbm4b:s24+s3] =	stream.linear.scatter [tilespmem:s3], [sflag:$0x2], $0x80, $0x38;
	[tilespmem:$0x680] =	vst v63  }
0x5a: {  	_ =	swait.ge [sflag:s19], $0x80  }
0x5b: {  	[sflag:s19] =	ssyncset.done $0x0  }
0x5c: {  	s31 =	sadd.s32 s23, s8;
	s24 =	simm.s32 $0x1;
	[sflag:s19] =	ssyncadd.s32 $0xFFFFFF80  }
0x5d: {  	[hbm4b:s31+s3] =	stream.linear.scatter [tilespmem:s13], [sflag:$0x1], $0x80, $0x38;
	[tilespmem:$0x680] =	vst v63  }
.LBB2_5:
0x5e: {  	s23 =	sadd.s32 $0x10, s23  }
0x5f: {  	p0 =	sne.s32 s23, $0x4F0  }
.Ltmp3:
0x60: {  	_ = 	snop;
	(pc) =	sbr.rel @!p0 .LBB2_6-.Ltmp3, $4  }
0x61: {  	_ = 	snop  }
0x62: {  	_ =	swait.ge [sflag:s24], $0x80  }
0x63: {  	[sflag:s24] =	ssyncset.done $0x0  }
0x64: {  	s22 =	sadd.s32 $0x20, s22;
	s21 =	sadd.s32 $0x80, s21;
	[sflag:s24] =	ssyncadd.s32 $0xFFFFFF80  }
.LBB2_2:
0x65: {  	p0 =	sgt.u32 s21, $0x4E1FF  }
.Ltmp4:
0x66: {  	_ = 	snop;
	(pc) =	sbr.rel @p0 .LBB2_4-.Ltmp4, $1  }
0x67: {  	_ =	sdelay $0x3  }
0x68: {  	s24 =	sadd.s32 $0xFFFFFFF0, s22  }
0x69: {  	[tilespmem:s3], [sflag:$0x2] =	stream.linear.gather [hbm4b:s24+s3], $0x80, $0x38;
	[tilespmem:$0x680] =	vst v63  }
0x6a: {  	s24 =	simm.s32 $0x2  }
0x6b: {  	_ =	swait.ge [sflag:s24], $0x80  }
0x6c: {  	[sflag:s24] =	ssyncset.done $0x0  }
0x6d: {  	[sflag:s24] =	ssyncadd.s32 $0xFFFFFF80  }
0x6e: {  	[tilespmem:s13], [sflag:$0x2] =	stream.linear.gather [hbm4b:s22+s3], $0x80, $0x38;
	[tilespmem:$0x680] =	vst v63  }
0x6f: {  	_ =	swait.ge [sflag:s24], $0x80  }
0x70: {  	[sflag:s24] =	ssyncset.done $0x0  }
0x71: {  	[sflag:s24] =	ssyncadd.s32 $0xFFFFFF80  }
0x72: {  	v4 =	vld [tilespmem:$0x0]  }
0x73: {  	v5 =	vld [tilespmem:$0x80]  }
0x74: {  	v6 =	vld [tilespmem:$0x10]  }
0x75: {  	v7 =	vld [tilespmem:$0x90]  }
0x76: {  	v8 =	vld [tilespmem:$0x20]  }
0x77: {  	v10 =	vld [tilespmem:$0xA0];
	v9 =	vand.u32 $0x7, v4  }
0x78: {  	v55 =	vld [tilespmem:$0x30];
	vm0 =	veq.s32 v4, v5;
	v5 =	vor.u32 $0x2710, v9  }
0x79: {  	v11 =	vld [tilespmem:$0xB0];
	v4 =	vsel vm0, v5, v4;
	v5 =	vand.u32 $0x7, v6  }
0x7a: {  	v56 =	vld [tilespmem:$0x40];
	vm9 =	veq.s32 v6, v7;
	[tilespmem:$0x0] =	vst v4;
	v4 =	vsel vm0, $0x0, v1;
	v5 =	vor.u32 $0x2710, v5  }
0x7b: {  	v57 =	vld [tilespmem:$0xC0];
	[tilespmem:$0x100] =	vst v4;
	v4 =	vsel vm9, v5, v6;
	v5 =	vand.u32 $0x7, v8  }
0x7c: {  	v58 =	vld [tilespmem:$0x50];
	vm10 =	veq.s32 v8, v10;
	[tilespmem:$0x10] =	vst v4;
	v4 =	vsel vm9, $0x0, v1;
	v5 =	vor.u32 $0x2710, v5  }
0x7d: {  	v59 =	vld [tilespmem:$0xD0];
	[tilespmem:$0x110] =	vst v4;
	v4 =	vsel vm10, v5, v8;
	v5 =	vand.u32 $0x7, v55  }
0x7e: {  	v60 =	vld [tilespmem:$0x60];
	vm11 =	veq.s32 v55, v11;
	[tilespmem:$0x20] =	vst v4;
	v4 =	vsel vm10, $0x0, v1;
	v5 =	vor.u32 $0x2710, v5  }
0x7f: {  	v61 =	vld [tilespmem:$0xE0];
	[tilespmem:$0x120] =	vst v4;
	v4 =	vsel vm11, v5, v55;
	v5 =	vand.u32 $0x7, v56  }
0x80: {  	v62 =	vld [tilespmem:$0x70];
	vm12 =	veq.s32 v56, v57;
	[tilespmem:$0x30] =	vst v4;
	v4 =	vsel vm11, $0x0, v1;
	v5 =	vor.u32 $0x2710, v5  }
0x81: {  	v63 =	vld [tilespmem:$0xF0];
	[tilespmem:$0x130] =	vst v4;
	v4 =	vsel vm12, v5, v56;
	v5 =	vand.u32 $0x7, v58  }
0x82: {  	vm13 =	veq.s32 v58, v59;
	[tilespmem:$0x40] =	vst v4;
	v4 =	vsel vm12, $0x0, v1;
	v5 =	vor.u32 $0x2710, v5  }
0x83: {  	[tilespmem:$0x140] =	vst v4;
	v4 =	vsel vm13, v5, v58;
	v5 =	vand.u32 $0x7, v60  }
0x84: {  	vm14 =	veq.s32 v60, v61;
	[tilespmem:$0x50] =	vst v4;
	v4 =	vsel vm13, $0x0, v1;
	v5 =	vor.u32 $0x2710, v5  }
0x85: {  	[tilespmem:$0x150] =	vst v4;
	v4 =	vsel vm14, v5, v60;
	v5 =	vand.u32 $0x7, v62  }
0x86: {  	vm15 =	veq.s32 v62, v63;
	[tilespmem:$0x60] =	vst v4;
	v4 =	vsel vm14, $0x0, v1;
	v5 =	vor.u32 $0x2710, v5  }
0x87: {  	[tilespmem:$0x160] =	vst v4;
	v4 =	vsel vm15, v5, v62  }
0x88: {  	[tilespmem:$0x70] =	vst v4;
	v4 =	vsel vm15, $0x0, v1  }
0x89: {  	s25 =	sadd.s32 s23, s9;
	[tilespmem:$0x170] =	vst v4  }
0x8a: {  	[hbm4b:s25+s3] =	stream.linear.scatter [tilespmem:s3], [sflag:$0x2], $0x80, $0x38;
	[tilespmem:$0x680] =	vst v63  }
0x8b: {  	_ =	swait.ge [sflag:s24], $0x80  }
0x8c: {  	[sflag:s24] =	ssyncset.done $0x0  }
0x8d: {  	s31 =	sadd.s32 s23, s8;
	[sflag:s24] =	ssyncadd.s32 $0xFFFFFF80  }
0x8e: {  	[hbm4b:s31+s3] =	stream.linear.scatter [tilespmem:s13], [sflag:$0x2], $0x80, $0x38;
	[tilespmem:$0x680] =	vst v63  }
.Ltmp5:
0x8f: {  	_ = 	snop;
	(pc) =	sbr.rel .LBB2_5-.Ltmp5, $4  }
0x90: {  	_ =	swait.ge [sflag:s24], $0x80  }
0x91: {  	[sflag:s24] =	ssyncset.done $0x0  }
0x92: {  	[sflag:s24] =	ssyncadd.s32 $0xFFFFFF80  }
0x93: {  	[spmem:s2] =	stream.indirect.scatter.add.f32 [tilespmem:s14], [sflag:$0x2], $0x1, s3, s13, $0xb8;
	[tilespmem:$0x680] =	vst v63  }
.LBB2_7:
0x94: {  	_ =	sfence.sel $0x180000  }
0x95: {  	[bflag:$0x0] =	sbarrier.arrive $0xFFFF  }
0x96: {  	p0 =	sne.s32 s1, $0x0;
	_ =	strace $0x90000047  }
0x97: {  	s0 =	sadd.s32 @!p0 $0x100000, s0;
	[bflag:$0x2] =	sbarrier.arrive $0xFFFF  }
0x98: {  	[sflag:s0] =	ssyncadd.tile.s32 @!p0 $0x1;
	_ =	shalt  }
.Lfunc_end2:
_tile_overlayer_lowered:
.L_overlay_start_2:
0x99: {  	(tag) =	ssettag $0x2  }
0x9a: {  	s0 =	rddreg [dreg:$0x0];
	s2 =	stileid.u32  }
0x9b: {  	s1 =	rddreg [dreg:$0x1];
	p0 =	sne.s32 s2, $0x0  }
0x9c: {  	s3 =	rddreg [dreg:$0x2];
	[bflag:$0x3] =	sbarrier.arrive $0xFFFF;
	s2 =	simm.s32 @!p0 $0x1C01  }
0x9d: {  	[timem:s3], [sflag:s2] =	dma.local @!p0 [hbm:s0], s1  }
0x9e: {  	s0 =	simm.s32 @!p0 $0x1  }
0x9f: {  	_ =	swait.ge @!p0 [sflag:s0], s1  }
0xa0: {  	s1 =	ssub.s32 @!p0 $0x0, s1;
	[sflag:s0] =	ssyncset.done @!p0 $0x0  }
0xa1: {  	[sflag:s0] =	ssyncadd.s32 @!p0 s1  }
0xa2: {  	[bflag:$0x3] =	sbarrier.arrive $0xFFFF  }
0xa3: {  	_ =	shalt  }

// kernel: kernel.17.cloned.1.call-start
scs
__scs_entry_jumppad:
0x0: {  	(pc) =	sbr.rel $0x88, $3  }
0x1: {  	(tag) =	ssettag $0x0;
	lr =	simm.s32 $0x1  }
0x2: {  	[smem:$0x3F99] =	sst lr;
	_ =	strace $0xD0000000  }
0x3: {  	_ = 	snop  }
0x4: {  	_ = 	snop  }
0x5: {  	_ = 	snop  }
0x6: {  	_ = 	snop  }
0x7: {  	_ = 	snop  }
__scs_overlays_trampoline_lowered:
0x8: {  	[smem:$0x3FA8] =	sst s0  }
0x9: {  	[smem:$0x3FA9] =	sst s1  }
0xa: {  	[smem:$0x3FAA] =	sst s2  }
0xb: {  	[smem:$0x3FAB] =	sst s3  }
0xc: {  	[smem:$0x3FAC] =	sst s4  }
0xd: {  	[smem:$0x3FAD] =	sst s5  }
0xe: {  	[smem:$0x3FAE] =	sst s6  }
0xf: {  	[smem:$0x3FAF] =	sst s7  }
0x10: {  	[smem:$0x3FB0] =	sst s8  }
0x11: {  	[smem:$0x3FB1] =	sst s9;
	s0 =	simm.s32 @!p0 $0x0  }
0x12: {  	s1 =	sld [smem:$0x3F97];
	s0 =	simm.s32 @p0 $0x1  }
0x13: {  	[smem:$0x3FB2] =	sst s0;
	s0 =	simm.s32 @!p1 $0x0  }
0x14: {  	s2 =	sld [smem:$0x3F96];
	s0 =	simm.s32 @p1 $0x1  }
0x15: {  	[smem:$0x3FB3] =	sst s0;
	s0 =	simm.s32 @!p2 $0x0  }
0x16: {  	s3 =	sld [smem:$0x3FDB];
	s0 =	simm.s32 @p2 $0x1  }
0x17: {  	s4 =	simm.s32 $0x1BF5;
	[smem:$0x3FB5] =	sst s0  }
0x18: {  	s0 =	sld [smem:$0x3F98];
	_ =	swait.ge [sflag:s4], $0x0  }
0x19: {  	s7 =	sld [smem:$0x3F99]  }
0x1a: {  	s8 =	sadd.s32 $0xFFFFE003, lr  }
0x1b: {  	s9 =	sadd.s32 $0xFFFFFEF7, lr;
	s5 =	simm.s32 $0xFFFFFFFF;
	p2 =	slt.u32 s8, $0xFFFFF086  }
0x1c: {  	p1 =	slt.u32 s9, $0xF7A;
	s5 =	simm.s32 @!p2 $0x0  }
0x1d: {  	s5 =	simm.s32 @p1 $0x1;
	p0 =	seq.s32 s7, s2  }
0x1e: {  	s7 =	smul.u32 @!p0 $0xF7A, s2;
	p2 =	seq.s32 @!p0 s5, $0x0  }
0x1f: {  	s9 =	smul.u32 $0xF7A, s1;
	s8 =	simm.s32 @!p0 $0x1BF5;
	p2 =	por !p2, p0  }
0x20: {  	[sflag:s8] =	ssyncset.s32 @!p0 $0xFFFFF086;
	s6 =	sadd.s32 @!p0 s3, s7;
	s7 =	simm.s32 @!p0 $0x108  }
0x21: {  	s3 =	sadd.s32 s3, s9;
	s6 =	sadd.s32 @!p0 $0x88, s6;
	s7 =	simm.s32 @p2 $0x1082  }
0x22: {  	[simem:s7], [sflag:s8] =	dma.local @!p0 [hbm:s6], $0xF7A  }
0x23: {  	s9 =	sor.u32 $0xD0000000, s2;
	s6 =	simm.s32 $0x108;
	_ =	swait.ge @!p0 [sflag:s8], $0x0  }
0x24: {  	s3 =	sadd.s32 $0x88, s3;
	s6 =	simm.s32 @!p1 $0x1082;
	[sflag:s4] =	ssyncset.s32 $0xFFFFF086  }
0x25: {  	[simem:s6], [sflag:s4] =	dma.local [hbm:s3], $0xF7A  }
0x26: {  	[smem:$0x3F99] =	sst s1;
	(tag) =	ssettag s2;
	_ =	strace s9  }
0x27: {  	s1 =	sld [smem:$0x3FA9]  }
0x28: {  	s2 =	sld [smem:$0x3FAA]  }
0x29: {  	s4 =	sld [smem:$0x3FAC]  }
0x2a: {  	p0 =	seq.s32 s5, $0x0;
	s5 =	sld [smem:$0x3FAD]  }
0x2b: {  	s6 =	sld [smem:$0x3FAE]  }
0x2c: {  	s7 =	sld [smem:$0x3FAF]  }
0x2d: {  	s3 =	simm.s32 $0x108;
	s8 =	sld [smem:$0x3FB0]  }
0x2e: {  	s3 =	simm.s32 @!p0 $0x1082;
	s9 =	sld [smem:$0x3FB1]  }
0x2f: {  	lr =	sadd.s32 s0, s3;
	s0 =	sld [smem:$0x3FA8]  }
0x30: {  	s3 =	sld [smem:$0x3FAB]  }
0x31: {  	[smem:$0x3FB4] =	sst s10  }
0x32: {  	s10 =	sld [smem:$0x3FB2];
	_ =	sdelay $0x3  }
0x33: {  	p0 =	seq.s32 s10, $0x1;
	s10 =	sld [smem:$0x3FB4];
	_ =	sdelay $0x3  }
0x34: {  	[smem:$0x3FB4] =	sst s10  }
0x35: {  	s10 =	sld [smem:$0x3FB3];
	_ =	sdelay $0x3  }
0x36: {  	p1 =	seq.s32 s10, $0x1;
	s10 =	sld [smem:$0x3FB4];
	_ =	sdelay $0x3  }
0x37: {  	[smem:$0x3FB4] =	sst s10  }
0x38: {  	s10 =	sld [smem:$0x3FB5]  }
0x39: {  	_ = 	snop;
	(pc) =	sbr.ind lr, $3  }
0x3a: {  	_ = 	snop  }
0x3b: {  	_ = 	snop  }
0x3c: {  	p2 =	seq.s32 s10, $0x1;
	s10 =	sld [smem:$0x3FB4]  }
0x3d: {  	_ =	shalt  }
0x3e: {  	_ =	shalt  }
0x3f: {  	_ =	shalt  }
0x40: {  	_ =	shalt  }
0x41: {  	_ =	shalt  }
0x42: {  	_ =	shalt  }
0x43: {  	_ =	shalt  }
0x44: {  	_ =	shalt  }
0x45: {  	_ =	shalt  }
0x46: {  	_ =	shalt  }
0x47: {  	_ =	shalt  }
0x48: {  	_ =	shalt  }
0x49: {  	_ =	shalt  }
0x4a: {  	_ =	shalt  }
0x4b: {  	_ =	shalt  }
0x4c: {  	_ =	shalt  }
0x4d: {  	_ =	shalt  }
0x4e: {  	_ =	shalt  }
0x4f: {  	_ =	shalt  }
0x50: {  	_ =	shalt  }
0x51: {  	_ =	shalt  }
0x52: {  	_ =	shalt  }
0x53: {  	_ =	shalt  }
0x54: {  	_ =	shalt  }
0x55: {  	_ =	shalt  }
0x56: {  	_ =	shalt  }
0x57: {  	_ =	shalt  }
0x58: {  	_ =	shalt  }
0x59: {  	_ =	shalt  }
0x5a: {  	_ =	shalt  }
0x5b: {  	_ =	shalt  }
0x5c: {  	_ =	shalt  }
0x5d: {  	_ =	shalt  }
0x5e: {  	_ =	shalt  }
0x5f: {  	_ =	shalt  }
0x60: {  	_ =	shalt  }
0x61: {  	_ =	shalt  }
0x62: {  	_ =	shalt  }
0x63: {  	_ =	shalt  }
0x64: {  	_ =	shalt  }
0x65: {  	_ =	shalt  }
0x66: {  	_ =	shalt  }
0x67: {  	_ =	shalt  }
0x68: {  	_ =	shalt  }
0x69: {  	_ =	shalt  }
0x6a: {  	_ =	shalt  }
0x6b: {  	_ =	shalt  }
0x6c: {  	_ =	shalt  }
0x6d: {  	_ =	shalt  }
0x6e: {  	_ =	shalt  }
0x6f: {  	_ =	shalt  }
0x70: {  	_ =	shalt  }
0x71: {  	_ =	shalt  }
0x72: {  	_ =	shalt  }
0x73: {  	_ =	shalt  }
0x74: {  	_ =	shalt  }
0x75: {  	_ =	shalt  }
0x76: {  	_ =	shalt  }
0x77: {  	_ =	shalt  }
0x78: {  	_ =	shalt  }
0x79: {  	_ =	shalt  }
0x7a: {  	_ =	shalt  }
0x7b: {  	_ =	shalt  }
0x7c: {  	_ =	shalt  }
0x7d: {  	_ =	shalt  }
0x7e: {  	_ =	shalt  }
0x7f: {  	_ =	shalt  }
0x80: {  	_ =	shalt  }
0x81: {  	_ =	shalt  }
0x82: {  	_ =	shalt  }
0x83: {  	_ =	shalt  }
0x84: {  	_ =	shalt  }
0x85: {  	_ =	shalt  }
0x86: {  	_ =	shalt  }
0x87: {  	_ =	shalt  }
.Lfunc_end0:
.L_simem_size_0:
called_computation.1_lowered:
.L_overlay_start_0:
0x88: {  	s2 =	sld [smem:$0x3FD9]  }
0x89: {  	s3 =	sld [smem:$0x3FFE];
	_ =	sdelay $0x1  }
0x8a: {  	s1 =	srdreg.scid  }
0x8b: {  	s0 =	sand.u32 $0x1, s1  }
0x8c: {  	s14 =	sshll.u32 s0, $0xA;
	s2 =	sadd.s32 s3, s2  }
0x8d: {  	s2 =	sadd.s32 s2, s14  }
0x8e: {  	[smem:$0x3FC0] =	sst s2  }
0x8f: {  	_ = 	snop  }
0x90: {  	s2 =	sld [smem:$0x3FD0];
	_ =	sdelay $0x2  }
0x91: {  	s15 =	simm.s32 $0xA;
	s4 =	simm.s32 $0x10  }
0x92: {  	[smem:s4], [sflag:s15] =	dma.local [hbm:s2], $0x1  }
0x93: {  	_ =	swait.eq [sflag:s15], $0x1  }
0x94: {  	[sflag:s15] =	ssyncset.done $0x0  }
0x95: {  	s16 =	sld [smem:$0x10];
	[sflag:s15] =	ssyncadd.s32 $0xFFFFFFFF  }
0x96: {  	s17 =	sld [smem:$0x11];
	(tm) =	ssettm $0x1  }
0x97: {  	s18 =	sld [smem:$0x3FFB];
	_ =	sdelay $0x3  }
0x98: {  	_ =	strace s18  }
0x99: {  	s4 =	sld [smem:$0x3FFC];
	_ =	sdelay $0x3  }
0x9a: {  	_ =	strace s4  }
0x9b: {  	s4 =	sld [smem:$0x3FFD];
	_ =	sdelay $0x3  }
0x9c: {  	_ =	strace s4  }
0x9d: {  	_ =	strace $0x8FFFFFFF  }
0x9e: {  	s19 =	sld [smem:$0x3FDB];
	_ =	sdelay $0x1  }
0x9f: {  	s5 =	simm.s32 $_scs_section_size  }
0xa0: {  	s6 =	simm.s32 $_size__tile_overlayer_lowered;
	s7 =	simm.s32 $_tile_overlayer_lowered  }
0xa1: {  	s22 =	simm.s32 $0x1BFF;
	s21 =	sshll.u32 s7, $0x1;
	s4 =	sadd.s32 s5, s19  }
0xa2: {  	s8 =	simm.s32 $0x0;
	s20 =	sshll.u32 s6, $0x1;
	s6 =	sadd.s32 s21, s4  }
0xa3: {  	[timem:s8], [sflag:s22] =	dma.local [hbm:s6], s20  }
0xa4: {  	_ =	swait.ge [sflag:s22], s20  }
0xa5: {  	s5 =	ssub.s32 $0x0, s20;
	[sflag:s22] =	ssyncset.done $0x0  }
0xa6: {  	[sflag:s22] =	ssyncadd.s32 s5;
	_ =	sdelay $0x1  }
0xa7: {  	s23 =	simm.s32 $0x1B8B  }
0xa8: {  	_ =	swait.ge [sflag:s23], $0x1  }
0xa9: {  	[sflag:s23] =	ssyncset.done $0x0  }
0xaa: {  	s25 =	simm.s32 $0x1B8E;
	s24 =	sld [smem:$0x3FFE];
	[sflag:s23] =	ssyncadd.s32 $0xFFFFFFFF  }
0xab: {  	s26 =	simm.s32 $execute0_lowered;
	[smem:$0x3FD2] =	sst s25  }
0xac: {  	s6 =	sshll.u32 s26, $0x1;
	_ =	strace $0x80000049;
	[dreg:$0x1] =	wrdreg $0xFFFFFFFF  }
0xad: {  	s28 =	simm.s32 $_size_execute0_lowered;
	s4 =	sadd.s32 s4, s6;
	[dreg:$0x0] =	wrdreg $0x0  }
0xae: {  	s6 =	sshll.u32 s28, $0x1;
	[dreg:$0x2] =	wrdreg s4  }
0xaf: {  	[dreg:$0x3] =	wrdreg s6  }
0xb0: {  	[dreg:$0x4] =	wrdreg $0xC0  }
0xb1: {  	_ =	task [dreg:s8], $0x5FFFF  }
0xb2: {  	[dreg:$0x1] =	wrdreg $0xFFFFFFFF  }
0xb3: {  	[dreg:$0x0] =	wrdreg $0x60  }
0xb4: {  	[dreg:$0x2] =	wrdreg s24  }
0xb5: {  	[dreg:$0x3] =	wrdreg s16  }
0xb6: {  	[dreg:$0x4] =	wrdreg s17  }
0xb7: {  	[dreg:$0x5] =	wrdreg $0x82000  }
0xb8: {  	[dreg:$0x6] =	wrdreg $0x9  }
0xb9: {  	_ =	task.clear_ibuf [dreg:s8], $0x7FFFF;
	_ =	strace $0x90000049  }
0xba: {  	s29 =	simm.s32 $0x9;
	_ =	strace $0x8000004B  }
0xbb: {  	_ =	swait.ge [sflag:s29], $0x1  }
0xbc: {  	[sflag:s29] =	ssyncadd.s32 $0xFFFFFFFF  }
0xbd: {  	_ =	strace $0x9000004B  }
0xbe: {  	_ =	sfence  }
0xbf: {  	s30 =	sld [smem:$0x0];
	_ =	sdelay $0x2  }
0xc0: {  	s31 =	sshll.u32 s1, $0xD;
	s1 =	sshrl.u32 s1, $0x2  }
0xc1: {  	s3 =	sand.u32 $0x4000, s31;
	s1 =	sadd.s32 s1, s30  }
0xc2: {  	s0 =	sor.u32 s3, s0;
	s1 =	sshll.u32 s1, $0x11  }
0xc3: {  	s0 =	sor.u32 s1, s0  }
0xc4: {  	s0 =	sadd.s32 $0x8F2B, s0  }
0xc5: {  	[sflag:s0] =	ssyncadd.remote.s32 $0x1  }
0xc6: {  	_ =	sfence.sel $0xFFFF  }
0xc7: {  	[dreg:$0x0] =	wrdreg $0xFFFFFFFF;
	(pc) =	sbr.abs _section_cstart, $3  }
0xc8: {  	[dreg:$0x1] =	wrdreg $0xFFFFFFFF  }
0xc9: {  	_ =	task.clear_ibuf [dreg:s8], $0x2FFFF;
	_ =	strace $0x9FFFFFFF  }
0xca: {  	(tm) =	ssettm $0x7FFFFFFF  }
0xcb: {  	_ =	shalt  }
tec
execute0_lowered:
.L_overlay_start_1:
0x0: {  	(tag) =	ssettag $0x1  }
0x1: {  	s0 =	rddreg [dreg:$0x0]  }
0x2: {  	s1 =	rddreg [dreg:$0x1]  }
0x3: {  	s2 =	rddreg [dreg:$0x2]  }
0x4: {  	s3 =	rddreg [dreg:$0x3]  }
0x5: {  	s4 =	srdreg.scid;
	s5 =	simm.s32 $0x0;
	s23 =	stileid.u32  }
0x6: {  	s19 =	simm.s32 $0x100;
	s20 =	simm.s32 $0x3;
	s21 =	simm.s32 $0x80  }
0x7: {  	s22 =	simm.s32 $0x4100;
	s28 =	simm.s32 $0x0;
	s9 =	smul.u32 $0x14000, s23  }
0x8: {  	s8 =	sand.u32 $0x1, s4;
	[smem:$0x7FF] =	sst s5;
	s10 =	smul.u32 $0x50000, s23  }
0x9: {  	s6 =	sadd.s32 $0x2D200, s0;
	s24 =	sshll.u32 s23, $0x1;
	s13 =	smul.u32 $0x4F00, s23  }
0xa: {  	s23 =	simm.s32 $0x4200;
	s7 =	smul.u32 $0x140000, s8;
	s25 =	ssub.s32 $0x2, s8  }
0xb: {  	_ =	strace $0x8000004A;
	s14 =	smul.u32 $0x2780, s8;
	s26 =	sshrl.u32 s25, $0x1  }
0xc: {  	s10 =	sshrl.u32 s10, $0x2;
	s7 =	sadd.s32 s9, s7;
	s9 =	sor.u32 s8, s24  }
0xd: {  	s15 =	ssub.s32 s25, s26;
	s17 =	sadd.s32 s14, s13;
	s24 =	simm.s32 $0x4180  }
0xe: {  	s25 =	simm.s32 $0x1;
	s26 =	simm.s32 $0x2;
	s7 =	sshrl.u32 s7, $0x3  }
0xf: {  	s12 =	smul.u32 $0x2780, s9;
	s30 =	sadd.s32 $0x80, s17;
	s15 =	smax.u32 s15, $0x1  }
0x10: {  	s0 =	sadd.s32 s7, s0;
	s7 =	sadd.s32 s10, s3;
	s31 =	sshrl.u32 s30, $0x3  }
0x11: {  	s29 =	sadd.s32 $0x4000, s7;
	s9 =	sadd.s32 $0x8000, s7;
	s10 =	sadd.s32 $0xC000, s7  }
0x12: {  	s11 =	sadd.s32 $0x10000, s7;
	s16 =	sshrl.u32 s12, $0x3;
	s14 =	sadd.s32 $0x55200, s0  }
0x13: {  	s18 =	sadd.s32 s31, s1;
	[dreg:$0x5] =	wrdreg s29;
	s12 =	sadd.s32 s1, s16  }
0x14: {  	v0 =	vimm.f32 $0.0e+00;
	s13 =	sadd.s32 s2, s16;
	s16 =	sadd.s32 $0x100, s17;
	s17 =	sadd.s32 s31, s2  }
.LBB2_1:
0x15: {  	s29 =	simm.s32 $0x0;
	s30 =	simm.s32 $0x200  }
.LBB2_2:
0x16: {  	p0 =	sne.s32 s30, $0xFE00;
	[tilespmem:s29+$0x170] =	vst v0  }
0x17: {  	[tilespmem:s29+$0x100] =	vst v0  }
0x18: {  	[tilespmem:s29+$0x110] =	vst v0  }
.Ltmp0:
0x19: {  	[tilespmem:s29+$0x120] =	vst v0;
	(pc) =	sbr.rel @p0 .LBB2_2-.Ltmp0, $4  }
0x1a: {  	[tilespmem:s29+$0x130] =	vst v0  }
0x1b: {  	[tilespmem:s29+$0x140] =	vst v0  }
0x1c: {  	[tilespmem:s29+$0x150] =	vst v0  }
0x1d: {  	[tilespmem:s29+$0x160] =	vst v0;
	s29 =	sshra.s32 s30, $0x2;
	s30 =	sadd.s32 $0x200, s30  }
0x1e: {  	[tilespmem:s29+$0x170] =	vst v0  }
0x1f: {  	[tilespmem:s29+$0x100] =	vst v0  }
0x20: {  	[tilespmem:s29+$0x110] =	vst v0  }
0x21: {  	[tilespmem:s29+$0x120] =	vst v0  }
0x22: {  	[tilespmem:s29+$0x130] =	vst v0  }
0x23: {  	[tilespmem:s29+$0x140] =	vst v0  }
0x24: {  	[tilespmem:s29+$0x150] =	vst v0  }
0x25: {  	[tilespmem:s29+$0x160] =	vst v0  }
0x26: {  	[spmem:s7] =	stream.linear.scatter [tilespmem:s19], [sflag:$0x3], $0x4000, $0x38;
	[tilespmem:$0x1C200] =	vst v63  }
0x27: {  	_ =	swait.ge [sflag:s20], $0x4000  }
0x28: {  	[sflag:s20] =	ssyncset.done $0x0  }
0x29: {  	s0 =	rddreg [dreg:$0x5];
	[sflag:s20] =	ssyncadd.s32 $0xFFFFC000  }
0x2a: {  	[spmem:s0] =	stream.linear.scatter [tilespmem:s19], [sflag:$0x3], $0x4000, $0x38;
	[tilespmem:$0x1C200] =	vst v63  }
0x2b: {  	_ =	swait.ge [sflag:s20], $0x4000  }
0x2c: {  	[sflag:s20] =	ssyncset.done $0x0  }
0x2d: {  	[sflag:s20] =	ssyncadd.s32 $0xFFFFC000  }
0x2e: {  	[spmem:s9] =	stream.linear.scatter [tilespmem:s19], [sflag:$0x3], $0x4000, $0x38;
	[tilespmem:$0x1C200] =	vst v63  }
0x2f: {  	_ =	swait.ge [sflag:s20], $0x4000  }
0x30: {  	[sflag:s20] =	ssyncset.done $0x0  }
0x31: {  	[sflag:s20] =	ssyncadd.s32 $0xFFFFC000  }
0x32: {  	[spmem:s10] =	stream.linear.scatter [tilespmem:s19], [sflag:$0x3], $0x4000, $0x38;
	[tilespmem:$0x1C200] =	vst v63  }
0x33: {  	_ =	swait.ge [sflag:s20], $0x4000  }
0x34: {  	[sflag:s20] =	ssyncset.done $0x0  }
0x35: {  	[sflag:s20] =	ssyncadd.s32 $0xFFFFC000  }
0x36: {  	[spmem:s11] =	stream.linear.scatter [tilespmem:s19], [sflag:$0x3], $0x4000, $0x38;
	[tilespmem:$0x1C200] =	vst v63  }
0x37: {  	_ =	swait.ge [sflag:s20], $0x4000  }
0x38: {  	[sflag:s20] =	ssyncset.done $0x0  }
0x39: {  	[sflag:s20] =	ssyncadd.s32 $0xFFFFC000  }
0x3a: {  	s4 =	simm.s32 $0x0;
	[bflag:$0x0] =	sbarrier.arrive $0xFFFF  }
0x3b: {  	[tilespmem:s4], [sflag:$0x3] =	stream.linear.gather [hbm4b:s12+s4], $0x80, $0x38;
	[tilespmem:$0x1C200] =	vst v63  }
0x3c: {  	_ =	swait.ge [sflag:s20], $0x80  }
0x3d: {  	[sflag:s20] =	ssyncset.done $0x0  }
0x3e: {  	[sflag:s20] =	ssyncadd.s32 $0xFFFFFF80  }
0x3f: {  	[tilespmem:s19], [sflag:$0x1] =	stream.indirect.gather [hbm4b:s6+s21], $0x80, s4, s21, $0xb8;
	[tilespmem:$0x1C200] =	vst v63  }
0x40: {  	_ = 	snop  }
0x41: {  	[tilespmem:s21], [sflag:$0x3] =	stream.linear.gather [hbm4b:s13+s4], $0x80, $0x38;
	[tilespmem:$0x1C200] =	vst v63  }
0x42: {  	_ =	swait.ge [sflag:s20], $0x80  }
0x43: {  	[sflag:s20] =	ssyncset.done $0x0  }
0x44: {  	s8 =	sadd.s32 $0x0, s18;
	[sflag:s20] =	ssyncadd.s32 $0xFFFFFF80  }
0x45: {  	[tilespmem:s22], [sflag:$0x3] =	stream.linear.gather [hbm4b:s8+s5], $0x80, $0x38;
	[tilespmem:$0x1C200] =	vst v63  }
0x46: {  	_ =	swait.ge [sflag:s20], $0x80  }
0x47: {  	[sflag:s20] =	ssyncset.done $0x0  }
0x48: {  	[sflag:s20] =	ssyncadd.s32 $0xFFFFFF80  }
0x49: {  	[tilespmem:s23], [sflag:$0x2] =	stream.indirect.gather [hbm4b:s6+s21], $0x80, s22, s21, $0xb8;
	[tilespmem:$0x1C200] =	vst v63  }
0x4a: {  	s4 =	sadd.s32 $0x0, s17  }
0x4b: {  	[tilespmem:s24], [sflag:$0x3] =	stream.linear.gather [hbm4b:s4+s5], $0x80, $0x38;
	[tilespmem:$0x1C200] =	vst v63  }
0x4c: {  	_ =	swait.ge [sflag:s20], $0x80  }
0x4d: {  	[sflag:s20] =	ssyncset.done $0x0  }
0x4e: {  	[sflag:s20] =	ssyncadd.s32 $0xFFFFFF80  }
0x4f: {  	_ =	swait.ge [sflag:s25], $0x4000  }
0x50: {  	[sflag:s25] =	ssyncset.done $0x0  }
0x51: {  	[sflag:s25] =	ssyncadd.s32 $0xFFFFC000  }
0x52: {  	[spmem:s3] =	stream.indirect.scatter.add.f32 [tilespmem:s19], [sflag:$0x3], $0x80, s21, s21, $0xb8;
	[tilespmem:$0x1C200] =	vst v63  }
0x53: {  	_ =	swait.ge [sflag:s20], $0x4000  }
0x54: {  	s8 =	sshrl.u32 s16, $0x3;
	[sflag:s20] =	ssyncset.done $0x0  }
0x55: {  	s29 =	sadd.s32 s1, s8;
	[sflag:s20] =	ssyncadd.s32 $0xFFFFC000  }
0x56: {  	[tilespmem:s5], [sflag:$0x3] =	stream.linear.gather [hbm4b:s29+s5], $0x80, $0x38;
	[tilespmem:$0x1C200] =	vst v63  }
0x57: {  	_ =	swait.ge [sflag:s20], $0x80  }
0x58: {  	[sflag:s20] =	ssyncset.done $0x0  }
0x59: {  	[sflag:s20] =	ssyncadd.s32 $0xFFFFFF80  }
0x5a: {  	[tilespmem:s19], [sflag:$0x1] =	stream.indirect.gather [hbm4b:s6+s21], $0x80, s5, s21, $0xb8;
	[tilespmem:$0x1C200] =	vst v63  }
0x5b: {  	s0 =	sadd.s32 s2, s8  }
0x5c: {  	[tilespmem:s21], [sflag:$0x3] =	stream.linear.gather [hbm4b:s0+s5], $0x80, $0x38;
	[tilespmem:$0x1C200] =	vst v63  }
0x5d: {  	_ =	swait.ge [sflag:s20], $0x80  }
0x5e: {  	[sflag:s20] =	ssyncset.done $0x0  }
0x5f: {  	[sflag:s20] =	ssyncadd.s32 $0xFFFFFF80  }
0x60: {  	_ =	swait.ge [sflag:s26], $0x4000  }
0x61: {  	[sflag:s26] =	ssyncset.done $0x0  }
0x62: {  	[sflag:s26] =	ssyncadd.s32 $0xFFFFC000  }
0x63: {  	[spmem:s3] =	stream.indirect.scatter.add.f32 [tilespmem:s23], [sflag:$0x3], $0x80, s24, s21, $0xb8;
	[tilespmem:$0x1C200] =	vst v63  }
0x64: {  	s30 =	simm.s32 $0x20;
	_ =	swait.ge [sflag:s20], $0x4000  }
0x65: {  	s31 =	simm.s32 $0x40;
	s29 =	sadd.s32 $0x100, s16;
	[sflag:s20] =	ssyncset.done $0x0  }
.LBB2_4:
0x66: {  	s4 =	sadd.s32 s30, s18  }
0x67: {  	[sflag:s20] =	ssyncadd.s32 $0xFFFFC000;
	s8 =	smov.u32 s31;
	s0 =	sadd.s32 $0x20, s31  }
0x68: {  	[tilespmem:s22], [sflag:$0x3] =	stream.linear.gather [hbm4b:s4+s5], $0x80, $0x38;
	[tilespmem:$0x1C200] =	vst v63  }
0x69: {  	p0 =	sne.s32 s31, $0x4C0;
	_ =	swait.ge [sflag:s20], $0x80  }
0x6a: {  	[sflag:s20] =	ssyncset.done $0x0  }
0x6b: {  	[sflag:s20] =	ssyncadd.s32 $0xFFFFFF80  }
0x6c: {  	[tilespmem:s23], [sflag:$0x2] =	stream.indirect.gather [hbm4b:s6+s21], $0x80, s22, s21, $0xb8;
	[tilespmem:$0x1C200] =	vst v63  }
0x6d: {  	s4 =	sadd.s32 s30, s17;
	s30 =	smov.u32 s8  }
0x6e: {  	[tilespmem:s24], [sflag:$0x3] =	stream.linear.gather [hbm4b:s4+s5], $0x80, $0x38;
	[tilespmem:$0x1C200] =	vst v63  }
0x6f: {  	_ =	swait.ge [sflag:s20], $0x80  }
0x70: {  	[sflag:s20] =	ssyncset.done $0x0  }
0x71: {  	[sflag:s20] =	ssyncadd.s32 $0xFFFFFF80  }
0x72: {  	_ =	swait.ge [sflag:s25], $0x4000  }
0x73: {  	[sflag:s25] =	ssyncset.done $0x0  }
0x74: {  	[sflag:s25] =	ssyncadd.s32 $0xFFFFC000  }
0x75: {  	[spmem:s3] =	stream.indirect.scatter.add.f32 [tilespmem:s19], [sflag:$0x3], $0x80, s21, s21, $0xb8;
	[tilespmem:$0x1C200] =	vst v63  }
0x76: {  	_ =	swait.ge [sflag:s20], $0x4000  }
0x77: {  	s4 =	sshrl.u32 s29, $0x3;
	[sflag:s20] =	ssyncset.done $0x0  }
0x78: {  	s8 =	sadd.s32 s1, s4;
	[sflag:s20] =	ssyncadd.s32 $0xFFFFC000  }
0x79: {  	[tilespmem:s5], [sflag:$0x3] =	stream.linear.gather [hbm4b:s8+s5], $0x80, $0x38;
	[tilespmem:$0x1C200] =	vst v63  }
0x7a: {  	_ =	swait.ge [sflag:s20], $0x80  }
0x7b: {  	[sflag:s20] =	ssyncset.done $0x0  }
0x7c: {  	[sflag:s20] =	ssyncadd.s32 $0xFFFFFF80  }
0x7d: {  	[tilespmem:s19], [sflag:$0x1] =	stream.indirect.gather [hbm4b:s6+s21], $0x80, s5, s21, $0xb8;
	[tilespmem:$0x1C200] =	vst v63  }
0x7e: {  	s4 =	sadd.s32 s2, s4  }
0x7f: {  	[tilespmem:s21], [sflag:$0x3] =	stream.linear.gather [hbm4b:s4+s5], $0x80, $0x38;
	[tilespmem:$0x1C200] =	vst v63  }
0x80: {  	_ =	swait.ge [sflag:s20], $0x80  }
0x81: {  	[sflag:s20] =	ssyncset.done $0x0  }
0x82: {  	[sflag:s20] =	ssyncadd.s32 $0xFFFFFF80  }
0x83: {  	_ =	swait.ge [sflag:s26], $0x4000  }
.Ltmp1:
0x84: {  	[sflag:s26] =	ssyncset.done $0x0;
	(pc) =	sbr.rel @p0 .LBB2_4-.Ltmp1, $4  }
0x85: {  	[sflag:s26] =	ssyncadd.s32 $0xFFFFC000  }
0x86: {  	[spmem:s3] =	stream.indirect.scatter.add.f32 [tilespmem:s23], [sflag:$0x3], $0x80, s24, s21, $0xb8;
	[tilespmem:$0x1C200] =	vst v63  }
0x87: {  	_ =	swait.ge [sflag:s20], $0x4000  }
0x88: {  	s31 =	smov.u32 s0;
	s29 =	sadd.s32 $0x100, s29;
	[sflag:s20] =	ssyncset.done $0x0  }
0x89: {  	s0 =	sadd.s32 s30, s18;
	[sflag:s20] =	ssyncadd.s32 $0xFFFFC000  }
0x8a: {  	[tilespmem:s22], [sflag:$0x3] =	stream.linear.gather [hbm4b:s0+s5], $0x80, $0x38;
	[tilespmem:$0x1C200] =	vst v63  }
0x8b: {  	_ =	swait.ge [sflag:s20], $0x80  }
0x8c: {  	[sflag:s20] =	ssyncset.done $0x0  }
0x8d: {  	[sflag:s20] =	ssyncadd.s32 $0xFFFFFF80  }
0x8e: {  	[tilespmem:s23], [sflag:$0x2] =	stream.indirect.gather [hbm4b:s6+s21], $0x80, s22, s21, $0xb8;
	[tilespmem:$0x1C200] =	vst v63  }
0x8f: {  	s8 =	sadd.s32 s30, s17  }
0x90: {  	[tilespmem:s24], [sflag:$0x3] =	stream.linear.gather [hbm4b:s8+s5], $0x80, $0x38;
	[tilespmem:$0x1C200] =	vst v63  }
0x91: {  	_ =	swait.ge [sflag:s20], $0x80  }
0x92: {  	[sflag:s20] =	ssyncset.done $0x0  }
0x93: {  	[sflag:s20] =	ssyncadd.s32 $0xFFFFFF80  }
0x94: {  	_ =	swait.ge [sflag:s25], $0x4000  }
0x95: {  	[sflag:s25] =	ssyncset.done $0x0  }
0x96: {  	[sflag:s25] =	ssyncadd.s32 $0xFFFFC000  }
0x97: {  	[spmem:s3] =	stream.indirect.scatter.add.f32 [tilespmem:s19], [sflag:$0x3], $0x80, s21, s21, $0xb8;
	[tilespmem:$0x1C200] =	vst v63  }
0x98: {  	_ =	swait.ge [sflag:s20], $0x4000  }
0x99: {  	s29 =	sshrl.u32 s29, $0x3;
	[sflag:s20] =	ssyncset.done $0x0  }
0x9a: {  	s4 =	sadd.s32 s1, s29;
	[sflag:s20] =	ssyncadd.s32 $0xFFFFC000  }
0x9b: {  	[tilespmem:s5], [sflag:$0x3] =	stream.linear.gather [hbm4b:s4+s5], $0x80, $0x38;
	[tilespmem:$0x1C200] =	vst v63  }
0x9c: {  	_ =	swait.ge [sflag:s20], $0x80  }
0x9d: {  	[sflag:s20] =	ssyncset.done $0x0  }
0x9e: {  	[sflag:s20] =	ssyncadd.s32 $0xFFFFFF80  }
0x9f: {  	[tilespmem:s19], [sflag:$0x1] =	stream.indirect.gather [hbm4b:s6+s21], $0x80, s5, s21, $0xb8;
	[tilespmem:$0x1C200] =	vst v63  }
0xa0: {  	s0 =	sadd.s32 s2, s29  }
0xa1: {  	[tilespmem:s21], [sflag:$0x3] =	stream.linear.gather [hbm4b:s0+s5], $0x80, $0x38;
	[tilespmem:$0x1C200] =	vst v63  }
0xa2: {  	_ =	swait.ge [sflag:s20], $0x80  }
0xa3: {  	[sflag:s20] =	ssyncset.done $0x0  }
0xa4: {  	[sflag:s20] =	ssyncadd.s32 $0xFFFFFF80  }
0xa5: {  	_ =	swait.ge [sflag:s26], $0x4000  }
0xa6: {  	[sflag:s26] =	ssyncset.done $0x0  }
0xa7: {  	[sflag:s26] =	ssyncadd.s32 $0xFFFFC000  }
0xa8: {  	[spmem:s3] =	stream.indirect.scatter.add.f32 [tilespmem:s23], [sflag:$0x3], $0x80, s24, s21, $0xb8;
	[tilespmem:$0x1C200] =	vst v63  }
0xa9: {  	_ =	swait.ge [sflag:s20], $0x4000  }
0xaa: {  	[sflag:s20] =	ssyncset.done $0x0  }
0xab: {  	[sflag:s20] =	ssyncadd.s32 $0xFFFFC000  }
0xac: {  	_ =	swait.ge [sflag:s25], $0x4000  }
0xad: {  	[sflag:s25] =	ssyncset.done $0x0  }
0xae: {  	[sflag:s25] =	ssyncadd.s32 $0xFFFFC000  }
0xaf: {  	[spmem:s3] =	stream.indirect.scatter.add.f32 [tilespmem:s19], [sflag:$0x3], $0x80, s21, s21, $0xb8;
	[tilespmem:$0x1C200] =	vst v63  }
0xb0: {  	s30 =	stileid.u32;
	_ =	swait.ge [sflag:s20], $0x4000  }
0xb1: {  	s31 =	sshrl.u32 s7, $0x3;
	s28 =	sadd.s32 $0x1, s28;
	[sflag:s20] =	ssyncset.done $0x0  }
0xb2: {  	p0 =	sne.s32 s28, s15;
	s0 =	sshll.u32 s30, $0x6;
	[sflag:s20] =	ssyncadd.s32 $0xFFFFC000  }
.Ltmp2:
0xb3: {  	s0 =	sor.u32 $0x1C03, s0;
	[bflag:$0x0] =	sbarrier.arrive $0xFFFF;
	(pc) =	sbr.rel @p0 .LBB2_1-.Ltmp2, $4  }
0xb4: {  	[hbm:s14], [sflag:s0] =	dma.local [spmem:s31], $0x2800  }
0xb5: {  	_ =	swait.ge [sflag:s20], $0x2800  }
0xb6: {  	[sflag:s20] =	ssyncset.done $0x0  }
0xb7: {  	[sflag:s20] =	ssyncadd.s32 $0xFFFFD800  }
0xb8: {  	_ =	sfence.sel $0x180000  }
0xb9: {  	[bflag:$0x0] =	sbarrier.arrive $0xFFFF  }
0xba: {  	_ =	strace $0x9000004A  }
0xbb: {  	s0 =	stileid.u32;
	[bflag:$0x2] =	sbarrier.arrive $0xFFFF  }
0xbc: {  	p0 =	sne.s32 s0, $0x0;
	s0 =	rddreg [dreg:$0x4]  }
0xbd: {  	s0 =	sadd.s32 @!p0 $0x100000, s0  }
0xbe: {  	[sflag:s0] =	ssyncadd.tile.s32 @!p0 $0x1;
	_ =	shalt  }
.Lfunc_end2:
_tile_overlayer_lowered:
.L_overlay_start_2:
0xbf: {  	(tag) =	ssettag $0x2  }
0xc0: {  	s0 =	rddreg [dreg:$0x0];
	s2 =	stileid.u32  }
0xc1: {  	s1 =	rddreg [dreg:$0x1];
	p0 =	sne.s32 s2, $0x0  }
0xc2: {  	s3 =	rddreg [dreg:$0x2];
	[bflag:$0x3] =	sbarrier.arrive $0xFFFF;
	s2 =	simm.s32 @!p0 $0x1C03  }
0xc3: {  	[timem:s3], [sflag:s2] =	dma.local @!p0 [hbm:s0], s1  }
0xc4: {  	s0 =	simm.s32 @!p0 $0x3  }
0xc5: {  	_ =	swait.ge @!p0 [sflag:s0], s1  }
0xc6: {  	s1 =	ssub.s32 @!p0 $0x0, s1;
	[sflag:s0] =	ssyncset.done @!p0 $0x0  }
0xc7: {  	[sflag:s0] =	ssyncadd.s32 @!p0 s1  }
0xc8: {  	[bflag:$0x3] =	sbarrier.arrive $0xFFFF  }
0xc9: {  	_ =	shalt  }

// kernel: kernel.20.cloned.1.call-start
scs
__scs_entry_jumppad:
0x0: {  	(pc) =	sbr.rel $0x88, $3  }
0x1: {  	(tag) =	ssettag $0x0;
	lr =	simm.s32 $0x1  }
0x2: {  	[smem:$0x3F99] =	sst lr;
	_ =	strace $0xD0000000  }
0x3: {  	_ = 	snop  }
0x4: {  	_ = 	snop  }
0x5: {  	_ = 	snop  }
0x6: {  	_ = 	snop  }
0x7: {  	_ = 	snop  }
__scs_overlays_trampoline_lowered:
0x8: {  	[smem:$0x3FA8] =	sst s0  }
0x9: {  	[smem:$0x3FA9] =	sst s1  }
0xa: {  	[smem:$0x3FAA] =	sst s2  }
0xb: {  	[smem:$0x3FAB] =	sst s3  }
0xc: {  	[smem:$0x3FAC] =	sst s4  }
0xd: {  	[smem:$0x3FAD] =	sst s5  }
0xe: {  	[smem:$0x3FAE] =	sst s6  }
0xf: {  	[smem:$0x3FAF] =	sst s7  }
0x10: {  	[smem:$0x3FB0] =	sst s8  }
0x11: {  	[smem:$0x3FB1] =	sst s9;
	s0 =	simm.s32 @!p0 $0x0  }
0x12: {  	s1 =	sld [smem:$0x3F97];
	s0 =	simm.s32 @p0 $0x1  }
0x13: {  	[smem:$0x3FB2] =	sst s0;
	s0 =	simm.s32 @!p1 $0x0  }
0x14: {  	s2 =	sld [smem:$0x3F96];
	s0 =	simm.s32 @p1 $0x1  }
0x15: {  	[smem:$0x3FB3] =	sst s0;
	s0 =	simm.s32 @!p2 $0x0  }
0x16: {  	s3 =	sld [smem:$0x3FDB];
	s0 =	simm.s32 @p2 $0x1  }
0x17: {  	s4 =	simm.s32 $0x1BF5;
	[smem:$0x3FB5] =	sst s0  }
0x18: {  	s0 =	sld [smem:$0x3F98];
	_ =	swait.ge [sflag:s4], $0x0  }
0x19: {  	s7 =	sld [smem:$0x3F99]  }
0x1a: {  	s8 =	sadd.s32 $0xFFFFE003, lr  }
0x1b: {  	s9 =	sadd.s32 $0xFFFFFEF7, lr;
	s5 =	simm.s32 $0xFFFFFFFF;
	p2 =	slt.u32 s8, $0xFFFFF086  }
0x1c: {  	p1 =	slt.u32 s9, $0xF7A;
	s5 =	simm.s32 @!p2 $0x0  }
0x1d: {  	s5 =	simm.s32 @p1 $0x1;
	p0 =	seq.s32 s7, s2  }
0x1e: {  	s7 =	smul.u32 @!p0 $0xF7A, s2;
	p2 =	seq.s32 @!p0 s5, $0x0  }
0x1f: {  	s9 =	smul.u32 $0xF7A, s1;
	s8 =	simm.s32 @!p0 $0x1BF5;
	p2 =	por !p2, p0  }
0x20: {  	[sflag:s8] =	ssyncset.s32 @!p0 $0xFFFFF086;
	s6 =	sadd.s32 @!p0 s3, s7;
	s7 =	simm.s32 @!p0 $0x108  }
0x21: {  	s3 =	sadd.s32 s3, s9;
	s6 =	sadd.s32 @!p0 $0x88, s6;
	s7 =	simm.s32 @p2 $0x1082  }
0x22: {  	[simem:s7], [sflag:s8] =	dma.local @!p0 [hbm:s6], $0xF7A  }
0x23: {  	s9 =	sor.u32 $0xD0000000, s2;
	s6 =	simm.s32 $0x108;
	_ =	swait.ge @!p0 [sflag:s8], $0x0  }
0x24: {  	s3 =	sadd.s32 $0x88, s3;
	s6 =	simm.s32 @!p1 $0x1082;
	[sflag:s4] =	ssyncset.s32 $0xFFFFF086  }
0x25: {  	[simem:s6], [sflag:s4] =	dma.local [hbm:s3], $0xF7A  }
0x26: {  	[smem:$0x3F99] =	sst s1;
	(tag) =	ssettag s2;
	_ =	strace s9  }
0x27: {  	s1 =	sld [smem:$0x3FA9]  }
0x28: {  	s2 =	sld [smem:$0x3FAA]  }
0x29: {  	s4 =	sld [smem:$0x3FAC]  }
0x2a: {  	p0 =	seq.s32 s5, $0x0;
	s5 =	sld [smem:$0x3FAD]  }
0x2b: {  	s6 =	sld [smem:$0x3FAE]  }
0x2c: {  	s7 =	sld [smem:$0x3FAF]  }
0x2d: {  	s3 =	simm.s32 $0x108;
	s8 =	sld [smem:$0x3FB0]  }
0x2e: {  	s3 =	simm.s32 @!p0 $0x1082;
	s9 =	sld [smem:$0x3FB1]  }
0x2f: {  	lr =	sadd.s32 s0, s3;
	s0 =	sld [smem:$0x3FA8]  }
0x30: {  	s3 =	sld [smem:$0x3FAB]  }
0x31: {  	[smem:$0x3FB4] =	sst s10  }
0x32: {  	s10 =	sld [smem:$0x3FB2];
	_ =	sdelay $0x3  }
0x33: {  	p0 =	seq.s32 s10, $0x1;
	s10 =	sld [smem:$0x3FB4];
	_ =	sdelay $0x3  }
0x34: {  	[smem:$0x3FB4] =	sst s10  }
0x35: {  	s10 =	sld [smem:$0x3FB3];
	_ =	sdelay $0x3  }
0x36: {  	p1 =	seq.s32 s10, $0x1;
	s10 =	sld [smem:$0x3FB4];
	_ =	sdelay $0x3  }
0x37: {  	[smem:$0x3FB4] =	sst s10  }
0x38: {  	s10 =	sld [smem:$0x3FB5]  }
0x39: {  	_ = 	snop;
	(pc) =	sbr.ind lr, $3  }
0x3a: {  	_ = 	snop  }
0x3b: {  	_ = 	snop  }
0x3c: {  	p2 =	seq.s32 s10, $0x1;
	s10 =	sld [smem:$0x3FB4]  }
0x3d: {  	_ =	shalt  }
0x3e: {  	_ =	shalt  }
0x3f: {  	_ =	shalt  }
0x40: {  	_ =	shalt  }
0x41: {  	_ =	shalt  }
0x42: {  	_ =	shalt  }
0x43: {  	_ =	shalt  }
0x44: {  	_ =	shalt  }
0x45: {  	_ =	shalt  }
0x46: {  	_ =	shalt  }
0x47: {  	_ =	shalt  }
0x48: {  	_ =	shalt  }
0x49: {  	_ =	shalt  }
0x4a: {  	_ =	shalt  }
0x4b: {  	_ =	shalt  }
0x4c: {  	_ =	shalt  }
0x4d: {  	_ =	shalt  }
0x4e: {  	_ =	shalt  }
0x4f: {  	_ =	shalt  }
0x50: {  	_ =	shalt  }
0x51: {  	_ =	shalt  }
0x52: {  	_ =	shalt  }
0x53: {  	_ =	shalt  }
0x54: {  	_ =	shalt  }
0x55: {  	_ =	shalt  }
0x56: {  	_ =	shalt  }
0x57: {  	_ =	shalt  }
0x58: {  	_ =	shalt  }
0x59: {  	_ =	shalt  }
0x5a: {  	_ =	shalt  }
0x5b: {  	_ =	shalt  }
0x5c: {  	_ =	shalt  }
0x5d: {  	_ =	shalt  }
0x5e: {  	_ =	shalt  }
0x5f: {  	_ =	shalt  }
0x60: {  	_ =	shalt  }
0x61: {  	_ =	shalt  }
0x62: {  	_ =	shalt  }
0x63: {  	_ =	shalt  }
0x64: {  	_ =	shalt  }
0x65: {  	_ =	shalt  }
0x66: {  	_ =	shalt  }
0x67: {  	_ =	shalt  }
0x68: {  	_ =	shalt  }
0x69: {  	_ =	shalt  }
0x6a: {  	_ =	shalt  }
0x6b: {  	_ =	shalt  }
0x6c: {  	_ =	shalt  }
0x6d: {  	_ =	shalt  }
0x6e: {  	_ =	shalt  }
0x6f: {  	_ =	shalt  }
0x70: {  	_ =	shalt  }
0x71: {  	_ =	shalt  }
0x72: {  	_ =	shalt  }
0x73: {  	_ =	shalt  }
0x74: {  	_ =	shalt  }
0x75: {  	_ =	shalt  }
0x76: {  	_ =	shalt  }
0x77: {  	_ =	shalt  }
0x78: {  	_ =	shalt  }
0x79: {  	_ =	shalt  }
0x7a: {  	_ =	shalt  }
0x7b: {  	_ =	shalt  }
0x7c: {  	_ =	shalt  }
0x7d: {  	_ =	shalt  }
0x7e: {  	_ =	shalt  }
0x7f: {  	_ =	shalt  }
0x80: {  	_ =	shalt  }
0x81: {  	_ =	shalt  }
0x82: {  	_ =	shalt  }
0x83: {  	_ =	shalt  }
0x84: {  	_ =	shalt  }
0x85: {  	_ =	shalt  }
0x86: {  	_ =	shalt  }
0x87: {  	_ =	shalt  }
.Lfunc_end0:
.L_simem_size_0:
called_computation.2_lowered:
.L_overlay_start_0:
0x88: {  	s2 =	sld [smem:$0x3FD9]  }
0x89: {  	s3 =	sld [smem:$0x3FFE];
	_ =	sdelay $0x1  }
0x8a: {  	s1 =	srdreg.scid  }
0x8b: {  	s0 =	sand.u32 $0x1, s1  }
0x8c: {  	s14 =	sshll.u32 s0, $0xA;
	s2 =	sadd.s32 s3, s2  }
0x8d: {  	s2 =	sadd.s32 s2, s14  }
0x8e: {  	[smem:$0x3FC0] =	sst s2  }
0x8f: {  	_ = 	snop  }
0x90: {  	s2 =	sld [smem:$0x3FD0];
	_ =	sdelay $0x2  }
0x91: {  	s15 =	simm.s32 $0xA;
	s4 =	simm.s32 $0x10  }
0x92: {  	[smem:s4], [sflag:s15] =	dma.local [hbm:s2], $0x1  }
0x93: {  	_ =	swait.eq [sflag:s15], $0x1  }
0x94: {  	[sflag:s15] =	ssyncset.done $0x0  }
0x95: {  	s16 =	sld [smem:$0x10];
	[sflag:s15] =	ssyncadd.s32 $0xFFFFFFFF  }
0x96: {  	s17 =	sld [smem:$0x11];
	(tm) =	ssettm $0x1  }
0x97: {  	s18 =	sld [smem:$0x3FFB];
	_ =	sdelay $0x3  }
0x98: {  	_ =	strace s18  }
0x99: {  	s4 =	sld [smem:$0x3FFC];
	_ =	sdelay $0x3  }
0x9a: {  	_ =	strace s4  }
0x9b: {  	s4 =	sld [smem:$0x3FFD];
	_ =	sdelay $0x3  }
0x9c: {  	_ =	strace s4  }
0x9d: {  	_ =	strace $0x8FFFFFFF  }
0x9e: {  	s19 =	sld [smem:$0x3FDB];
	_ =	sdelay $0x1  }
0x9f: {  	s5 =	simm.s32 $_scs_section_size  }
0xa0: {  	s6 =	simm.s32 $_size__tile_overlayer_lowered;
	s7 =	simm.s32 $_tile_overlayer_lowered  }
0xa1: {  	s22 =	simm.s32 $0x1BFF;
	s21 =	sshll.u32 s7, $0x1;
	s4 =	sadd.s32 s5, s19  }
0xa2: {  	s8 =	simm.s32 $0x0;
	s20 =	sshll.u32 s6, $0x1;
	s6 =	sadd.s32 s21, s4  }
0xa3: {  	[timem:s8], [sflag:s22] =	dma.local [hbm:s6], s20  }
0xa4: {  	_ =	swait.ge [sflag:s22], s20  }
0xa5: {  	s5 =	ssub.s32 $0x0, s20;
	[sflag:s22] =	ssyncset.done $0x0  }
0xa6: {  	[sflag:s22] =	ssyncadd.s32 s5;
	_ =	sdelay $0x1  }
0xa7: {  	s23 =	simm.s32 $0x1B8B  }
0xa8: {  	_ =	swait.ge [sflag:s23], $0x1  }
0xa9: {  	[sflag:s23] =	ssyncset.done $0x0  }
0xaa: {  	s25 =	simm.s32 $0x1B8E;
	s24 =	sld [smem:$0x3FFE];
	[sflag:s23] =	ssyncadd.s32 $0xFFFFFFFF  }
0xab: {  	s26 =	simm.s32 $execute0_lowered;
	[smem:$0x3FD2] =	sst s25  }
0xac: {  	s6 =	sshll.u32 s26, $0x1;
	_ =	strace $0x8000004C;
	[dreg:$0x1] =	wrdreg $0xFFFFFFFF  }
0xad: {  	s28 =	simm.s32 $_size_execute0_lowered;
	s4 =	sadd.s32 s4, s6;
	[dreg:$0x0] =	wrdreg $0x0  }
0xae: {  	s6 =	sshll.u32 s28, $0x1;
	[dreg:$0x2] =	wrdreg s4  }
0xaf: {  	[dreg:$0x3] =	wrdreg s6  }
0xb0: {  	[dreg:$0x4] =	wrdreg $0xC0  }
0xb1: {  	_ =	task [dreg:s8], $0x5FFFF  }
0xb2: {  	[dreg:$0x1] =	wrdreg $0xFFFFFFFF  }
0xb3: {  	[dreg:$0x0] =	wrdreg $0x60  }
0xb4: {  	[dreg:$0x2] =	wrdreg s24  }
0xb5: {  	[dreg:$0x3] =	wrdreg s16  }
0xb6: {  	[dreg:$0x4] =	wrdreg s17  }
0xb7: {  	[dreg:$0x5] =	wrdreg $0x82000  }
0xb8: {  	[dreg:$0x6] =	wrdreg $0x9  }
0xb9: {  	_ =	task.clear_ibuf [dreg:s8], $0x7FFFF;
	_ =	strace $0x9000004C  }
0xba: {  	s29 =	simm.s32 $0x9;
	_ =	strace $0x8000004E  }
0xbb: {  	_ =	swait.ge [sflag:s29], $0x1  }
0xbc: {  	[sflag:s29] =	ssyncadd.s32 $0xFFFFFFFF  }
0xbd: {  	_ =	strace $0x9000004E  }
0xbe: {  	_ =	sfence  }
0xbf: {  	s30 =	sld [smem:$0x0];
	_ =	sdelay $0x2  }
0xc0: {  	s31 =	sshll.u32 s1, $0xD;
	s1 =	sshrl.u32 s1, $0x2  }
0xc1: {  	s3 =	sand.u32 $0x4000, s31;
	s1 =	sadd.s32 s1, s30  }
0xc2: {  	s0 =	sor.u32 s3, s0;
	s1 =	sshll.u32 s1, $0x11  }
0xc3: {  	s0 =	sor.u32 s1, s0  }
0xc4: {  	s0 =	sadd.s32 $0x8F2B, s0  }
0xc5: {  	[sflag:s0] =	ssyncadd.remote.s32 $0x1  }
0xc6: {  	_ =	sfence.sel $0xFFFF  }
0xc7: {  	[dreg:$0x0] =	wrdreg $0xFFFFFFFF;
	(pc) =	sbr.abs _section_cstart, $3  }
0xc8: {  	[dreg:$0x1] =	wrdreg $0xFFFFFFFF  }
0xc9: {  	_ =	task.clear_ibuf [dreg:s8], $0x2FFFF;
	_ =	strace $0x9FFFFFFF  }
0xca: {  	(tm) =	ssettm $0x7FFFFFFF  }
0xcb: {  	_ =	shalt  }
tec
execute0_lowered:
.L_overlay_start_1:
0x0: {  	(tag) =	ssettag $0x1  }
0x1: {  	s0 =	rddreg [dreg:$0x0]  }
0x2: {  	s1 =	rddreg [dreg:$0x1]  }
0x3: {  	s2 =	rddreg [dreg:$0x2]  }
0x4: {  	s3 =	rddreg [dreg:$0x3]  }
0x5: {  	s4 =	srdreg.scid;
	s5 =	simm.s32 $0x0;
	s23 =	stileid.u32  }
0x6: {  	s19 =	simm.s32 $0x100;
	s20 =	simm.s32 $0x3;
	s21 =	simm.s32 $0x80  }
0x7: {  	s22 =	simm.s32 $0x4100;
	s28 =	simm.s32 $0x0;
	s9 =	smul.u32 $0x14000, s23  }
0x8: {  	s8 =	sand.u32 $0x1, s4;
	[smem:$0x7FF] =	sst s5;
	s10 =	smul.u32 $0x50000, s23  }
0x9: {  	s6 =	sadd.s32 $0x2D200, s0;
	s24 =	sshll.u32 s23, $0x1;
	s13 =	smul.u32 $0x4F00, s23  }
0xa: {  	s23 =	simm.s32 $0x4200;
	s7 =	smul.u32 $0x140000, s8;
	s25 =	ssub.s32 $0x2, s8  }
0xb: {  	_ =	strace $0x8000004D;
	s14 =	smul.u32 $0x2780, s8;
	s26 =	sshrl.u32 s25, $0x1  }
0xc: {  	s10 =	sshrl.u32 s10, $0x2;
	s7 =	sadd.s32 s9, s7;
	s9 =	sor.u32 s8, s24  }
0xd: {  	s15 =	ssub.s32 s25, s26;
	s17 =	sadd.s32 s14, s13;
	s24 =	simm.s32 $0x4180  }
0xe: {  	s25 =	simm.s32 $0x1;
	s26 =	simm.s32 $0x2;
	s7 =	sshrl.u32 s7, $0x3  }
0xf: {  	s12 =	smul.u32 $0x2780, s9;
	s30 =	sadd.s32 $0x80, s17;
	s15 =	smax.u32 s15, $0x1  }
0x10: {  	s0 =	sadd.s32 s7, s0;
	s7 =	sadd.s32 s10, s3;
	s31 =	sshrl.u32 s30, $0x3  }
0x11: {  	s29 =	sadd.s32 $0x4000, s7;
	s9 =	sadd.s32 $0x8000, s7;
	s10 =	sadd.s32 $0xC000, s7  }
0x12: {  	s11 =	sadd.s32 $0x10000, s7;
	s16 =	sshrl.u32 s12, $0x3;
	s14 =	sadd.s32 $0xA5200, s0  }
0x13: {  	s18 =	sadd.s32 s31, s1;
	[dreg:$0x5] =	wrdreg s29;
	s12 =	sadd.s32 s1, s16  }
0x14: {  	v0 =	vimm.f32 $0.0e+00;
	s13 =	sadd.s32 s2, s16;
	s16 =	sadd.s32 $0x100, s17;
	s17 =	sadd.s32 s31, s2  }
.LBB2_1:
0x15: {  	s29 =	simm.s32 $0x0;
	s30 =	simm.s32 $0x200  }
.LBB2_2:
0x16: {  	p0 =	sne.s32 s30, $0xFE00;
	[tilespmem:s29+$0x170] =	vst v0  }
0x17: {  	[tilespmem:s29+$0x100] =	vst v0  }
0x18: {  	[tilespmem:s29+$0x110] =	vst v0  }
.Ltmp0:
0x19: {  	[tilespmem:s29+$0x120] =	vst v0;
	(pc) =	sbr.rel @p0 .LBB2_2-.Ltmp0, $4  }
0x1a: {  	[tilespmem:s29+$0x130] =	vst v0  }
0x1b: {  	[tilespmem:s29+$0x140] =	vst v0  }
0x1c: {  	[tilespmem:s29+$0x150] =	vst v0  }
0x1d: {  	[tilespmem:s29+$0x160] =	vst v0;
	s29 =	sshra.s32 s30, $0x2;
	s30 =	sadd.s32 $0x200, s30  }
0x1e: {  	[tilespmem:s29+$0x170] =	vst v0  }
0x1f: {  	[tilespmem:s29+$0x100] =	vst v0  }
0x20: {  	[tilespmem:s29+$0x110] =	vst v0  }
0x21: {  	[tilespmem:s29+$0x120] =	vst v0  }
0x22: {  	[tilespmem:s29+$0x130] =	vst v0  }
0x23: {  	[tilespmem:s29+$0x140] =	vst v0  }
0x24: {  	[tilespmem:s29+$0x150] =	vst v0  }
0x25: {  	[tilespmem:s29+$0x160] =	vst v0  }
0x26: {  	[spmem:s7] =	stream.linear.scatter [tilespmem:s19], [sflag:$0x3], $0x4000, $0x38;
	[tilespmem:$0x1C200] =	vst v63  }
0x27: {  	_ =	swait.ge [sflag:s20], $0x4000  }
0x28: {  	[sflag:s20] =	ssyncset.done $0x0  }
0x29: {  	s0 =	rddreg [dreg:$0x5];
	[sflag:s20] =	ssyncadd.s32 $0xFFFFC000  }
0x2a: {  	[spmem:s0] =	stream.linear.scatter [tilespmem:s19], [sflag:$0x3], $0x4000, $0x38;
	[tilespmem:$0x1C200] =	vst v63  }
0x2b: {  	_ =	swait.ge [sflag:s20], $0x4000  }
0x2c: {  	[sflag:s20] =	ssyncset.done $0x0  }
0x2d: {  	[sflag:s20] =	ssyncadd.s32 $0xFFFFC000  }
0x2e: {  	[spmem:s9] =	stream.linear.scatter [tilespmem:s19], [sflag:$0x3], $0x4000, $0x38;
	[tilespmem:$0x1C200] =	vst v63  }
0x2f: {  	_ =	swait.ge [sflag:s20], $0x4000  }
0x30: {  	[sflag:s20] =	ssyncset.done $0x0  }
0x31: {  	[sflag:s20] =	ssyncadd.s32 $0xFFFFC000  }
0x32: {  	[spmem:s10] =	stream.linear.scatter [tilespmem:s19], [sflag:$0x3], $0x4000, $0x38;
	[tilespmem:$0x1C200] =	vst v63  }
0x33: {  	_ =	swait.ge [sflag:s20], $0x4000  }
0x34: {  	[sflag:s20] =	ssyncset.done $0x0  }
0x35: {  	[sflag:s20] =	ssyncadd.s32 $0xFFFFC000  }
0x36: {  	[spmem:s11] =	stream.linear.scatter [tilespmem:s19], [sflag:$0x3], $0x4000, $0x38;
	[tilespmem:$0x1C200] =	vst v63  }
0x37: {  	_ =	swait.ge [sflag:s20], $0x4000  }
0x38: {  	[sflag:s20] =	ssyncset.done $0x0  }
0x39: {  	[sflag:s20] =	ssyncadd.s32 $0xFFFFC000  }
0x3a: {  	s4 =	simm.s32 $0x0;
	[bflag:$0x0] =	sbarrier.arrive $0xFFFF  }
0x3b: {  	[tilespmem:s4], [sflag:$0x3] =	stream.linear.gather [hbm4b:s12+s4], $0x80, $0x38;
	[tilespmem:$0x1C200] =	vst v63  }
0x3c: {  	_ =	swait.ge [sflag:s20], $0x80  }
0x3d: {  	[sflag:s20] =	ssyncset.done $0x0  }
0x3e: {  	[sflag:s20] =	ssyncadd.s32 $0xFFFFFF80  }
0x3f: {  	[tilespmem:s19], [sflag:$0x1] =	stream.indirect.gather [hbm4b:s6+s21], $0x80, s4, s21, $0xb8;
	[tilespmem:$0x1C200] =	vst v63  }
0x40: {  	_ = 	snop  }
0x41: {  	[tilespmem:s21], [sflag:$0x3] =	stream.linear.gather [hbm4b:s13+s4], $0x80, $0x38;
	[tilespmem:$0x1C200] =	vst v63  }
0x42: {  	_ =	swait.ge [sflag:s20], $0x80  }
0x43: {  	[sflag:s20] =	ssyncset.done $0x0  }
0x44: {  	s8 =	sadd.s32 $0x0, s18;
	[sflag:s20] =	ssyncadd.s32 $0xFFFFFF80  }
0x45: {  	[tilespmem:s22], [sflag:$0x3] =	stream.linear.gather [hbm4b:s8+s5], $0x80, $0x38;
	[tilespmem:$0x1C200] =	vst v63  }
0x46: {  	_ =	swait.ge [sflag:s20], $0x80  }
0x47: {  	[sflag:s20] =	ssyncset.done $0x0  }
0x48: {  	[sflag:s20] =	ssyncadd.s32 $0xFFFFFF80  }
0x49: {  	[tilespmem:s23], [sflag:$0x2] =	stream.indirect.gather [hbm4b:s6+s21], $0x80, s22, s21, $0xb8;
	[tilespmem:$0x1C200] =	vst v63  }
0x4a: {  	s4 =	sadd.s32 $0x0, s17  }
0x4b: {  	[tilespmem:s24], [sflag:$0x3] =	stream.linear.gather [hbm4b:s4+s5], $0x80, $0x38;
	[tilespmem:$0x1C200] =	vst v63  }
0x4c: {  	_ =	swait.ge [sflag:s20], $0x80  }
0x4d: {  	[sflag:s20] =	ssyncset.done $0x0  }
0x4e: {  	[sflag:s20] =	ssyncadd.s32 $0xFFFFFF80  }
0x4f: {  	_ =	swait.ge [sflag:s25], $0x4000  }
0x50: {  	[sflag:s25] =	ssyncset.done $0x0  }
0x51: {  	[sflag:s25] =	ssyncadd.s32 $0xFFFFC000  }
0x52: {  	[spmem:s3] =	stream.indirect.scatter.add.f32 [tilespmem:s19], [sflag:$0x3], $0x80, s21, s21, $0xb8;
	[tilespmem:$0x1C200] =	vst v63  }
0x53: {  	_ =	swait.ge [sflag:s20], $0x4000  }
0x54: {  	s8 =	sshrl.u32 s16, $0x3;
	[sflag:s20] =	ssyncset.done $0x0  }
0x55: {  	s29 =	sadd.s32 s1, s8;
	[sflag:s20] =	ssyncadd.s32 $0xFFFFC000  }
0x56: {  	[tilespmem:s5], [sflag:$0x3] =	stream.linear.gather [hbm4b:s29+s5], $0x80, $0x38;
	[tilespmem:$0x1C200] =	vst v63  }
0x57: {  	_ =	swait.ge [sflag:s20], $0x80  }
0x58: {  	[sflag:s20] =	ssyncset.done $0x0  }
0x59: {  	[sflag:s20] =	ssyncadd.s32 $0xFFFFFF80  }
0x5a: {  	[tilespmem:s19], [sflag:$0x1] =	stream.indirect.gather [hbm4b:s6+s21], $0x80, s5, s21, $0xb8;
	[tilespmem:$0x1C200] =	vst v63  }
0x5b: {  	s0 =	sadd.s32 s2, s8  }
0x5c: {  	[tilespmem:s21], [sflag:$0x3] =	stream.linear.gather [hbm4b:s0+s5], $0x80, $0x38;
	[tilespmem:$0x1C200] =	vst v63  }
0x5d: {  	_ =	swait.ge [sflag:s20], $0x80  }
0x5e: {  	[sflag:s20] =	ssyncset.done $0x0  }
0x5f: {  	[sflag:s20] =	ssyncadd.s32 $0xFFFFFF80  }
0x60: {  	_ =	swait.ge [sflag:s26], $0x4000  }
0x61: {  	[sflag:s26] =	ssyncset.done $0x0  }
0x62: {  	[sflag:s26] =	ssyncadd.s32 $0xFFFFC000  }
0x63: {  	[spmem:s3] =	stream.indirect.scatter.add.f32 [tilespmem:s23], [sflag:$0x3], $0x80, s24, s21, $0xb8;
	[tilespmem:$0x1C200] =	vst v63  }
0x64: {  	s30 =	simm.s32 $0x20;
	_ =	swait.ge [sflag:s20], $0x4000  }
0x65: {  	s31 =	simm.s32 $0x40;
	s29 =	sadd.s32 $0x100, s16;
	[sflag:s20] =	ssyncset.done $0x0  }
.LBB2_4:
0x66: {  	s4 =	sadd.s32 s30, s18  }
0x67: {  	[sflag:s20] =	ssyncadd.s32 $0xFFFFC000;
	s8 =	smov.u32 s31;
	s0 =	sadd.s32 $0x20, s31  }
0x68: {  	[tilespmem:s22], [sflag:$0x3] =	stream.linear.gather [hbm4b:s4+s5], $0x80, $0x38;
	[tilespmem:$0x1C200] =	vst v63  }
0x69: {  	p0 =	sne.s32 s31, $0x4C0;
	_ =	swait.ge [sflag:s20], $0x80  }
0x6a: {  	[sflag:s20] =	ssyncset.done $0x0  }
0x6b: {  	[sflag:s20] =	ssyncadd.s32 $0xFFFFFF80  }
0x6c: {  	[tilespmem:s23], [sflag:$0x2] =	stream.indirect.gather [hbm4b:s6+s21], $0x80, s22, s21, $0xb8;
	[tilespmem:$0x1C200] =	vst v63  }
0x6d: {  	s4 =	sadd.s32 s30, s17;
	s30 =	smov.u32 s8  }
0x6e: {  	[tilespmem:s24], [sflag:$0x3] =	stream.linear.gather [hbm4b:s4+s5], $0x80, $0x38;
	[tilespmem:$0x1C200] =	vst v63  }
0x6f: {  	_ =	swait.ge [sflag:s20], $0x80  }
0x70: {  	[sflag:s20] =	ssyncset.done $0x0  }
0x71: {  	[sflag:s20] =	ssyncadd.s32 $0xFFFFFF80  }
0x72: {  	_ =	swait.ge [sflag:s25], $0x4000  }
0x73: {  	[sflag:s25] =	ssyncset.done $0x0  }
0x74: {  	[sflag:s25] =	ssyncadd.s32 $0xFFFFC000  }
0x75: {  	[spmem:s3] =	stream.indirect.scatter.add.f32 [tilespmem:s19], [sflag:$0x3], $0x80, s21, s21, $0xb8;
	[tilespmem:$0x1C200] =	vst v63  }
0x76: {  	_ =	swait.ge [sflag:s20], $0x4000  }
0x77: {  	s4 =	sshrl.u32 s29, $0x3;
	[sflag:s20] =	ssyncset.done $0x0  }
0x78: {  	s8 =	sadd.s32 s1, s4;
	[sflag:s20] =	ssyncadd.s32 $0xFFFFC000  }
0x79: {  	[tilespmem:s5], [sflag:$0x3] =	stream.linear.gather [hbm4b:s8+s5], $0x80, $0x38;
	[tilespmem:$0x1C200] =	vst v63  }
0x7a: {  	_ =	swait.ge [sflag:s20], $0x80  }
0x7b: {  	[sflag:s20] =	ssyncset.done $0x0  }
0x7c: {  	[sflag:s20] =	ssyncadd.s32 $0xFFFFFF80  }
0x7d: {  	[tilespmem:s19], [sflag:$0x1] =	stream.indirect.gather [hbm4b:s6+s21], $0x80, s5, s21, $0xb8;
	[tilespmem:$0x1C200] =	vst v63  }
0x7e: {  	s4 =	sadd.s32 s2, s4  }
0x7f: {  	[tilespmem:s21], [sflag:$0x3] =	stream.linear.gather [hbm4b:s4+s5], $0x80, $0x38;
	[tilespmem:$0x1C200] =	vst v63  }
0x80: {  	_ =	swait.ge [sflag:s20], $0x80  }
0x81: {  	[sflag:s20] =	ssyncset.done $0x0  }
0x82: {  	[sflag:s20] =	ssyncadd.s32 $0xFFFFFF80  }
0x83: {  	_ =	swait.ge [sflag:s26], $0x4000  }
.Ltmp1:
0x84: {  	[sflag:s26] =	ssyncset.done $0x0;
	(pc) =	sbr.rel @p0 .LBB2_4-.Ltmp1, $4  }
0x85: {  	[sflag:s26] =	ssyncadd.s32 $0xFFFFC000  }
0x86: {  	[spmem:s3] =	stream.indirect.scatter.add.f32 [tilespmem:s23], [sflag:$0x3], $0x80, s24, s21, $0xb8;
	[tilespmem:$0x1C200] =	vst v63  }
0x87: {  	_ =	swait.ge [sflag:s20], $0x4000  }
0x88: {  	s31 =	smov.u32 s0;
	s29 =	sadd.s32 $0x100, s29;
	[sflag:s20] =	ssyncset.done $0x0  }
0x89: {  	s0 =	sadd.s32 s30, s18;
	[sflag:s20] =	ssyncadd.s32 $0xFFFFC000  }
0x8a: {  	[tilespmem:s22], [sflag:$0x3] =	stream.linear.gather [hbm4b:s0+s5], $0x80, $0x38;
	[tilespmem:$0x1C200] =	vst v63  }
0x8b: {  	_ =	swait.ge [sflag:s20], $0x80  }
0x8c: {  	[sflag:s20] =	ssyncset.done $0x0  }
0x8d: {  	[sflag:s20] =	ssyncadd.s32 $0xFFFFFF80  }
0x8e: {  	[tilespmem:s23], [sflag:$0x2] =	stream.indirect.gather [hbm4b:s6+s21], $0x80, s22, s21, $0xb8;
	[tilespmem:$0x1C200] =	vst v63  }
0x8f: {  	s8 =	sadd.s32 s30, s17  }
0x90: {  	[tilespmem:s24], [sflag:$0x3] =	stream.linear.gather [hbm4b:s8+s5], $0x80, $0x38;
	[tilespmem:$0x1C200] =	vst v63  }
0x91: {  	_ =	swait.ge [sflag:s20], $0x80  }
0x92: {  	[sflag:s20] =	ssyncset.done $0x0  }
0x93: {  	[sflag:s20] =	ssyncadd.s32 $0xFFFFFF80  }
0x94: {  	_ =	swait.ge [sflag:s25], $0x4000  }
0x95: {  	[sflag:s25] =	ssyncset.done $0x0  }
0x96: {  	[sflag:s25] =	ssyncadd.s32 $0xFFFFC000  }
0x97: {  	[spmem:s3] =	stream.indirect.scatter.add.f32 [tilespmem:s19], [sflag:$0x3], $0x80, s21, s21, $0xb8;
	[tilespmem:$0x1C200] =	vst v63  }
0x98: {  	_ =	swait.ge [sflag:s20], $0x4000  }
0x99: {  	s29 =	sshrl.u32 s29, $0x3;
	[sflag:s20] =	ssyncset.done $0x0  }
0x9a: {  	s4 =	sadd.s32 s1, s29;
	[sflag:s20] =	ssyncadd.s32 $0xFFFFC000  }
0x9b: {  	[tilespmem:s5], [sflag:$0x3] =	stream.linear.gather [hbm4b:s4+s5], $0x80, $0x38;
	[tilespmem:$0x1C200] =	vst v63  }
0x9c: {  	_ =	swait.ge [sflag:s20], $0x80  }
0x9d: {  	[sflag:s20] =	ssyncset.done $0x0  }
0x9e: {  	[sflag:s20] =	ssyncadd.s32 $0xFFFFFF80  }
0x9f: {  	[tilespmem:s19], [sflag:$0x1] =	stream.indirect.gather [hbm4b:s6+s21], $0x80, s5, s21, $0xb8;
	[tilespmem:$0x1C200] =	vst v63  }
0xa0: {  	s0 =	sadd.s32 s2, s29  }
0xa1: {  	[tilespmem:s21], [sflag:$0x3] =	stream.linear.gather [hbm4b:s0+s5], $0x80, $0x38;
	[tilespmem:$0x1C200] =	vst v63  }
0xa2: {  	_ =	swait.ge [sflag:s20], $0x80  }
0xa3: {  	[sflag:s20] =	ssyncset.done $0x0  }
0xa4: {  	[sflag:s20] =	ssyncadd.s32 $0xFFFFFF80  }
0xa5: {  	_ =	swait.ge [sflag:s26], $0x4000  }
0xa6: {  	[sflag:s26] =	ssyncset.done $0x0  }
0xa7: {  	[sflag:s26] =	ssyncadd.s32 $0xFFFFC000  }
0xa8: {  	[spmem:s3] =	stream.indirect.scatter.add.f32 [tilespmem:s23], [sflag:$0x3], $0x80, s24, s21, $0xb8;
	[tilespmem:$0x1C200] =	vst v63  }
0xa9: {  	_ =	swait.ge [sflag:s20], $0x4000  }
0xaa: {  	[sflag:s20] =	ssyncset.done $0x0  }
0xab: {  	[sflag:s20] =	ssyncadd.s32 $0xFFFFC000  }
0xac: {  	_ =	swait.ge [sflag:s25], $0x4000  }
0xad: {  	[sflag:s25] =	ssyncset.done $0x0  }
0xae: {  	[sflag:s25] =	ssyncadd.s32 $0xFFFFC000  }
0xaf: {  	[spmem:s3] =	stream.indirect.scatter.add.f32 [tilespmem:s19], [sflag:$0x3], $0x80, s21, s21, $0xb8;
	[tilespmem:$0x1C200] =	vst v63  }
0xb0: {  	s30 =	stileid.u32;
	_ =	swait.ge [sflag:s20], $0x4000  }
0xb1: {  	s31 =	sshrl.u32 s7, $0x3;
	s28 =	sadd.s32 $0x1, s28;
	[sflag:s20] =	ssyncset.done $0x0  }
0xb2: {  	p0 =	sne.s32 s28, s15;
	s0 =	sshll.u32 s30, $0x6;
	[sflag:s20] =	ssyncadd.s32 $0xFFFFC000  }
.Ltmp2:
0xb3: {  	s0 =	sor.u32 $0x1C03, s0;
	[bflag:$0x0] =	sbarrier.arrive $0xFFFF;
	(pc) =	sbr.rel @p0 .LBB2_1-.Ltmp2, $4  }
0xb4: {  	[hbm:s14], [sflag:s0] =	dma.local [spmem:s31], $0x2800  }
0xb5: {  	_ =	swait.ge [sflag:s20], $0x2800  }
0xb6: {  	[sflag:s20] =	ssyncset.done $0x0  }
0xb7: {  	[sflag:s20] =	ssyncadd.s32 $0xFFFFD800  }
0xb8: {  	_ =	sfence.sel $0x180000  }
0xb9: {  	[bflag:$0x0] =	sbarrier.arrive $0xFFFF  }
0xba: {  	_ =	strace $0x9000004D  }
0xbb: {  	s0 =	stileid.u32;
	[bflag:$0x2] =	sbarrier.arrive $0xFFFF  }
0xbc: {  	p0 =	sne.s32 s0, $0x0;
	s0 =	rddreg [dreg:$0x4]  }
0xbd: {  	s0 =	sadd.s32 @!p0 $0x100000, s0  }
0xbe: {  	[sflag:s0] =	ssyncadd.tile.s32 @!p0 $0x1;
	_ =	shalt  }
.Lfunc_end2:
_tile_overlayer_lowered:
.L_overlay_start_2:
0xbf: {  	(tag) =	ssettag $0x2  }
0xc0: {  	s0 =	rddreg [dreg:$0x0];
	s2 =	stileid.u32  }
0xc1: {  	s1 =	rddreg [dreg:$0x1];
	p0 =	sne.s32 s2, $0x0  }
0xc2: {  	s3 =	rddreg [dreg:$0x2];
	[bflag:$0x3] =	sbarrier.arrive $0xFFFF;
	s2 =	simm.s32 @!p0 $0x1C03  }
0xc3: {  	[timem:s3], [sflag:s2] =	dma.local @!p0 [hbm:s0], s1  }
0xc4: {  	s0 =	simm.s32 @!p0 $0x3  }
0xc5: {  	_ =	swait.ge @!p0 [sflag:s0], s1  }
0xc6: {  	s1 =	ssub.s32 @!p0 $0x0, s1;
	[sflag:s0] =	ssyncset.done @!p0 $0x0  }
0xc7: {  	[sflag:s0] =	ssyncadd.s32 @!p0 s1  }
0xc8: {  	[bflag:$0x3] =	sbarrier.arrive $0xFFFF  }
0xc9: {  	_ =	shalt  }

// kernel: kernel.23.cloned.1.call-start
scs
__scs_entry_jumppad:
0x0: {  	(pc) =	sbr.rel $0x88, $3  }
0x1: {  	(tag) =	ssettag $0x0;
	lr =	simm.s32 $0x1  }
0x2: {  	[smem:$0x3F99] =	sst lr;
	_ =	strace $0xD0000000  }
0x3: {  	_ = 	snop  }
0x4: {  	_ = 	snop  }
0x5: {  	_ = 	snop  }
0x6: {  	_ = 	snop  }
0x7: {  	_ = 	snop  }
__scs_overlays_trampoline_lowered:
0x8: {  	[smem:$0x3FA8] =	sst s0  }
0x9: {  	[smem:$0x3FA9] =	sst s1  }
0xa: {  	[smem:$0x3FAA] =	sst s2  }
0xb: {  	[smem:$0x3FAB] =	sst s3  }
0xc: {  	[smem:$0x3FAC] =	sst s4  }
0xd: {  	[smem:$0x3FAD] =	sst s5  }
0xe: {  	[smem:$0x3FAE] =	sst s6  }
0xf: {  	[smem:$0x3FAF] =	sst s7  }
0x10: {  	[smem:$0x3FB0] =	sst s8  }
0x11: {  	[smem:$0x3FB1] =	sst s9;
	s0 =	simm.s32 @!p0 $0x0  }
0x12: {  	s1 =	sld [smem:$0x3F97];
	s0 =	simm.s32 @p0 $0x1  }
0x13: {  	[smem:$0x3FB2] =	sst s0;
	s0 =	simm.s32 @!p1 $0x0  }
0x14: {  	s2 =	sld [smem:$0x3F96];
	s0 =	simm.s32 @p1 $0x1  }
0x15: {  	[smem:$0x3FB3] =	sst s0;
	s0 =	simm.s32 @!p2 $0x0  }
0x16: {  	s3 =	sld [smem:$0x3FDB];
	s0 =	simm.s32 @p2 $0x1  }
0x17: {  	s4 =	simm.s32 $0x1BF5;
	[smem:$0x3FB5] =	sst s0  }
0x18: {  	s0 =	sld [smem:$0x3F98];
	_ =	swait.ge [sflag:s4], $0x0  }
0x19: {  	s7 =	sld [smem:$0x3F99]  }
0x1a: {  	s8 =	sadd.s32 $0xFFFFE003, lr  }
0x1b: {  	s9 =	sadd.s32 $0xFFFFFEF7, lr;
	s5 =	simm.s32 $0xFFFFFFFF;
	p2 =	slt.u32 s8, $0xFFFFF086  }
0x1c: {  	p1 =	slt.u32 s9, $0xF7A;
	s5 =	simm.s32 @!p2 $0x0  }
0x1d: {  	s5 =	simm.s32 @p1 $0x1;
	p0 =	seq.s32 s7, s2  }
0x1e: {  	s7 =	smul.u32 @!p0 $0xF7A, s2;
	p2 =	seq.s32 @!p0 s5, $0x0  }
0x1f: {  	s9 =	smul.u32 $0xF7A, s1;
	s8 =	simm.s32 @!p0 $0x1BF5;
	p2 =	por !p2, p0  }
0x20: {  	[sflag:s8] =	ssyncset.s32 @!p0 $0xFFFFF086;
	s6 =	sadd.s32 @!p0 s3, s7;
	s7 =	simm.s32 @!p0 $0x108  }
0x21: {  	s3 =	sadd.s32 s3, s9;
	s6 =	sadd.s32 @!p0 $0x88, s6;
	s7 =	simm.s32 @p2 $0x1082  }
0x22: {  	[simem:s7], [sflag:s8] =	dma.local @!p0 [hbm:s6], $0xF7A  }
0x23: {  	s9 =	sor.u32 $0xD0000000, s2;
	s6 =	simm.s32 $0x108;
	_ =	swait.ge @!p0 [sflag:s8], $0x0  }
0x24: {  	s3 =	sadd.s32 $0x88, s3;
	s6 =	simm.s32 @!p1 $0x1082;
	[sflag:s4] =	ssyncset.s32 $0xFFFFF086  }
0x25: {  	[simem:s6], [sflag:s4] =	dma.local [hbm:s3], $0xF7A  }
0x26: {  	[smem:$0x3F99] =	sst s1;
	(tag) =	ssettag s2;
	_ =	strace s9  }
0x27: {  	s1 =	sld [smem:$0x3FA9]  }
0x28: {  	s2 =	sld [smem:$0x3FAA]  }
0x29: {  	s4 =	sld [smem:$0x3FAC]  }
0x2a: {  	p0 =	seq.s32 s5, $0x0;
	s5 =	sld [smem:$0x3FAD]  }
0x2b: {  	s6 =	sld [smem:$0x3FAE]  }
0x2c: {  	s7 =	sld [smem:$0x3FAF]  }
0x2d: {  	s3 =	simm.s32 $0x108;
	s8 =	sld [smem:$0x3FB0]  }
0x2e: {  	s3 =	simm.s32 @!p0 $0x1082;
	s9 =	sld [smem:$0x3FB1]  }
0x2f: {  	lr =	sadd.s32 s0, s3;
	s0 =	sld [smem:$0x3FA8]  }
0x30: {  	s3 =	sld [smem:$0x3FAB]  }
0x31: {  	[smem:$0x3FB4] =	sst s10  }
0x32: {  	s10 =	sld [smem:$0x3FB2];
	_ =	sdelay $0x3  }
0x33: {  	p0 =	seq.s32 s10, $0x1;
	s10 =	sld [smem:$0x3FB4];
	_ =	sdelay $0x3  }
0x34: {  	[smem:$0x3FB4] =	sst s10  }
0x35: {  	s10 =	sld [smem:$0x3FB3];
	_ =	sdelay $0x3  }
0x36: {  	p1 =	seq.s32 s10, $0x1;
	s10 =	sld [smem:$0x3FB4];
	_ =	sdelay $0x3  }
0x37: {  	[smem:$0x3FB4] =	sst s10  }
0x38: {  	s10 =	sld [smem:$0x3FB5]  }
0x39: {  	_ = 	snop;
	(pc) =	sbr.ind lr, $3  }
0x3a: {  	_ = 	snop  }
0x3b: {  	_ = 	snop  }
0x3c: {  	p2 =	seq.s32 s10, $0x1;
	s10 =	sld [smem:$0x3FB4]  }
0x3d: {  	_ =	shalt  }
0x3e: {  	_ =	shalt  }
0x3f: {  	_ =	shalt  }
0x40: {  	_ =	shalt  }
0x41: {  	_ =	shalt  }
0x42: {  	_ =	shalt  }
0x43: {  	_ =	shalt  }
0x44: {  	_ =	shalt  }
0x45: {  	_ =	shalt  }
0x46: {  	_ =	shalt  }
0x47: {  	_ =	shalt  }
0x48: {  	_ =	shalt  }
0x49: {  	_ =	shalt  }
0x4a: {  	_ =	shalt  }
0x4b: {  	_ =	shalt  }
0x4c: {  	_ =	shalt  }
0x4d: {  	_ =	shalt  }
0x4e: {  	_ =	shalt  }
0x4f: {  	_ =	shalt  }
0x50: {  	_ =	shalt  }
0x51: {  	_ =	shalt  }
0x52: {  	_ =	shalt  }
0x53: {  	_ =	shalt  }
0x54: {  	_ =	shalt  }
0x55: {  	_ =	shalt  }
0x56: {  	_ =	shalt  }
0x57: {  	_ =	shalt  }
0x58: {  	_ =	shalt  }
0x59: {  	_ =	shalt  }
0x5a: {  	_ =	shalt  }
0x5b: {  	_ =	shalt  }
0x5c: {  	_ =	shalt  }
0x5d: {  	_ =	shalt  }
0x5e: {  	_ =	shalt  }
0x5f: {  	_ =	shalt  }
0x60: {  	_ =	shalt  }
0x61: {  	_ =	shalt  }
0x62: {  	_ =	shalt  }
0x63: {  	_ =	shalt  }
0x64: {  	_ =	shalt  }
0x65: {  	_ =	shalt  }
0x66: {  	_ =	shalt  }
0x67: {  	_ =	shalt  }
0x68: {  	_ =	shalt  }
0x69: {  	_ =	shalt  }
0x6a: {  	_ =	shalt  }
0x6b: {  	_ =	shalt  }
0x6c: {  	_ =	shalt  }
0x6d: {  	_ =	shalt  }
0x6e: {  	_ =	shalt  }
0x6f: {  	_ =	shalt  }
0x70: {  	_ =	shalt  }
0x71: {  	_ =	shalt  }
0x72: {  	_ =	shalt  }
0x73: {  	_ =	shalt  }
0x74: {  	_ =	shalt  }
0x75: {  	_ =	shalt  }
0x76: {  	_ =	shalt  }
0x77: {  	_ =	shalt  }
0x78: {  	_ =	shalt  }
0x79: {  	_ =	shalt  }
0x7a: {  	_ =	shalt  }
0x7b: {  	_ =	shalt  }
0x7c: {  	_ =	shalt  }
0x7d: {  	_ =	shalt  }
0x7e: {  	_ =	shalt  }
0x7f: {  	_ =	shalt  }
0x80: {  	_ =	shalt  }
0x81: {  	_ =	shalt  }
0x82: {  	_ =	shalt  }
0x83: {  	_ =	shalt  }
0x84: {  	_ =	shalt  }
0x85: {  	_ =	shalt  }
0x86: {  	_ =	shalt  }
0x87: {  	_ =	shalt  }
.Lfunc_end0:
.L_simem_size_0:
called_computation.3_lowered:
.L_overlay_start_0:
0x88: {  	s2 =	sld [smem:$0x3FD9]  }
0x89: {  	s3 =	sld [smem:$0x3FFE];
	_ =	sdelay $0x1  }
0x8a: {  	s1 =	srdreg.scid  }
0x8b: {  	s0 =	sand.u32 $0x1, s1  }
0x8c: {  	s14 =	sshll.u32 s0, $0xA;
	s2 =	sadd.s32 s3, s2  }
0x8d: {  	s2 =	sadd.s32 s2, s14  }
0x8e: {  	[smem:$0x3FC0] =	sst s2  }
0x8f: {  	_ = 	snop  }
0x90: {  	s2 =	sld [smem:$0x3FD0];
	_ =	sdelay $0x2  }
0x91: {  	s15 =	simm.s32 $0xA;
	s4 =	simm.s32 $0x10  }
0x92: {  	[smem:s4], [sflag:s15] =	dma.local [hbm:s2], $0x1  }
0x93: {  	_ =	swait.eq [sflag:s15], $0x1  }
0x94: {  	[sflag:s15] =	ssyncset.done $0x0  }
0x95: {  	s16 =	sld [smem:$0x10];
	[sflag:s15] =	ssyncadd.s32 $0xFFFFFFFF  }
0x96: {  	s17 =	sld [smem:$0x11];
	(tm) =	ssettm $0x1  }
0x97: {  	s18 =	sld [smem:$0x3FFB];
	_ =	sdelay $0x3  }
0x98: {  	_ =	strace s18  }
0x99: {  	s4 =	sld [smem:$0x3FFC];
	_ =	sdelay $0x3  }
0x9a: {  	_ =	strace s4  }
0x9b: {  	s4 =	sld [smem:$0x3FFD];
	_ =	sdelay $0x3  }
0x9c: {  	_ =	strace s4  }
0x9d: {  	_ =	strace $0x8FFFFFFF  }
0x9e: {  	s19 =	sld [smem:$0x3FDB];
	_ =	sdelay $0x1  }
0x9f: {  	s5 =	simm.s32 $_scs_section_size  }
0xa0: {  	s6 =	simm.s32 $_size__tile_overlayer_lowered;
	s7 =	simm.s32 $_tile_overlayer_lowered  }
0xa1: {  	s22 =	simm.s32 $0x1BFF;
	s21 =	sshll.u32 s7, $0x1;
	s4 =	sadd.s32 s5, s19  }
0xa2: {  	s8 =	simm.s32 $0x0;
	s20 =	sshll.u32 s6, $0x1;
	s6 =	sadd.s32 s21, s4  }
0xa3: {  	[timem:s8], [sflag:s22] =	dma.local [hbm:s6], s20  }
0xa4: {  	_ =	swait.ge [sflag:s22], s20  }
0xa5: {  	s5 =	ssub.s32 $0x0, s20;
	[sflag:s22] =	ssyncset.done $0x0  }
0xa6: {  	[sflag:s22] =	ssyncadd.s32 s5;
	_ =	sdelay $0x1  }
0xa7: {  	s23 =	simm.s32 $0x1B8B  }
0xa8: {  	_ =	swait.ge [sflag:s23], $0x1  }
0xa9: {  	[sflag:s23] =	ssyncset.done $0x0  }
0xaa: {  	s25 =	simm.s32 $0x1B8E;
	s24 =	sld [smem:$0x3FFE];
	[sflag:s23] =	ssyncadd.s32 $0xFFFFFFFF  }
0xab: {  	s26 =	simm.s32 $execute0_lowered;
	[smem:$0x3FD2] =	sst s25  }
0xac: {  	s6 =	sshll.u32 s26, $0x1;
	_ =	strace $0x8000004F;
	[dreg:$0x1] =	wrdreg $0xFFFFFFFF  }
0xad: {  	s28 =	simm.s32 $_size_execute0_lowered;
	s4 =	sadd.s32 s4, s6;
	[dreg:$0x0] =	wrdreg $0x0  }
0xae: {  	s6 =	sshll.u32 s28, $0x1;
	[dreg:$0x2] =	wrdreg s4  }
0xaf: {  	[dreg:$0x3] =	wrdreg s6  }
0xb0: {  	[dreg:$0x4] =	wrdreg $0xC0  }
0xb1: {  	_ =	task [dreg:s8], $0x5FFFF  }
0xb2: {  	[dreg:$0x1] =	wrdreg $0xFFFFFFFF  }
0xb3: {  	[dreg:$0x0] =	wrdreg $0x60  }
0xb4: {  	[dreg:$0x2] =	wrdreg s24  }
0xb5: {  	[dreg:$0x3] =	wrdreg s16  }
0xb6: {  	[dreg:$0x4] =	wrdreg s17  }
0xb7: {  	[dreg:$0x5] =	wrdreg $0x82000  }
0xb8: {  	[dreg:$0x6] =	wrdreg $0x9  }
0xb9: {  	_ =	task.clear_ibuf [dreg:s8], $0x7FFFF;
	_ =	strace $0x9000004F  }
0xba: {  	s29 =	simm.s32 $0x9;
	_ =	strace $0x80000051  }
0xbb: {  	_ =	swait.ge [sflag:s29], $0x1  }
0xbc: {  	[sflag:s29] =	ssyncadd.s32 $0xFFFFFFFF  }
0xbd: {  	_ =	strace $0x90000051  }
0xbe: {  	_ =	sfence  }
0xbf: {  	s30 =	sld [smem:$0x0];
	_ =	sdelay $0x2  }
0xc0: {  	s31 =	sshll.u32 s1, $0xD;
	s1 =	sshrl.u32 s1, $0x2  }
0xc1: {  	s3 =	sand.u32 $0x4000, s31;
	s1 =	sadd.s32 s1, s30  }
0xc2: {  	s0 =	sor.u32 s3, s0;
	s1 =	sshll.u32 s1, $0x11  }
0xc3: {  	s0 =	sor.u32 s1, s0  }
0xc4: {  	s0 =	sadd.s32 $0x8F2B, s0  }
0xc5: {  	[sflag:s0] =	ssyncadd.remote.s32 $0x1  }
0xc6: {  	_ =	sfence.sel $0xFFFF  }
0xc7: {  	[dreg:$0x0] =	wrdreg $0xFFFFFFFF;
	(pc) =	sbr.abs _section_cstart, $3  }
0xc8: {  	[dreg:$0x1] =	wrdreg $0xFFFFFFFF  }
0xc9: {  	_ =	task.clear_ibuf [dreg:s8], $0x2FFFF;
	_ =	strace $0x9FFFFFFF  }
0xca: {  	(tm) =	ssettm $0x7FFFFFFF  }
0xcb: {  	_ =	shalt  }
tec
execute0_lowered:
.L_overlay_start_1:
0x0: {  	(tag) =	ssettag $0x1  }
0x1: {  	s0 =	rddreg [dreg:$0x0]  }
0x2: {  	s1 =	rddreg [dreg:$0x1]  }
0x3: {  	s2 =	rddreg [dreg:$0x2]  }
0x4: {  	s3 =	rddreg [dreg:$0x3]  }
0x5: {  	s4 =	srdreg.scid;
	s5 =	simm.s32 $0x0;
	s23 =	stileid.u32  }
0x6: {  	s19 =	simm.s32 $0x100;
	s20 =	simm.s32 $0x3;
	s21 =	simm.s32 $0x80  }
0x7: {  	s22 =	simm.s32 $0x4100;
	s28 =	simm.s32 $0x0;
	s9 =	smul.u32 $0x14000, s23  }
0x8: {  	s8 =	sand.u32 $0x1, s4;
	[smem:$0x7FF] =	sst s5;
	s10 =	smul.u32 $0x50000, s23  }
0x9: {  	s6 =	sadd.s32 $0x4800, s0;
	s24 =	sshll.u32 s23, $0x1;
	s13 =	smul.u32 $0x4F00, s23  }
0xa: {  	s23 =	simm.s32 $0x4200;
	s7 =	smul.u32 $0x140000, s8;
	s25 =	ssub.s32 $0x2, s8  }
0xb: {  	_ =	strace $0x80000050;
	s14 =	smul.u32 $0x2780, s8;
	s26 =	sshrl.u32 s25, $0x1  }
0xc: {  	s10 =	sshrl.u32 s10, $0x2;
	s7 =	sadd.s32 s9, s7;
	s9 =	sor.u32 s8, s24  }
0xd: {  	s15 =	ssub.s32 s25, s26;
	s17 =	sadd.s32 s14, s13;
	s24 =	simm.s32 $0x4180  }
0xe: {  	s25 =	simm.s32 $0x1;
	s26 =	simm.s32 $0x2;
	s7 =	sshrl.u32 s7, $0x3  }
0xf: {  	s12 =	smul.u32 $0x2780, s9;
	s30 =	sadd.s32 $0x80, s17;
	s15 =	smax.u32 s15, $0x1  }
0x10: {  	s0 =	sadd.s32 s7, s0;
	s7 =	sadd.s32 s10, s3;
	s31 =	sshrl.u32 s30, $0x3  }
0x11: {  	s29 =	sadd.s32 $0x4000, s7;
	s9 =	sadd.s32 $0x8000, s7;
	s10 =	sadd.s32 $0xC000, s7  }
0x12: {  	s11 =	sadd.s32 $0x10000, s7;
	s16 =	sshrl.u32 s12, $0x3;
	s14 =	sadd.s32 $0x54800, s0  }
0x13: {  	s18 =	sadd.s32 s31, s1;
	[dreg:$0x5] =	wrdreg s29;
	s12 =	sadd.s32 s1, s16  }
0x14: {  	v0 =	vimm.f32 $0.0e+00;
	s13 =	sadd.s32 s2, s16;
	s16 =	sadd.s32 $0x100, s17;
	s17 =	sadd.s32 s31, s2  }
.LBB2_1:
0x15: {  	s29 =	simm.s32 $0x0;
	s30 =	simm.s32 $0x200  }
.LBB2_2:
0x16: {  	p0 =	sne.s32 s30, $0xFE00;
	[tilespmem:s29+$0x170] =	vst v0  }
0x17: {  	[tilespmem:s29+$0x100] =	vst v0  }
0x18: {  	[tilespmem:s29+$0x110] =	vst v0  }
.Ltmp0:
0x19: {  	[tilespmem:s29+$0x120] =	vst v0;
	(pc) =	sbr.rel @p0 .LBB2_2-.Ltmp0, $4  }
0x1a: {  	[tilespmem:s29+$0x130] =	vst v0  }
0x1b: {  	[tilespmem:s29+$0x140] =	vst v0  }
0x1c: {  	[tilespmem:s29+$0x150] =	vst v0  }
0x1d: {  	[tilespmem:s29+$0x160] =	vst v0;
	s29 =	sshra.s32 s30, $0x2;
	s30 =	sadd.s32 $0x200, s30  }
0x1e: {  	[tilespmem:s29+$0x170] =	vst v0  }
0x1f: {  	[tilespmem:s29+$0x100] =	vst v0  }
0x20: {  	[tilespmem:s29+$0x110] =	vst v0  }
0x21: {  	[tilespmem:s29+$0x120] =	vst v0  }
0x22: {  	[tilespmem:s29+$0x130] =	vst v0  }
0x23: {  	[tilespmem:s29+$0x140] =	vst v0  }
0x24: {  	[tilespmem:s29+$0x150] =	vst v0  }
0x25: {  	[tilespmem:s29+$0x160] =	vst v0  }
0x26: {  	[spmem:s7] =	stream.linear.scatter [tilespmem:s19], [sflag:$0x3], $0x4000, $0x38;
	[tilespmem:$0x1C200] =	vst v63  }
0x27: {  	_ =	swait.ge [sflag:s20], $0x4000  }
0x28: {  	[sflag:s20] =	ssyncset.done $0x0  }
0x29: {  	s0 =	rddreg [dreg:$0x5];
	[sflag:s20] =	ssyncadd.s32 $0xFFFFC000  }
0x2a: {  	[spmem:s0] =	stream.linear.scatter [tilespmem:s19], [sflag:$0x3], $0x4000, $0x38;
	[tilespmem:$0x1C200] =	vst v63  }
0x2b: {  	_ =	swait.ge [sflag:s20], $0x4000  }
0x2c: {  	[sflag:s20] =	ssyncset.done $0x0  }
0x2d: {  	[sflag:s20] =	ssyncadd.s32 $0xFFFFC000  }
0x2e: {  	[spmem:s9] =	stream.linear.scatter [tilespmem:s19], [sflag:$0x3], $0x4000, $0x38;
	[tilespmem:$0x1C200] =	vst v63  }
0x2f: {  	_ =	swait.ge [sflag:s20], $0x4000  }
0x30: {  	[sflag:s20] =	ssyncset.done $0x0  }
0x31: {  	[sflag:s20] =	ssyncadd.s32 $0xFFFFC000  }
0x32: {  	[spmem:s10] =	stream.linear.scatter [tilespmem:s19], [sflag:$0x3], $0x4000, $0x38;
	[tilespmem:$0x1C200] =	vst v63  }
0x33: {  	_ =	swait.ge [sflag:s20], $0x4000  }
0x34: {  	[sflag:s20] =	ssyncset.done $0x0  }
0x35: {  	[sflag:s20] =	ssyncadd.s32 $0xFFFFC000  }
0x36: {  	[spmem:s11] =	stream.linear.scatter [tilespmem:s19], [sflag:$0x3], $0x4000, $0x38;
	[tilespmem:$0x1C200] =	vst v63  }
0x37: {  	_ =	swait.ge [sflag:s20], $0x4000  }
0x38: {  	[sflag:s20] =	ssyncset.done $0x0  }
0x39: {  	[sflag:s20] =	ssyncadd.s32 $0xFFFFC000  }
0x3a: {  	s4 =	simm.s32 $0x0;
	[bflag:$0x0] =	sbarrier.arrive $0xFFFF  }
0x3b: {  	[tilespmem:s4], [sflag:$0x3] =	stream.linear.gather [hbm4b:s12+s4], $0x80, $0x38;
	[tilespmem:$0x1C200] =	vst v63  }
0x3c: {  	_ =	swait.ge [sflag:s20], $0x80  }
0x3d: {  	[sflag:s20] =	ssyncset.done $0x0  }
0x3e: {  	[sflag:s20] =	ssyncadd.s32 $0xFFFFFF80  }
0x3f: {  	[tilespmem:s19], [sflag:$0x1] =	stream.indirect.gather [hbm4b:s6+s21], $0x80, s4, s21, $0xb8;
	[tilespmem:$0x1C200] =	vst v63  }
0x40: {  	_ = 	snop  }
0x41: {  	[tilespmem:s21], [sflag:$0x3] =	stream.linear.gather [hbm4b:s13+s4], $0x80, $0x38;
	[tilespmem:$0x1C200] =	vst v63  }
0x42: {  	_ =	swait.ge [sflag:s20], $0x80  }
0x43: {  	[sflag:s20] =	ssyncset.done $0x0  }
0x44: {  	s8 =	sadd.s32 $0x0, s18;
	[sflag:s20] =	ssyncadd.s32 $0xFFFFFF80  }
0x45: {  	[tilespmem:s22], [sflag:$0x3] =	stream.linear.gather [hbm4b:s8+s5], $0x80, $0x38;
	[tilespmem:$0x1C200] =	vst v63  }
0x46: {  	_ =	swait.ge [sflag:s20], $0x80  }
0x47: {  	[sflag:s20] =	ssyncset.done $0x0  }
0x48: {  	[sflag:s20] =	ssyncadd.s32 $0xFFFFFF80  }
0x49: {  	[tilespmem:s23], [sflag:$0x2] =	stream.indirect.gather [hbm4b:s6+s21], $0x80, s22, s21, $0xb8;
	[tilespmem:$0x1C200] =	vst v63  }
0x4a: {  	s4 =	sadd.s32 $0x0, s17  }
0x4b: {  	[tilespmem:s24], [sflag:$0x3] =	stream.linear.gather [hbm4b:s4+s5], $0x80, $0x38;
	[tilespmem:$0x1C200] =	vst v63  }
0x4c: {  	_ =	swait.ge [sflag:s20], $0x80  }
0x4d: {  	[sflag:s20] =	ssyncset.done $0x0  }
0x4e: {  	[sflag:s20] =	ssyncadd.s32 $0xFFFFFF80  }
0x4f: {  	_ =	swait.ge [sflag:s25], $0x4000  }
0x50: {  	[sflag:s25] =	ssyncset.done $0x0  }
0x51: {  	[sflag:s25] =	ssyncadd.s32 $0xFFFFC000  }
0x52: {  	[spmem:s3] =	stream.indirect.scatter.add.f32 [tilespmem:s19], [sflag:$0x3], $0x80, s21, s21, $0xb8;
	[tilespmem:$0x1C200] =	vst v63  }
0x53: {  	_ =	swait.ge [sflag:s20], $0x4000  }
0x54: {  	s8 =	sshrl.u32 s16, $0x3;
	[sflag:s20] =	ssyncset.done $0x0  }
0x55: {  	s29 =	sadd.s32 s1, s8;
	[sflag:s20] =	ssyncadd.s32 $0xFFFFC000  }
0x56: {  	[tilespmem:s5], [sflag:$0x3] =	stream.linear.gather [hbm4b:s29+s5], $0x80, $0x38;
	[tilespmem:$0x1C200] =	vst v63  }
0x57: {  	_ =	swait.ge [sflag:s20], $0x80  }
0x58: {  	[sflag:s20] =	ssyncset.done $0x0  }
0x59: {  	[sflag:s20] =	ssyncadd.s32 $0xFFFFFF80  }
0x5a: {  	[tilespmem:s19], [sflag:$0x1] =	stream.indirect.gather [hbm4b:s6+s21], $0x80, s5, s21, $0xb8;
	[tilespmem:$0x1C200] =	vst v63  }
0x5b: {  	s0 =	sadd.s32 s2, s8  }
0x5c: {  	[tilespmem:s21], [sflag:$0x3] =	stream.linear.gather [hbm4b:s0+s5], $0x80, $0x38;
	[tilespmem:$0x1C200] =	vst v63  }
0x5d: {  	_ =	swait.ge [sflag:s20], $0x80  }
0x5e: {  	[sflag:s20] =	ssyncset.done $0x0  }
0x5f: {  	[sflag:s20] =	ssyncadd.s32 $0xFFFFFF80  }
0x60: {  	_ =	swait.ge [sflag:s26], $0x4000  }
0x61: {  	[sflag:s26] =	ssyncset.done $0x0  }
0x62: {  	[sflag:s26] =	ssyncadd.s32 $0xFFFFC000  }
0x63: {  	[spmem:s3] =	stream.indirect.scatter.add.f32 [tilespmem:s23], [sflag:$0x3], $0x80, s24, s21, $0xb8;
	[tilespmem:$0x1C200] =	vst v63  }
0x64: {  	s30 =	simm.s32 $0x20;
	_ =	swait.ge [sflag:s20], $0x4000  }
0x65: {  	s31 =	simm.s32 $0x40;
	s29 =	sadd.s32 $0x100, s16;
	[sflag:s20] =	ssyncset.done $0x0  }
.LBB2_4:
0x66: {  	s4 =	sadd.s32 s30, s18  }
0x67: {  	[sflag:s20] =	ssyncadd.s32 $0xFFFFC000;
	s8 =	smov.u32 s31;
	s0 =	sadd.s32 $0x20, s31  }
0x68: {  	[tilespmem:s22], [sflag:$0x3] =	stream.linear.gather [hbm4b:s4+s5], $0x80, $0x38;
	[tilespmem:$0x1C200] =	vst v63  }
0x69: {  	p0 =	sne.s32 s31, $0x4C0;
	_ =	swait.ge [sflag:s20], $0x80  }
0x6a: {  	[sflag:s20] =	ssyncset.done $0x0  }
0x6b: {  	[sflag:s20] =	ssyncadd.s32 $0xFFFFFF80  }
0x6c: {  	[tilespmem:s23], [sflag:$0x2] =	stream.indirect.gather [hbm4b:s6+s21], $0x80, s22, s21, $0xb8;
	[tilespmem:$0x1C200] =	vst v63  }
0x6d: {  	s4 =	sadd.s32 s30, s17;
	s30 =	smov.u32 s8  }
0x6e: {  	[tilespmem:s24], [sflag:$0x3] =	stream.linear.gather [hbm4b:s4+s5], $0x80, $0x38;
	[tilespmem:$0x1C200] =	vst v63  }
0x6f: {  	_ =	swait.ge [sflag:s20], $0x80  }
0x70: {  	[sflag:s20] =	ssyncset.done $0x0  }
0x71: {  	[sflag:s20] =	ssyncadd.s32 $0xFFFFFF80  }
0x72: {  	_ =	swait.ge [sflag:s25], $0x4000  }
0x73: {  	[sflag:s25] =	ssyncset.done $0x0  }
0x74: {  	[sflag:s25] =	ssyncadd.s32 $0xFFFFC000  }
0x75: {  	[spmem:s3] =	stream.indirect.scatter.add.f32 [tilespmem:s19], [sflag:$0x3], $0x80, s21, s21, $0xb8;
	[tilespmem:$0x1C200] =	vst v63  }
0x76: {  	_ =	swait.ge [sflag:s20], $0x4000  }
0x77: {  	s4 =	sshrl.u32 s29, $0x3;
	[sflag:s20] =	ssyncset.done $0x0  }
0x78: {  	s8 =	sadd.s32 s1, s4;
	[sflag:s20] =	ssyncadd.s32 $0xFFFFC000  }
0x79: {  	[tilespmem:s5], [sflag:$0x3] =	stream.linear.gather [hbm4b:s8+s5], $0x80, $0x38;
	[tilespmem:$0x1C200] =	vst v63  }
0x7a: {  	_ =	swait.ge [sflag:s20], $0x80  }
0x7b: {  	[sflag:s20] =	ssyncset.done $0x0  }
0x7c: {  	[sflag:s20] =	ssyncadd.s32 $0xFFFFFF80  }
0x7d: {  	[tilespmem:s19], [sflag:$0x1] =	stream.indirect.gather [hbm4b:s6+s21], $0x80, s5, s21, $0xb8;
	[tilespmem:$0x1C200] =	vst v63  }
0x7e: {  	s4 =	sadd.s32 s2, s4  }
0x7f: {  	[tilespmem:s21], [sflag:$0x3] =	stream.linear.gather [hbm4b:s4+s5], $0x80, $0x38;
	[tilespmem:$0x1C200] =	vst v63  }
0x80: {  	_ =	swait.ge [sflag:s20], $0x80  }
0x81: {  	[sflag:s20] =	ssyncset.done $0x0  }
0x82: {  	[sflag:s20] =	ssyncadd.s32 $0xFFFFFF80  }
0x83: {  	_ =	swait.ge [sflag:s26], $0x4000  }
.Ltmp1:
0x84: {  	[sflag:s26] =	ssyncset.done $0x0;
	(pc) =	sbr.rel @p0 .LBB2_4-.Ltmp1, $4  }
0x85: {  	[sflag:s26] =	ssyncadd.s32 $0xFFFFC000  }
0x86: {  	[spmem:s3] =	stream.indirect.scatter.add.f32 [tilespmem:s23], [sflag:$0x3], $0x80, s24, s21, $0xb8;
	[tilespmem:$0x1C200] =	vst v63  }
0x87: {  	_ =	swait.ge [sflag:s20], $0x4000  }
0x88: {  	s31 =	smov.u32 s0;
	s29 =	sadd.s32 $0x100, s29;
	[sflag:s20] =	ssyncset.done $0x0  }
0x89: {  	s0 =	sadd.s32 s30, s18;
	[sflag:s20] =	ssyncadd.s32 $0xFFFFC000  }
0x8a: {  	[tilespmem:s22], [sflag:$0x3] =	stream.linear.gather [hbm4b:s0+s5], $0x80, $0x38;
	[tilespmem:$0x1C200] =	vst v63  }
0x8b: {  	_ =	swait.ge [sflag:s20], $0x80  }
0x8c: {  	[sflag:s20] =	ssyncset.done $0x0  }
0x8d: {  	[sflag:s20] =	ssyncadd.s32 $0xFFFFFF80  }
0x8e: {  	[tilespmem:s23], [sflag:$0x2] =	stream.indirect.gather [hbm4b:s6+s21], $0x80, s22, s21, $0xb8;
	[tilespmem:$0x1C200] =	vst v63  }
0x8f: {  	s8 =	sadd.s32 s30, s17  }
0x90: {  	[tilespmem:s24], [sflag:$0x3] =	stream.linear.gather [hbm4b:s8+s5], $0x80, $0x38;
	[tilespmem:$0x1C200] =	vst v63  }
0x91: {  	_ =	swait.ge [sflag:s20], $0x80  }
0x92: {  	[sflag:s20] =	ssyncset.done $0x0  }
0x93: {  	[sflag:s20] =	ssyncadd.s32 $0xFFFFFF80  }
0x94: {  	_ =	swait.ge [sflag:s25], $0x4000  }
0x95: {  	[sflag:s25] =	ssyncset.done $0x0  }
0x96: {  	[sflag:s25] =	ssyncadd.s32 $0xFFFFC000  }
0x97: {  	[spmem:s3] =	stream.indirect.scatter.add.f32 [tilespmem:s19], [sflag:$0x3], $0x80, s21, s21, $0xb8;
	[tilespmem:$0x1C200] =	vst v63  }
0x98: {  	_ =	swait.ge [sflag:s20], $0x4000  }
0x99: {  	s29 =	sshrl.u32 s29, $0x3;
	[sflag:s20] =	ssyncset.done $0x0  }
0x9a: {  	s4 =	sadd.s32 s1, s29;
	[sflag:s20] =	ssyncadd.s32 $0xFFFFC000  }
0x9b: {  	[tilespmem:s5], [sflag:$0x3] =	stream.linear.gather [hbm4b:s4+s5], $0x80, $0x38;
	[tilespmem:$0x1C200] =	vst v63  }
0x9c: {  	_ =	swait.ge [sflag:s20], $0x80  }
0x9d: {  	[sflag:s20] =	ssyncset.done $0x0  }
0x9e: {  	[sflag:s20] =	ssyncadd.s32 $0xFFFFFF80  }
0x9f: {  	[tilespmem:s19], [sflag:$0x1] =	stream.indirect.gather [hbm4b:s6+s21], $0x80, s5, s21, $0xb8;
	[tilespmem:$0x1C200] =	vst v63  }
0xa0: {  	s0 =	sadd.s32 s2, s29  }
0xa1: {  	[tilespmem:s21], [sflag:$0x3] =	stream.linear.gather [hbm4b:s0+s5], $0x80, $0x38;
	[tilespmem:$0x1C200] =	vst v63  }
0xa2: {  	_ =	swait.ge [sflag:s20], $0x80  }
0xa3: {  	[sflag:s20] =	ssyncset.done $0x0  }
0xa4: {  	[sflag:s20] =	ssyncadd.s32 $0xFFFFFF80  }
0xa5: {  	_ =	swait.ge [sflag:s26], $0x4000  }
0xa6: {  	[sflag:s26] =	ssyncset.done $0x0  }
0xa7: {  	[sflag:s26] =	ssyncadd.s32 $0xFFFFC000  }
0xa8: {  	[spmem:s3] =	stream.indirect.scatter.add.f32 [tilespmem:s23], [sflag:$0x3], $0x80, s24, s21, $0xb8;
	[tilespmem:$0x1C200] =	vst v63  }
0xa9: {  	_ =	swait.ge [sflag:s20], $0x4000  }
0xaa: {  	[sflag:s20] =	ssyncset.done $0x0  }
0xab: {  	[sflag:s20] =	ssyncadd.s32 $0xFFFFC000  }
0xac: {  	_ =	swait.ge [sflag:s25], $0x4000  }
0xad: {  	[sflag:s25] =	ssyncset.done $0x0  }
0xae: {  	[sflag:s25] =	ssyncadd.s32 $0xFFFFC000  }
0xaf: {  	[spmem:s3] =	stream.indirect.scatter.add.f32 [tilespmem:s19], [sflag:$0x3], $0x80, s21, s21, $0xb8;
	[tilespmem:$0x1C200] =	vst v63  }
0xb0: {  	s30 =	stileid.u32;
	_ =	swait.ge [sflag:s20], $0x4000  }
0xb1: {  	s31 =	sshrl.u32 s7, $0x3;
	s28 =	sadd.s32 $0x1, s28;
	[sflag:s20] =	ssyncset.done $0x0  }
0xb2: {  	p0 =	sne.s32 s28, s15;
	s0 =	sshll.u32 s30, $0x6;
	[sflag:s20] =	ssyncadd.s32 $0xFFFFC000  }
.Ltmp2:
0xb3: {  	s0 =	sor.u32 $0x1C03, s0;
	[bflag:$0x0] =	sbarrier.arrive $0xFFFF;
	(pc) =	sbr.rel @p0 .LBB2_1-.Ltmp2, $4  }
0xb4: {  	[hbm:s14], [sflag:s0] =	dma.local [spmem:s31], $0x2800  }
0xb5: {  	_ =	swait.ge [sflag:s20], $0x2800  }
0xb6: {  	[sflag:s20] =	ssyncset.done $0x0  }
0xb7: {  	[sflag:s20] =	ssyncadd.s32 $0xFFFFD800  }
0xb8: {  	_ =	sfence.sel $0x180000  }
0xb9: {  	[bflag:$0x0] =	sbarrier.arrive $0xFFFF  }
0xba: {  	_ =	strace $0x90000050  }
0xbb: {  	s0 =	stileid.u32;
	[bflag:$0x2] =	sbarrier.arrive $0xFFFF  }
0xbc: {  	p0 =	sne.s32 s0, $0x0;
	s0 =	rddreg [dreg:$0x4]  }
0xbd: {  	s0 =	sadd.s32 @!p0 $0x100000, s0  }
0xbe: {  	[sflag:s0] =	ssyncadd.tile.s32 @!p0 $0x1;
	_ =	shalt  }
.Lfunc_end2:
_tile_overlayer_lowered:
.L_overlay_start_2:
0xbf: {  	(tag) =	ssettag $0x2  }
0xc0: {  	s0 =	rddreg [dreg:$0x0];
	s2 =	stileid.u32  }
0xc1: {  	s1 =	rddreg [dreg:$0x1];
	p0 =	sne.s32 s2, $0x0  }
0xc2: {  	s3 =	rddreg [dreg:$0x2];
	[bflag:$0x3] =	sbarrier.arrive $0xFFFF;
	s2 =	simm.s32 @!p0 $0x1C03  }
0xc3: {  	[timem:s3], [sflag:s2] =	dma.local @!p0 [hbm:s0], s1  }
0xc4: {  	s0 =	simm.s32 @!p0 $0x3  }
0xc5: {  	_ =	swait.ge @!p0 [sflag:s0], s1  }
0xc6: {  	s1 =	ssub.s32 @!p0 $0x0, s1;
	[sflag:s0] =	ssyncset.done @!p0 $0x0  }
0xc7: {  	[sflag:s0] =	ssyncadd.s32 @!p0 s1  }
0xc8: {  	[bflag:$0x3] =	sbarrier.arrive $0xFFFF  }
0xc9: {  	_ =	shalt  }

// kernel: kernel.26.cloned.1.call-start
scs
__scs_entry_jumppad:
0x0: {  	(pc) =	sbr.rel $0x88, $3  }
0x1: {  	(tag) =	ssettag $0x0;
	lr =	simm.s32 $0x1  }
0x2: {  	[smem:$0x3F99] =	sst lr;
	_ =	strace $0xD0000000  }
0x3: {  	_ = 	snop  }
0x4: {  	_ = 	snop  }
0x5: {  	_ = 	snop  }
0x6: {  	_ = 	snop  }
0x7: {  	_ = 	snop  }
__scs_overlays_trampoline_lowered:
0x8: {  	[smem:$0x3FA8] =	sst s0  }
0x9: {  	[smem:$0x3FA9] =	sst s1  }
0xa: {  	[smem:$0x3FAA] =	sst s2  }
0xb: {  	[smem:$0x3FAB] =	sst s3  }
0xc: {  	[smem:$0x3FAC] =	sst s4  }
0xd: {  	[smem:$0x3FAD] =	sst s5  }
0xe: {  	[smem:$0x3FAE] =	sst s6  }
0xf: {  	[smem:$0x3FAF] =	sst s7  }
0x10: {  	[smem:$0x3FB0] =	sst s8  }
0x11: {  	[smem:$0x3FB1] =	sst s9;
	s0 =	simm.s32 @!p0 $0x0  }
0x12: {  	s1 =	sld [smem:$0x3F97];
	s0 =	simm.s32 @p0 $0x1  }
0x13: {  	[smem:$0x3FB2] =	sst s0;
	s0 =	simm.s32 @!p1 $0x0  }
0x14: {  	s2 =	sld [smem:$0x3F96];
	s0 =	simm.s32 @p1 $0x1  }
0x15: {  	[smem:$0x3FB3] =	sst s0;
	s0 =	simm.s32 @!p2 $0x0  }
0x16: {  	s3 =	sld [smem:$0x3FDB];
	s0 =	simm.s32 @p2 $0x1  }
0x17: {  	s4 =	simm.s32 $0x1BF5;
	[smem:$0x3FB5] =	sst s0  }
0x18: {  	s0 =	sld [smem:$0x3F98];
	_ =	swait.ge [sflag:s4], $0x0  }
0x19: {  	s7 =	sld [smem:$0x3F99]  }
0x1a: {  	s8 =	sadd.s32 $0xFFFFE003, lr  }
0x1b: {  	s9 =	sadd.s32 $0xFFFFFEF7, lr;
	s5 =	simm.s32 $0xFFFFFFFF;
	p2 =	slt.u32 s8, $0xFFFFF086  }
0x1c: {  	p1 =	slt.u32 s9, $0xF7A;
	s5 =	simm.s32 @!p2 $0x0  }
0x1d: {  	s5 =	simm.s32 @p1 $0x1;
	p0 =	seq.s32 s7, s2  }
0x1e: {  	s7 =	smul.u32 @!p0 $0xF7A, s2;
	p2 =	seq.s32 @!p0 s5, $0x0  }
0x1f: {  	s9 =	smul.u32 $0xF7A, s1;
	s8 =	simm.s32 @!p0 $0x1BF5;
	p2 =	por !p2, p0  }
0x20: {  	[sflag:s8] =	ssyncset.s32 @!p0 $0xFFFFF086;
	s6 =	sadd.s32 @!p0 s3, s7;
	s7 =	simm.s32 @!p0 $0x108  }
0x21: {  	s3 =	sadd.s32 s3, s9;
	s6 =	sadd.s32 @!p0 $0x88, s6;
	s7 =	simm.s32 @p2 $0x1082  }
0x22: {  	[simem:s7], [sflag:s8] =	dma.local @!p0 [hbm:s6], $0xF7A  }
0x23: {  	s9 =	sor.u32 $0xD0000000, s2;
	s6 =	simm.s32 $0x108;
	_ =	swait.ge @!p0 [sflag:s8], $0x0  }
0x24: {  	s3 =	sadd.s32 $0x88, s3;
	s6 =	simm.s32 @!p1 $0x1082;
	[sflag:s4] =	ssyncset.s32 $0xFFFFF086  }
0x25: {  	[simem:s6], [sflag:s4] =	dma.local [hbm:s3], $0xF7A  }
0x26: {  	[smem:$0x3F99] =	sst s1;
	(tag) =	ssettag s2;
	_ =	strace s9  }
0x27: {  	s1 =	sld [smem:$0x3FA9]  }
0x28: {  	s2 =	sld [smem:$0x3FAA]  }
0x29: {  	s4 =	sld [smem:$0x3FAC]  }
0x2a: {  	p0 =	seq.s32 s5, $0x0;
	s5 =	sld [smem:$0x3FAD]  }
0x2b: {  	s6 =	sld [smem:$0x3FAE]  }
0x2c: {  	s7 =	sld [smem:$0x3FAF]  }
0x2d: {  	s3 =	simm.s32 $0x108;
	s8 =	sld [smem:$0x3FB0]  }
0x2e: {  	s3 =	simm.s32 @!p0 $0x1082;
	s9 =	sld [smem:$0x3FB1]  }
0x2f: {  	lr =	sadd.s32 s0, s3;
	s0 =	sld [smem:$0x3FA8]  }
0x30: {  	s3 =	sld [smem:$0x3FAB]  }
0x31: {  	[smem:$0x3FB4] =	sst s10  }
0x32: {  	s10 =	sld [smem:$0x3FB2];
	_ =	sdelay $0x3  }
0x33: {  	p0 =	seq.s32 s10, $0x1;
	s10 =	sld [smem:$0x3FB4];
	_ =	sdelay $0x3  }
0x34: {  	[smem:$0x3FB4] =	sst s10  }
0x35: {  	s10 =	sld [smem:$0x3FB3];
	_ =	sdelay $0x3  }
0x36: {  	p1 =	seq.s32 s10, $0x1;
	s10 =	sld [smem:$0x3FB4];
	_ =	sdelay $0x3  }
0x37: {  	[smem:$0x3FB4] =	sst s10  }
0x38: {  	s10 =	sld [smem:$0x3FB5]  }
0x39: {  	_ = 	snop;
	(pc) =	sbr.ind lr, $3  }
0x3a: {  	_ = 	snop  }
0x3b: {  	_ = 	snop  }
0x3c: {  	p2 =	seq.s32 s10, $0x1;
	s10 =	sld [smem:$0x3FB4]  }
0x3d: {  	_ =	shalt  }
0x3e: {  	_ =	shalt  }
0x3f: {  	_ =	shalt  }
0x40: {  	_ =	shalt  }
0x41: {  	_ =	shalt  }
0x42: {  	_ =	shalt  }
0x43: {  	_ =	shalt  }
0x44: {  	_ =	shalt  }
0x45: {  	_ =	shalt  }
0x46: {  	_ =	shalt  }
0x47: {  	_ =	shalt  }
0x48: {  	_ =	shalt  }
0x49: {  	_ =	shalt  }
0x4a: {  	_ =	shalt  }
0x4b: {  	_ =	shalt  }
0x4c: {  	_ =	shalt  }
0x4d: {  	_ =	shalt  }
0x4e: {  	_ =	shalt  }
0x4f: {  	_ =	shalt  }
0x50: {  	_ =	shalt  }
0x51: {  	_ =	shalt  }
0x52: {  	_ =	shalt  }
0x53: {  	_ =	shalt  }
0x54: {  	_ =	shalt  }
0x55: {  	_ =	shalt  }
0x56: {  	_ =	shalt  }
0x57: {  	_ =	shalt  }
0x58: {  	_ =	shalt  }
0x59: {  	_ =	shalt  }
0x5a: {  	_ =	shalt  }
0x5b: {  	_ =	shalt  }
0x5c: {  	_ =	shalt  }
0x5d: {  	_ =	shalt  }
0x5e: {  	_ =	shalt  }
0x5f: {  	_ =	shalt  }
0x60: {  	_ =	shalt  }
0x61: {  	_ =	shalt  }
0x62: {  	_ =	shalt  }
0x63: {  	_ =	shalt  }
0x64: {  	_ =	shalt  }
0x65: {  	_ =	shalt  }
0x66: {  	_ =	shalt  }
0x67: {  	_ =	shalt  }
0x68: {  	_ =	shalt  }
0x69: {  	_ =	shalt  }
0x6a: {  	_ =	shalt  }
0x6b: {  	_ =	shalt  }
0x6c: {  	_ =	shalt  }
0x6d: {  	_ =	shalt  }
0x6e: {  	_ =	shalt  }
0x6f: {  	_ =	shalt  }
0x70: {  	_ =	shalt  }
0x71: {  	_ =	shalt  }
0x72: {  	_ =	shalt  }
0x73: {  	_ =	shalt  }
0x74: {  	_ =	shalt  }
0x75: {  	_ =	shalt  }
0x76: {  	_ =	shalt  }
0x77: {  	_ =	shalt  }
0x78: {  	_ =	shalt  }
0x79: {  	_ =	shalt  }
0x7a: {  	_ =	shalt  }
0x7b: {  	_ =	shalt  }
0x7c: {  	_ =	shalt  }
0x7d: {  	_ =	shalt  }
0x7e: {  	_ =	shalt  }
0x7f: {  	_ =	shalt  }
0x80: {  	_ =	shalt  }
0x81: {  	_ =	shalt  }
0x82: {  	_ =	shalt  }
0x83: {  	_ =	shalt  }
0x84: {  	_ =	shalt  }
0x85: {  	_ =	shalt  }
0x86: {  	_ =	shalt  }
0x87: {  	_ =	shalt  }
.Lfunc_end0:
.L_simem_size_0:
called_computation.4_lowered:
.L_overlay_start_0:
0x88: {  	s2 =	sld [smem:$0x3FD9]  }
0x89: {  	s3 =	sld [smem:$0x3FFE];
	_ =	sdelay $0x1  }
0x8a: {  	s1 =	srdreg.scid  }
0x8b: {  	s0 =	sand.u32 $0x1, s1  }
0x8c: {  	s14 =	sshll.u32 s0, $0xA;
	s2 =	sadd.s32 s3, s2  }
0x8d: {  	s2 =	sadd.s32 s2, s14  }
0x8e: {  	[smem:$0x3FC0] =	sst s2  }
0x8f: {  	_ = 	snop  }
0x90: {  	s2 =	sld [smem:$0x3FD0];
	_ =	sdelay $0x2  }
0x91: {  	s15 =	simm.s32 $0xA;
	s4 =	simm.s32 $0x10  }
0x92: {  	[smem:s4], [sflag:s15] =	dma.local [hbm:s2], $0x1  }
0x93: {  	_ =	swait.eq [sflag:s15], $0x1  }
0x94: {  	[sflag:s15] =	ssyncset.done $0x0  }
0x95: {  	s16 =	sld [smem:$0x10];
	[sflag:s15] =	ssyncadd.s32 $0xFFFFFFFF  }
0x96: {  	s17 =	sld [smem:$0x11];
	(tm) =	ssettm $0x1  }
0x97: {  	s18 =	sld [smem:$0x3FFB];
	_ =	sdelay $0x3  }
0x98: {  	_ =	strace s18  }
0x99: {  	s4 =	sld [smem:$0x3FFC];
	_ =	sdelay $0x3  }
0x9a: {  	_ =	strace s4  }
0x9b: {  	s4 =	sld [smem:$0x3FFD];
	_ =	sdelay $0x3  }
0x9c: {  	_ =	strace s4  }
0x9d: {  	_ =	strace $0x8FFFFFFF  }
0x9e: {  	s19 =	sld [smem:$0x3FDB];
	_ =	sdelay $0x1  }
0x9f: {  	s5 =	simm.s32 $_scs_section_size  }
0xa0: {  	s6 =	simm.s32 $_size__tile_overlayer_lowered;
	s7 =	simm.s32 $_tile_overlayer_lowered  }
0xa1: {  	s22 =	simm.s32 $0x1BFF;
	s21 =	sshll.u32 s7, $0x1;
	s4 =	sadd.s32 s5, s19  }
0xa2: {  	s8 =	simm.s32 $0x0;
	s20 =	sshll.u32 s6, $0x1;
	s6 =	sadd.s32 s21, s4  }
0xa3: {  	[timem:s8], [sflag:s22] =	dma.local [hbm:s6], s20  }
0xa4: {  	_ =	swait.ge [sflag:s22], s20  }
0xa5: {  	s5 =	ssub.s32 $0x0, s20;
	[sflag:s22] =	ssyncset.done $0x0  }
0xa6: {  	[sflag:s22] =	ssyncadd.s32 s5;
	_ =	sdelay $0x1  }
0xa7: {  	s23 =	simm.s32 $0x1B8B  }
0xa8: {  	_ =	swait.ge [sflag:s23], $0x1  }
0xa9: {  	[sflag:s23] =	ssyncset.done $0x0  }
0xaa: {  	s25 =	simm.s32 $0x1B8E;
	s24 =	sld [smem:$0x3FFE];
	[sflag:s23] =	ssyncadd.s32 $0xFFFFFFFF  }
0xab: {  	s26 =	simm.s32 $execute0_lowered;
	[smem:$0x3FD2] =	sst s25  }
0xac: {  	s6 =	sshll.u32 s26, $0x1;
	_ =	strace $0x80000052;
	[dreg:$0x1] =	wrdreg $0xFFFFFFFF  }
0xad: {  	s28 =	simm.s32 $_size_execute0_lowered;
	s4 =	sadd.s32 s4, s6;
	[dreg:$0x0] =	wrdreg $0x0  }
0xae: {  	s6 =	sshll.u32 s28, $0x1;
	[dreg:$0x2] =	wrdreg s4  }
0xaf: {  	[dreg:$0x3] =	wrdreg s6  }
0xb0: {  	[dreg:$0x4] =	wrdreg $0xC0  }
0xb1: {  	_ =	task [dreg:s8], $0x5FFFF  }
0xb2: {  	[dreg:$0x1] =	wrdreg $0xFFFFFFFF  }
0xb3: {  	[dreg:$0x0] =	wrdreg $0x60  }
0xb4: {  	[dreg:$0x2] =	wrdreg s24  }
0xb5: {  	[dreg:$0x3] =	wrdreg s16  }
0xb6: {  	[dreg:$0x4] =	wrdreg s17  }
0xb7: {  	[dreg:$0x5] =	wrdreg $0x82000  }
0xb8: {  	[dreg:$0x6] =	wrdreg $0x9  }
0xb9: {  	_ =	task.clear_ibuf [dreg:s8], $0x7FFFF;
	_ =	strace $0x90000052  }
0xba: {  	s29 =	simm.s32 $0x9;
	_ =	strace $0x80000054  }
0xbb: {  	_ =	swait.ge [sflag:s29], $0x1  }
0xbc: {  	[sflag:s29] =	ssyncadd.s32 $0xFFFFFFFF  }
0xbd: {  	_ =	strace $0x90000054  }
0xbe: {  	_ =	sfence  }
0xbf: {  	s30 =	sld [smem:$0x0];
	_ =	sdelay $0x2  }
0xc0: {  	s31 =	sshll.u32 s1, $0xD;
	s1 =	sshrl.u32 s1, $0x2  }
0xc1: {  	s3 =	sand.u32 $0x4000, s31;
	s1 =	sadd.s32 s1, s30  }
0xc2: {  	s0 =	sor.u32 s3, s0;
	s1 =	sshll.u32 s1, $0x11  }
0xc3: {  	s0 =	sor.u32 s1, s0  }
0xc4: {  	s0 =	sadd.s32 $0x8F2B, s0  }
0xc5: {  	[sflag:s0] =	ssyncadd.remote.s32 $0x1  }
0xc6: {  	_ =	sfence.sel $0xFFFF  }
0xc7: {  	[dreg:$0x0] =	wrdreg $0xFFFFFFFF;
	(pc) =	sbr.abs _section_cstart, $3  }
0xc8: {  	[dreg:$0x1] =	wrdreg $0xFFFFFFFF  }
0xc9: {  	_ =	task.clear_ibuf [dreg:s8], $0x2FFFF;
	_ =	strace $0x9FFFFFFF  }
0xca: {  	(tm) =	ssettm $0x7FFFFFFF  }
0xcb: {  	_ =	shalt  }
tec
execute0_lowered:
.L_overlay_start_1:
0x0: {  	(tag) =	ssettag $0x1  }
0x1: {  	s0 =	rddreg [dreg:$0x0]  }
0x2: {  	s1 =	rddreg [dreg:$0x1]  }
0x3: {  	s2 =	rddreg [dreg:$0x2]  }
0x4: {  	s3 =	rddreg [dreg:$0x3]  }
0x5: {  	s4 =	srdreg.scid;
	s5 =	simm.s32 $0x0;
	s23 =	stileid.u32  }
0x6: {  	s19 =	simm.s32 $0x100;
	s20 =	simm.s32 $0x3;
	s21 =	simm.s32 $0x80  }
0x7: {  	s22 =	simm.s32 $0x4100;
	s28 =	simm.s32 $0x0;
	s9 =	smul.u32 $0x14000, s23  }
0x8: {  	s8 =	sand.u32 $0x1, s4;
	[smem:$0x7FF] =	sst s5;
	s10 =	smul.u32 $0x50000, s23  }
0x9: {  	s6 =	sadd.s32 $0x4800, s0;
	s24 =	sshll.u32 s23, $0x1;
	s13 =	smul.u32 $0x4F00, s23  }
0xa: {  	s23 =	simm.s32 $0x4200;
	s7 =	smul.u32 $0x140000, s8;
	s25 =	ssub.s32 $0x2, s8  }
0xb: {  	_ =	strace $0x80000053;
	s14 =	smul.u32 $0x2780, s8;
	s26 =	sshrl.u32 s25, $0x1  }
0xc: {  	s10 =	sshrl.u32 s10, $0x2;
	s7 =	sadd.s32 s9, s7;
	s9 =	sor.u32 s8, s24  }
0xd: {  	s15 =	ssub.s32 s25, s26;
	s17 =	sadd.s32 s14, s13;
	s24 =	simm.s32 $0x4180  }
0xe: {  	s25 =	simm.s32 $0x1;
	s26 =	simm.s32 $0x2;
	s7 =	sshrl.u32 s7, $0x3  }
0xf: {  	s12 =	smul.u32 $0x2780, s9;
	s30 =	sadd.s32 $0x80, s17;
	s15 =	smax.u32 s15, $0x1  }
0x10: {  	s0 =	sadd.s32 s7, s0;
	s7 =	sadd.s32 s10, s3;
	s31 =	sshrl.u32 s30, $0x3  }
0x11: {  	s29 =	sadd.s32 $0x4000, s7;
	s9 =	sadd.s32 $0x8000, s7;
	s10 =	sadd.s32 $0xC000, s7  }
0x12: {  	s11 =	sadd.s32 $0x10000, s7;
	s16 =	sshrl.u32 s12, $0x3;
	s14 =	sadd.s32 $0xA4800, s0  }
0x13: {  	s18 =	sadd.s32 s31, s1;
	[dreg:$0x5] =	wrdreg s29;
	s12 =	sadd.s32 s1, s16  }
0x14: {  	v0 =	vimm.f32 $0.0e+00;
	s13 =	sadd.s32 s2, s16;
	s16 =	sadd.s32 $0x100, s17;
	s17 =	sadd.s32 s31, s2  }
.LBB2_1:
0x15: {  	s29 =	simm.s32 $0x0;
	s30 =	simm.s32 $0x200  }
.LBB2_2:
0x16: {  	p0 =	sne.s32 s30, $0xFE00;
	[tilespmem:s29+$0x170] =	vst v0  }
0x17: {  	[tilespmem:s29+$0x100] =	vst v0  }
0x18: {  	[tilespmem:s29+$0x110] =	vst v0  }
.Ltmp0:
0x19: {  	[tilespmem:s29+$0x120] =	vst v0;
	(pc) =	sbr.rel @p0 .LBB2_2-.Ltmp0, $4  }
0x1a: {  	[tilespmem:s29+$0x130] =	vst v0  }
0x1b: {  	[tilespmem:s29+$0x140] =	vst v0  }
0x1c: {  	[tilespmem:s29+$0x150] =	vst v0  }
0x1d: {  	[tilespmem:s29+$0x160] =	vst v0;
	s29 =	sshra.s32 s30, $0x2;
	s30 =	sadd.s32 $0x200, s30  }
0x1e: {  	[tilespmem:s29+$0x170] =	vst v0  }
0x1f: {  	[tilespmem:s29+$0x100] =	vst v0  }
0x20: {  	[tilespmem:s29+$0x110] =	vst v0  }
0x21: {  	[tilespmem:s29+$0x120] =	vst v0  }
0x22: {  	[tilespmem:s29+$0x130] =	vst v0  }
0x23: {  	[tilespmem:s29+$0x140] =	vst v0  }
0x24: {  	[tilespmem:s29+$0x150] =	vst v0  }
0x25: {  	[tilespmem:s29+$0x160] =	vst v0  }
0x26: {  	[spmem:s7] =	stream.linear.scatter [tilespmem:s19], [sflag:$0x3], $0x4000, $0x38;
	[tilespmem:$0x1C200] =	vst v63  }
0x27: {  	_ =	swait.ge [sflag:s20], $0x4000  }
0x28: {  	[sflag:s20] =	ssyncset.done $0x0  }
0x29: {  	s0 =	rddreg [dreg:$0x5];
	[sflag:s20] =	ssyncadd.s32 $0xFFFFC000  }
0x2a: {  	[spmem:s0] =	stream.linear.scatter [tilespmem:s19], [sflag:$0x3], $0x4000, $0x38;
	[tilespmem:$0x1C200] =	vst v63  }
0x2b: {  	_ =	swait.ge [sflag:s20], $0x4000  }
0x2c: {  	[sflag:s20] =	ssyncset.done $0x0  }
0x2d: {  	[sflag:s20] =	ssyncadd.s32 $0xFFFFC000  }
0x2e: {  	[spmem:s9] =	stream.linear.scatter [tilespmem:s19], [sflag:$0x3], $0x4000, $0x38;
	[tilespmem:$0x1C200] =	vst v63  }
0x2f: {  	_ =	swait.ge [sflag:s20], $0x4000  }
0x30: {  	[sflag:s20] =	ssyncset.done $0x0  }
0x31: {  	[sflag:s20] =	ssyncadd.s32 $0xFFFFC000  }
0x32: {  	[spmem:s10] =	stream.linear.scatter [tilespmem:s19], [sflag:$0x3], $0x4000, $0x38;
	[tilespmem:$0x1C200] =	vst v63  }
0x33: {  	_ =	swait.ge [sflag:s20], $0x4000  }
0x34: {  	[sflag:s20] =	ssyncset.done $0x0  }
0x35: {  	[sflag:s20] =	ssyncadd.s32 $0xFFFFC000  }
0x36: {  	[spmem:s11] =	stream.linear.scatter [tilespmem:s19], [sflag:$0x3], $0x4000, $0x38;
	[tilespmem:$0x1C200] =	vst v63  }
0x37: {  	_ =	swait.ge [sflag:s20], $0x4000  }
0x38: {  	[sflag:s20] =	ssyncset.done $0x0  }
0x39: {  	[sflag:s20] =	ssyncadd.s32 $0xFFFFC000  }
0x3a: {  	s4 =	simm.s32 $0x0;
	[bflag:$0x0] =	sbarrier.arrive $0xFFFF  }
0x3b: {  	[tilespmem:s4], [sflag:$0x3] =	stream.linear.gather [hbm4b:s12+s4], $0x80, $0x38;
	[tilespmem:$0x1C200] =	vst v63  }
0x3c: {  	_ =	swait.ge [sflag:s20], $0x80  }
0x3d: {  	[sflag:s20] =	ssyncset.done $0x0  }
0x3e: {  	[sflag:s20] =	ssyncadd.s32 $0xFFFFFF80  }
0x3f: {  	[tilespmem:s19], [sflag:$0x1] =	stream.indirect.gather [hbm4b:s6+s21], $0x80, s4, s21, $0xb8;
	[tilespmem:$0x1C200] =	vst v63  }
0x40: {  	_ = 	snop  }
0x41: {  	[tilespmem:s21], [sflag:$0x3] =	stream.linear.gather [hbm4b:s13+s4], $0x80, $0x38;
	[tilespmem:$0x1C200] =	vst v63  }
0x42: {  	_ =	swait.ge [sflag:s20], $0x80  }
0x43: {  	[sflag:s20] =	ssyncset.done $0x0  }
0x44: {  	s8 =	sadd.s32 $0x0, s18;
	[sflag:s20] =	ssyncadd.s32 $0xFFFFFF80  }
0x45: {  	[tilespmem:s22], [sflag:$0x3] =	stream.linear.gather [hbm4b:s8+s5], $0x80, $0x38;
	[tilespmem:$0x1C200] =	vst v63  }
0x46: {  	_ =	swait.ge [sflag:s20], $0x80  }
0x47: {  	[sflag:s20] =	ssyncset.done $0x0  }
0x48: {  	[sflag:s20] =	ssyncadd.s32 $0xFFFFFF80  }
0x49: {  	[tilespmem:s23], [sflag:$0x2] =	stream.indirect.gather [hbm4b:s6+s21], $0x80, s22, s21, $0xb8;
	[tilespmem:$0x1C200] =	vst v63  }
0x4a: {  	s4 =	sadd.s32 $0x0, s17  }
0x4b: {  	[tilespmem:s24], [sflag:$0x3] =	stream.linear.gather [hbm4b:s4+s5], $0x80, $0x38;
	[tilespmem:$0x1C200] =	vst v63  }
0x4c: {  	_ =	swait.ge [sflag:s20], $0x80  }
0x4d: {  	[sflag:s20] =	ssyncset.done $0x0  }
0x4e: {  	[sflag:s20] =	ssyncadd.s32 $0xFFFFFF80  }
0x4f: {  	_ =	swait.ge [sflag:s25], $0x4000  }
0x50: {  	[sflag:s25] =	ssyncset.done $0x0  }
0x51: {  	[sflag:s25] =	ssyncadd.s32 $0xFFFFC000  }
0x52: {  	[spmem:s3] =	stream.indirect.scatter.add.f32 [tilespmem:s19], [sflag:$0x3], $0x80, s21, s21, $0xb8;
	[tilespmem:$0x1C200] =	vst v63  }
0x53: {  	_ =	swait.ge [sflag:s20], $0x4000  }
0x54: {  	s8 =	sshrl.u32 s16, $0x3;
	[sflag:s20] =	ssyncset.done $0x0  }
0x55: {  	s29 =	sadd.s32 s1, s8;
	[sflag:s20] =	ssyncadd.s32 $0xFFFFC000  }
0x56: {  	[tilespmem:s5], [sflag:$0x3] =	stream.linear.gather [hbm4b:s29+s5], $0x80, $0x38;
	[tilespmem:$0x1C200] =	vst v63  }
0x57: {  	_ =	swait.ge [sflag:s20], $0x80  }
0x58: {  	[sflag:s20] =	ssyncset.done $0x0  }
0x59: {  	[sflag:s20] =	ssyncadd.s32 $0xFFFFFF80  }
0x5a: {  	[tilespmem:s19], [sflag:$0x1] =	stream.indirect.gather [hbm4b:s6+s21], $0x80, s5, s21, $0xb8;
	[tilespmem:$0x1C200] =	vst v63  }
0x5b: {  	s0 =	sadd.s32 s2, s8  }
0x5c: {  	[tilespmem:s21], [sflag:$0x3] =	stream.linear.gather [hbm4b:s0+s5], $0x80, $0x38;
	[tilespmem:$0x1C200] =	vst v63  }
0x5d: {  	_ =	swait.ge [sflag:s20], $0x80  }
0x5e: {  	[sflag:s20] =	ssyncset.done $0x0  }
0x5f: {  	[sflag:s20] =	ssyncadd.s32 $0xFFFFFF80  }
0x60: {  	_ =	swait.ge [sflag:s26], $0x4000  }
0x61: {  	[sflag:s26] =	ssyncset.done $0x0  }
0x62: {  	[sflag:s26] =	ssyncadd.s32 $0xFFFFC000  }
0x63: {  	[spmem:s3] =	stream.indirect.scatter.add.f32 [tilespmem:s23], [sflag:$0x3], $0x80, s24, s21, $0xb8;
	[tilespmem:$0x1C200] =	vst v63  }
0x64: {  	s30 =	simm.s32 $0x20;
	_ =	swait.ge [sflag:s20], $0x4000  }
0x65: {  	s31 =	simm.s32 $0x40;
	s29 =	sadd.s32 $0x100, s16;
	[sflag:s20] =	ssyncset.done $0x0  }
.LBB2_4:
0x66: {  	s4 =	sadd.s32 s30, s18  }
0x67: {  	[sflag:s20] =	ssyncadd.s32 $0xFFFFC000;
	s8 =	smov.u32 s31;
	s0 =	sadd.s32 $0x20, s31  }
0x68: {  	[tilespmem:s22], [sflag:$0x3] =	stream.linear.gather [hbm4b:s4+s5], $0x80, $0x38;
	[tilespmem:$0x1C200] =	vst v63  }
0x69: {  	p0 =	sne.s32 s31, $0x4C0;
	_ =	swait.ge [sflag:s20], $0x80  }
0x6a: {  	[sflag:s20] =	ssyncset.done $0x0  }
0x6b: {  	[sflag:s20] =	ssyncadd.s32 $0xFFFFFF80  }
0x6c: {  	[tilespmem:s23], [sflag:$0x2] =	stream.indirect.gather [hbm4b:s6+s21], $0x80, s22, s21, $0xb8;
	[tilespmem:$0x1C200] =	vst v63  }
0x6d: {  	s4 =	sadd.s32 s30, s17;
	s30 =	smov.u32 s8  }
0x6e: {  	[tilespmem:s24], [sflag:$0x3] =	stream.linear.gather [hbm4b:s4+s5], $0x80, $0x38;
	[tilespmem:$0x1C200] =	vst v63  }
0x6f: {  	_ =	swait.ge [sflag:s20], $0x80  }
0x70: {  	[sflag:s20] =	ssyncset.done $0x0  }
0x71: {  	[sflag:s20] =	ssyncadd.s32 $0xFFFFFF80  }
0x72: {  	_ =	swait.ge [sflag:s25], $0x4000  }
0x73: {  	[sflag:s25] =	ssyncset.done $0x0  }
0x74: {  	[sflag:s25] =	ssyncadd.s32 $0xFFFFC000  }
0x75: {  	[spmem:s3] =	stream.indirect.scatter.add.f32 [tilespmem:s19], [sflag:$0x3], $0x80, s21, s21, $0xb8;
	[tilespmem:$0x1C200] =	vst v63  }
0x76: {  	_ =	swait.ge [sflag:s20], $0x4000  }
0x77: {  	s4 =	sshrl.u32 s29, $0x3;
	[sflag:s20] =	ssyncset.done $0x0  }
0x78: {  	s8 =	sadd.s32 s1, s4;
	[sflag:s20] =	ssyncadd.s32 $0xFFFFC000  }
0x79: {  	[tilespmem:s5], [sflag:$0x3] =	stream.linear.gather [hbm4b:s8+s5], $0x80, $0x38;
	[tilespmem:$0x1C200] =	vst v63  }
0x7a: {  	_ =	swait.ge [sflag:s20], $0x80  }
0x7b: {  	[sflag:s20] =	ssyncset.done $0x0  }
0x7c: {  	[sflag:s20] =	ssyncadd.s32 $0xFFFFFF80  }
0x7d: {  	[tilespmem:s19], [sflag:$0x1] =	stream.indirect.gather [hbm4b:s6+s21], $0x80, s5, s21, $0xb8;
	[tilespmem:$0x1C200] =	vst v63  }
0x7e: {  	s4 =	sadd.s32 s2, s4  }
0x7f: {  	[tilespmem:s21], [sflag:$0x3] =	stream.linear.gather [hbm4b:s4+s5], $0x80, $0x38;
	[tilespmem:$0x1C200] =	vst v63  }
0x80: {  	_ =	swait.ge [sflag:s20], $0x80  }
0x81: {  	[sflag:s20] =	ssyncset.done $0x0  }
0x82: {  	[sflag:s20] =	ssyncadd.s32 $0xFFFFFF80  }
0x83: {  	_ =	swait.ge [sflag:s26], $0x4000  }
.Ltmp1:
0x84: {  	[sflag:s26] =	ssyncset.done $0x0;
	(pc) =	sbr.rel @p0 .LBB2_4-.Ltmp1, $4  }
0x85: {  	[sflag:s26] =	ssyncadd.s32 $0xFFFFC000  }
0x86: {  	[spmem:s3] =	stream.indirect.scatter.add.f32 [tilespmem:s23], [sflag:$0x3], $0x80, s24, s21, $0xb8;
	[tilespmem:$0x1C200] =	vst v63  }
0x87: {  	_ =	swait.ge [sflag:s20], $0x4000  }
0x88: {  	s31 =	smov.u32 s0;
	s29 =	sadd.s32 $0x100, s29;
	[sflag:s20] =	ssyncset.done $0x0  }
0x89: {  	s0 =	sadd.s32 s30, s18;
	[sflag:s20] =	ssyncadd.s32 $0xFFFFC000  }
0x8a: {  	[tilespmem:s22], [sflag:$0x3] =	stream.linear.gather [hbm4b:s0+s5], $0x80, $0x38;
	[tilespmem:$0x1C200] =	vst v63  }
0x8b: {  	_ =	swait.ge [sflag:s20], $0x80  }
0x8c: {  	[sflag:s20] =	ssyncset.done $0x0  }
0x8d: {  	[sflag:s20] =	ssyncadd.s32 $0xFFFFFF80  }
0x8e: {  	[tilespmem:s23], [sflag:$0x2] =	stream.indirect.gather [hbm4b:s6+s21], $0x80, s22, s21, $0xb8;
	[tilespmem:$0x1C200] =	vst v63  }
0x8f: {  	s8 =	sadd.s32 s30, s17  }
0x90: {  	[tilespmem:s24], [sflag:$0x3] =	stream.linear.gather [hbm4b:s8+s5], $0x80, $0x38;
	[tilespmem:$0x1C200] =	vst v63  }
0x91: {  	_ =	swait.ge [sflag:s20], $0x80  }
0x92: {  	[sflag:s20] =	ssyncset.done $0x0  }
0x93: {  	[sflag:s20] =	ssyncadd.s32 $0xFFFFFF80  }
0x94: {  	_ =	swait.ge [sflag:s25], $0x4000  }
0x95: {  	[sflag:s25] =	ssyncset.done $0x0  }
0x96: {  	[sflag:s25] =	ssyncadd.s32 $0xFFFFC000  }
0x97: {  	[spmem:s3] =	stream.indirect.scatter.add.f32 [tilespmem:s19], [sflag:$0x3], $0x80, s21, s21, $0xb8;
	[tilespmem:$0x1C200] =	vst v63  }
0x98: {  	_ =	swait.ge [sflag:s20], $0x4000  }
0x99: {  	s29 =	sshrl.u32 s29, $0x3;
	[sflag:s20] =	ssyncset.done $0x0  }
0x9a: {  	s4 =	sadd.s32 s1, s29;
	[sflag:s20] =	ssyncadd.s32 $0xFFFFC000  }
0x9b: {  	[tilespmem:s5], [sflag:$0x3] =	stream.linear.gather [hbm4b:s4+s5], $0x80, $0x38;
	[tilespmem:$0x1C200] =	vst v63  }
0x9c: {  	_ =	swait.ge [sflag:s20], $0x80  }
0x9d: {  	[sflag:s20] =	ssyncset.done $0x0  }
0x9e: {  	[sflag:s20] =	ssyncadd.s32 $0xFFFFFF80  }
0x9f: {  	[tilespmem:s19], [sflag:$0x1] =	stream.indirect.gather [hbm4b:s6+s21], $0x80, s5, s21, $0xb8;
	[tilespmem:$0x1C200] =	vst v63  }
0xa0: {  	s0 =	sadd.s32 s2, s29  }
0xa1: {  	[tilespmem:s21], [sflag:$0x3] =	stream.linear.gather [hbm4b:s0+s5], $0x80, $0x38;
	[tilespmem:$0x1C200] =	vst v63  }
0xa2: {  	_ =	swait.ge [sflag:s20], $0x80  }
0xa3: {  	[sflag:s20] =	ssyncset.done $0x0  }
0xa4: {  	[sflag:s20] =	ssyncadd.s32 $0xFFFFFF80  }
0xa5: {  	_ =	swait.ge [sflag:s26], $0x4000  }
0xa6: {  	[sflag:s26] =	ssyncset.done $0x0  }
0xa7: {  	[sflag:s26] =	ssyncadd.s32 $0xFFFFC000  }
0xa8: {  	[spmem:s3] =	stream.indirect.scatter.add.f32 [tilespmem:s23], [sflag:$0x3], $0x80, s24, s21, $0xb8;
	[tilespmem:$0x1C200] =	vst v63  }
0xa9: {  	_ =	swait.ge [sflag:s20], $0x4000  }
0xaa: {  	[sflag:s20] =	ssyncset.done $0x0  }
0xab: {  	[sflag:s20] =	ssyncadd.s32 $0xFFFFC000  }
0xac: {  	_ =	swait.ge [sflag:s25], $0x4000  }
0xad: {  	[sflag:s25] =	ssyncset.done $0x0  }
0xae: {  	[sflag:s25] =	ssyncadd.s32 $0xFFFFC000  }
0xaf: {  	[spmem:s3] =	stream.indirect.scatter.add.f32 [tilespmem:s19], [sflag:$0x3], $0x80, s21, s21, $0xb8;
	[tilespmem:$0x1C200] =	vst v63  }
0xb0: {  	s30 =	stileid.u32;
	_ =	swait.ge [sflag:s20], $0x4000  }
0xb1: {  	s31 =	sshrl.u32 s7, $0x3;
	s28 =	sadd.s32 $0x1, s28;
	[sflag:s20] =	ssyncset.done $0x0  }
0xb2: {  	p0 =	sne.s32 s28, s15;
	s0 =	sshll.u32 s30, $0x6;
	[sflag:s20] =	ssyncadd.s32 $0xFFFFC000  }
.Ltmp2:
0xb3: {  	s0 =	sor.u32 $0x1C03, s0;
	[bflag:$0x0] =	sbarrier.arrive $0xFFFF;
	(pc) =	sbr.rel @p0 .LBB2_1-.Ltmp2, $4  }
0xb4: {  	[hbm:s14], [sflag:s0] =	dma.local [spmem:s31], $0x2800  }
0xb5: {  	_ =	swait.ge [sflag:s20], $0x2800  }
0xb6: {  	[sflag:s20] =	ssyncset.done $0x0  }
0xb7: {  	[sflag:s20] =	ssyncadd.s32 $0xFFFFD800  }
0xb8: {  	_ =	sfence.sel $0x180000  }
0xb9: {  	[bflag:$0x0] =	sbarrier.arrive $0xFFFF  }
0xba: {  	_ =	strace $0x90000053  }
0xbb: {  	s0 =	stileid.u32;
	[bflag:$0x2] =	sbarrier.arrive $0xFFFF  }
0xbc: {  	p0 =	sne.s32 s0, $0x0;
	s0 =	rddreg [dreg:$0x4]  }
0xbd: {  	s0 =	sadd.s32 @!p0 $0x100000, s0  }
0xbe: {  	[sflag:s0] =	ssyncadd.tile.s32 @!p0 $0x1;
	_ =	shalt  }
.Lfunc_end2:
_tile_overlayer_lowered:
.L_overlay_start_2:
0xbf: {  	(tag) =	ssettag $0x2  }
0xc0: {  	s0 =	rddreg [dreg:$0x0];
	s2 =	stileid.u32  }
0xc1: {  	s1 =	rddreg [dreg:$0x1];
	p0 =	sne.s32 s2, $0x0  }
0xc2: {  	s3 =	rddreg [dreg:$0x2];
	[bflag:$0x3] =	sbarrier.arrive $0xFFFF;
	s2 =	simm.s32 @!p0 $0x1C03  }
0xc3: {  	[timem:s3], [sflag:s2] =	dma.local @!p0 [hbm:s0], s1  }
0xc4: {  	s0 =	simm.s32 @!p0 $0x3  }
0xc5: {  	_ =	swait.ge @!p0 [sflag:s0], s1  }
0xc6: {  	s1 =	ssub.s32 @!p0 $0x0, s1;
	[sflag:s0] =	ssyncset.done @!p0 $0x0  }
0xc7: {  	[sflag:s0] =	ssyncadd.s32 @!p0 s1  }
0xc8: {  	[bflag:$0x3] =	sbarrier.arrive $0xFFFF  }
0xc9: {  	_ =	shalt  }

</sc_bundles>
